<compile_context>
chip_gen: v7x
topology: tpu7x:2x2x1
jax: 0.10.2.dev20260603
libtpu: 0.0.44.dev20260713+nightly
codegen_flags: <defaults>
</compile_context>

<pallas_src>
import jax
import jax.numpy as jnp
from jax import lax
from jax.experimental import pallas as pl
from jax.experimental.pallas import tpu as pltpu
from jax.experimental.pallas import tpu_sc as plsc

N = 8192
M = 8192
C = 16384
THRESH = 0.1

L = 16
NW = 16
CHUNK = C // NW
BAND = N // NW
GCH = 128
NG = CHUNK // GCH
ZU = 8
LN2 = 0.6931471805599453


def _neg_log(t):
    bits = lax.bitcast_convert_type(t, jnp.int32)
    e = (bits >> 23) - 127
    m = lax.bitcast_convert_type(
        (bits & 0x007FFFFF) | 0x3F800000, jnp.float32)
    r = (m - 1.0) / (m + 1.0)
    r2 = r * r
    p = 1.0 + r2 * (1.0 / 3.0 + r2 * (1.0 / 5.0 + r2 * (1.0 / 7.0 + r2 / 9.0)))
    return -(e.astype(jnp.float32) * LN2 + 2.0 * r * p)


def _sc_body(scores_hbm, rows_hbm, cols_hbm, vals_hbm, out_hbm,
             r_v, c_v, v_v, lrm, lcm, band_r, band_red,
             rm_all, cm_all, rm_sh, cm_sh, part_sh,
             flat_v, s_v, part_v, parts_v, out_v, sem_g, sem_d):
    w = lax.axis_index("s")
    base = w * CHUNK

    stage = [pltpu.async_copy(rows_hbm.at[pl.ds(base, CHUNK)], r_v, sem_d),
             pltpu.async_copy(cols_hbm.at[pl.ds(base, CHUNK)], c_v, sem_d),
             pltpu.async_copy(vals_hbm.at[pl.ds(base, CHUNK)], v_v, sem_d)]

    iota = lax.iota(jnp.int32, L)

    zerosf = jnp.zeros((L,), jnp.float32)

    def zbody(i, _):
        for u in range(ZU):
            lrm[pl.ds((i * ZU + u) * L, L)] = zerosf
            lcm[pl.ds((i * ZU + u) * L, L)] = zerosf
        return 0
    lax.fori_loop(0, N // L // ZU, zbody, 0)
    for cp in stage:
        cp.wait()

    def rmw_max(table, iv, vv):
        k, v = plsc.sort_key_val(iv, vv)
        for d in (1, 2, 4, 8):
            srci = jnp.maximum(iota - d, 0)
            ks = k.at[srci].get(mode="promise_in_bounds")
            vs = v.at[srci].get(mode="promise_in_bounds")
            same = (ks == k) & (iota >= d)
            v = jnp.where(same, jnp.maximum(v, vs), v)
        nxt = jnp.minimum(iota + 1, L - 1)
        kn = k.at[nxt].get(mode="promise_in_bounds")
        is_last = (k != kn) | (iota == L - 1)
        cur = plsc.load_gather(table, [k], mask=is_last)
        plsc.store_scatter(table, [k], jnp.maximum(v, cur), mask=is_last)

    def sbody(j, _):
        rv = r_v[pl.ds(j * L, L)]
        cv = c_v[pl.ds(j * L, L)]
        vv = v_v[pl.ds(j * L, L)]
        flat_v[pl.ds(j * L, L)] = (
            ((rv >> 3) << 16) | ((cv >> 7) << 10) | ((rv & 7) << 7) | (cv & 127))
        rmw_max(lrm, rv, vv)
        rmw_max(lcm, cv, vv)
        return 0
    lax.fori_loop(0, CHUNK // L, sbody, 0)

    gathers = [
        pltpu.async_copy(scores_hbm.at[flat_v.at[pl.ds(k * GCH, GCH)]],
                         s_v.at[pl.ds(k * GCH, GCH)], sem_g)
        for k in range(NG)
    ]

    pltpu.sync_copy(lrm, rm_all.at[w])
    pltpu.sync_copy(lcm, cm_all.at[w])
    plsc.subcore_barrier()

    def reduce_band(all_sh, final_sh):
        band_cps = [
            pltpu.async_copy(
                all_sh.at[u, pl.ds(w * BAND, BAND)], band_r.at[u], sem_d)
            for u in range(NW)
        ]
        for cp in band_cps:
            cp.wait()

        def rbody(j, _):
            acc = band_r[0, pl.ds(j * L, L)]
            for u in range(1, NW):
                acc = jnp.maximum(acc, band_r[u, pl.ds(j * L, L)])
            band_red[pl.ds(j * L, L)] = acc
            return 0
        lax.fori_loop(0, BAND // L, rbody, 0)
        pltpu.sync_copy(band_red, final_sh.at[pl.ds(w * BAND, BAND)])

    reduce_band(rm_all, rm_sh)
    reduce_band(cm_all, cm_sh)
    plsc.subcore_barrier()

    pltpu.sync_copy(rm_sh, lrm)
    pltpu.sync_copy(cm_sh, lcm)
    rm_v = lrm
    cm_v = lcm

    for cp in gathers:
        cp.wait()

    def selbody(j, accs):
        num_acc, den_acc = accs
        rv = r_v[pl.ds(j * L, L)]
        cv = c_v[pl.ds(j * L, L)]
        vv = v_v[pl.ds(j * L, L)]
        sv = s_v[pl.ds(j * L, L)]
        rm = plsc.load_gather(rm_v, [rv])
        cm = plsc.load_gather(cm_v, [cv])
        sel = (vv > THRESH) & (vv == rm) & (vv == cm)
        mv = jnp.where(sel, vv, 0.0)
        num_acc = num_acc + mv * _neg_log(sv + 1e-8)
        den_acc = den_acc + mv
        return num_acc, den_acc
    num_acc, den_acc = lax.fori_loop(
        0, CHUNK // L, selbody, (zerosf, zerosf))

    num_s = jnp.sum(num_acc)
    den_s = jnp.sum(den_acc)
    part_v[...] = jnp.where(iota == 0, num_s, jnp.where(iota == 1, den_s, 0.0))
    pltpu.sync_copy(part_v, part_sh.at[w])
    plsc.subcore_barrier()

    @pl.when(w == 0)
    def _():
        pltpu.sync_copy(part_sh, parts_v)
        tot = parts_v[0, :]
        for u in range(1, NW):
            tot = tot + parts_v[u, :]
        nxt = jnp.minimum(iota + 1, L - 1)
        den_vec = tot.at[nxt].get(mode="promise_in_bounds")
        out_v[...] = tot / den_vec
        pltpu.sync_copy(out_v, out_hbm)


def _sc_stage(scores_phys, rows, cols, vals):
    mesh = plsc.VectorSubcoreMesh(
        core_axis_name="c", subcore_axis_name="s", num_cores=1)
    f32 = jnp.float32
    run = pl.kernel(
        _sc_body,
        out_type=jax.ShapeDtypeStruct((L,), f32),
        mesh=mesh,
        compiler_params=pltpu.CompilerParams(
            needs_layout_passes=False, use_tc_tiling_on_sc=True),
        scratch_types=[
            pltpu.VMEM((CHUNK,), jnp.int32),
            pltpu.VMEM((CHUNK,), jnp.int32),
            pltpu.VMEM((CHUNK,), f32),
            pltpu.VMEM((N,), f32),
            pltpu.VMEM((M,), f32),
            pltpu.VMEM((NW, BAND), f32),
            pltpu.VMEM((BAND,), f32),
            pltpu.MemorySpace.VMEM_SHARED((NW, N), f32),
            pltpu.MemorySpace.VMEM_SHARED((NW, M), f32),
            pltpu.MemorySpace.VMEM_SHARED((N,), f32),
            pltpu.MemorySpace.VMEM_SHARED((M,), f32),
            pltpu.MemorySpace.VMEM_SHARED((NW, L), f32),
            pltpu.VMEM((CHUNK,), jnp.int32),
            pltpu.VMEM((CHUNK,), f32),
            pltpu.VMEM((L,), f32),
            pltpu.VMEM((NW, L), f32),
            pltpu.VMEM((L,), f32),
            pltpu.SemaphoreType.DMA,
            pltpu.SemaphoreType.DMA,
        ],
    )
    return run(scores_phys, rows, cols, vals)


def kernel(coarse_matching_scores, gt_patch_corr_indices, gt_patch_corr_overlaps):
    scores_phys = coarse_matching_scores.reshape(
        N // 8, 8, M // 128, 128).transpose(0, 2, 1, 3).reshape(-1)
    rows = gt_patch_corr_indices[:, 0]
    cols = gt_patch_corr_indices[:, 1]
    out = _sc_stage(scores_phys, rows, cols, gt_patch_corr_overlaps)
    return out[0]

# --- scband reference (transcript-rebuilt; emitter-appended) ---
"""Pipeline reference for scband-spot-matching-loss-55035710931706 (READ-ONLY COPY).

The authoritative reference and input builder live on the scoring server;
editing this copy changes nothing except your own understanding.
"""

import jax, jax.numpy as jnp
import numpy as np

N = 8192
M = 8192
C = 16384
POSITIVE_OVERLAP = 0.1


def setup_inputs(seed: int = 0) -> dict:
    key = jax.random.key(seed)
    k1, k2, k3 = jax.random.split(key, 3)
    coarse_matching_scores = jax.random.uniform(k1, (N, M), dtype=jnp.float32)
    gt_patch_corr_indices = jax.random.randint(k2, (C, 2), 0, N, dtype=jnp.int32)
    gt_patch_corr_overlaps = jax.random.uniform(k3, (C,), dtype=jnp.float32)
    return {
        "coarse_matching_scores": coarse_matching_scores,
        "gt_patch_corr_indices": gt_patch_corr_indices,
        "gt_patch_corr_overlaps": gt_patch_corr_overlaps,
    }


def reference(coarse_matching_scores, gt_patch_corr_indices, gt_patch_corr_overlaps):
    scores = coarse_matching_scores
    # no_grad block in torch -> stop_gradient around mask construction
    overlaps = jnp.zeros_like(scores).at[
        gt_patch_corr_indices[:, 0], gt_patch_corr_indices[:, 1]
    ].set(gt_patch_corr_overlaps)
    pos_masks = overlaps > POSITIVE_OVERLAP
    # row_mask: True at argmax along dim=1 (first max index, same as torch.max)
    row_idx = jnp.argmax(overlaps, axis=1)
    row_mask = jnp.zeros(overlaps.shape, dtype=bool).at[
        jnp.arange(overlaps.shape[0]), row_idx
    ].set(True)
    # col_mask: True at argmax along dim=0
    col_idx = jnp.argmax(overlaps, axis=0)
    col_mask = jnp.zeros(overlaps.shape, dtype=bool).at[
        col_idx, jnp.arange(overlaps.shape[1])
    ].set(True)
    pos_masks_f = overlaps * (pos_masks & row_mask & col_mask).astype(jnp.float32)
    pos_masks_f = jax.lax.stop_gradient(pos_masks_f)

    coarse_loss = -jnp.log(scores + 1e-08) * pos_masks_f
    coarse_loss = jnp.sum(coarse_loss) / pos_masks_f.sum()
    return coarse_loss

if __name__ == "__main__":
    import jax
    _d = setup_inputs()
    print(jax.jit(kernel)(*tuple(_d.values())))

</pallas_src>

<mosaic_0001>
#map = affine_map<(d0, d1) -> (0)>
module attributes {stable_mosaic.version = 14 : i64} {
  func.func @_sc_body(%arg0: i32, %arg1: i32, %arg2: memref<67108864xf32, #tpu.memory_space<hbm>>, %arg3: memref<16384xi32, #tpu.memory_space<hbm>>, %arg4: memref<16384xi32, #tpu.memory_space<hbm>>, %arg5: memref<16384xf32, #tpu.memory_space<hbm>>, %arg6: memref<16xf32, #tpu.memory_space<hbm>>, %arg7: memref<1024xi32, #tpu.memory_space<vmem>>, %arg8: memref<1024xi32, #tpu.memory_space<vmem>>, %arg9: memref<1024xf32, #tpu.memory_space<vmem>>, %arg10: memref<8192xf32, #tpu.memory_space<vmem>>, %arg11: memref<8192xf32, #tpu.memory_space<vmem>>, %arg12: memref<16x512xf32, #tpu.memory_space<vmem>>, %arg13: memref<512xf32, #tpu.memory_space<vmem>>, %arg14: memref<16x8192xf32, #tpu.memory_space<vmem_shared>>, %arg15: memref<16x8192xf32, #tpu.memory_space<vmem_shared>>, %arg16: memref<8192xf32, #tpu.memory_space<vmem_shared>>, %arg17: memref<8192xf32, #tpu.memory_space<vmem_shared>>, %arg18: memref<16x16xf32, #tpu.memory_space<vmem_shared>>, %arg19: memref<1024xi32, #tpu.memory_space<vmem>>, %arg20: memref<1024xf32, #tpu.memory_space<vmem>>, %arg21: memref<16xf32, #tpu.memory_space<vmem>>, %arg22: memref<16x16xf32, #tpu.memory_space<vmem>>, %arg23: memref<16xf32, #tpu.memory_space<vmem>>, %arg24: memref<!tpu.dma_semaphore, #tpu.memory_space<semaphore_mem>>, %arg25: memref<!tpu.dma_semaphore, #tpu.memory_space<semaphore_mem>>) attributes {dimension_semantics = [#tpu.dimension_semantics<core_parallel>, #tpu.dimension_semantics<subcore_parallel>], iteration_bounds = array<i64: 1, 16>, scalar_prefetch = 0 : i64, scratch_operands = 19 : i64, tpu.core_type = #tpu.core_type<sc_vector_subcore>, window_params = [{transform_indices = #map}, {transform_indices = #map}, {transform_indices = #map}, {transform_indices = #map}, {transform_indices = #map}]} {
    %mul3A = arith.constant 1024 : i32
    %mul3A_0 = arith.muli %arg1, %mul3A : i32
    %dma_start3A = tpu.memref_slice %arg3[%mul3A_0] : memref<16384xi32, #tpu.memory_space<hbm>> -> memref<1024xi32, #tpu.memory_space<hbm>>
    %dma_start3A_1 = tpu.memref_slice %arg3[%mul3A_0] : memref<16384xi32, #tpu.memory_space<hbm>> -> memref<1024xi32, #tpu.memory_space<hbm>>
    tpu.enqueue_dma source(%dma_start3A_1 : memref<1024xi32, #tpu.memory_space<hbm>>) target(%arg7 : memref<1024xi32, #tpu.memory_space<vmem>>) target_semaphore(%arg25 : memref<!tpu.dma_semaphore, #tpu.memory_space<semaphore_mem>>)
    %dma_start3A_2 = tpu.memref_slice %arg4[%mul3A_0] : memref<16384xi32, #tpu.memory_space<hbm>> -> memref<1024xi32, #tpu.memory_space<hbm>>
    %dma_start3A_3 = tpu.memref_slice %arg4[%mul3A_0] : memref<16384xi32, #tpu.memory_space<hbm>> -> memref<1024xi32, #tpu.memory_space<hbm>>
    tpu.enqueue_dma source(%dma_start3A_3 : memref<1024xi32, #tpu.memory_space<hbm>>) target(%arg8 : memref<1024xi32, #tpu.memory_space<vmem>>) target_semaphore(%arg25 : memref<!tpu.dma_semaphore, #tpu.memory_space<semaphore_mem>>)
    %dma_start3A_4 = tpu.memref_slice %arg5[%mul3A_0] : memref<16384xf32, #tpu.memory_space<hbm>> -> memref<1024xf32, #tpu.memory_space<hbm>>
    %dma_start3A_5 = tpu.memref_slice %arg5[%mul3A_0] : memref<16384xf32, #tpu.memory_space<hbm>> -> memref<1024xf32, #tpu.memory_space<hbm>>
    tpu.enqueue_dma source(%dma_start3A_5 : memref<1024xf32, #tpu.memory_space<hbm>>) target(%arg9 : memref<1024xf32, #tpu.memory_space<vmem>>) target_semaphore(%arg25 : memref<!tpu.dma_semaphore, #tpu.memory_space<semaphore_mem>>)
    %iota3A = tpu.iota {dimensions = array<i32: 0>} : vector<16xi32>
    %broadcast_in_dim3A = arith.constant 0.000000e+00 : f32
    %broadcast_in_dim3A_6 = vector.broadcast %broadcast_in_dim3A : f32 to vector<16xf32>
    %scan3A = arith.constant 0 : i32
    %scan3A_7 = arith.constant 0 : i32
    %scan3A_8 = arith.constant 64 : i32
    %scan3A_9 = arith.addi %scan3A_7, %scan3A_8 : i32
    %scan3A_10 = arith.constant 1 : i32
    %scan3A_11 = scf.for %scan3A_999 = %scan3A_7 to %scan3A_9 step %scan3A_10 iter_args(%scan3A_1000 = %scan3A) -> (i32)  : i32 {
      %mul3A_1001 = arith.constant 8 : i32
      %mul3A_1002 = arith.muli %scan3A_999, %mul3A_1001 : i32
      %add3A = arith.constant 0 : i32
      %add3A_1003 = arith.addi %mul3A_1002, %add3A : i32
      %mul3A_1004 = arith.constant 16 : i32
      %mul3A_1005 = arith.muli %add3A_1003, %mul3A_1004 : i32
      %swap3A_1006 = arith.index_cast %mul3A_1005 : i32 to index
      %swap3A_1007 = tpu.vector_load %arg10[%swap3A_1006] {strides = array<i32>} : memref<8192xf32, #tpu.memory_space<vmem>>, vector<16xf32>,
      tpu.vector_store %arg10[%swap3A_1006], %broadcast_in_dim3A_6 {strides = array<i32>} : memref<8192xf32, #tpu.memory_space<vmem>>, vector<16xf32>,
      %mul3A_1008 = arith.constant 8 : i32
      %mul3A_1009 = arith.muli %scan3A_999, %mul3A_1008 : i32
      %add3A_1010 = arith.constant 0 : i32
      %add3A_1011 = arith.addi %mul3A_1009, %add3A_1010 : i32
      %mul3A_1012 = arith.constant 16 : i32
      %mul3A_1013 = arith.muli %add3A_1011, %mul3A_1012 : i32
      %swap3A_1014 = arith.index_cast %mul3A_1013 : i32 to index
      %swap3A_1015 = tpu.vector_load %arg11[%swap3A_1014] {strides = array<i32>} : memref<8192xf32, #tpu.memory_space<vmem>>, vector<16xf32>,
      tpu.vector_store %arg11[%swap3A_1014], %broadcast_in_dim3A_6 {strides = array<i32>} : memref<8192xf32, #tpu.memory_space<vmem>>, vector<16xf32>,
      %mul3A_1016 = arith.constant 8 : i32
      %mul3A_1017 = arith.muli %scan3A_999, %mul3A_1016 : i32
      %add3A_1018 = arith.constant 1 : i32
      %add3A_1019 = arith.addi %mul3A_1017, %add3A_1018 : i32
      %mul3A_1020 = arith.constant 16 : i32
      %mul3A_1021 = arith.muli %add3A_1019, %mul3A_1020 : i32
      %swap3A_1022 = arith.index_cast %mul3A_1021 : i32 to index
      %swap3A_1023 = tpu.vector_load %arg10[%swap3A_1022] {strides = array<i32>} : memref<8192xf32, #tpu.memory_space<vmem>>, vector<16xf32>,
      tpu.vector_store %arg10[%swap3A_1022], %broadcast_in_dim3A_6 {strides = array<i32>} : memref<8192xf32, #tpu.memory_space<vmem>>, vector<16xf32>,
      %mul3A_1024 = arith.constant 8 : i32
      %mul3A_1025 = arith.muli %scan3A_999, %mul3A_1024 : i32
      %add3A_1026 = arith.constant 1 : i32
      %add3A_1027 = arith.addi %mul3A_1025, %add3A_1026 : i32
      %mul3A_1028 = arith.constant 16 : i32
      %mul3A_1029 = arith.muli %add3A_1027, %mul3A_1028 : i32
      %swap3A_1030 = arith.index_cast %mul3A_1029 : i32 to index
      %swap3A_1031 = tpu.vector_load %arg11[%swap3A_1030] {strides = array<i32>} : memref<8192xf32, #tpu.memory_space<vmem>>, vector<16xf32>,
      tpu.vector_store %arg11[%swap3A_1030], %broadcast_in_dim3A_6 {strides = array<i32>} : memref<8192xf32, #tpu.memory_space<vmem>>, vector<16xf32>,
      %mul3A_1032 = arith.constant 8 : i32
      %mul3A_1033 = arith.muli %scan3A_999, %mul3A_1032 : i32
      %add3A_1034 = arith.constant 2 : i32
      %add3A_1035 = arith.addi %mul3A_1033, %add3A_1034 : i32
      %mul3A_1036 = arith.constant 16 : i32
      %mul3A_1037 = arith.muli %add3A_1035, %mul3A_1036 : i32
      %swap3A_1038 = arith.index_cast %mul3A_1037 : i32 to index
      %swap3A_1039 = tpu.vector_load %arg10[%swap3A_1038] {strides = array<i32>} : memref<8192xf32, #tpu.memory_space<vmem>>, vector<16xf32>,
      tpu.vector_store %arg10[%swap3A_1038], %broadcast_in_dim3A_6 {strides = array<i32>} : memref<8192xf32, #tpu.memory_space<vmem>>, vector<16xf32>,
      %mul3A_1040 = arith.constant 8 : i32
      %mul3A_1041 = arith.muli %scan3A_999, %mul3A_1040 : i32
      %add3A_1042 = arith.constant 2 : i32
      %add3A_1043 = arith.addi %mul3A_1041, %add3A_1042 : i32
      %mul3A_1044 = arith.constant 16 : i32
      %mul3A_1045 = arith.muli %add3A_1043, %mul3A_1044 : i32
      %swap3A_1046 = arith.index_cast %mul3A_1045 : i32 to index
      %swap3A_1047 = tpu.vector_load %arg11[%swap3A_1046] {strides = array<i32>} : memref<8192xf32, #tpu.memory_space<vmem>>, vector<16xf32>,
      tpu.vector_store %arg11[%swap3A_1046], %broadcast_in_dim3A_6 {strides = array<i32>} : memref<8192xf32, #tpu.memory_space<vmem>>, vector<16xf32>,
      %mul3A_1048 = arith.constant 8 : i32
      %mul3A_1049 = arith.muli %scan3A_999, %mul3A_1048 : i32
      %add3A_1050 = arith.constant 3 : i32
      %add3A_1051 = arith.addi %mul3A_1049, %add3A_1050 : i32
      %mul3A_1052 = arith.constant 16 : i32
      %mul3A_1053 = arith.muli %add3A_1051, %mul3A_1052 : i32
      %swap3A_1054 = arith.index_cast %mul3A_1053 : i32 to index
      %swap3A_1055 = tpu.vector_load %arg10[%swap3A_1054] {strides = array<i32>} : memref<8192xf32, #tpu.memory_space<vmem>>, vector<16xf32>,
      tpu.vector_store %arg10[%swap3A_1054], %broadcast_in_dim3A_6 {strides = array<i32>} : memref<8192xf32, #tpu.memory_space<vmem>>, vector<16xf32>,
      %mul3A_1056 = arith.constant 8 : i32
      %mul3A_1057 = arith.muli %scan3A_999, %mul3A_1056 : i32
      %add3A_1058 = arith.constant 3 : i32
      %add3A_1059 = arith.addi %mul3A_1057, %add3A_1058 : i32
      %mul3A_1060 = arith.constant 16 : i32
      %mul3A_1061 = arith.muli %add3A_1059, %mul3A_1060 : i32
      %swap3A_1062 = arith.index_cast %mul3A_1061 : i32 to index
      %swap3A_1063 = tpu.vector_load %arg11[%swap3A_1062] {strides = array<i32>} : memref<8192xf32, #tpu.memory_space<vmem>>, vector<16xf32>,
      tpu.vector_store %arg11[%swap3A_1062], %broadcast_in_dim3A_6 {strides = array<i32>} : memref<8192xf32, #tpu.memory_space<vmem>>, vector<16xf32>,
      %mul3A_1064 = arith.constant 8 : i32
      %mul3A_1065 = arith.muli %scan3A_999, %mul3A_1064 : i32
      %add3A_1066 = arith.constant 4 : i32
      %add3A_1067 = arith.addi %mul3A_1065, %add3A_1066 : i32
      %mul3A_1068 = arith.constant 16 : i32
      %mul3A_1069 = arith.muli %add3A_1067, %mul3A_1068 : i32
      %swap3A_1070 = arith.index_cast %mul3A_1069 : i32 to index
      %swap3A_1071 = tpu.vector_load %arg10[%swap3A_1070] {strides = array<i32>} : memref<8192xf32, #tpu.memory_space<vmem>>, vector<16xf32>,
      tpu.vector_store %arg10[%swap3A_1070], %broadcast_in_dim3A_6 {strides = array<i32>} : memref<8192xf32, #tpu.memory_space<vmem>>, vector<16xf32>,
      %mul3A_1072 = arith.constant 8 : i32
      %mul3A_1073 = arith.muli %scan3A_999, %mul3A_1072 : i32
      %add3A_1074 = arith.constant 4 : i32
      %add3A_1075 = arith.addi %mul3A_1073, %add3A_1074 : i32
      %mul3A_1076 = arith.constant 16 : i32
      %mul3A_1077 = arith.muli %add3A_1075, %mul3A_1076 : i32
      %swap3A_1078 = arith.index_cast %mul3A_1077 : i32 to index
      %swap3A_1079 = tpu.vector_load %arg11[%swap3A_1078] {strides = array<i32>} : memref<8192xf32, #tpu.memory_space<vmem>>, vector<16xf32>,
      tpu.vector_store %arg11[%swap3A_1078], %broadcast_in_dim3A_6 {strides = array<i32>} : memref<8192xf32, #tpu.memory_space<vmem>>, vector<16xf32>,
      %mul3A_1080 = arith.constant 8 : i32
      %mul3A_1081 = arith.muli %scan3A_999, %mul3A_1080 : i32
      %add3A_1082 = arith.constant 5 : i32
      %add3A_1083 = arith.addi %mul3A_1081, %add3A_1082 : i32
      %mul3A_1084 = arith.constant 16 : i32
      %mul3A_1085 = arith.muli %add3A_1083, %mul3A_1084 : i32
      %swap3A_1086 = arith.index_cast %mul3A_1085 : i32 to index
      %swap3A_1087 = tpu.vector_load %arg10[%swap3A_1086] {strides = array<i32>} : memref<8192xf32, #tpu.memory_space<vmem>>, vector<16xf32>,
      tpu.vector_store %arg10[%swap3A_1086], %broadcast_in_dim3A_6 {strides = array<i32>} : memref<8192xf32, #tpu.memory_space<vmem>>, vector<16xf32>,
      %mul3A_1088 = arith.constant 8 : i32
      %mul3A_1089 = arith.muli %scan3A_999, %mul3A_1088 : i32
      %add3A_1090 = arith.constant 5 : i32
      %add3A_1091 = arith.addi %mul3A_1089, %add3A_1090 : i32
      %mul3A_1092 = arith.constant 16 : i32
      %mul3A_1093 = arith.muli %add3A_1091, %mul3A_1092 : i32
      %swap3A_1094 = arith.index_cast %mul3A_1093 : i32 to index
      %swap3A_1095 = tpu.vector_load %arg11[%swap3A_1094] {strides = array<i32>} : memref<8192xf32, #tpu.memory_space<vmem>>, vector<16xf32>,
      tpu.vector_store %arg11[%swap3A_1094], %broadcast_in_dim3A_6 {strides = array<i32>} : memref<8192xf32, #tpu.memory_space<vmem>>, vector<16xf32>,
      %mul3A_1096 = arith.constant 8 : i32
      %mul3A_1097 = arith.muli %scan3A_999, %mul3A_1096 : i32
      %add3A_1098 = arith.constant 6 : i32
      %add3A_1099 = arith.addi %mul3A_1097, %add3A_1098 : i32
      %mul3A_1100 = arith.constant 16 : i32
      %mul3A_1101 = arith.muli %add3A_1099, %mul3A_1100 : i32
      %swap3A_1102 = arith.index_cast %mul3A_1101 : i32 to index
      %swap3A_1103 = tpu.vector_load %arg10[%swap3A_1102] {strides = array<i32>} : memref<8192xf32, #tpu.memory_space<vmem>>, vector<16xf32>,
      tpu.vector_store %arg10[%swap3A_1102], %broadcast_in_dim3A_6 {strides = array<i32>} : memref<8192xf32, #tpu.memory_space<vmem>>, vector<16xf32>,
      %mul3A_1104 = arith.constant 8 : i32
      %mul3A_1105 = arith.muli %scan3A_999, %mul3A_1104 : i32
      %add3A_1106 = arith.constant 6 : i32
      %add3A_1107 = arith.addi %mul3A_1105, %add3A_1106 : i32
      %mul3A_1108 = arith.constant 16 : i32
      %mul3A_1109 = arith.muli %add3A_1107, %mul3A_1108 : i32
      %swap3A_1110 = arith.index_cast %mul3A_1109 : i32 to index
      %swap3A_1111 = tpu.vector_load %arg11[%swap3A_1110] {strides = array<i32>} : memref<8192xf32, #tpu.memory_space<vmem>>, vector<16xf32>,
      tpu.vector_store %arg11[%swap3A_1110], %broadcast_in_dim3A_6 {strides = array<i32>} : memref<8192xf32, #tpu.memory_space<vmem>>, vector<16xf32>,
      %mul3A_1112 = arith.constant 8 : i32
      %mul3A_1113 = arith.muli %scan3A_999, %mul3A_1112 : i32
      %add3A_1114 = arith.constant 7 : i32
      %add3A_1115 = arith.addi %mul3A_1113, %add3A_1114 : i32
      %mul3A_1116 = arith.constant 16 : i32
      %mul3A_1117 = arith.muli %add3A_1115, %mul3A_1116 : i32
      %swap3A_1118 = arith.index_cast %mul3A_1117 : i32 to index
      %swap3A_1119 = tpu.vector_load %arg10[%swap3A_1118] {strides = array<i32>} : memref<8192xf32, #tpu.memory_space<vmem>>, vector<16xf32>,
      tpu.vector_store %arg10[%swap3A_1118], %broadcast_in_dim3A_6 {strides = array<i32>} : memref<8192xf32, #tpu.memory_space<vmem>>, vector<16xf32>,
      %mul3A_1120 = arith.constant 8 : i32
      %mul3A_1121 = arith.muli %scan3A_999, %mul3A_1120 : i32
      %add3A_1122 = arith.constant 7 : i32
      %add3A_1123 = arith.addi %mul3A_1121, %add3A_1122 : i32
      %mul3A_1124 = arith.constant 16 : i32
      %mul3A_1125 = arith.muli %add3A_1123, %mul3A_1124 : i32
      %swap3A_1126 = arith.index_cast %mul3A_1125 : i32 to index
      %swap3A_1127 = tpu.vector_load %arg11[%swap3A_1126] {strides = array<i32>} : memref<8192xf32, #tpu.memory_space<vmem>>, vector<16xf32>,
      tpu.vector_store %arg11[%swap3A_1126], %broadcast_in_dim3A_6 {strides = array<i32>} : memref<8192xf32, #tpu.memory_space<vmem>>, vector<16xf32>,
      %scan3A_1128 = arith.constant 0 : i32
      scf.yield %scan3A_1128 : i32
    }
    %scan3A_12 = arith.constant 64 : i32
    %dma_wait3A = tpu.memref_slice %arg3[%mul3A_0] : memref<16384xi32, #tpu.memory_space<hbm>> -> memref<1024xi32, #tpu.memory_space<hbm>>
    %dma_wait3A_13 = tpu.memref_slice %arg3[%mul3A_0] : memref<16384xi32, #tpu.memory_space<hbm>> -> memref<1024xi32, #tpu.memory_space<hbm>>
    tpu.wait_dma2 semaphore(%arg25 : memref<!tpu.dma_semaphore, #tpu.memory_space<semaphore_mem>>) src(%dma_wait3A_13 : memref<1024xi32, #tpu.memory_space<hbm>>) dst(%arg7 : memref<1024xi32, #tpu.memory_space<vmem>>)
    %dma_wait3A_14 = tpu.memref_slice %arg4[%mul3A_0] : memref<16384xi32, #tpu.memory_space<hbm>> -> memref<1024xi32, #tpu.memory_space<hbm>>
    %dma_wait3A_15 = tpu.memref_slice %arg4[%mul3A_0] : memref<16384xi32, #tpu.memory_space<hbm>> -> memref<1024xi32, #tpu.memory_space<hbm>>
    tpu.wait_dma2 semaphore(%arg25 : memref<!tpu.dma_semaphore, #tpu.memory_space<semaphore_mem>>) src(%dma_wait3A_15 : memref<1024xi32, #tpu.memory_space<hbm>>) dst(%arg8 : memref<1024xi32, #tpu.memory_space<vmem>>)
    %dma_wait3A_16 = tpu.memref_slice %arg5[%mul3A_0] : memref<16384xf32, #tpu.memory_space<hbm>> -> memref<1024xf32, #tpu.memory_space<hbm>>
    %dma_wait3A_17 = tpu.memref_slice %arg5[%mul3A_0] : memref<16384xf32, #tpu.memory_space<hbm>> -> memref<1024xf32, #tpu.memory_space<hbm>>
    tpu.wait_dma2 semaphore(%arg25 : memref<!tpu.dma_semaphore, #tpu.memory_space<semaphore_mem>>) src(%dma_wait3A_17 : memref<1024xf32, #tpu.memory_space<hbm>>) dst(%arg9 : memref<1024xf32, #tpu.memory_space<vmem>>)
    %scan3A_18 = arith.constant 0 : i32
    %scan3A_19 = arith.constant 0 : i32
    %scan3A_20 = arith.constant 64 : i32
    %scan3A_21 = arith.addi %scan3A_19, %scan3A_20 : i32
    %scan3A_22 = arith.constant 1 : i32
    %scan3A_23 = scf.for %scan3A_999 = %scan3A_19 to %scan3A_21 step %scan3A_22 iter_args(%scan3A_1000 = %scan3A_18) -> (i32)  : i32 {
      %mul3A_1001 = arith.constant 16 : i32
      %mul3A_1002 = arith.muli %scan3A_999, %mul3A_1001 : i32
      %get3A = arith.index_cast %mul3A_1002 : i32 to index
      %get3A_1003 = tpu.vector_load %arg7[%get3A] {strides = array<i32>} : memref<1024xi32, #tpu.memory_space<vmem>>, vector<16xi32>,
      %mul3A_1004 = arith.constant 16 : i32
      %mul3A_1005 = arith.muli %scan3A_999, %mul3A_1004 : i32
      %get3A_1006 = arith.index_cast %mul3A_1005 : i32 to index
      %get3A_1007 = tpu.vector_load %arg8[%get3A_1006] {strides = array<i32>} : memref<1024xi32, #tpu.memory_space<vmem>>, vector<16xi32>,
      %mul3A_1008 = arith.constant 16 : i32
      %mul3A_1009 = arith.muli %scan3A_999, %mul3A_1008 : i32
      %get3A_1010 = arith.index_cast %mul3A_1009 : i32 to index
      %get3A_1011 = tpu.vector_load %arg9[%get3A_1010] {strides = array<i32>} : memref<1024xf32, #tpu.memory_space<vmem>>, vector<16xf32>,
      %shift_right_arithmetic3A = arith.constant 3 : i32
      %shift_right_arithmetic3A_1012 = vector.broadcast %shift_right_arithmetic3A : i32 to vector<16xi32>
      %shift_right_arithmetic3A_1013 = arith.shrsi %get3A_1003, %shift_right_arithmetic3A_1012 : vector<16xi32>
      %shift_left3A = arith.constant 16 : i32
      %shift_left3A_1014 = vector.broadcast %shift_left3A : i32 to vector<16xi32>
      %shift_left3A_1015 = arith.shli %shift_right_arithmetic3A_1013, %shift_left3A_1014 : vector<16xi32>
      %shift_right_arithmetic3A_1016 = arith.constant 7 : i32
      %shift_right_arithmetic3A_1017 = vector.broadcast %shift_right_arithmetic3A_1016 : i32 to vector<16xi32>
      %shift_right_arithmetic3A_1018 = arith.shrsi %get3A_1007, %shift_right_arithmetic3A_1017 : vector<16xi32>
      %shift_left3A_1019 = arith.constant 10 : i32
      %shift_left3A_1020 = vector.broadcast %shift_left3A_1019 : i32 to vector<16xi32>
      %shift_left3A_1021 = arith.shli %shift_right_arithmetic3A_1018, %shift_left3A_1020 : vector<16xi32>
      %or3A = arith.ori %shift_left3A_1015, %shift_left3A_1021 : vector<16xi32>
      %and3A = arith.constant 7 : i32
      %and3A_1022 = vector.broadcast %and3A : i32 to vector<16xi32>
      %and3A_1023 = arith.andi %get3A_1003, %and3A_1022 : vector<16xi32>
      %shift_left3A_1024 = arith.constant 7 : i32
      %shift_left3A_1025 = vector.broadcast %shift_left3A_1024 : i32 to vector<16xi32>
      %shift_left3A_1026 = arith.shli %and3A_1023, %shift_left3A_1025 : vector<16xi32>
      %or3A_1027 = arith.ori %or3A, %shift_left3A_1026 : vector<16xi32>
      %and3A_1028 = arith.constant 127 : i32
      %and3A_1029 = vector.broadcast %and3A_1028 : i32 to vector<16xi32>
      %and3A_1030 = arith.andi %get3A_1007, %and3A_1029 : vector<16xi32>
      %or3A_1031 = arith.ori %or3A_1027, %and3A_1030 : vector<16xi32>
      %mul3A_1032 = arith.constant 16 : i32
      %mul3A_1033 = arith.muli %scan3A_999, %mul3A_1032 : i32
      %swap3A_1034 = arith.index_cast %mul3A_1033 : i32 to index
      %swap3A_1035 = tpu.vector_load %arg19[%swap3A_1034] {strides = array<i32>} : memref<1024xi32, #tpu.memory_space<vmem>>, vector<16xi32>,
      tpu.vector_store %arg19[%swap3A_1034], %or3A_1031 {strides = array<i32>} : memref<1024xi32, #tpu.memory_space<vmem>>, vector<16xi32>,
      %masked_sort3A = arith.constant dense<true> : vector<16xi1>
      %masked_sort3A_1036 = arith.constant -2147483648 : i32
      %masked_sort3A_1037 = vector.broadcast %masked_sort3A_1036 : i32 to vector<16xi32>
      %masked_sort3A_1038 = arith.xori %get3A_1003, %masked_sort3A_1037 : vector<16xi32>
      %masked_sort3A_1039, %masked_sort3A_1040, %masked_sort3A_1041 = tpu.sort %masked_sort3A_1038, %get3A_1011 masked %masked_sort3A : (vector<16xi32>, vector<16xf32>, vector<16xi1>) -> (vector<16xi1>, vector<16xi32>, vector<16xf32>)
      %masked_sort3A_1042 = arith.xori %masked_sort3A_1040, %masked_sort3A_1037 : vector<16xi32>
      %sub3A = arith.constant 1 : i32
      %sub3A_1043 = vector.broadcast %sub3A : i32 to vector<16xi32>
      %sub3A_1044 = arith.subi %iota3A, %sub3A_1043 : vector<16xi32>
      %max3A = arith.constant 0 : i32
      %max3A_1045 = vector.broadcast %max3A : i32 to vector<16xi32>
      %max3A_1046 = arith.maxsi %sub3A_1044, %max3A_1045 : vector<16xi32>
      %lt3A = arith.constant 0 : i32
      %lt3A_1047 = vector.broadcast %lt3A : i32 to vector<16xi32>
      %lt3A_1048 = arith.cmpi slt, %max3A_1046, %lt3A_1047 : vector<16xi32>
      %add3A = arith.constant 16 : i32
      %add3A_1049 = vector.broadcast %add3A : i32 to vector<16xi32>
      %add3A_1050 = arith.addi %max3A_1046, %add3A_1049 : vector<16xi32>
      %select_n3A_1051 = arith.select %lt3A_1048, %add3A_1050, %max3A_1046 : vector<16xi1>, vector<16xi32>
      %broadcast_in_dim3A_1052 = vector.shape_cast %select_n3A_1051 : vector<16xi32> to vector<16x1xi32>
      %gather3A = vector.shape_cast %broadcast_in_dim3A_1052 : vector<16x1xi32> to vector<16xi32>
      %gather3A_1053 = tpu.dynamic_gather %masked_sort3A_1042[%gather3A] in [0] : vector<16xi32>, vector<16xi32> -> vector<16xi32>
      %lt3A_1054 = arith.constant 0 : i32
      %lt3A_1055 = vector.broadcast %lt3A_1054 : i32 to vector<16xi32>
      %lt3A_1056 = arith.cmpi slt, %max3A_1046, %lt3A_1055 : vector<16xi32>
      %add3A_1057 = arith.constant 16 : i32
      %add3A_1058 = vector.broadcast %add3A_1057 : i32 to vector<16xi32>
      %add3A_1059 = arith.addi %max3A_1046, %add3A_1058 : vector<16xi32>
      %select_n3A_1060 = arith.select %lt3A_1056, %add3A_1059, %max3A_1046 : vector<16xi1>, vector<16xi32>
      %broadcast_in_dim3A_1061 = vector.shape_cast %select_n3A_1060 : vector<16xi32> to vector<16x1xi32>
      %gather3A_1062 = vector.shape_cast %broadcast_in_dim3A_1061 : vector<16x1xi32> to vector<16xi32>
      %gather3A_1063 = tpu.dynamic_gather %masked_sort3A_1041[%gather3A_1062] in [0] : vector<16xf32>, vector<16xi32> -> vector<16xf32>
      %eq3A_1064 = arith.cmpi eq, %gather3A_1053, %masked_sort3A_1042 : vector<16xi32>
      %ge3A = arith.constant 1 : i32
      %ge3A_1065 = vector.broadcast %ge3A : i32 to vector<16xi32>
      %ge3A_1066 = arith.cmpi sge, %iota3A, %ge3A_1065 : vector<16xi32>
      %and3A_1067 = arith.andi %eq3A_1064, %ge3A_1066 : vector<16xi1>
      %max3A_1068 = arith.maximumf %masked_sort3A_1041, %gather3A_1063 : vector<16xf32>
      %select_n3A_1069 = arith.select %and3A_1067, %max3A_1068, %masked_sort3A_1041 : vector<16xi1>, vector<16xf32>
      %sub3A_1070 = arith.constant 2 : i32
      %sub3A_1071 = vector.broadcast %sub3A_1070 : i32 to vector<16xi32>
      %sub3A_1072 = arith.subi %iota3A, %sub3A_1071 : vector<16xi32>
      %max3A_1073 = arith.constant 0 : i32
      %max3A_1074 = vector.broadcast %max3A_1073 : i32 to vector<16xi32>
      %max3A_1075 = arith.maxsi %sub3A_1072, %max3A_1074 : vector<16xi32>
      %lt3A_1076 = arith.constant 0 : i32
      %lt3A_1077 = vector.broadcast %lt3A_1076 : i32 to vector<16xi32>
      %lt3A_1078 = arith.cmpi slt, %max3A_1075, %lt3A_1077 : vector<16xi32>
      %add3A_1079 = arith.constant 16 : i32
      %add3A_1080 = vector.broadcast %add3A_1079 : i32 to vector<16xi32>
      %add3A_1081 = arith.addi %max3A_1075, %add3A_1080 : vector<16xi32>
      %select_n3A_1082 = arith.select %lt3A_1078, %add3A_1081, %max3A_1075 : vector<16xi1>, vector<16xi32>
      %broadcast_in_dim3A_1083 = vector.shape_cast %select_n3A_1082 : vector<16xi32> to vector<16x1xi32>
      %gather3A_1084 = vector.shape_cast %broadcast_in_dim3A_1083 : vector<16x1xi32> to vector<16xi32>
      %gather3A_1085 = tpu.dynamic_gather %masked_sort3A_1042[%gather3A_1084] in [0] : vector<16xi32>, vector<16xi32> -> vector<16xi32>
      %lt3A_1086 = arith.constant 0 : i32
      %lt3A_1087 = vector.broadcast %lt3A_1086 : i32 to vector<16xi32>
      %lt3A_1088 = arith.cmpi slt, %max3A_1075, %lt3A_1087 : vector<16xi32>
      %add3A_1089 = arith.constant 16 : i32
      %add3A_1090 = vector.broadcast %add3A_1089 : i32 to vector<16xi32>
      %add3A_1091 = arith.addi %max3A_1075, %add3A_1090 : vector<16xi32>
      %select_n3A_1092 = arith.select %lt3A_1088, %add3A_1091, %max3A_1075 : vector<16xi1>, vector<16xi32>
      %broadcast_in_dim3A_1093 = vector.shape_cast %select_n3A_1092 : vector<16xi32> to vector<16x1xi32>
      %gather3A_1094 = vector.shape_cast %broadcast_in_dim3A_1093 : vector<16x1xi32> to vector<16xi32>
      %gather3A_1095 = tpu.dynamic_gather %select_n3A_1069[%gather3A_1094] in [0] : vector<16xf32>, vector<16xi32> -> vector<16xf32>
      %eq3A_1096 = arith.cmpi eq, %gather3A_1085, %masked_sort3A_1042 : vector<16xi32>
      %ge3A_1097 = arith.constant 2 : i32
      %ge3A_1098 = vector.broadcast %ge3A_1097 : i32 to vector<16xi32>
      %ge3A_1099 = arith.cmpi sge, %iota3A, %ge3A_1098 : vector<16xi32>
      %and3A_1100 = arith.andi %eq3A_1096, %ge3A_1099 : vector<16xi1>
      %max3A_1101 = arith.maximumf %select_n3A_1069, %gather3A_1095 : vector<16xf32>
      %select_n3A_1102 = arith.select %and3A_1100, %max3A_1101, %select_n3A_1069 : vector<16xi1>, vector<16xf32>
      %sub3A_1103 = arith.constant 4 : i32
      %sub3A_1104 = vector.broadcast %sub3A_1103 : i32 to vector<16xi32>
      %sub3A_1105 = arith.subi %iota3A, %sub3A_1104 : vector<16xi32>
      %max3A_1106 = arith.constant 0 : i32
      %max3A_1107 = vector.broadcast %max3A_1106 : i32 to vector<16xi32>
      %max3A_1108 = arith.maxsi %sub3A_1105, %max3A_1107 : vector<16xi32>
      %lt3A_1109 = arith.constant 0 : i32
      %lt3A_1110 = vector.broadcast %lt3A_1109 : i32 to vector<16xi32>
      %lt3A_1111 = arith.cmpi slt, %max3A_1108, %lt3A_1110 : vector<16xi32>
      %add3A_1112 = arith.constant 16 : i32
      %add3A_1113 = vector.broadcast %add3A_1112 : i32 to vector<16xi32>
      %add3A_1114 = arith.addi %max3A_1108, %add3A_1113 : vector<16xi32>
      %select_n3A_1115 = arith.select %lt3A_1111, %add3A_1114, %max3A_1108 : vector<16xi1>, vector<16xi32>
      %broadcast_in_dim3A_1116 = vector.shape_cast %select_n3A_1115 : vector<16xi32> to vector<16x1xi32>
      %gather3A_1117 = vector.shape_cast %broadcast_in_dim3A_1116 : vector<16x1xi32> to vector<16xi32>
      %gather3A_1118 = tpu.dynamic_gather %masked_sort3A_1042[%gather3A_1117] in [0] : vector<16xi32>, vector<16xi32> -> vector<16xi32>
      %lt3A_1119 = arith.constant 0 : i32
      %lt3A_1120 = vector.broadcast %lt3A_1119 : i32 to vector<16xi32>
      %lt3A_1121 = arith.cmpi slt, %max3A_1108, %lt3A_1120 : vector<16xi32>
      %add3A_1122 = arith.constant 16 : i32
      %add3A_1123 = vector.broadcast %add3A_1122 : i32 to vector<16xi32>
      %add3A_1124 = arith.addi %max3A_1108, %add3A_1123 : vector<16xi32>
      %select_n3A_1125 = arith.select %lt3A_1121, %add3A_1124, %max3A_1108 : vector<16xi1>, vector<16xi32>
      %broadcast_in_dim3A_1126 = vector.shape_cast %select_n3A_1125 : vector<16xi32> to vector<16x1xi32>
      %gather3A_1127 = vector.shape_cast %broadcast_in_dim3A_1126 : vector<16x1xi32> to vector<16xi32>
      %gather3A_1128 = tpu.dynamic_gather %select_n3A_1102[%gather3A_1127] in [0] : vector<16xf32>, vector<16xi32> -> vector<16xf32>
      %eq3A_1129 = arith.cmpi eq, %gather3A_1118, %masked_sort3A_1042 : vector<16xi32>
      %ge3A_1130 = arith.constant 4 : i32
      %ge3A_1131 = vector.broadcast %ge3A_1130 : i32 to vector<16xi32>
      %ge3A_1132 = arith.cmpi sge, %iota3A, %ge3A_1131 : vector<16xi32>
      %and3A_1133 = arith.andi %eq3A_1129, %ge3A_1132 : vector<16xi1>
      %max3A_1134 = arith.maximumf %select_n3A_1102, %gather3A_1128 : vector<16xf32>
      %select_n3A_1135 = arith.select %and3A_1133, %max3A_1134, %select_n3A_1102 : vector<16xi1>, vector<16xf32>
      %sub3A_1136 = arith.constant 8 : i32
      %sub3A_1137 = vector.broadcast %sub3A_1136 : i32 to vector<16xi32>
      %sub3A_1138 = arith.subi %iota3A, %sub3A_1137 : vector<16xi32>
      %max3A_1139 = arith.constant 0 : i32
      %max3A_1140 = vector.broadcast %max3A_1139 : i32 to vector<16xi32>
      %max3A_1141 = arith.maxsi %sub3A_1138, %max3A_1140 : vector<16xi32>
      %lt3A_1142 = arith.constant 0 : i32
      %lt3A_1143 = vector.broadcast %lt3A_1142 : i32 to vector<16xi32>
      %lt3A_1144 = arith.cmpi slt, %max3A_1141, %lt3A_1143 : vector<16xi32>
      %add3A_1145 = arith.constant 16 : i32
      %add3A_1146 = vector.broadcast %add3A_1145 : i32 to vector<16xi32>
      %add3A_1147 = arith.addi %max3A_1141, %add3A_1146 : vector<16xi32>
      %select_n3A_1148 = arith.select %lt3A_1144, %add3A_1147, %max3A_1141 : vector<16xi1>, vector<16xi32>
      %broadcast_in_dim3A_1149 = vector.shape_cast %select_n3A_1148 : vector<16xi32> to vector<16x1xi32>
      %gather3A_1150 = vector.shape_cast %broadcast_in_dim3A_1149 : vector<16x1xi32> to vector<16xi32>
      %gather3A_1151 = tpu.dynamic_gather %masked_sort3A_1042[%gather3A_1150] in [0] : vector<16xi32>, vector<16xi32> -> vector<16xi32>
      %lt3A_1152 = arith.constant 0 : i32
      %lt3A_1153 = vector.broadcast %lt3A_1152 : i32 to vector<16xi32>
      %lt3A_1154 = arith.cmpi slt, %max3A_1141, %lt3A_1153 : vector<16xi32>
      %add3A_1155 = arith.constant 16 : i32
      %add3A_1156 = vector.broadcast %add3A_1155 : i32 to vector<16xi32>
      %add3A_1157 = arith.addi %max3A_1141, %add3A_1156 : vector<16xi32>
      %select_n3A_1158 = arith.select %lt3A_1154, %add3A_1157, %max3A_1141 : vector<16xi1>, vector<16xi32>
      %broadcast_in_dim3A_1159 = vector.shape_cast %select_n3A_1158 : vector<16xi32> to vector<16x1xi32>
      %gather3A_1160 = vector.shape_cast %broadcast_in_dim3A_1159 : vector<16x1xi32> to vector<16xi32>
      %gather3A_1161 = tpu.dynamic_gather %select_n3A_1135[%gather3A_1160] in [0] : vector<16xf32>, vector<16xi32> -> vector<16xf32>
      %eq3A_1162 = arith.cmpi eq, %gather3A_1151, %masked_sort3A_1042 : vector<16xi32>
      %ge3A_1163 = arith.constant 8 : i32
      %ge3A_1164 = vector.broadcast %ge3A_1163 : i32 to vector<16xi32>
      %ge3A_1165 = arith.cmpi sge, %iota3A, %ge3A_1164 : vector<16xi32>
      %and3A_1166 = arith.andi %eq3A_1162, %ge3A_1165 : vector<16xi1>
      %max3A_1167 = arith.maximumf %select_n3A_1135, %gather3A_1161 : vector<16xf32>
      %select_n3A_1168 = arith.select %and3A_1166, %max3A_1167, %select_n3A_1135 : vector<16xi1>, vector<16xf32>
      %add3A_1169 = arith.constant 1 : i32
      %add3A_1170 = vector.broadcast %add3A_1169 : i32 to vector<16xi32>
      %add3A_1171 = arith.addi %iota3A, %add3A_1170 : vector<16xi32>
      %min3A = arith.constant 15 : i32
      %min3A_1172 = vector.broadcast %min3A : i32 to vector<16xi32>
      %min3A_1173 = arith.minsi %add3A_1171, %min3A_1172 : vector<16xi32>
      %lt3A_1174 = arith.constant 0 : i32
      %lt3A_1175 = vector.broadcast %lt3A_1174 : i32 to vector<16xi32>
      %lt3A_1176 = arith.cmpi slt, %min3A_1173, %lt3A_1175 : vector<16xi32>
      %add3A_1177 = arith.constant 16 : i32
      %add3A_1178 = vector.broadcast %add3A_1177 : i32 to vector<16xi32>
      %add3A_1179 = arith.addi %min3A_1173, %add3A_1178 : vector<16xi32>
      %select_n3A_1180 = arith.select %lt3A_1176, %add3A_1179, %min3A_1173 : vector<16xi1>, vector<16xi32>
      %broadcast_in_dim3A_1181 = vector.shape_cast %select_n3A_1180 : vector<16xi32> to vector<16x1xi32>
      %gather3A_1182 = vector.shape_cast %broadcast_in_dim3A_1181 : vector<16x1xi32> to vector<16xi32>
      %gather3A_1183 = tpu.dynamic_gather %masked_sort3A_1042[%gather3A_1182] in [0] : vector<16xi32>, vector<16xi32> -> vector<16xi32>
      %ne3A = arith.cmpi ne, %masked_sort3A_1042, %gather3A_1183 : vector<16xi32>
      %eq3A_1184 = arith.constant 15 : i32
      %eq3A_1185 = vector.broadcast %eq3A_1184 : i32 to vector<16xi32>
      %eq3A_1186 = arith.cmpi eq, %iota3A, %eq3A_1185 : vector<16xi32>
      %or3A_1187 = arith.ori %ne3A, %eq3A_1186 : vector<16xi1>
      %gather3A_1188 = tpu.vector_load_idx %arg10[%masked_sort3A_1042] masked %or3A_1187 : memref<8192xf32, #tpu.memory_space<vmem>>[vector<16xi32>], vector<16xf32>, vector<16xi1>
      %max3A_1189 = arith.maximumf %select_n3A_1168, %gather3A_1188 : vector<16xf32>
      tpu.vector_store_idx %arg10[%masked_sort3A_1042], %max3A_1189 masked %or3A_1187 : memref<8192xf32, #tpu.memory_space<vmem>>[vector<16xi32>], vector<16xf32>, vector<16xi1>
      %masked_sort3A_1190 = arith.constant dense<true> : vector<16xi1>
      %masked_sort3A_1191 = arith.constant -2147483648 : i32
      %masked_sort3A_1192 = vector.broadcast %masked_sort3A_1191 : i32 to vector<16xi32>
      %masked_sort3A_1193 = arith.xori %get3A_1007, %masked_sort3A_1192 : vector<16xi32>
      %masked_sort3A_1194, %masked_sort3A_1195, %masked_sort3A_1196 = tpu.sort %masked_sort3A_1193, %get3A_1011 masked %masked_sort3A_1190 : (vector<16xi32>, vector<16xf32>, vector<16xi1>) -> (vector<16xi1>, vector<16xi32>, vector<16xf32>)
      %masked_sort3A_1197 = arith.xori %masked_sort3A_1195, %masked_sort3A_1192 : vector<16xi32>
      %sub3A_1198 = arith.constant 1 : i32
      %sub3A_1199 = vector.broadcast %sub3A_1198 : i32 to vector<16xi32>
      %sub3A_1200 = arith.subi %iota3A, %sub3A_1199 : vector<16xi32>
      %max3A_1201 = arith.constant 0 : i32
      %max3A_1202 = vector.broadcast %max3A_1201 : i32 to vector<16xi32>
      %max3A_1203 = arith.maxsi %sub3A_1200, %max3A_1202 : vector<16xi32>
      %lt3A_1204 = arith.constant 0 : i32
      %lt3A_1205 = vector.broadcast %lt3A_1204 : i32 to vector<16xi32>
      %lt3A_1206 = arith.cmpi slt, %max3A_1203, %lt3A_1205 : vector<16xi32>
      %add3A_1207 = arith.constant 16 : i32
      %add3A_1208 = vector.broadcast %add3A_1207 : i32 to vector<16xi32>
      %add3A_1209 = arith.addi %max3A_1203, %add3A_1208 : vector<16xi32>
      %select_n3A_1210 = arith.select %lt3A_1206, %add3A_1209, %max3A_1203 : vector<16xi1>, vector<16xi32>
      %broadcast_in_dim3A_1211 = vector.shape_cast %select_n3A_1210 : vector<16xi32> to vector<16x1xi32>
      %gather3A_1212 = vector.shape_cast %broadcast_in_dim3A_1211 : vector<16x1xi32> to vector<16xi32>
      %gather3A_1213 = tpu.dynamic_gather %masked_sort3A_1197[%gather3A_1212] in [0] : vector<16xi32>, vector<16xi32> -> vector<16xi32>
      %lt3A_1214 = arith.constant 0 : i32
      %lt3A_1215 = vector.broadcast %lt3A_1214 : i32 to vector<16xi32>
      %lt3A_1216 = arith.cmpi slt, %max3A_1203, %lt3A_1215 : vector<16xi32>
      %add3A_1217 = arith.constant 16 : i32
      %add3A_1218 = vector.broadcast %add3A_1217 : i32 to vector<16xi32>
      %add3A_1219 = arith.addi %max3A_1203, %add3A_1218 : vector<16xi32>
      %select_n3A_1220 = arith.select %lt3A_1216, %add3A_1219, %max3A_1203 : vector<16xi1>, vector<16xi32>
      %broadcast_in_dim3A_1221 = vector.shape_cast %select_n3A_1220 : vector<16xi32> to vector<16x1xi32>
      %gather3A_1222 = vector.shape_cast %broadcast_in_dim3A_1221 : vector<16x1xi32> to vector<16xi32>
      %gather3A_1223 = tpu.dynamic_gather %masked_sort3A_1196[%gather3A_1222] in [0] : vector<16xf32>, vector<16xi32> -> vector<16xf32>
      %eq3A_1224 = arith.cmpi eq, %gather3A_1213, %masked_sort3A_1197 : vector<16xi32>
      %ge3A_1225 = arith.constant 1 : i32
      %ge3A_1226 = vector.broadcast %ge3A_1225 : i32 to vector<16xi32>
      %ge3A_1227 = arith.cmpi sge, %iota3A, %ge3A_1226 : vector<16xi32>
      %and3A_1228 = arith.andi %eq3A_1224, %ge3A_1227 : vector<16xi1>
      %max3A_1229 = arith.maximumf %masked_sort3A_1196, %gather3A_1223 : vector<16xf32>
      %select_n3A_1230 = arith.select %and3A_1228, %max3A_1229, %masked_sort3A_1196 : vector<16xi1>, vector<16xf32>
      %sub3A_1231 = arith.constant 2 : i32
      %sub3A_1232 = vector.broadcast %sub3A_1231 : i32 to vector<16xi32>
      %sub3A_1233 = arith.subi %iota3A, %sub3A_1232 : vector<16xi32>
      %max3A_1234 = arith.constant 0 : i32
      %max3A_1235 = vector.broadcast %max3A_1234 : i32 to vector<16xi32>
      %max3A_1236 = arith.maxsi %sub3A_1233, %max3A_1235 : vector<16xi32>
      %lt3A_1237 = arith.constant 0 : i32
      %lt3A_1238 = vector.broadcast %lt3A_1237 : i32 to vector<16xi32>
      %lt3A_1239 = arith.cmpi slt, %max3A_1236, %lt3A_1238 : vector<16xi32>
      %add3A_1240 = arith.constant 16 : i32
      %add3A_1241 = vector.broadcast %add3A_1240 : i32 to vector<16xi32>
      %add3A_1242 = arith.addi %max3A_1236, %add3A_1241 : vector<16xi32>
      %select_n3A_1243 = arith.select %lt3A_1239, %add3A_1242, %max3A_1236 : vector<16xi1>, vector<16xi32>
      %broadcast_in_dim3A_1244 = vector.shape_cast %select_n3A_1243 : vector<16xi32> to vector<16x1xi32>
      %gather3A_1245 = vector.shape_cast %broadcast_in_dim3A_1244 : vector<16x1xi32> to vector<16xi32>
      %gather3A_1246 = tpu.dynamic_gather %masked_sort3A_1197[%gather3A_1245] in [0] : vector<16xi32>, vector<16xi32> -> vector<16xi32>
      %lt3A_1247 = arith.constant 0 : i32
      %lt3A_1248 = vector.broadcast %lt3A_1247 : i32 to vector<16xi32>
      %lt3A_1249 = arith.cmpi slt, %max3A_1236, %lt3A_1248 : vector<16xi32>
      %add3A_1250 = arith.constant 16 : i32
      %add3A_1251 = vector.broadcast %add3A_1250 : i32 to vector<16xi32>
      %add3A_1252 = arith.addi %max3A_1236, %add3A_1251 : vector<16xi32>
      %select_n3A_1253 = arith.select %lt3A_1249, %add3A_1252, %max3A_1236 : vector<16xi1>, vector<16xi32>
      %broadcast_in_dim3A_1254 = vector.shape_cast %select_n3A_1253 : vector<16xi32> to vector<16x1xi32>
      %gather3A_1255 = vector.shape_cast %broadcast_in_dim3A_1254 : vector<16x1xi32> to vector<16xi32>
      %gather3A_1256 = tpu.dynamic_gather %select_n3A_1230[%gather3A_1255] in [0] : vector<16xf32>, vector<16xi32> -> vector<16xf32>
      %eq3A_1257 = arith.cmpi eq, %gather3A_1246, %masked_sort3A_1197 : vector<16xi32>
      %ge3A_1258 = arith.constant 2 : i32
      %ge3A_1259 = vector.broadcast %ge3A_1258 : i32 to vector<16xi32>
      %ge3A_1260 = arith.cmpi sge, %iota3A, %ge3A_1259 : vector<16xi32>
      %and3A_1261 = arith.andi %eq3A_1257, %ge3A_1260 : vector<16xi1>
      %max3A_1262 = arith.maximumf %select_n3A_1230, %gather3A_1256 : vector<16xf32>
      %select_n3A_1263 = arith.select %and3A_1261, %max3A_1262, %select_n3A_1230 : vector<16xi1>, vector<16xf32>
      %sub3A_1264 = arith.constant 4 : i32
      %sub3A_1265 = vector.broadcast %sub3A_1264 : i32 to vector<16xi32>
      %sub3A_1266 = arith.subi %iota3A, %sub3A_1265 : vector<16xi32>
      %max3A_1267 = arith.constant 0 : i32
      %max3A_1268 = vector.broadcast %max3A_1267 : i32 to vector<16xi32>
      %max3A_1269 = arith.maxsi %sub3A_1266, %max3A_1268 : vector<16xi32>
      %lt3A_1270 = arith.constant 0 : i32
      %lt3A_1271 = vector.broadcast %lt3A_1270 : i32 to vector<16xi32>
      %lt3A_1272 = arith.cmpi slt, %max3A_1269, %lt3A_1271 : vector<16xi32>
      %add3A_1273 = arith.constant 16 : i32
      %add3A_1274 = vector.broadcast %add3A_1273 : i32 to vector<16xi32>
      %add3A_1275 = arith.addi %max3A_1269, %add3A_1274 : vector<16xi32>
      %select_n3A_1276 = arith.select %lt3A_1272, %add3A_1275, %max3A_1269 : vector<16xi1>, vector<16xi32>
      %broadcast_in_dim3A_1277 = vector.shape_cast %select_n3A_1276 : vector<16xi32> to vector<16x1xi32>
      %gather3A_1278 = vector.shape_cast %broadcast_in_dim3A_1277 : vector<16x1xi32> to vector<16xi32>
      %gather3A_1279 = tpu.dynamic_gather %masked_sort3A_1197[%gather3A_1278] in [0] : vector<16xi32>, vector<16xi32> -> vector<16xi32>
      %lt3A_1280 = arith.constant 0 : i32
      %lt3A_1281 = vector.broadcast %lt3A_1280 : i32 to vector<16xi32>
      %lt3A_1282 = arith.cmpi slt, %max3A_1269, %lt3A_1281 : vector<16xi32>
      %add3A_1283 = arith.constant 16 : i32
      %add3A_1284 = vector.broadcast %add3A_1283 : i32 to vector<16xi32>
      %add3A_1285 = arith.addi %max3A_1269, %add3A_1284 : vector<16xi32>
      %select_n3A_1286 = arith.select %lt3A_1282, %add3A_1285, %max3A_1269 : vector<16xi1>, vector<16xi32>
      %broadcast_in_dim3A_1287 = vector.shape_cast %select_n3A_1286 : vector<16xi32> to vector<16x1xi32>
      %gather3A_1288 = vector.shape_cast %broadcast_in_dim3A_1287 : vector<16x1xi32> to vector<16xi32>
      %gather3A_1289 = tpu.dynamic_gather %select_n3A_1263[%gather3A_1288] in [0] : vector<16xf32>, vector<16xi32> -> vector<16xf32>
      %eq3A_1290 = arith.cmpi eq, %gather3A_1279, %masked_sort3A_1197 : vector<16xi32>
      %ge3A_1291 = arith.constant 4 : i32
      %ge3A_1292 = vector.broadcast %ge3A_1291 : i32 to vector<16xi32>
      %ge3A_1293 = arith.cmpi sge, %iota3A, %ge3A_1292 : vector<16xi32>
      %and3A_1294 = arith.andi %eq3A_1290, %ge3A_1293 : vector<16xi1>
      %max3A_1295 = arith.maximumf %select_n3A_1263, %gather3A_1289 : vector<16xf32>
      %select_n3A_1296 = arith.select %and3A_1294, %max3A_1295, %select_n3A_1263 : vector<16xi1>, vector<16xf32>
      %sub3A_1297 = arith.constant 8 : i32
      %sub3A_1298 = vector.broadcast %sub3A_1297 : i32 to vector<16xi32>
      %sub3A_1299 = arith.subi %iota3A, %sub3A_1298 : vector<16xi32>
      %max3A_1300 = arith.constant 0 : i32
      %max3A_1301 = vector.broadcast %max3A_1300 : i32 to vector<16xi32>
      %max3A_1302 = arith.maxsi %sub3A_1299, %max3A_1301 : vector<16xi32>
      %lt3A_1303 = arith.constant 0 : i32
      %lt3A_1304 = vector.broadcast %lt3A_1303 : i32 to vector<16xi32>
      %lt3A_1305 = arith.cmpi slt, %max3A_1302, %lt3A_1304 : vector<16xi32>
      %add3A_1306 = arith.constant 16 : i32
      %add3A_1307 = vector.broadcast %add3A_1306 : i32 to vector<16xi32>
      %add3A_1308 = arith.addi %max3A_1302, %add3A_1307 : vector<16xi32>
      %select_n3A_1309 = arith.select %lt3A_1305, %add3A_1308, %max3A_1302 : vector<16xi1>, vector<16xi32>
      %broadcast_in_dim3A_1310 = vector.shape_cast %select_n3A_1309 : vector<16xi32> to vector<16x1xi32>
      %gather3A_1311 = vector.shape_cast %broadcast_in_dim3A_1310 : vector<16x1xi32> to vector<16xi32>
      %gather3A_1312 = tpu.dynamic_gather %masked_sort3A_1197[%gather3A_1311] in [0] : vector<16xi32>, vector<16xi32> -> vector<16xi32>
      %lt3A_1313 = arith.constant 0 : i32
      %lt3A_1314 = vector.broadcast %lt3A_1313 : i32 to vector<16xi32>
      %lt3A_1315 = arith.cmpi slt, %max3A_1302, %lt3A_1314 : vector<16xi32>
      %add3A_1316 = arith.constant 16 : i32
      %add3A_1317 = vector.broadcast %add3A_1316 : i32 to vector<16xi32>
      %add3A_1318 = arith.addi %max3A_1302, %add3A_1317 : vector<16xi32>
      %select_n3A_1319 = arith.select %lt3A_1315, %add3A_1318, %max3A_1302 : vector<16xi1>, vector<16xi32>
      %broadcast_in_dim3A_1320 = vector.shape_cast %select_n3A_1319 : vector<16xi32> to vector<16x1xi32>
      %gather3A_1321 = vector.shape_cast %broadcast_in_dim3A_1320 : vector<16x1xi32> to vector<16xi32>
      %gather3A_1322 = tpu.dynamic_gather %select_n3A_1296[%gather3A_1321] in [0] : vector<16xf32>, vector<16xi32> -> vector<16xf32>
      %eq3A_1323 = arith.cmpi eq, %gather3A_1312, %masked_sort3A_1197 : vector<16xi32>
      %ge3A_1324 = arith.constant 8 : i32
      %ge3A_1325 = vector.broadcast %ge3A_1324 : i32 to vector<16xi32>
      %ge3A_1326 = arith.cmpi sge, %iota3A, %ge3A_1325 : vector<16xi32>
      %and3A_1327 = arith.andi %eq3A_1323, %ge3A_1326 : vector<16xi1>
      %max3A_1328 = arith.maximumf %select_n3A_1296, %gather3A_1322 : vector<16xf32>
      %select_n3A_1329 = arith.select %and3A_1327, %max3A_1328, %select_n3A_1296 : vector<16xi1>, vector<16xf32>
      %add3A_1330 = arith.constant 1 : i32
      %add3A_1331 = vector.broadcast %add3A_1330 : i32 to vector<16xi32>
      %add3A_1332 = arith.addi %iota3A, %add3A_1331 : vector<16xi32>
      %min3A_1333 = arith.constant 15 : i32
      %min3A_1334 = vector.broadcast %min3A_1333 : i32 to vector<16xi32>
      %min3A_1335 = arith.minsi %add3A_1332, %min3A_1334 : vector<16xi32>
      %lt3A_1336 = arith.constant 0 : i32
      %lt3A_1337 = vector.broadcast %lt3A_1336 : i32 to vector<16xi32>
      %lt3A_1338 = arith.cmpi slt, %min3A_1335, %lt3A_1337 : vector<16xi32>
      %add3A_1339 = arith.constant 16 : i32
      %add3A_1340 = vector.broadcast %add3A_1339 : i32 to vector<16xi32>
      %add3A_1341 = arith.addi %min3A_1335, %add3A_1340 : vector<16xi32>
      %select_n3A_1342 = arith.select %lt3A_1338, %add3A_1341, %min3A_1335 : vector<16xi1>, vector<16xi32>
      %broadcast_in_dim3A_1343 = vector.shape_cast %select_n3A_1342 : vector<16xi32> to vector<16x1xi32>
      %gather3A_1344 = vector.shape_cast %broadcast_in_dim3A_1343 : vector<16x1xi32> to vector<16xi32>
      %gather3A_1345 = tpu.dynamic_gather %masked_sort3A_1197[%gather3A_1344] in [0] : vector<16xi32>, vector<16xi32> -> vector<16xi32>
      %ne3A_1346 = arith.cmpi ne, %masked_sort3A_1197, %gather3A_1345 : vector<16xi32>
      %eq3A_1347 = arith.constant 15 : i32
      %eq3A_1348 = vector.broadcast %eq3A_1347 : i32 to vector<16xi32>
      %eq3A_1349 = arith.cmpi eq, %iota3A, %eq3A_1348 : vector<16xi32>
      %or3A_1350 = arith.ori %ne3A_1346, %eq3A_1349 : vector<16xi1>
      %gather3A_1351 = tpu.vector_load_idx %arg11[%masked_sort3A_1197] masked %or3A_1350 : memref<8192xf32, #tpu.memory_space<vmem>>[vector<16xi32>], vector<16xf32>, vector<16xi1>
      %max3A_1352 = arith.maximumf %select_n3A_1329, %gather3A_1351 : vector<16xf32>
      tpu.vector_store_idx %arg11[%masked_sort3A_1197], %max3A_1352 masked %or3A_1350 : memref<8192xf32, #tpu.memory_space<vmem>>[vector<16xi32>], vector<16xf32>, vector<16xi1>
      %scan3A_1353 = arith.constant 0 : i32
      scf.yield %scan3A_1353 : i32
    }
    %scan3A_24 = arith.constant 64 : i32
    %dma_start3A_25 = arith.constant 0 : i32
    %dma_start3A_26 = tpu.memref_slice %arg20[%dma_start3A_25] : memref<1024xf32, #tpu.memory_space<vmem>> -> memref<128xf32, #tpu.memory_space<vmem>>
    %dma_start3A_27 = arith.constant 0 : i32
    %dma_start3A_28 = tpu.memref_slice %arg19[%dma_start3A_27] : memref<1024xi32, #tpu.memory_space<vmem>> -> memref<128xi32, #tpu.memory_space<vmem>>
    %dma_start3A_29 = arith.constant 0 : i32
    %dma_start3A_30 = tpu.memref_slice %arg2[%dma_start3A_29] : memref<67108864xf32, #tpu.memory_space<hbm>> -> memref<67108864xf32, #tpu.memory_space<hbm>>
    tpu.enqueue_indirect_dma source(%dma_start3A_30 : memref<67108864xf32, #tpu.memory_space<hbm>>) target(%dma_start3A_26 : memref<128xf32, #tpu.memory_space<vmem>>) offsets(%dma_start3A_28 : memref<128xi32, #tpu.memory_space<vmem>>) semaphore(%arg24 : memref<!tpu.dma_semaphore, #tpu.memory_space<semaphore_mem>>)
    %dma_start3A_31 = arith.constant 128 : i32
    %dma_start3A_32 = tpu.memref_slice %arg20[%dma_start3A_31] : memref<1024xf32, #tpu.memory_space<vmem>> -> memref<128xf32, #tpu.memory_space<vmem>>
    %dma_start3A_33 = arith.constant 128 : i32
    %dma_start3A_34 = tpu.memref_slice %arg19[%dma_start3A_33] : memref<1024xi32, #tpu.memory_space<vmem>> -> memref<128xi32, #tpu.memory_space<vmem>>
    %dma_start3A_35 = arith.constant 0 : i32
    %dma_start3A_36 = tpu.memref_slice %arg2[%dma_start3A_35] : memref<67108864xf32, #tpu.memory_space<hbm>> -> memref<67108864xf32, #tpu.memory_space<hbm>>
    tpu.enqueue_indirect_dma source(%dma_start3A_36 : memref<67108864xf32, #tpu.memory_space<hbm>>) target(%dma_start3A_32 : memref<128xf32, #tpu.memory_space<vmem>>) offsets(%dma_start3A_34 : memref<128xi32, #tpu.memory_space<vmem>>) semaphore(%arg24 : memref<!tpu.dma_semaphore, #tpu.memory_space<semaphore_mem>>)
    %dma_start3A_37 = arith.constant 256 : i32
    %dma_start3A_38 = tpu.memref_slice %arg20[%dma_start3A_37] : memref<1024xf32, #tpu.memory_space<vmem>> -> memref<128xf32, #tpu.memory_space<vmem>>
    %dma_start3A_39 = arith.constant 256 : i32
    %dma_start3A_40 = tpu.memref_slice %arg19[%dma_start3A_39] : memref<1024xi32, #tpu.memory_space<vmem>> -> memref<128xi32, #tpu.memory_space<vmem>>
    %dma_start3A_41 = arith.constant 0 : i32
    %dma_start3A_42 = tpu.memref_slice %arg2[%dma_start3A_41] : memref<67108864xf32, #tpu.memory_space<hbm>> -> memref<67108864xf32, #tpu.memory_space<hbm>>
    tpu.enqueue_indirect_dma source(%dma_start3A_42 : memref<67108864xf32, #tpu.memory_space<hbm>>) target(%dma_start3A_38 : memref<128xf32, #tpu.memory_space<vmem>>) offsets(%dma_start3A_40 : memref<128xi32, #tpu.memory_space<vmem>>) semaphore(%arg24 : memref<!tpu.dma_semaphore, #tpu.memory_space<semaphore_mem>>)
    %dma_start3A_43 = arith.constant 384 : i32
    %dma_start3A_44 = tpu.memref_slice %arg20[%dma_start3A_43] : memref<1024xf32, #tpu.memory_space<vmem>> -> memref<128xf32, #tpu.memory_space<vmem>>
    %dma_start3A_45 = arith.constant 384 : i32
    %dma_start3A_46 = tpu.memref_slice %arg19[%dma_start3A_45] : memref<1024xi32, #tpu.memory_space<vmem>> -> memref<128xi32, #tpu.memory_space<vmem>>
    %dma_start3A_47 = arith.constant 0 : i32
    %dma_start3A_48 = tpu.memref_slice %arg2[%dma_start3A_47] : memref<67108864xf32, #tpu.memory_space<hbm>> -> memref<67108864xf32, #tpu.memory_space<hbm>>
    tpu.enqueue_indirect_dma source(%dma_start3A_48 : memref<67108864xf32, #tpu.memory_space<hbm>>) target(%dma_start3A_44 : memref<128xf32, #tpu.memory_space<vmem>>) offsets(%dma_start3A_46 : memref<128xi32, #tpu.memory_space<vmem>>) semaphore(%arg24 : memref<!tpu.dma_semaphore, #tpu.memory_space<semaphore_mem>>)
    %dma_start3A_49 = arith.constant 512 : i32
    %dma_start3A_50 = tpu.memref_slice %arg20[%dma_start3A_49] : memref<1024xf32, #tpu.memory_space<vmem>> -> memref<128xf32, #tpu.memory_space<vmem>>
    %dma_start3A_51 = arith.constant 512 : i32
    %dma_start3A_52 = tpu.memref_slice %arg19[%dma_start3A_51] : memref<1024xi32, #tpu.memory_space<vmem>> -> memref<128xi32, #tpu.memory_space<vmem>>
    %dma_start3A_53 = arith.constant 0 : i32
    %dma_start3A_54 = tpu.memref_slice %arg2[%dma_start3A_53] : memref<67108864xf32, #tpu.memory_space<hbm>> -> memref<67108864xf32, #tpu.memory_space<hbm>>
    tpu.enqueue_indirect_dma source(%dma_start3A_54 : memref<67108864xf32, #tpu.memory_space<hbm>>) target(%dma_start3A_50 : memref<128xf32, #tpu.memory_space<vmem>>) offsets(%dma_start3A_52 : memref<128xi32, #tpu.memory_space<vmem>>) semaphore(%arg24 : memref<!tpu.dma_semaphore, #tpu.memory_space<semaphore_mem>>)
    %dma_start3A_55 = arith.constant 640 : i32
    %dma_start3A_56 = tpu.memref_slice %arg20[%dma_start3A_55] : memref<1024xf32, #tpu.memory_space<vmem>> -> memref<128xf32, #tpu.memory_space<vmem>>
    %dma_start3A_57 = arith.constant 640 : i32
    %dma_start3A_58 = tpu.memref_slice %arg19[%dma_start3A_57] : memref<1024xi32, #tpu.memory_space<vmem>> -> memref<128xi32, #tpu.memory_space<vmem>>
    %dma_start3A_59 = arith.constant 0 : i32
    %dma_start3A_60 = tpu.memref_slice %arg2[%dma_start3A_59] : memref<67108864xf32, #tpu.memory_space<hbm>> -> memref<67108864xf32, #tpu.memory_space<hbm>>
    tpu.enqueue_indirect_dma source(%dma_start3A_60 : memref<67108864xf32, #tpu.memory_space<hbm>>) target(%dma_start3A_56 : memref<128xf32, #tpu.memory_space<vmem>>) offsets(%dma_start3A_58 : memref<128xi32, #tpu.memory_space<vmem>>) semaphore(%arg24 : memref<!tpu.dma_semaphore, #tpu.memory_space<semaphore_mem>>)
    %dma_start3A_61 = arith.constant 768 : i32
    %dma_start3A_62 = tpu.memref_slice %arg20[%dma_start3A_61] : memref<1024xf32, #tpu.memory_space<vmem>> -> memref<128xf32, #tpu.memory_space<vmem>>
    %dma_start3A_63 = arith.constant 768 : i32
    %dma_start3A_64 = tpu.memref_slice %arg19[%dma_start3A_63] : memref<1024xi32, #tpu.memory_space<vmem>> -> memref<128xi32, #tpu.memory_space<vmem>>
    %dma_start3A_65 = arith.constant 0 : i32
    %dma_start3A_66 = tpu.memref_slice %arg2[%dma_start3A_65] : memref<67108864xf32, #tpu.memory_space<hbm>> -> memref<67108864xf32, #tpu.memory_space<hbm>>
    tpu.enqueue_indirect_dma source(%dma_start3A_66 : memref<67108864xf32, #tpu.memory_space<hbm>>) target(%dma_start3A_62 : memref<128xf32, #tpu.memory_space<vmem>>) offsets(%dma_start3A_64 : memref<128xi32, #tpu.memory_space<vmem>>) semaphore(%arg24 : memref<!tpu.dma_semaphore, #tpu.memory_space<semaphore_mem>>)
    %dma_start3A_67 = arith.constant 896 : i32
    %dma_start3A_68 = tpu.memref_slice %arg20[%dma_start3A_67] : memref<1024xf32, #tpu.memory_space<vmem>> -> memref<128xf32, #tpu.memory_space<vmem>>
    %dma_start3A_69 = arith.constant 896 : i32
    %dma_start3A_70 = tpu.memref_slice %arg19[%dma_start3A_69] : memref<1024xi32, #tpu.memory_space<vmem>> -> memref<128xi32, #tpu.memory_space<vmem>>
    %dma_start3A_71 = arith.constant 0 : i32
    %dma_start3A_72 = tpu.memref_slice %arg2[%dma_start3A_71] : memref<67108864xf32, #tpu.memory_space<hbm>> -> memref<67108864xf32, #tpu.memory_space<hbm>>
    tpu.enqueue_indirect_dma source(%dma_start3A_72 : memref<67108864xf32, #tpu.memory_space<hbm>>) target(%dma_start3A_68 : memref<128xf32, #tpu.memory_space<vmem>>) offsets(%dma_start3A_70 : memref<128xi32, #tpu.memory_space<vmem>>) semaphore(%arg24 : memref<!tpu.dma_semaphore, #tpu.memory_space<semaphore_mem>>)
    "tpu.region"() ({
      %run_scoped3A = tpu.sem_alloc : memref<!tpu.dma_semaphore, #tpu.memory_space<semaphore_mem>>
      %dma_start3A_999 = arith.constant 0 : i32
      %dma_start3A_1000 = tpu.memref_slice %arg14[%arg1, %dma_start3A_999] : memref<16x8192xf32, #tpu.memory_space<vmem_shared>> -> memref<1x8192xf32, #tpu.memory_space<vmem_shared>>
      %dma_start3A_1001 = tpu.memref_squeeze %dma_start3A_1000 : memref<1x8192xf32, #tpu.memory_space<vmem_shared>> -> memref<8192xf32, #tpu.memory_space<vmem_shared>>
      %dma_start3A_1002 = arith.constant 0 : i32
      %dma_start3A_1003 = tpu.memref_slice %arg14[%arg1, %dma_start3A_1002] : memref<16x8192xf32, #tpu.memory_space<vmem_shared>> -> memref<1x8192xf32, #tpu.memory_space<vmem_shared>>
      %dma_start3A_1004 = tpu.memref_squeeze %dma_start3A_1003 : memref<1x8192xf32, #tpu.memory_space<vmem_shared>> -> memref<8192xf32, #tpu.memory_space<vmem_shared>>
      tpu.enqueue_dma source(%arg10 : memref<8192xf32, #tpu.memory_space<vmem>>) target(%dma_start3A_1004 : memref<8192xf32, #tpu.memory_space<vmem_shared>>) target_semaphore(%run_scoped3A : memref<!tpu.dma_semaphore, #tpu.memory_space<semaphore_mem>>)
      %dma_wait3A_1005 = arith.constant 0 : i32
      %dma_wait3A_1006 = tpu.memref_slice %arg14[%arg1, %dma_wait3A_1005] : memref<16x8192xf32, #tpu.memory_space<vmem_shared>> -> memref<1x8192xf32, #tpu.memory_space<vmem_shared>>
      %dma_wait3A_1007 = tpu.memref_squeeze %dma_wait3A_1006 : memref<1x8192xf32, #tpu.memory_space<vmem_shared>> -> memref<8192xf32, #tpu.memory_space<vmem_shared>>
      %dma_wait3A_1008 = arith.constant 0 : i32
      %dma_wait3A_1009 = tpu.memref_slice %arg14[%arg1, %dma_wait3A_1008] : memref<16x8192xf32, #tpu.memory_space<vmem_shared>> -> memref<1x8192xf32, #tpu.memory_space<vmem_shared>>
      %dma_wait3A_1010 = tpu.memref_squeeze %dma_wait3A_1009 : memref<1x8192xf32, #tpu.memory_space<vmem_shared>> -> memref<8192xf32, #tpu.memory_space<vmem_shared>>
      tpu.wait_dma2 semaphore(%run_scoped3A : memref<!tpu.dma_semaphore, #tpu.memory_space<semaphore_mem>>) src(%arg10 : memref<8192xf32, #tpu.memory_space<vmem>>) dst(%dma_wait3A_1010 : memref<8192xf32, #tpu.memory_space<vmem_shared>>)
      tpu.yield
    }) : () -> ()
    "tpu.region"() ({
      %run_scoped3A = tpu.sem_alloc : memref<!tpu.dma_semaphore, #tpu.memory_space<semaphore_mem>>
      %dma_start3A_999 = arith.constant 0 : i32
      %dma_start3A_1000 = tpu.memref_slice %arg15[%arg1, %dma_start3A_999] : memref<16x8192xf32, #tpu.memory_space<vmem_shared>> -> memref<1x8192xf32, #tpu.memory_space<vmem_shared>>
      %dma_start3A_1001 = tpu.memref_squeeze %dma_start3A_1000 : memref<1x8192xf32, #tpu.memory_space<vmem_shared>> -> memref<8192xf32, #tpu.memory_space<vmem_shared>>
      %dma_start3A_1002 = arith.constant 0 : i32
      %dma_start3A_1003 = tpu.memref_slice %arg15[%arg1, %dma_start3A_1002] : memref<16x8192xf32, #tpu.memory_space<vmem_shared>> -> memref<1x8192xf32, #tpu.memory_space<vmem_shared>>
      %dma_start3A_1004 = tpu.memref_squeeze %dma_start3A_1003 : memref<1x8192xf32, #tpu.memory_space<vmem_shared>> -> memref<8192xf32, #tpu.memory_space<vmem_shared>>
      tpu.enqueue_dma source(%arg11 : memref<8192xf32, #tpu.memory_space<vmem>>) target(%dma_start3A_1004 : memref<8192xf32, #tpu.memory_space<vmem_shared>>) target_semaphore(%run_scoped3A : memref<!tpu.dma_semaphore, #tpu.memory_space<semaphore_mem>>)
      %dma_wait3A_1005 = arith.constant 0 : i32
      %dma_wait3A_1006 = tpu.memref_slice %arg15[%arg1, %dma_wait3A_1005] : memref<16x8192xf32, #tpu.memory_space<vmem_shared>> -> memref<1x8192xf32, #tpu.memory_space<vmem_shared>>
      %dma_wait3A_1007 = tpu.memref_squeeze %dma_wait3A_1006 : memref<1x8192xf32, #tpu.memory_space<vmem_shared>> -> memref<8192xf32, #tpu.memory_space<vmem_shared>>
      %dma_wait3A_1008 = arith.constant 0 : i32
      %dma_wait3A_1009 = tpu.memref_slice %arg15[%arg1, %dma_wait3A_1008] : memref<16x8192xf32, #tpu.memory_space<vmem_shared>> -> memref<1x8192xf32, #tpu.memory_space<vmem_shared>>
      %dma_wait3A_1010 = tpu.memref_squeeze %dma_wait3A_1009 : memref<1x8192xf32, #tpu.memory_space<vmem_shared>> -> memref<8192xf32, #tpu.memory_space<vmem_shared>>
      tpu.wait_dma2 semaphore(%run_scoped3A : memref<!tpu.dma_semaphore, #tpu.memory_space<semaphore_mem>>) src(%arg11 : memref<8192xf32, #tpu.memory_space<vmem>>) dst(%dma_wait3A_1010 : memref<8192xf32, #tpu.memory_space<vmem_shared>>)
      tpu.yield
    }) : () -> ()
    %barrier3A = arith.constant 0 : index
    tpu.barrier barrier_id(%barrier3A)
    %mul3A_73 = arith.constant 512 : i32
    %mul3A_74 = arith.muli %arg1, %mul3A_73 : i32
    %dma_start3A_75 = arith.constant 0 : i32
    %dma_start3A_76 = arith.constant 0 : i32
    %dma_start3A_77 = arith.constant 0 : i32
    %dma_start3A_78 = tpu.memref_slice %arg12[%dma_start3A_76, %dma_start3A_77] : memref<16x512xf32, #tpu.memory_space<vmem>> -> memref<1x512xf32, #tpu.memory_space<vmem>>
    %dma_start3A_79 = tpu.memref_squeeze %dma_start3A_78 : memref<1x512xf32, #tpu.memory_space<vmem>> -> memref<512xf32, #tpu.memory_space<vmem>>
    %dma_start3A_80 = tpu.memref_slice %arg14[%dma_start3A_75, %mul3A_74] : memref<16x8192xf32, #tpu.memory_space<vmem_shared>> -> memref<1x512xf32, #tpu.memory_space<vmem_shared>>
    %dma_start3A_81 = tpu.memref_squeeze %dma_start3A_80 : memref<1x512xf32, #tpu.memory_space<vmem_shared>> -> memref<512xf32, #tpu.memory_space<vmem_shared>>
    %dma_start3A_82 = arith.constant 0 : i32
    %dma_start3A_83 = tpu.memref_slice %arg12[%dma_start3A_76, %dma_start3A_82] : memref<16x512xf32, #tpu.memory_space<vmem>> -> memref<1x512xf32, #tpu.memory_space<vmem>>
    %dma_start3A_84 = tpu.memref_squeeze %dma_start3A_83 : memref<1x512xf32, #tpu.memory_space<vmem>> -> memref<512xf32, #tpu.memory_space<vmem>>
    %dma_start3A_85 = tpu.memref_slice %arg14[%dma_start3A_75, %mul3A_74] : memref<16x8192xf32, #tpu.memory_space<vmem_shared>> -> memref<1x512xf32, #tpu.memory_space<vmem_shared>>
    %dma_start3A_86 = tpu.memref_squeeze %dma_start3A_85 : memref<1x512xf32, #tpu.memory_space<vmem_shared>> -> memref<512xf32, #tpu.memory_space<vmem_shared>>
    tpu.enqueue_dma source(%dma_start3A_86 : memref<512xf32, #tpu.memory_space<vmem_shared>>) target(%dma_start3A_84 : memref<512xf32, #tpu.memory_space<vmem>>) target_semaphore(%arg25 : memref<!tpu.dma_semaphore, #tpu.memory_space<semaphore_mem>>)
    %mul3A_87 = arith.constant 512 : i32
    %mul3A_88 = arith.muli %arg1, %mul3A_87 : i32
    %dma_start3A_89 = arith.constant 1 : i32
    %dma_start3A_90 = arith.constant 1 : i32
    %dma_start3A_91 = arith.constant 0 : i32
    %dma_start3A_92 = tpu.memref_slice %arg12[%dma_start3A_90, %dma_start3A_91] : memref<16x512xf32, #tpu.memory_space<vmem>> -> memref<1x512xf32, #tpu.memory_space<vmem>>
    %dma_start3A_93 = tpu.memref_squeeze %dma_start3A_92 : memref<1x512xf32, #tpu.memory_space<vmem>> -> memref<512xf32, #tpu.memory_space<vmem>>
    %dma_start3A_94 = tpu.memref_slice %arg14[%dma_start3A_89, %mul3A_88] : memref<16x8192xf32, #tpu.memory_space<vmem_shared>> -> memref<1x512xf32, #tpu.memory_space<vmem_shared>>
    %dma_start3A_95 = tpu.memref_squeeze %dma_start3A_94 : memref<1x512xf32, #tpu.memory_space<vmem_shared>> -> memref<512xf32, #tpu.memory_space<vmem_shared>>
    %dma_start3A_96 = arith.constant 0 : i32
    %dma_start3A_97 = tpu.memref_slice %arg12[%dma_start3A_90, %dma_start3A_96] : memref<16x512xf32, #tpu.memory_space<vmem>> -> memref<1x512xf32, #tpu.memory_space<vmem>>
    %dma_start3A_98 = tpu.memref_squeeze %dma_start3A_97 : memref<1x512xf32, #tpu.memory_space<vmem>> -> memref<512xf32, #tpu.memory_space<vmem>>
    %dma_start3A_99 = tpu.memref_slice %arg14[%dma_start3A_89, %mul3A_88] : memref<16x8192xf32, #tpu.memory_space<vmem_shared>> -> memref<1x512xf32, #tpu.memory_space<vmem_shared>>
    %dma_start3A_100 = tpu.memref_squeeze %dma_start3A_99 : memref<1x512xf32, #tpu.memory_space<vmem_shared>> -> memref<512xf32, #tpu.memory_space<vmem_shared>>
    tpu.enqueue_dma source(%dma_start3A_100 : memref<512xf32, #tpu.memory_space<vmem_shared>>) target(%dma_start3A_98 : memref<512xf32, #tpu.memory_space<vmem>>) target_semaphore(%arg25 : memref<!tpu.dma_semaphore, #tpu.memory_space<semaphore_mem>>)
    %mul3A_101 = arith.constant 512 : i32
    %mul3A_102 = arith.muli %arg1, %mul3A_101 : i32
    %dma_start3A_103 = arith.constant 2 : i32
    %dma_start3A_104 = arith.constant 2 : i32
    %dma_start3A_105 = arith.constant 0 : i32
    %dma_start3A_106 = tpu.memref_slice %arg12[%dma_start3A_104, %dma_start3A_105] : memref<16x512xf32, #tpu.memory_space<vmem>> -> memref<1x512xf32, #tpu.memory_space<vmem>>
    %dma_start3A_107 = tpu.memref_squeeze %dma_start3A_106 : memref<1x512xf32, #tpu.memory_space<vmem>> -> memref<512xf32, #tpu.memory_space<vmem>>
    %dma_start3A_108 = tpu.memref_slice %arg14[%dma_start3A_103, %mul3A_102] : memref<16x8192xf32, #tpu.memory_space<vmem_shared>> -> memref<1x512xf32, #tpu.memory_space<vmem_shared>>
    %dma_start3A_109 = tpu.memref_squeeze %dma_start3A_108 : memref<1x512xf32, #tpu.memory_space<vmem_shared>> -> memref<512xf32, #tpu.memory_space<vmem_shared>>
    %dma_start3A_110 = arith.constant 0 : i32
    %dma_start3A_111 = tpu.memref_slice %arg12[%dma_start3A_104, %dma_start3A_110] : memref<16x512xf32, #tpu.memory_space<vmem>> -> memref<1x512xf32, #tpu.memory_space<vmem>>
    %dma_start3A_112 = tpu.memref_squeeze %dma_start3A_111 : memref<1x512xf32, #tpu.memory_space<vmem>> -> memref<512xf32, #tpu.memory_space<vmem>>
    %dma_start3A_113 = tpu.memref_slice %arg14[%dma_start3A_103, %mul3A_102] : memref<16x8192xf32, #tpu.memory_space<vmem_shared>> -> memref<1x512xf32, #tpu.memory_space<vmem_shared>>
    %dma_start3A_114 = tpu.memref_squeeze %dma_start3A_113 : memref<1x512xf32, #tpu.memory_space<vmem_shared>> -> memref<512xf32, #tpu.memory_space<vmem_shared>>
    tpu.enqueue_dma source(%dma_start3A_114 : memref<512xf32, #tpu.memory_space<vmem_shared>>) target(%dma_start3A_112 : memref<512xf32, #tpu.memory_space<vmem>>) target_semaphore(%arg25 : memref<!tpu.dma_semaphore, #tpu.memory_space<semaphore_mem>>)
    %mul3A_115 = arith.constant 512 : i32
    %mul3A_116 = arith.muli %arg1, %mul3A_115 : i32
    %dma_start3A_117 = arith.constant 3 : i32
    %dma_start3A_118 = arith.constant 3 : i32
    %dma_start3A_119 = arith.constant 0 : i32
    %dma_start3A_120 = tpu.memref_slice %arg12[%dma_start3A_118, %dma_start3A_119] : memref<16x512xf32, #tpu.memory_space<vmem>> -> memref<1x512xf32, #tpu.memory_space<vmem>>
    %dma_start3A_121 = tpu.memref_squeeze %dma_start3A_120 : memref<1x512xf32, #tpu.memory_space<vmem>> -> memref<512xf32, #tpu.memory_space<vmem>>
    %dma_start3A_122 = tpu.memref_slice %arg14[%dma_start3A_117, %mul3A_116] : memref<16x8192xf32, #tpu.memory_space<vmem_shared>> -> memref<1x512xf32, #tpu.memory_space<vmem_shared>>
    %dma_start3A_123 = tpu.memref_squeeze %dma_start3A_122 : memref<1x512xf32, #tpu.memory_space<vmem_shared>> -> memref<512xf32, #tpu.memory_space<vmem_shared>>
    %dma_start3A_124 = arith.constant 0 : i32
    %dma_start3A_125 = tpu.memref_slice %arg12[%dma_start3A_118, %dma_start3A_124] : memref<16x512xf32, #tpu.memory_space<vmem>> -> memref<1x512xf32, #tpu.memory_space<vmem>>
    %dma_start3A_126 = tpu.memref_squeeze %dma_start3A_125 : memref<1x512xf32, #tpu.memory_space<vmem>> -> memref<512xf32, #tpu.memory_space<vmem>>
    %dma_start3A_127 = tpu.memref_slice %arg14[%dma_start3A_117, %mul3A_116] : memref<16x8192xf32, #tpu.memory_space<vmem_shared>> -> memref<1x512xf32, #tpu.memory_space<vmem_shared>>
    %dma_start3A_128 = tpu.memref_squeeze %dma_start3A_127 : memref<1x512xf32, #tpu.memory_space<vmem_shared>> -> memref<512xf32, #tpu.memory_space<vmem_shared>>
    tpu.enqueue_dma source(%dma_start3A_128 : memref<512xf32, #tpu.memory_space<vmem_shared>>) target(%dma_start3A_126 : memref<512xf32, #tpu.memory_space<vmem>>) target_semaphore(%arg25 : memref<!tpu.dma_semaphore, #tpu.memory_space<semaphore_mem>>)
    %mul3A_129 = arith.constant 512 : i32
    %mul3A_130 = arith.muli %arg1, %mul3A_129 : i32
    %dma_start3A_131 = arith.constant 4 : i32
    %dma_start3A_132 = arith.constant 4 : i32
    %dma_start3A_133 = arith.constant 0 : i32
    %dma_start3A_134 = tpu.memref_slice %arg12[%dma_start3A_132, %dma_start3A_133] : memref<16x512xf32, #tpu.memory_space<vmem>> -> memref<1x512xf32, #tpu.memory_space<vmem>>
    %dma_start3A_135 = tpu.memref_squeeze %dma_start3A_134 : memref<1x512xf32, #tpu.memory_space<vmem>> -> memref<512xf32, #tpu.memory_space<vmem>>
    %dma_start3A_136 = tpu.memref_slice %arg14[%dma_start3A_131, %mul3A_130] : memref<16x8192xf32, #tpu.memory_space<vmem_shared>> -> memref<1x512xf32, #tpu.memory_space<vmem_shared>>
    %dma_start3A_137 = tpu.memref_squeeze %dma_start3A_136 : memref<1x512xf32, #tpu.memory_space<vmem_shared>> -> memref<512xf32, #tpu.memory_space<vmem_shared>>
    %dma_start3A_138 = arith.constant 0 : i32
    %dma_start3A_139 = tpu.memref_slice %arg12[%dma_start3A_132, %dma_start3A_138] : memref<16x512xf32, #tpu.memory_space<vmem>> -> memref<1x512xf32, #tpu.memory_space<vmem>>
    %dma_start3A_140 = tpu.memref_squeeze %dma_start3A_139 : memref<1x512xf32, #tpu.memory_space<vmem>> -> memref<512xf32, #tpu.memory_space<vmem>>
    %dma_start3A_141 = tpu.memref_slice %arg14[%dma_start3A_131, %mul3A_130] : memref<16x8192xf32, #tpu.memory_space<vmem_shared>> -> memref<1x512xf32, #tpu.memory_space<vmem_shared>>
    %dma_start3A_142 = tpu.memref_squeeze %dma_start3A_141 : memref<1x512xf32, #tpu.memory_space<vmem_shared>> -> memref<512xf32, #tpu.memory_space<vmem_shared>>
    tpu.enqueue_dma source(%dma_start3A_142 : memref<512xf32, #tpu.memory_space<vmem_shared>>) target(%dma_start3A_140 : memref<512xf32, #tpu.memory_space<vmem>>) target_semaphore(%arg25 : memref<!tpu.dma_semaphore, #tpu.memory_space<semaphore_mem>>)
    %mul3A_143 = arith.constant 512 : i32
    %mul3A_144 = arith.muli %arg1, %mul3A_143 : i32
    %dma_start3A_145 = arith.constant 5 : i32
    %dma_start3A_146 = arith.constant 5 : i32
    %dma_start3A_147 = arith.constant 0 : i32
    %dma_start3A_148 = tpu.memref_slice %arg12[%dma_start3A_146, %dma_start3A_147] : memref<16x512xf32, #tpu.memory_space<vmem>> -> memref<1x512xf32, #tpu.memory_space<vmem>>
    %dma_start3A_149 = tpu.memref_squeeze %dma_start3A_148 : memref<1x512xf32, #tpu.memory_space<vmem>> -> memref<512xf32, #tpu.memory_space<vmem>>
    %dma_start3A_150 = tpu.memref_slice %arg14[%dma_start3A_145, %mul3A_144] : memref<16x8192xf32, #tpu.memory_space<vmem_shared>> -> memref<1x512xf32, #tpu.memory_space<vmem_shared>>
    %dma_start3A_151 = tpu.memref_squeeze %dma_start3A_150 : memref<1x512xf32, #tpu.memory_space<vmem_shared>> -> memref<512xf32, #tpu.memory_space<vmem_shared>>
    %dma_start3A_152 = arith.constant 0 : i32
    %dma_start3A_153 = tpu.memref_slice %arg12[%dma_start3A_146, %dma_start3A_152] : memref<16x512xf32, #tpu.memory_space<vmem>> -> memref<1x512xf32, #tpu.memory_space<vmem>>
    %dma_start3A_154 = tpu.memref_squeeze %dma_start3A_153 : memref<1x512xf32, #tpu.memory_space<vmem>> -> memref<512xf32, #tpu.memory_space<vmem>>
    %dma_start3A_155 = tpu.memref_slice %arg14[%dma_start3A_145, %mul3A_144] : memref<16x8192xf32, #tpu.memory_space<vmem_shared>> -> memref<1x512xf32, #tpu.memory_space<vmem_shared>>
    %dma_start3A_156 = tpu.memref_squeeze %dma_start3A_155 : memref<1x512xf32, #tpu.memory_space<vmem_shared>> -> memref<512xf32, #tpu.memory_space<vmem_shared>>
    tpu.enqueue_dma source(%dma_start3A_156 : memref<512xf32, #tpu.memory_space<vmem_shared>>) target(%dma_start3A_154 : memref<512xf32, #tpu.memory_space<vmem>>) target_semaphore(%arg25 : memref<!tpu.dma_semaphore, #tpu.memory_space<semaphore_mem>>)
    %mul3A_157 = arith.constant 512 : i32
    %mul3A_158 = arith.muli %arg1, %mul3A_157 : i32
    %dma_start3A_159 = arith.constant 6 : i32
    %dma_start3A_160 = arith.constant 6 : i32
    %dma_start3A_161 = arith.constant 0 : i32
    %dma_start3A_162 = tpu.memref_slice %arg12[%dma_start3A_160, %dma_start3A_161] : memref<16x512xf32, #tpu.memory_space<vmem>> -> memref<1x512xf32, #tpu.memory_space<vmem>>
    %dma_start3A_163 = tpu.memref_squeeze %dma_start3A_162 : memref<1x512xf32, #tpu.memory_space<vmem>> -> memref<512xf32, #tpu.memory_space<vmem>>
    %dma_start3A_164 = tpu.memref_slice %arg14[%dma_start3A_159, %mul3A_158] : memref<16x8192xf32, #tpu.memory_space<vmem_shared>> -> memref<1x512xf32, #tpu.memory_space<vmem_shared>>
    %dma_start3A_165 = tpu.memref_squeeze %dma_start3A_164 : memref<1x512xf32, #tpu.memory_space<vmem_shared>> -> memref<512xf32, #tpu.memory_space<vmem_shared>>
    %dma_start3A_166 = arith.constant 0 : i32
    %dma_start3A_167 = tpu.memref_slice %arg12[%dma_start3A_160, %dma_start3A_166] : memref<16x512xf32, #tpu.memory_space<vmem>> -> memref<1x512xf32, #tpu.memory_space<vmem>>
    %dma_start3A_168 = tpu.memref_squeeze %dma_start3A_167 : memref<1x512xf32, #tpu.memory_space<vmem>> -> memref<512xf32, #tpu.memory_space<vmem>>
    %dma_start3A_169 = tpu.memref_slice %arg14[%dma_start3A_159, %mul3A_158] : memref<16x8192xf32, #tpu.memory_space<vmem_shared>> -> memref<1x512xf32, #tpu.memory_space<vmem_shared>>
    %dma_start3A_170 = tpu.memref_squeeze %dma_start3A_169 : memref<1x512xf32, #tpu.memory_space<vmem_shared>> -> memref<512xf32, #tpu.memory_space<vmem_shared>>
    tpu.enqueue_dma source(%dma_start3A_170 : memref<512xf32, #tpu.memory_space<vmem_shared>>) target(%dma_start3A_168 : memref<512xf32, #tpu.memory_space<vmem>>) target_semaphore(%arg25 : memref<!tpu.dma_semaphore, #tpu.memory_space<semaphore_mem>>)
    %mul3A_171 = arith.constant 512 : i32
    %mul3A_172 = arith.muli %arg1, %mul3A_171 : i32
    %dma_start3A_173 = arith.constant 7 : i32
    %dma_start3A_174 = arith.constant 7 : i32
    %dma_start3A_175 = arith.constant 0 : i32
    %dma_start3A_176 = tpu.memref_slice %arg12[%dma_start3A_174, %dma_start3A_175] : memref<16x512xf32, #tpu.memory_space<vmem>> -> memref<1x512xf32, #tpu.memory_space<vmem>>
    %dma_start3A_177 = tpu.memref_squeeze %dma_start3A_176 : memref<1x512xf32, #tpu.memory_space<vmem>> -> memref<512xf32, #tpu.memory_space<vmem>>
    %dma_start3A_178 = tpu.memref_slice %arg14[%dma_start3A_173, %mul3A_172] : memref<16x8192xf32, #tpu.memory_space<vmem_shared>> -> memref<1x512xf32, #tpu.memory_space<vmem_shared>>
    %dma_start3A_179 = tpu.memref_squeeze %dma_start3A_178 : memref<1x512xf32, #tpu.memory_space<vmem_shared>> -> memref<512xf32, #tpu.memory_space<vmem_shared>>
    %dma_start3A_180 = arith.constant 0 : i32
    %dma_start3A_181 = tpu.memref_slice %arg12[%dma_start3A_174, %dma_start3A_180] : memref<16x512xf32, #tpu.memory_space<vmem>> -> memref<1x512xf32, #tpu.memory_space<vmem>>
    %dma_start3A_182 = tpu.memref_squeeze %dma_start3A_181 : memref<1x512xf32, #tpu.memory_space<vmem>> -> memref<512xf32, #tpu.memory_space<vmem>>
    %dma_start3A_183 = tpu.memref_slice %arg14[%dma_start3A_173, %mul3A_172] : memref<16x8192xf32, #tpu.memory_space<vmem_shared>> -> memref<1x512xf32, #tpu.memory_space<vmem_shared>>
    %dma_start3A_184 = tpu.memref_squeeze %dma_start3A_183 : memref<1x512xf32, #tpu.memory_space<vmem_shared>> -> memref<512xf32, #tpu.memory_space<vmem_shared>>
    tpu.enqueue_dma source(%dma_start3A_184 : memref<512xf32, #tpu.memory_space<vmem_shared>>) target(%dma_start3A_182 : memref<512xf32, #tpu.memory_space<vmem>>) target_semaphore(%arg25 : memref<!tpu.dma_semaphore, #tpu.memory_space<semaphore_mem>>)
    %mul3A_185 = arith.constant 512 : i32
    %mul3A_186 = arith.muli %arg1, %mul3A_185 : i32
    %dma_start3A_187 = arith.constant 8 : i32
    %dma_start3A_188 = arith.constant 8 : i32
    %dma_start3A_189 = arith.constant 0 : i32
    %dma_start3A_190 = tpu.memref_slice %arg12[%dma_start3A_188, %dma_start3A_189] : memref<16x512xf32, #tpu.memory_space<vmem>> -> memref<1x512xf32, #tpu.memory_space<vmem>>
    %dma_start3A_191 = tpu.memref_squeeze %dma_start3A_190 : memref<1x512xf32, #tpu.memory_space<vmem>> -> memref<512xf32, #tpu.memory_space<vmem>>
    %dma_start3A_192 = tpu.memref_slice %arg14[%dma_start3A_187, %mul3A_186] : memref<16x8192xf32, #tpu.memory_space<vmem_shared>> -> memref<1x512xf32, #tpu.memory_space<vmem_shared>>
    %dma_start3A_193 = tpu.memref_squeeze %dma_start3A_192 : memref<1x512xf32, #tpu.memory_space<vmem_shared>> -> memref<512xf32, #tpu.memory_space<vmem_shared>>
    %dma_start3A_194 = arith.constant 0 : i32
    %dma_start3A_195 = tpu.memref_slice %arg12[%dma_start3A_188, %dma_start3A_194] : memref<16x512xf32, #tpu.memory_space<vmem>> -> memref<1x512xf32, #tpu.memory_space<vmem>>
    %dma_start3A_196 = tpu.memref_squeeze %dma_start3A_195 : memref<1x512xf32, #tpu.memory_space<vmem>> -> memref<512xf32, #tpu.memory_space<vmem>>
    %dma_start3A_197 = tpu.memref_slice %arg14[%dma_start3A_187, %mul3A_186] : memref<16x8192xf32, #tpu.memory_space<vmem_shared>> -> memref<1x512xf32, #tpu.memory_space<vmem_shared>>
    %dma_start3A_198 = tpu.memref_squeeze %dma_start3A_197 : memref<1x512xf32, #tpu.memory_space<vmem_shared>> -> memref<512xf32, #tpu.memory_space<vmem_shared>>
    tpu.enqueue_dma source(%dma_start3A_198 : memref<512xf32, #tpu.memory_space<vmem_shared>>) target(%dma_start3A_196 : memref<512xf32, #tpu.memory_space<vmem>>) target_semaphore(%arg25 : memref<!tpu.dma_semaphore, #tpu.memory_space<semaphore_mem>>)
    %mul3A_199 = arith.constant 512 : i32
    %mul3A_200 = arith.muli %arg1, %mul3A_199 : i32
    %dma_start3A_201 = arith.constant 9 : i32
    %dma_start3A_202 = arith.constant 9 : i32
    %dma_start3A_203 = arith.constant 0 : i32
    %dma_start3A_204 = tpu.memref_slice %arg12[%dma_start3A_202, %dma_start3A_203] : memref<16x512xf32, #tpu.memory_space<vmem>> -> memref<1x512xf32, #tpu.memory_space<vmem>>
    %dma_start3A_205 = tpu.memref_squeeze %dma_start3A_204 : memref<1x512xf32, #tpu.memory_space<vmem>> -> memref<512xf32, #tpu.memory_space<vmem>>
    %dma_start3A_206 = tpu.memref_slice %arg14[%dma_start3A_201, %mul3A_200] : memref<16x8192xf32, #tpu.memory_space<vmem_shared>> -> memref<1x512xf32, #tpu.memory_space<vmem_shared>>
    %dma_start3A_207 = tpu.memref_squeeze %dma_start3A_206 : memref<1x512xf32, #tpu.memory_space<vmem_shared>> -> memref<512xf32, #tpu.memory_space<vmem_shared>>
    %dma_start3A_208 = arith.constant 0 : i32
    %dma_start3A_209 = tpu.memref_slice %arg12[%dma_start3A_202, %dma_start3A_208] : memref<16x512xf32, #tpu.memory_space<vmem>> -> memref<1x512xf32, #tpu.memory_space<vmem>>
    %dma_start3A_210 = tpu.memref_squeeze %dma_start3A_209 : memref<1x512xf32, #tpu.memory_space<vmem>> -> memref<512xf32, #tpu.memory_space<vmem>>
    %dma_start3A_211 = tpu.memref_slice %arg14[%dma_start3A_201, %mul3A_200] : memref<16x8192xf32, #tpu.memory_space<vmem_shared>> -> memref<1x512xf32, #tpu.memory_space<vmem_shared>>
    %dma_start3A_212 = tpu.memref_squeeze %dma_start3A_211 : memref<1x512xf32, #tpu.memory_space<vmem_shared>> -> memref<512xf32, #tpu.memory_space<vmem_shared>>
    tpu.enqueue_dma source(%dma_start3A_212 : memref<512xf32, #tpu.memory_space<vmem_shared>>) target(%dma_start3A_210 : memref<512xf32, #tpu.memory_space<vmem>>) target_semaphore(%arg25 : memref<!tpu.dma_semaphore, #tpu.memory_space<semaphore_mem>>)
    %mul3A_213 = arith.constant 512 : i32
    %mul3A_214 = arith.muli %arg1, %mul3A_213 : i32
    %dma_start3A_215 = arith.constant 10 : i32
    %dma_start3A_216 = arith.constant 10 : i32
    %dma_start3A_217 = arith.constant 0 : i32
    %dma_start3A_218 = tpu.memref_slice %arg12[%dma_start3A_216, %dma_start3A_217] : memref<16x512xf32, #tpu.memory_space<vmem>> -> memref<1x512xf32, #tpu.memory_space<vmem>>
    %dma_start3A_219 = tpu.memref_squeeze %dma_start3A_218 : memref<1x512xf32, #tpu.memory_space<vmem>> -> memref<512xf32, #tpu.memory_space<vmem>>
    %dma_start3A_220 = tpu.memref_slice %arg14[%dma_start3A_215, %mul3A_214] : memref<16x8192xf32, #tpu.memory_space<vmem_shared>> -> memref<1x512xf32, #tpu.memory_space<vmem_shared>>
    %dma_start3A_221 = tpu.memref_squeeze %dma_start3A_220 : memref<1x512xf32, #tpu.memory_space<vmem_shared>> -> memref<512xf32, #tpu.memory_space<vmem_shared>>
    %dma_start3A_222 = arith.constant 0 : i32
    %dma_start3A_223 = tpu.memref_slice %arg12[%dma_start3A_216, %dma_start3A_222] : memref<16x512xf32, #tpu.memory_space<vmem>> -> memref<1x512xf32, #tpu.memory_space<vmem>>
    %dma_start3A_224 = tpu.memref_squeeze %dma_start3A_223 : memref<1x512xf32, #tpu.memory_space<vmem>> -> memref<512xf32, #tpu.memory_space<vmem>>
    %dma_start3A_225 = tpu.memref_slice %arg14[%dma_start3A_215, %mul3A_214] : memref<16x8192xf32, #tpu.memory_space<vmem_shared>> -> memref<1x512xf32, #tpu.memory_space<vmem_shared>>
    %dma_start3A_226 = tpu.memref_squeeze %dma_start3A_225 : memref<1x512xf32, #tpu.memory_space<vmem_shared>> -> memref<512xf32, #tpu.memory_space<vmem_shared>>
    tpu.enqueue_dma source(%dma_start3A_226 : memref<512xf32, #tpu.memory_space<vmem_shared>>) target(%dma_start3A_224 : memref<512xf32, #tpu.memory_space<vmem>>) target_semaphore(%arg25 : memref<!tpu.dma_semaphore, #tpu.memory_space<semaphore_mem>>)
    %mul3A_227 = arith.constant 512 : i32
    %mul3A_228 = arith.muli %arg1, %mul3A_227 : i32
    %dma_start3A_229 = arith.constant 11 : i32
    %dma_start3A_230 = arith.constant 11 : i32
    %dma_start3A_231 = arith.constant 0 : i32
    %dma_start3A_232 = tpu.memref_slice %arg12[%dma_start3A_230, %dma_start3A_231] : memref<16x512xf32, #tpu.memory_space<vmem>> -> memref<1x512xf32, #tpu.memory_space<vmem>>
    %dma_start3A_233 = tpu.memref_squeeze %dma_start3A_232 : memref<1x512xf32, #tpu.memory_space<vmem>> -> memref<512xf32, #tpu.memory_space<vmem>>
    %dma_start3A_234 = tpu.memref_slice %arg14[%dma_start3A_229, %mul3A_228] : memref<16x8192xf32, #tpu.memory_space<vmem_shared>> -> memref<1x512xf32, #tpu.memory_space<vmem_shared>>
    %dma_start3A_235 = tpu.memref_squeeze %dma_start3A_234 : memref<1x512xf32, #tpu.memory_space<vmem_shared>> -> memref<512xf32, #tpu.memory_space<vmem_shared>>
    %dma_start3A_236 = arith.constant 0 : i32
    %dma_start3A_237 = tpu.memref_slice %arg12[%dma_start3A_230, %dma_start3A_236] : memref<16x512xf32, #tpu.memory_space<vmem>> -> memref<1x512xf32, #tpu.memory_space<vmem>>
    %dma_start3A_238 = tpu.memref_squeeze %dma_start3A_237 : memref<1x512xf32, #tpu.memory_space<vmem>> -> memref<512xf32, #tpu.memory_space<vmem>>
    %dma_start3A_239 = tpu.memref_slice %arg14[%dma_start3A_229, %mul3A_228] : memref<16x8192xf32, #tpu.memory_space<vmem_shared>> -> memref<1x512xf32, #tpu.memory_space<vmem_shared>>
    %dma_start3A_240 = tpu.memref_squeeze %dma_start3A_239 : memref<1x512xf32, #tpu.memory_space<vmem_shared>> -> memref<512xf32, #tpu.memory_space<vmem_shared>>
    tpu.enqueue_dma source(%dma_start3A_240 : memref<512xf32, #tpu.memory_space<vmem_shared>>) target(%dma_start3A_238 : memref<512xf32, #tpu.memory_space<vmem>>) target_semaphore(%arg25 : memref<!tpu.dma_semaphore, #tpu.memory_space<semaphore_mem>>)
    %mul3A_241 = arith.constant 512 : i32
    %mul3A_242 = arith.muli %arg1, %mul3A_241 : i32
    %dma_start3A_243 = arith.constant 12 : i32
    %dma_start3A_244 = arith.constant 12 : i32
    %dma_start3A_245 = arith.constant 0 : i32
    %dma_start3A_246 = tpu.memref_slice %arg12[%dma_start3A_244, %dma_start3A_245] : memref<16x512xf32, #tpu.memory_space<vmem>> -> memref<1x512xf32, #tpu.memory_space<vmem>>
    %dma_start3A_247 = tpu.memref_squeeze %dma_start3A_246 : memref<1x512xf32, #tpu.memory_space<vmem>> -> memref<512xf32, #tpu.memory_space<vmem>>
    %dma_start3A_248 = tpu.memref_slice %arg14[%dma_start3A_243, %mul3A_242] : memref<16x8192xf32, #tpu.memory_space<vmem_shared>> -> memref<1x512xf32, #tpu.memory_space<vmem_shared>>
    %dma_start3A_249 = tpu.memref_squeeze %dma_start3A_248 : memref<1x512xf32, #tpu.memory_space<vmem_shared>> -> memref<512xf32, #tpu.memory_space<vmem_shared>>
    %dma_start3A_250 = arith.constant 0 : i32
    %dma_start3A_251 = tpu.memref_slice %arg12[%dma_start3A_244, %dma_start3A_250] : memref<16x512xf32, #tpu.memory_space<vmem>> -> memref<1x512xf32, #tpu.memory_space<vmem>>
    %dma_start3A_252 = tpu.memref_squeeze %dma_start3A_251 : memref<1x512xf32, #tpu.memory_space<vmem>> -> memref<512xf32, #tpu.memory_space<vmem>>
    %dma_start3A_253 = tpu.memref_slice %arg14[%dma_start3A_243, %mul3A_242] : memref<16x8192xf32, #tpu.memory_space<vmem_shared>> -> memref<1x512xf32, #tpu.memory_space<vmem_shared>>
    %dma_start3A_254 = tpu.memref_squeeze %dma_start3A_253 : memref<1x512xf32, #tpu.memory_space<vmem_shared>> -> memref<512xf32, #tpu.memory_space<vmem_shared>>
    tpu.enqueue_dma source(%dma_start3A_254 : memref<512xf32, #tpu.memory_space<vmem_shared>>) target(%dma_start3A_252 : memref<512xf32, #tpu.memory_space<vmem>>) target_semaphore(%arg25 : memref<!tpu.dma_semaphore, #tpu.memory_space<semaphore_mem>>)
    %mul3A_255 = arith.constant 512 : i32
    %mul3A_256 = arith.muli %arg1, %mul3A_255 : i32
    %dma_start3A_257 = arith.constant 13 : i32
    %dma_start3A_258 = arith.constant 13 : i32
    %dma_start3A_259 = arith.constant 0 : i32
    %dma_start3A_260 = tpu.memref_slice %arg12[%dma_start3A_258, %dma_start3A_259] : memref<16x512xf32, #tpu.memory_space<vmem>> -> memref<1x512xf32, #tpu.memory_space<vmem>>
    %dma_start3A_261 = tpu.memref_squeeze %dma_start3A_260 : memref<1x512xf32, #tpu.memory_space<vmem>> -> memref<512xf32, #tpu.memory_space<vmem>>
    %dma_start3A_262 = tpu.memref_slice %arg14[%dma_start3A_257, %mul3A_256] : memref<16x8192xf32, #tpu.memory_space<vmem_shared>> -> memref<1x512xf32, #tpu.memory_space<vmem_shared>>
    %dma_start3A_263 = tpu.memref_squeeze %dma_start3A_262 : memref<1x512xf32, #tpu.memory_space<vmem_shared>> -> memref<512xf32, #tpu.memory_space<vmem_shared>>
    %dma_start3A_264 = arith.constant 0 : i32
    %dma_start3A_265 = tpu.memref_slice %arg12[%dma_start3A_258, %dma_start3A_264] : memref<16x512xf32, #tpu.memory_space<vmem>> -> memref<1x512xf32, #tpu.memory_space<vmem>>
    %dma_start3A_266 = tpu.memref_squeeze %dma_start3A_265 : memref<1x512xf32, #tpu.memory_space<vmem>> -> memref<512xf32, #tpu.memory_space<vmem>>
    %dma_start3A_267 = tpu.memref_slice %arg14[%dma_start3A_257, %mul3A_256] : memref<16x8192xf32, #tpu.memory_space<vmem_shared>> -> memref<1x512xf32, #tpu.memory_space<vmem_shared>>
    %dma_start3A_268 = tpu.memref_squeeze %dma_start3A_267 : memref<1x512xf32, #tpu.memory_space<vmem_shared>> -> memref<512xf32, #tpu.memory_space<vmem_shared>>
    tpu.enqueue_dma source(%dma_start3A_268 : memref<512xf32, #tpu.memory_space<vmem_shared>>) target(%dma_start3A_266 : memref<512xf32, #tpu.memory_space<vmem>>) target_semaphore(%arg25 : memref<!tpu.dma_semaphore, #tpu.memory_space<semaphore_mem>>)
    %mul3A_269 = arith.constant 512 : i32
    %mul3A_270 = arith.muli %arg1, %mul3A_269 : i32
    %dma_start3A_271 = arith.constant 14 : i32
    %dma_start3A_272 = arith.constant 14 : i32
    %dma_start3A_273 = arith.constant 0 : i32
    %dma_start3A_274 = tpu.memref_slice %arg12[%dma_start3A_272, %dma_start3A_273] : memref<16x512xf32, #tpu.memory_space<vmem>> -> memref<1x512xf32, #tpu.memory_space<vmem>>
    %dma_start3A_275 = tpu.memref_squeeze %dma_start3A_274 : memref<1x512xf32, #tpu.memory_space<vmem>> -> memref<512xf32, #tpu.memory_space<vmem>>
    %dma_start3A_276 = tpu.memref_slice %arg14[%dma_start3A_271, %mul3A_270] : memref<16x8192xf32, #tpu.memory_space<vmem_shared>> -> memref<1x512xf32, #tpu.memory_space<vmem_shared>>
    %dma_start3A_277 = tpu.memref_squeeze %dma_start3A_276 : memref<1x512xf32, #tpu.memory_space<vmem_shared>> -> memref<512xf32, #tpu.memory_space<vmem_shared>>
    %dma_start3A_278 = arith.constant 0 : i32
    %dma_start3A_279 = tpu.memref_slice %arg12[%dma_start3A_272, %dma_start3A_278] : memref<16x512xf32, #tpu.memory_space<vmem>> -> memref<1x512xf32, #tpu.memory_space<vmem>>
    %dma_start3A_280 = tpu.memref_squeeze %dma_start3A_279 : memref<1x512xf32, #tpu.memory_space<vmem>> -> memref<512xf32, #tpu.memory_space<vmem>>
    %dma_start3A_281 = tpu.memref_slice %arg14[%dma_start3A_271, %mul3A_270] : memref<16x8192xf32, #tpu.memory_space<vmem_shared>> -> memref<1x512xf32, #tpu.memory_space<vmem_shared>>
    %dma_start3A_282 = tpu.memref_squeeze %dma_start3A_281 : memref<1x512xf32, #tpu.memory_space<vmem_shared>> -> memref<512xf32, #tpu.memory_space<vmem_shared>>
    tpu.enqueue_dma source(%dma_start3A_282 : memref<512xf32, #tpu.memory_space<vmem_shared>>) target(%dma_start3A_280 : memref<512xf32, #tpu.memory_space<vmem>>) target_semaphore(%arg25 : memref<!tpu.dma_semaphore, #tpu.memory_space<semaphore_mem>>)
    %mul3A_283 = arith.constant 512 : i32
    %mul3A_284 = arith.muli %arg1, %mul3A_283 : i32
    %dma_start3A_285 = arith.constant 15 : i32
    %dma_start3A_286 = arith.constant 15 : i32
    %dma_start3A_287 = arith.constant 0 : i32
    %dma_start3A_288 = tpu.memref_slice %arg12[%dma_start3A_286, %dma_start3A_287] : memref<16x512xf32, #tpu.memory_space<vmem>> -> memref<1x512xf32, #tpu.memory_space<vmem>>
    %dma_start3A_289 = tpu.memref_squeeze %dma_start3A_288 : memref<1x512xf32, #tpu.memory_space<vmem>> -> memref<512xf32, #tpu.memory_space<vmem>>
    %dma_start3A_290 = tpu.memref_slice %arg14[%dma_start3A_285, %mul3A_284] : memref<16x8192xf32, #tpu.memory_space<vmem_shared>> -> memref<1x512xf32, #tpu.memory_space<vmem_shared>>
    %dma_start3A_291 = tpu.memref_squeeze %dma_start3A_290 : memref<1x512xf32, #tpu.memory_space<vmem_shared>> -> memref<512xf32, #tpu.memory_space<vmem_shared>>
    %dma_start3A_292 = arith.constant 0 : i32
    %dma_start3A_293 = tpu.memref_slice %arg12[%dma_start3A_286, %dma_start3A_292] : memref<16x512xf32, #tpu.memory_space<vmem>> -> memref<1x512xf32, #tpu.memory_space<vmem>>
    %dma_start3A_294 = tpu.memref_squeeze %dma_start3A_293 : memref<1x512xf32, #tpu.memory_space<vmem>> -> memref<512xf32, #tpu.memory_space<vmem>>
    %dma_start3A_295 = tpu.memref_slice %arg14[%dma_start3A_285, %mul3A_284] : memref<16x8192xf32, #tpu.memory_space<vmem_shared>> -> memref<1x512xf32, #tpu.memory_space<vmem_shared>>
    %dma_start3A_296 = tpu.memref_squeeze %dma_start3A_295 : memref<1x512xf32, #tpu.memory_space<vmem_shared>> -> memref<512xf32, #tpu.memory_space<vmem_shared>>
    tpu.enqueue_dma source(%dma_start3A_296 : memref<512xf32, #tpu.memory_space<vmem_shared>>) target(%dma_start3A_294 : memref<512xf32, #tpu.memory_space<vmem>>) target_semaphore(%arg25 : memref<!tpu.dma_semaphore, #tpu.memory_space<semaphore_mem>>)
    %dma_wait3A_297 = arith.constant 0 : i32
    %dma_wait3A_298 = arith.constant 0 : i32
    %dma_wait3A_299 = arith.constant 0 : i32
    %dma_wait3A_300 = tpu.memref_slice %arg12[%dma_wait3A_298, %dma_wait3A_299] : memref<16x512xf32, #tpu.memory_space<vmem>> -> memref<1x512xf32, #tpu.memory_space<vmem>>
    %dma_wait3A_301 = tpu.memref_squeeze %dma_wait3A_300 : memref<1x512xf32, #tpu.memory_space<vmem>> -> memref<512xf32, #tpu.memory_space<vmem>>
    %dma_wait3A_302 = tpu.memref_slice %arg14[%dma_wait3A_297, %mul3A_74] : memref<16x8192xf32, #tpu.memory_space<vmem_shared>> -> memref<1x512xf32, #tpu.memory_space<vmem_shared>>
    %dma_wait3A_303 = tpu.memref_squeeze %dma_wait3A_302 : memref<1x512xf32, #tpu.memory_space<vmem_shared>> -> memref<512xf32, #tpu.memory_space<vmem_shared>>
    %dma_wait3A_304 = arith.constant 0 : i32
    %dma_wait3A_305 = tpu.memref_slice %arg12[%dma_wait3A_298, %dma_wait3A_304] : memref<16x512xf32, #tpu.memory_space<vmem>> -> memref<1x512xf32, #tpu.memory_space<vmem>>
    %dma_wait3A_306 = tpu.memref_squeeze %dma_wait3A_305 : memref<1x512xf32, #tpu.memory_space<vmem>> -> memref<512xf32, #tpu.memory_space<vmem>>
    %dma_wait3A_307 = tpu.memref_slice %arg14[%dma_wait3A_297, %mul3A_74] : memref<16x8192xf32, #tpu.memory_space<vmem_shared>> -> memref<1x512xf32, #tpu.memory_space<vmem_shared>>
    %dma_wait3A_308 = tpu.memref_squeeze %dma_wait3A_307 : memref<1x512xf32, #tpu.memory_space<vmem_shared>> -> memref<512xf32, #tpu.memory_space<vmem_shared>>
    tpu.wait_dma2 semaphore(%arg25 : memref<!tpu.dma_semaphore, #tpu.memory_space<semaphore_mem>>) src(%dma_wait3A_308 : memref<512xf32, #tpu.memory_space<vmem_shared>>) dst(%dma_wait3A_306 : memref<512xf32, #tpu.memory_space<vmem>>)
    %dma_wait3A_309 = arith.constant 1 : i32
    %dma_wait3A_310 = arith.constant 1 : i32
    %dma_wait3A_311 = arith.constant 0 : i32
    %dma_wait3A_312 = tpu.memref_slice %arg12[%dma_wait3A_310, %dma_wait3A_311] : memref<16x512xf32, #tpu.memory_space<vmem>> -> memref<1x512xf32, #tpu.memory_space<vmem>>
    %dma_wait3A_313 = tpu.memref_squeeze %dma_wait3A_312 : memref<1x512xf32, #tpu.memory_space<vmem>> -> memref<512xf32, #tpu.memory_space<vmem>>
    %dma_wait3A_314 = tpu.memref_slice %arg14[%dma_wait3A_309, %mul3A_88] : memref<16x8192xf32, #tpu.memory_space<vmem_shared>> -> memref<1x512xf32, #tpu.memory_space<vmem_shared>>
    %dma_wait3A_315 = tpu.memref_squeeze %dma_wait3A_314 : memref<1x512xf32, #tpu.memory_space<vmem_shared>> -> memref<512xf32, #tpu.memory_space<vmem_shared>>
    %dma_wait3A_316 = arith.constant 0 : i32
    %dma_wait3A_317 = tpu.memref_slice %arg12[%dma_wait3A_310, %dma_wait3A_316] : memref<16x512xf32, #tpu.memory_space<vmem>> -> memref<1x512xf32, #tpu.memory_space<vmem>>
    %dma_wait3A_318 = tpu.memref_squeeze %dma_wait3A_317 : memref<1x512xf32, #tpu.memory_space<vmem>> -> memref<512xf32, #tpu.memory_space<vmem>>
    %dma_wait3A_319 = tpu.memref_slice %arg14[%dma_wait3A_309, %mul3A_88] : memref<16x8192xf32, #tpu.memory_space<vmem_shared>> -> memref<1x512xf32, #tpu.memory_space<vmem_shared>>
    %dma_wait3A_320 = tpu.memref_squeeze %dma_wait3A_319 : memref<1x512xf32, #tpu.memory_space<vmem_shared>> -> memref<512xf32, #tpu.memory_space<vmem_shared>>
    tpu.wait_dma2 semaphore(%arg25 : memref<!tpu.dma_semaphore, #tpu.memory_space<semaphore_mem>>) src(%dma_wait3A_320 : memref<512xf32, #tpu.memory_space<vmem_shared>>) dst(%dma_wait3A_318 : memref<512xf32, #tpu.memory_space<vmem>>)
    %dma_wait3A_321 = arith.constant 2 : i32
    %dma_wait3A_322 = arith.constant 2 : i32
    %dma_wait3A_323 = arith.constant 0 : i32
    %dma_wait3A_324 = tpu.memref_slice %arg12[%dma_wait3A_322, %dma_wait3A_323] : memref<16x512xf32, #tpu.memory_space<vmem>> -> memref<1x512xf32, #tpu.memory_space<vmem>>
    %dma_wait3A_325 = tpu.memref_squeeze %dma_wait3A_324 : memref<1x512xf32, #tpu.memory_space<vmem>> -> memref<512xf32, #tpu.memory_space<vmem>>
    %dma_wait3A_326 = tpu.memref_slice %arg14[%dma_wait3A_321, %mul3A_102] : memref<16x8192xf32, #tpu.memory_space<vmem_shared>> -> memref<1x512xf32, #tpu.memory_space<vmem_shared>>
    %dma_wait3A_327 = tpu.memref_squeeze %dma_wait3A_326 : memref<1x512xf32, #tpu.memory_space<vmem_shared>> -> memref<512xf32, #tpu.memory_space<vmem_shared>>
    %dma_wait3A_328 = arith.constant 0 : i32
    %dma_wait3A_329 = tpu.memref_slice %arg12[%dma_wait3A_322, %dma_wait3A_328] : memref<16x512xf32, #tpu.memory_space<vmem>> -> memref<1x512xf32, #tpu.memory_space<vmem>>
    %dma_wait3A_330 = tpu.memref_squeeze %dma_wait3A_329 : memref<1x512xf32, #tpu.memory_space<vmem>> -> memref<512xf32, #tpu.memory_space<vmem>>
    %dma_wait3A_331 = tpu.memref_slice %arg14[%dma_wait3A_321, %mul3A_102] : memref<16x8192xf32, #tpu.memory_space<vmem_shared>> -> memref<1x512xf32, #tpu.memory_space<vmem_shared>>
    %dma_wait3A_332 = tpu.memref_squeeze %dma_wait3A_331 : memref<1x512xf32, #tpu.memory_space<vmem_shared>> -> memref<512xf32, #tpu.memory_space<vmem_shared>>
    tpu.wait_dma2 semaphore(%arg25 : memref<!tpu.dma_semaphore, #tpu.memory_space<semaphore_mem>>) src(%dma_wait3A_332 : memref<512xf32, #tpu.memory_space<vmem_shared>>) dst(%dma_wait3A_330 : memref<512xf32, #tpu.memory_space<vmem>>)
    %dma_wait3A_333 = arith.constant 3 : i32
    %dma_wait3A_334 = arith.constant 3 : i32
    %dma_wait3A_335 = arith.constant 0 : i32
    %dma_wait3A_336 = tpu.memref_slice %arg12[%dma_wait3A_334, %dma_wait3A_335] : memref<16x512xf32, #tpu.memory_space<vmem>> -> memref<1x512xf32, #tpu.memory_space<vmem>>
    %dma_wait3A_337 = tpu.memref_squeeze %dma_wait3A_336 : memref<1x512xf32, #tpu.memory_space<vmem>> -> memref<512xf32, #tpu.memory_space<vmem>>
    %dma_wait3A_338 = tpu.memref_slice %arg14[%dma_wait3A_333, %mul3A_116] : memref<16x8192xf32, #tpu.memory_space<vmem_shared>> -> memref<1x512xf32, #tpu.memory_space<vmem_shared>>
    %dma_wait3A_339 = tpu.memref_squeeze %dma_wait3A_338 : memref<1x512xf32, #tpu.memory_space<vmem_shared>> -> memref<512xf32, #tpu.memory_space<vmem_shared>>
    %dma_wait3A_340 = arith.constant 0 : i32
    %dma_wait3A_341 = tpu.memref_slice %arg12[%dma_wait3A_334, %dma_wait3A_340] : memref<16x512xf32, #tpu.memory_space<vmem>> -> memref<1x512xf32, #tpu.memory_space<vmem>>
    %dma_wait3A_342 = tpu.memref_squeeze %dma_wait3A_341 : memref<1x512xf32, #tpu.memory_space<vmem>> -> memref<512xf32, #tpu.memory_space<vmem>>
    %dma_wait3A_343 = tpu.memref_slice %arg14[%dma_wait3A_333, %mul3A_116] : memref<16x8192xf32, #tpu.memory_space<vmem_shared>> -> memref<1x512xf32, #tpu.memory_space<vmem_shared>>
    %dma_wait3A_344 = tpu.memref_squeeze %dma_wait3A_343 : memref<1x512xf32, #tpu.memory_space<vmem_shared>> -> memref<512xf32, #tpu.memory_space<vmem_shared>>
    tpu.wait_dma2 semaphore(%arg25 : memref<!tpu.dma_semaphore, #tpu.memory_space<semaphore_mem>>) src(%dma_wait3A_344 : memref<512xf32, #tpu.memory_space<vmem_shared>>) dst(%dma_wait3A_342 : memref<512xf32, #tpu.memory_space<vmem>>)
    %dma_wait3A_345 = arith.constant 4 : i32
    %dma_wait3A_346 = arith.constant 4 : i32
    %dma_wait3A_347 = arith.constant 0 : i32
    %dma_wait3A_348 = tpu.memref_slice %arg12[%dma_wait3A_346, %dma_wait3A_347] : memref<16x512xf32, #tpu.memory_space<vmem>> -> memref<1x512xf32, #tpu.memory_space<vmem>>
    %dma_wait3A_349 = tpu.memref_squeeze %dma_wait3A_348 : memref<1x512xf32, #tpu.memory_space<vmem>> -> memref<512xf32, #tpu.memory_space<vmem>>
    %dma_wait3A_350 = tpu.memref_slice %arg14[%dma_wait3A_345, %mul3A_130] : memref<16x8192xf32, #tpu.memory_space<vmem_shared>> -> memref<1x512xf32, #tpu.memory_space<vmem_shared>>
    %dma_wait3A_351 = tpu.memref_squeeze %dma_wait3A_350 : memref<1x512xf32, #tpu.memory_space<vmem_shared>> -> memref<512xf32, #tpu.memory_space<vmem_shared>>
    %dma_wait3A_352 = arith.constant 0 : i32
    %dma_wait3A_353 = tpu.memref_slice %arg12[%dma_wait3A_346, %dma_wait3A_352] : memref<16x512xf32, #tpu.memory_space<vmem>> -> memref<1x512xf32, #tpu.memory_space<vmem>>
    %dma_wait3A_354 = tpu.memref_squeeze %dma_wait3A_353 : memref<1x512xf32, #tpu.memory_space<vmem>> -> memref<512xf32, #tpu.memory_space<vmem>>
    %dma_wait3A_355 = tpu.memref_slice %arg14[%dma_wait3A_345, %mul3A_130] : memref<16x8192xf32, #tpu.memory_space<vmem_shared>> -> memref<1x512xf32, #tpu.memory_space<vmem_shared>>
    %dma_wait3A_356 = tpu.memref_squeeze %dma_wait3A_355 : memref<1x512xf32, #tpu.memory_space<vmem_shared>> -> memref<512xf32, #tpu.memory_space<vmem_shared>>
    tpu.wait_dma2 semaphore(%arg25 : memref<!tpu.dma_semaphore, #tpu.memory_space<semaphore_mem>>) src(%dma_wait3A_356 : memref<512xf32, #tpu.memory_space<vmem_shared>>) dst(%dma_wait3A_354 : memref<512xf32, #tpu.memory_space<vmem>>)
    %dma_wait3A_357 = arith.constant 5 : i32
    %dma_wait3A_358 = arith.constant 5 : i32
    %dma_wait3A_359 = arith.constant 0 : i32
    %dma_wait3A_360 = tpu.memref_slice %arg12[%dma_wait3A_358, %dma_wait3A_359] : memref<16x512xf32, #tpu.memory_space<vmem>> -> memref<1x512xf32, #tpu.memory_space<vmem>>
    %dma_wait3A_361 = tpu.memref_squeeze %dma_wait3A_360 : memref<1x512xf32, #tpu.memory_space<vmem>> -> memref<512xf32, #tpu.memory_space<vmem>>
    %dma_wait3A_362 = tpu.memref_slice %arg14[%dma_wait3A_357, %mul3A_144] : memref<16x8192xf32, #tpu.memory_space<vmem_shared>> -> memref<1x512xf32, #tpu.memory_space<vmem_shared>>
    %dma_wait3A_363 = tpu.memref_squeeze %dma_wait3A_362 : memref<1x512xf32, #tpu.memory_space<vmem_shared>> -> memref<512xf32, #tpu.memory_space<vmem_shared>>
    %dma_wait3A_364 = arith.constant 0 : i32
    %dma_wait3A_365 = tpu.memref_slice %arg12[%dma_wait3A_358, %dma_wait3A_364] : memref<16x512xf32, #tpu.memory_space<vmem>> -> memref<1x512xf32, #tpu.memory_space<vmem>>
    %dma_wait3A_366 = tpu.memref_squeeze %dma_wait3A_365 : memref<1x512xf32, #tpu.memory_space<vmem>> -> memref<512xf32, #tpu.memory_space<vmem>>
    %dma_wait3A_367 = tpu.memref_slice %arg14[%dma_wait3A_357, %mul3A_144] : memref<16x8192xf32, #tpu.memory_space<vmem_shared>> -> memref<1x512xf32, #tpu.memory_space<vmem_shared>>
    %dma_wait3A_368 = tpu.memref_squeeze %dma_wait3A_367 : memref<1x512xf32, #tpu.memory_space<vmem_shared>> -> memref<512xf32, #tpu.memory_space<vmem_shared>>
    tpu.wait_dma2 semaphore(%arg25 : memref<!tpu.dma_semaphore, #tpu.memory_space<semaphore_mem>>) src(%dma_wait3A_368 : memref<512xf32, #tpu.memory_space<vmem_shared>>) dst(%dma_wait3A_366 : memref<512xf32, #tpu.memory_space<vmem>>)
    %dma_wait3A_369 = arith.constant 6 : i32
    %dma_wait3A_370 = arith.constant 6 : i32
    %dma_wait3A_371 = arith.constant 0 : i32
    %dma_wait3A_372 = tpu.memref_slice %arg12[%dma_wait3A_370, %dma_wait3A_371] : memref<16x512xf32, #tpu.memory_space<vmem>> -> memref<1x512xf32, #tpu.memory_space<vmem>>
    %dma_wait3A_373 = tpu.memref_squeeze %dma_wait3A_372 : memref<1x512xf32, #tpu.memory_space<vmem>> -> memref<512xf32, #tpu.memory_space<vmem>>
    %dma_wait3A_374 = tpu.memref_slice %arg14[%dma_wait3A_369, %mul3A_158] : memref<16x8192xf32, #tpu.memory_space<vmem_shared>> -> memref<1x512xf32, #tpu.memory_space<vmem_shared>>
    %dma_wait3A_375 = tpu.memref_squeeze %dma_wait3A_374 : memref<1x512xf32, #tpu.memory_space<vmem_shared>> -> memref<512xf32, #tpu.memory_space<vmem_shared>>
    %dma_wait3A_376 = arith.constant 0 : i32
    %dma_wait3A_377 = tpu.memref_slice %arg12[%dma_wait3A_370, %dma_wait3A_376] : memref<16x512xf32, #tpu.memory_space<vmem>> -> memref<1x512xf32, #tpu.memory_space<vmem>>
    %dma_wait3A_378 = tpu.memref_squeeze %dma_wait3A_377 : memref<1x512xf32, #tpu.memory_space<vmem>> -> memref<512xf32, #tpu.memory_space<vmem>>
    %dma_wait3A_379 = tpu.memref_slice %arg14[%dma_wait3A_369, %mul3A_158] : memref<16x8192xf32, #tpu.memory_space<vmem_shared>> -> memref<1x512xf32, #tpu.memory_space<vmem_shared>>
    %dma_wait3A_380 = tpu.memref_squeeze %dma_wait3A_379 : memref<1x512xf32, #tpu.memory_space<vmem_shared>> -> memref<512xf32, #tpu.memory_space<vmem_shared>>
    tpu.wait_dma2 semaphore(%arg25 : memref<!tpu.dma_semaphore, #tpu.memory_space<semaphore_mem>>) src(%dma_wait3A_380 : memref<512xf32, #tpu.memory_space<vmem_shared>>) dst(%dma_wait3A_378 : memref<512xf32, #tpu.memory_space<vmem>>)
    %dma_wait3A_381 = arith.constant 7 : i32
    %dma_wait3A_382 = arith.constant 7 : i32
    %dma_wait3A_383 = arith.constant 0 : i32
    %dma_wait3A_384 = tpu.memref_slice %arg12[%dma_wait3A_382, %dma_wait3A_383] : memref<16x512xf32, #tpu.memory_space<vmem>> -> memref<1x512xf32, #tpu.memory_space<vmem>>
    %dma_wait3A_385 = tpu.memref_squeeze %dma_wait3A_384 : memref<1x512xf32, #tpu.memory_space<vmem>> -> memref<512xf32, #tpu.memory_space<vmem>>
    %dma_wait3A_386 = tpu.memref_slice %arg14[%dma_wait3A_381, %mul3A_172] : memref<16x8192xf32, #tpu.memory_space<vmem_shared>> -> memref<1x512xf32, #tpu.memory_space<vmem_shared>>
    %dma_wait3A_387 = tpu.memref_squeeze %dma_wait3A_386 : memref<1x512xf32, #tpu.memory_space<vmem_shared>> -> memref<512xf32, #tpu.memory_space<vmem_shared>>
    %dma_wait3A_388 = arith.constant 0 : i32
    %dma_wait3A_389 = tpu.memref_slice %arg12[%dma_wait3A_382, %dma_wait3A_388] : memref<16x512xf32, #tpu.memory_space<vmem>> -> memref<1x512xf32, #tpu.memory_space<vmem>>
    %dma_wait3A_390 = tpu.memref_squeeze %dma_wait3A_389 : memref<1x512xf32, #tpu.memory_space<vmem>> -> memref<512xf32, #tpu.memory_space<vmem>>
    %dma_wait3A_391 = tpu.memref_slice %arg14[%dma_wait3A_381, %mul3A_172] : memref<16x8192xf32, #tpu.memory_space<vmem_shared>> -> memref<1x512xf32, #tpu.memory_space<vmem_shared>>
    %dma_wait3A_392 = tpu.memref_squeeze %dma_wait3A_391 : memref<1x512xf32, #tpu.memory_space<vmem_shared>> -> memref<512xf32, #tpu.memory_space<vmem_shared>>
    tpu.wait_dma2 semaphore(%arg25 : memref<!tpu.dma_semaphore, #tpu.memory_space<semaphore_mem>>) src(%dma_wait3A_392 : memref<512xf32, #tpu.memory_space<vmem_shared>>) dst(%dma_wait3A_390 : memref<512xf32, #tpu.memory_space<vmem>>)
    %dma_wait3A_393 = arith.constant 8 : i32
    %dma_wait3A_394 = arith.constant 8 : i32
    %dma_wait3A_395 = arith.constant 0 : i32
    %dma_wait3A_396 = tpu.memref_slice %arg12[%dma_wait3A_394, %dma_wait3A_395] : memref<16x512xf32, #tpu.memory_space<vmem>> -> memref<1x512xf32, #tpu.memory_space<vmem>>
    %dma_wait3A_397 = tpu.memref_squeeze %dma_wait3A_396 : memref<1x512xf32, #tpu.memory_space<vmem>> -> memref<512xf32, #tpu.memory_space<vmem>>
    %dma_wait3A_398 = tpu.memref_slice %arg14[%dma_wait3A_393, %mul3A_186] : memref<16x8192xf32, #tpu.memory_space<vmem_shared>> -> memref<1x512xf32, #tpu.memory_space<vmem_shared>>
    %dma_wait3A_399 = tpu.memref_squeeze %dma_wait3A_398 : memref<1x512xf32, #tpu.memory_space<vmem_shared>> -> memref<512xf32, #tpu.memory_space<vmem_shared>>
    %dma_wait3A_400 = arith.constant 0 : i32
    %dma_wait3A_401 = tpu.memref_slice %arg12[%dma_wait3A_394, %dma_wait3A_400] : memref<16x512xf32, #tpu.memory_space<vmem>> -> memref<1x512xf32, #tpu.memory_space<vmem>>
    %dma_wait3A_402 = tpu.memref_squeeze %dma_wait3A_401 : memref<1x512xf32, #tpu.memory_space<vmem>> -> memref<512xf32, #tpu.memory_space<vmem>>
    %dma_wait3A_403 = tpu.memref_slice %arg14[%dma_wait3A_393, %mul3A_186] : memref<16x8192xf32, #tpu.memory_space<vmem_shared>> -> memref<1x512xf32, #tpu.memory_space<vmem_shared>>
    %dma_wait3A_404 = tpu.memref_squeeze %dma_wait3A_403 : memref<1x512xf32, #tpu.memory_space<vmem_shared>> -> memref<512xf32, #tpu.memory_space<vmem_shared>>
    tpu.wait_dma2 semaphore(%arg25 : memref<!tpu.dma_semaphore, #tpu.memory_space<semaphore_mem>>) src(%dma_wait3A_404 : memref<512xf32, #tpu.memory_space<vmem_shared>>) dst(%dma_wait3A_402 : memref<512xf32, #tpu.memory_space<vmem>>)
    %dma_wait3A_405 = arith.constant 9 : i32
    %dma_wait3A_406 = arith.constant 9 : i32
    %dma_wait3A_407 = arith.constant 0 : i32
    %dma_wait3A_408 = tpu.memref_slice %arg12[%dma_wait3A_406, %dma_wait3A_407] : memref<16x512xf32, #tpu.memory_space<vmem>> -> memref<1x512xf32, #tpu.memory_space<vmem>>
    %dma_wait3A_409 = tpu.memref_squeeze %dma_wait3A_408 : memref<1x512xf32, #tpu.memory_space<vmem>> -> memref<512xf32, #tpu.memory_space<vmem>>
    %dma_wait3A_410 = tpu.memref_slice %arg14[%dma_wait3A_405, %mul3A_200] : memref<16x8192xf32, #tpu.memory_space<vmem_shared>> -> memref<1x512xf32, #tpu.memory_space<vmem_shared>>
    %dma_wait3A_411 = tpu.memref_squeeze %dma_wait3A_410 : memref<1x512xf32, #tpu.memory_space<vmem_shared>> -> memref<512xf32, #tpu.memory_space<vmem_shared>>
    %dma_wait3A_412 = arith.constant 0 : i32
    %dma_wait3A_413 = tpu.memref_slice %arg12[%dma_wait3A_406, %dma_wait3A_412] : memref<16x512xf32, #tpu.memory_space<vmem>> -> memref<1x512xf32, #tpu.memory_space<vmem>>
    %dma_wait3A_414 = tpu.memref_squeeze %dma_wait3A_413 : memref<1x512xf32, #tpu.memory_space<vmem>> -> memref<512xf32, #tpu.memory_space<vmem>>
    %dma_wait3A_415 = tpu.memref_slice %arg14[%dma_wait3A_405, %mul3A_200] : memref<16x8192xf32, #tpu.memory_space<vmem_shared>> -> memref<1x512xf32, #tpu.memory_space<vmem_shared>>
    %dma_wait3A_416 = tpu.memref_squeeze %dma_wait3A_415 : memref<1x512xf32, #tpu.memory_space<vmem_shared>> -> memref<512xf32, #tpu.memory_space<vmem_shared>>
    tpu.wait_dma2 semaphore(%arg25 : memref<!tpu.dma_semaphore, #tpu.memory_space<semaphore_mem>>) src(%dma_wait3A_416 : memref<512xf32, #tpu.memory_space<vmem_shared>>) dst(%dma_wait3A_414 : memref<512xf32, #tpu.memory_space<vmem>>)
    %dma_wait3A_417 = arith.constant 10 : i32
    %dma_wait3A_418 = arith.constant 10 : i32
    %dma_wait3A_419 = arith.constant 0 : i32
    %dma_wait3A_420 = tpu.memref_slice %arg12[%dma_wait3A_418, %dma_wait3A_419] : memref<16x512xf32, #tpu.memory_space<vmem>> -> memref<1x512xf32, #tpu.memory_space<vmem>>
    %dma_wait3A_421 = tpu.memref_squeeze %dma_wait3A_420 : memref<1x512xf32, #tpu.memory_space<vmem>> -> memref<512xf32, #tpu.memory_space<vmem>>
    %dma_wait3A_422 = tpu.memref_slice %arg14[%dma_wait3A_417, %mul3A_214] : memref<16x8192xf32, #tpu.memory_space<vmem_shared>> -> memref<1x512xf32, #tpu.memory_space<vmem_shared>>
    %dma_wait3A_423 = tpu.memref_squeeze %dma_wait3A_422 : memref<1x512xf32, #tpu.memory_space<vmem_shared>> -> memref<512xf32, #tpu.memory_space<vmem_shared>>
    %dma_wait3A_424 = arith.constant 0 : i32
    %dma_wait3A_425 = tpu.memref_slice %arg12[%dma_wait3A_418, %dma_wait3A_424] : memref<16x512xf32, #tpu.memory_space<vmem>> -> memref<1x512xf32, #tpu.memory_space<vmem>>
    %dma_wait3A_426 = tpu.memref_squeeze %dma_wait3A_425 : memref<1x512xf32, #tpu.memory_space<vmem>> -> memref<512xf32, #tpu.memory_space<vmem>>
    %dma_wait3A_427 = tpu.memref_slice %arg14[%dma_wait3A_417, %mul3A_214] : memref<16x8192xf32, #tpu.memory_space<vmem_shared>> -> memref<1x512xf32, #tpu.memory_space<vmem_shared>>
    %dma_wait3A_428 = tpu.memref_squeeze %dma_wait3A_427 : memref<1x512xf32, #tpu.memory_space<vmem_shared>> -> memref<512xf32, #tpu.memory_space<vmem_shared>>
    tpu.wait_dma2 semaphore(%arg25 : memref<!tpu.dma_semaphore, #tpu.memory_space<semaphore_mem>>) src(%dma_wait3A_428 : memref<512xf32, #tpu.memory_space<vmem_shared>>) dst(%dma_wait3A_426 : memref<512xf32, #tpu.memory_space<vmem>>)
    %dma_wait3A_429 = arith.constant 11 : i32
    %dma_wait3A_430 = arith.constant 11 : i32
    %dma_wait3A_431 = arith.constant 0 : i32
    %dma_wait3A_432 = tpu.memref_slice %arg12[%dma_wait3A_430, %dma_wait3A_431] : memref<16x512xf32, #tpu.memory_space<vmem>> -> memref<1x512xf32, #tpu.memory_space<vmem>>
    %dma_wait3A_433 = tpu.memref_squeeze %dma_wait3A_432 : memref<1x512xf32, #tpu.memory_space<vmem>> -> memref<512xf32, #tpu.memory_space<vmem>>
    %dma_wait3A_434 = tpu.memref_slice %arg14[%dma_wait3A_429, %mul3A_228] : memref<16x8192xf32, #tpu.memory_space<vmem_shared>> -> memref<1x512xf32, #tpu.memory_space<vmem_shared>>
    %dma_wait3A_435 = tpu.memref_squeeze %dma_wait3A_434 : memref<1x512xf32, #tpu.memory_space<vmem_shared>> -> memref<512xf32, #tpu.memory_space<vmem_shared>>
    %dma_wait3A_436 = arith.constant 0 : i32
    %dma_wait3A_437 = tpu.memref_slice %arg12[%dma_wait3A_430, %dma_wait3A_436] : memref<16x512xf32, #tpu.memory_space<vmem>> -> memref<1x512xf32, #tpu.memory_space<vmem>>
    %dma_wait3A_438 = tpu.memref_squeeze %dma_wait3A_437 : memref<1x512xf32, #tpu.memory_space<vmem>> -> memref<512xf32, #tpu.memory_space<vmem>>
    %dma_wait3A_439 = tpu.memref_slice %arg14[%dma_wait3A_429, %mul3A_228] : memref<16x8192xf32, #tpu.memory_space<vmem_shared>> -> memref<1x512xf32, #tpu.memory_space<vmem_shared>>
    %dma_wait3A_440 = tpu.memref_squeeze %dma_wait3A_439 : memref<1x512xf32, #tpu.memory_space<vmem_shared>> -> memref<512xf32, #tpu.memory_space<vmem_shared>>
    tpu.wait_dma2 semaphore(%arg25 : memref<!tpu.dma_semaphore, #tpu.memory_space<semaphore_mem>>) src(%dma_wait3A_440 : memref<512xf32, #tpu.memory_space<vmem_shared>>) dst(%dma_wait3A_438 : memref<512xf32, #tpu.memory_space<vmem>>)
    %dma_wait3A_441 = arith.constant 12 : i32
    %dma_wait3A_442 = arith.constant 12 : i32
    %dma_wait3A_443 = arith.constant 0 : i32
    %dma_wait3A_444 = tpu.memref_slice %arg12[%dma_wait3A_442, %dma_wait3A_443] : memref<16x512xf32, #tpu.memory_space<vmem>> -> memref<1x512xf32, #tpu.memory_space<vmem>>
    %dma_wait3A_445 = tpu.memref_squeeze %dma_wait3A_444 : memref<1x512xf32, #tpu.memory_space<vmem>> -> memref<512xf32, #tpu.memory_space<vmem>>
    %dma_wait3A_446 = tpu.memref_slice %arg14[%dma_wait3A_441, %mul3A_242] : memref<16x8192xf32, #tpu.memory_space<vmem_shared>> -> memref<1x512xf32, #tpu.memory_space<vmem_shared>>
    %dma_wait3A_447 = tpu.memref_squeeze %dma_wait3A_446 : memref<1x512xf32, #tpu.memory_space<vmem_shared>> -> memref<512xf32, #tpu.memory_space<vmem_shared>>
    %dma_wait3A_448 = arith.constant 0 : i32
    %dma_wait3A_449 = tpu.memref_slice %arg12[%dma_wait3A_442, %dma_wait3A_448] : memref<16x512xf32, #tpu.memory_space<vmem>> -> memref<1x512xf32, #tpu.memory_space<vmem>>
    %dma_wait3A_450 = tpu.memref_squeeze %dma_wait3A_449 : memref<1x512xf32, #tpu.memory_space<vmem>> -> memref<512xf32, #tpu.memory_space<vmem>>
    %dma_wait3A_451 = tpu.memref_slice %arg14[%dma_wait3A_441, %mul3A_242] : memref<16x8192xf32, #tpu.memory_space<vmem_shared>> -> memref<1x512xf32, #tpu.memory_space<vmem_shared>>
    %dma_wait3A_452 = tpu.memref_squeeze %dma_wait3A_451 : memref<1x512xf32, #tpu.memory_space<vmem_shared>> -> memref<512xf32, #tpu.memory_space<vmem_shared>>
    tpu.wait_dma2 semaphore(%arg25 : memref<!tpu.dma_semaphore, #tpu.memory_space<semaphore_mem>>) src(%dma_wait3A_452 : memref<512xf32, #tpu.memory_space<vmem_shared>>) dst(%dma_wait3A_450 : memref<512xf32, #tpu.memory_space<vmem>>)
    %dma_wait3A_453 = arith.constant 13 : i32
    %dma_wait3A_454 = arith.constant 13 : i32
    %dma_wait3A_455 = arith.constant 0 : i32
    %dma_wait3A_456 = tpu.memref_slice %arg12[%dma_wait3A_454, %dma_wait3A_455] : memref<16x512xf32, #tpu.memory_space<vmem>> -> memref<1x512xf32, #tpu.memory_space<vmem>>
    %dma_wait3A_457 = tpu.memref_squeeze %dma_wait3A_456 : memref<1x512xf32, #tpu.memory_space<vmem>> -> memref<512xf32, #tpu.memory_space<vmem>>
    %dma_wait3A_458 = tpu.memref_slice %arg14[%dma_wait3A_453, %mul3A_256] : memref<16x8192xf32, #tpu.memory_space<vmem_shared>> -> memref<1x512xf32, #tpu.memory_space<vmem_shared>>
    %dma_wait3A_459 = tpu.memref_squeeze %dma_wait3A_458 : memref<1x512xf32, #tpu.memory_space<vmem_shared>> -> memref<512xf32, #tpu.memory_space<vmem_shared>>
    %dma_wait3A_460 = arith.constant 0 : i32
    %dma_wait3A_461 = tpu.memref_slice %arg12[%dma_wait3A_454, %dma_wait3A_460] : memref<16x512xf32, #tpu.memory_space<vmem>> -> memref<1x512xf32, #tpu.memory_space<vmem>>
    %dma_wait3A_462 = tpu.memref_squeeze %dma_wait3A_461 : memref<1x512xf32, #tpu.memory_space<vmem>> -> memref<512xf32, #tpu.memory_space<vmem>>
    %dma_wait3A_463 = tpu.memref_slice %arg14[%dma_wait3A_453, %mul3A_256] : memref<16x8192xf32, #tpu.memory_space<vmem_shared>> -> memref<1x512xf32, #tpu.memory_space<vmem_shared>>
    %dma_wait3A_464 = tpu.memref_squeeze %dma_wait3A_463 : memref<1x512xf32, #tpu.memory_space<vmem_shared>> -> memref<512xf32, #tpu.memory_space<vmem_shared>>
    tpu.wait_dma2 semaphore(%arg25 : memref<!tpu.dma_semaphore, #tpu.memory_space<semaphore_mem>>) src(%dma_wait3A_464 : memref<512xf32, #tpu.memory_space<vmem_shared>>) dst(%dma_wait3A_462 : memref<512xf32, #tpu.memory_space<vmem>>)
    %dma_wait3A_465 = arith.constant 14 : i32
    %dma_wait3A_466 = arith.constant 14 : i32
    %dma_wait3A_467 = arith.constant 0 : i32
    %dma_wait3A_468 = tpu.memref_slice %arg12[%dma_wait3A_466, %dma_wait3A_467] : memref<16x512xf32, #tpu.memory_space<vmem>> -> memref<1x512xf32, #tpu.memory_space<vmem>>
    %dma_wait3A_469 = tpu.memref_squeeze %dma_wait3A_468 : memref<1x512xf32, #tpu.memory_space<vmem>> -> memref<512xf32, #tpu.memory_space<vmem>>
    %dma_wait3A_470 = tpu.memref_slice %arg14[%dma_wait3A_465, %mul3A_270] : memref<16x8192xf32, #tpu.memory_space<vmem_shared>> -> memref<1x512xf32, #tpu.memory_space<vmem_shared>>
    %dma_wait3A_471 = tpu.memref_squeeze %dma_wait3A_470 : memref<1x512xf32, #tpu.memory_space<vmem_shared>> -> memref<512xf32, #tpu.memory_space<vmem_shared>>
    %dma_wait3A_472 = arith.constant 0 : i32
    %dma_wait3A_473 = tpu.memref_slice %arg12[%dma_wait3A_466, %dma_wait3A_472] : memref<16x512xf32, #tpu.memory_space<vmem>> -> memref<1x512xf32, #tpu.memory_space<vmem>>
    %dma_wait3A_474 = tpu.memref_squeeze %dma_wait3A_473 : memref<1x512xf32, #tpu.memory_space<vmem>> -> memref<512xf32, #tpu.memory_space<vmem>>
    %dma_wait3A_475 = tpu.memref_slice %arg14[%dma_wait3A_465, %mul3A_270] : memref<16x8192xf32, #tpu.memory_space<vmem_shared>> -> memref<1x512xf32, #tpu.memory_space<vmem_shared>>
    %dma_wait3A_476 = tpu.memref_squeeze %dma_wait3A_475 : memref<1x512xf32, #tpu.memory_space<vmem_shared>> -> memref<512xf32, #tpu.memory_space<vmem_shared>>
    tpu.wait_dma2 semaphore(%arg25 : memref<!tpu.dma_semaphore, #tpu.memory_space<semaphore_mem>>) src(%dma_wait3A_476 : memref<512xf32, #tpu.memory_space<vmem_shared>>) dst(%dma_wait3A_474 : memref<512xf32, #tpu.memory_space<vmem>>)
    %dma_wait3A_477 = arith.constant 15 : i32
    %dma_wait3A_478 = arith.constant 15 : i32
    %dma_wait3A_479 = arith.constant 0 : i32
    %dma_wait3A_480 = tpu.memref_slice %arg12[%dma_wait3A_478, %dma_wait3A_479] : memref<16x512xf32, #tpu.memory_space<vmem>> -> memref<1x512xf32, #tpu.memory_space<vmem>>
    %dma_wait3A_481 = tpu.memref_squeeze %dma_wait3A_480 : memref<1x512xf32, #tpu.memory_space<vmem>> -> memref<512xf32, #tpu.memory_space<vmem>>
    %dma_wait3A_482 = tpu.memref_slice %arg14[%dma_wait3A_477, %mul3A_284] : memref<16x8192xf32, #tpu.memory_space<vmem_shared>> -> memref<1x512xf32, #tpu.memory_space<vmem_shared>>
    %dma_wait3A_483 = tpu.memref_squeeze %dma_wait3A_482 : memref<1x512xf32, #tpu.memory_space<vmem_shared>> -> memref<512xf32, #tpu.memory_space<vmem_shared>>
    %dma_wait3A_484 = arith.constant 0 : i32
    %dma_wait3A_485 = tpu.memref_slice %arg12[%dma_wait3A_478, %dma_wait3A_484] : memref<16x512xf32, #tpu.memory_space<vmem>> -> memref<1x512xf32, #tpu.memory_space<vmem>>
    %dma_wait3A_486 = tpu.memref_squeeze %dma_wait3A_485 : memref<1x512xf32, #tpu.memory_space<vmem>> -> memref<512xf32, #tpu.memory_space<vmem>>
    %dma_wait3A_487 = tpu.memref_slice %arg14[%dma_wait3A_477, %mul3A_284] : memref<16x8192xf32, #tpu.memory_space<vmem_shared>> -> memref<1x512xf32, #tpu.memory_space<vmem_shared>>
    %dma_wait3A_488 = tpu.memref_squeeze %dma_wait3A_487 : memref<1x512xf32, #tpu.memory_space<vmem_shared>> -> memref<512xf32, #tpu.memory_space<vmem_shared>>
    tpu.wait_dma2 semaphore(%arg25 : memref<!tpu.dma_semaphore, #tpu.memory_space<semaphore_mem>>) src(%dma_wait3A_488 : memref<512xf32, #tpu.memory_space<vmem_shared>>) dst(%dma_wait3A_486 : memref<512xf32, #tpu.memory_space<vmem>>)
    %scan3A_489 = arith.constant 0 : i32
    %scan3A_490 = arith.constant 0 : i32
    %scan3A_491 = arith.constant 32 : i32
    %scan3A_492 = arith.addi %scan3A_490, %scan3A_491 : i32
    %scan3A_493 = arith.constant 1 : i32
    %scan3A_494 = scf.for %scan3A_999 = %scan3A_490 to %scan3A_492 step %scan3A_493 iter_args(%scan3A_1000 = %scan3A_489) -> (i32)  : i32 {
      %mul3A_1001 = arith.constant 16 : i32
      %mul3A_1002 = arith.muli %scan3A_999, %mul3A_1001 : i32
      %get3A = arith.constant 0 : i32
      %get3A_1003 = arith.index_cast %get3A : i32 to index
      %get3A_1004 = arith.index_cast %mul3A_1002 : i32 to index
      %get3A_1005 = tpu.vector_load %arg12[%get3A_1003, %get3A_1004] {strides = array<i32>} : memref<16x512xf32, #tpu.memory_space<vmem>>, vector<16xf32>,
      %mul3A_1006 = arith.constant 16 : i32
      %mul3A_1007 = arith.muli %scan3A_999, %mul3A_1006 : i32
      %get3A_1008 = arith.constant 1 : i32
      %get3A_1009 = arith.index_cast %get3A_1008 : i32 to index
      %get3A_1010 = arith.index_cast %mul3A_1007 : i32 to index
      %get3A_1011 = tpu.vector_load %arg12[%get3A_1009, %get3A_1010] {strides = array<i32>} : memref<16x512xf32, #tpu.memory_space<vmem>>, vector<16xf32>,
      %max3A = arith.maximumf %get3A_1005, %get3A_1011 : vector<16xf32>
      %mul3A_1012 = arith.constant 16 : i32
      %mul3A_1013 = arith.muli %scan3A_999, %mul3A_1012 : i32
      %get3A_1014 = arith.constant 2 : i32
      %get3A_1015 = arith.index_cast %get3A_1014 : i32 to index
      %get3A_1016 = arith.index_cast %mul3A_1013 : i32 to index
      %get3A_1017 = tpu.vector_load %arg12[%get3A_1015, %get3A_1016] {strides = array<i32>} : memref<16x512xf32, #tpu.memory_space<vmem>>, vector<16xf32>,
      %max3A_1018 = arith.maximumf %max3A, %get3A_1017 : vector<16xf32>
      %mul3A_1019 = arith.constant 16 : i32
      %mul3A_1020 = arith.muli %scan3A_999, %mul3A_1019 : i32
      %get3A_1021 = arith.constant 3 : i32
      %get3A_1022 = arith.index_cast %get3A_1021 : i32 to index
      %get3A_1023 = arith.index_cast %mul3A_1020 : i32 to index
      %get3A_1024 = tpu.vector_load %arg12[%get3A_1022, %get3A_1023] {strides = array<i32>} : memref<16x512xf32, #tpu.memory_space<vmem>>, vector<16xf32>,
      %max3A_1025 = arith.maximumf %max3A_1018, %get3A_1024 : vector<16xf32>
      %mul3A_1026 = arith.constant 16 : i32
      %mul3A_1027 = arith.muli %scan3A_999, %mul3A_1026 : i32
      %get3A_1028 = arith.constant 4 : i32
      %get3A_1029 = arith.index_cast %get3A_1028 : i32 to index
      %get3A_1030 = arith.index_cast %mul3A_1027 : i32 to index
      %get3A_1031 = tpu.vector_load %arg12[%get3A_1029, %get3A_1030] {strides = array<i32>} : memref<16x512xf32, #tpu.memory_space<vmem>>, vector<16xf32>,
      %max3A_1032 = arith.maximumf %max3A_1025, %get3A_1031 : vector<16xf32>
      %mul3A_1033 = arith.constant 16 : i32
      %mul3A_1034 = arith.muli %scan3A_999, %mul3A_1033 : i32
      %get3A_1035 = arith.constant 5 : i32
      %get3A_1036 = arith.index_cast %get3A_1035 : i32 to index
      %get3A_1037 = arith.index_cast %mul3A_1034 : i32 to index
      %get3A_1038 = tpu.vector_load %arg12[%get3A_1036, %get3A_1037] {strides = array<i32>} : memref<16x512xf32, #tpu.memory_space<vmem>>, vector<16xf32>,
      %max3A_1039 = arith.maximumf %max3A_1032, %get3A_1038 : vector<16xf32>
      %mul3A_1040 = arith.constant 16 : i32
      %mul3A_1041 = arith.muli %scan3A_999, %mul3A_1040 : i32
      %get3A_1042 = arith.constant 6 : i32
      %get3A_1043 = arith.index_cast %get3A_1042 : i32 to index
      %get3A_1044 = arith.index_cast %mul3A_1041 : i32 to index
      %get3A_1045 = tpu.vector_load %arg12[%get3A_1043, %get3A_1044] {strides = array<i32>} : memref<16x512xf32, #tpu.memory_space<vmem>>, vector<16xf32>,
      %max3A_1046 = arith.maximumf %max3A_1039, %get3A_1045 : vector<16xf32>
      %mul3A_1047 = arith.constant 16 : i32
      %mul3A_1048 = arith.muli %scan3A_999, %mul3A_1047 : i32
      %get3A_1049 = arith.constant 7 : i32
      %get3A_1050 = arith.index_cast %get3A_1049 : i32 to index
      %get3A_1051 = arith.index_cast %mul3A_1048 : i32 to index
      %get3A_1052 = tpu.vector_load %arg12[%get3A_1050, %get3A_1051] {strides = array<i32>} : memref<16x512xf32, #tpu.memory_space<vmem>>, vector<16xf32>,
      %max3A_1053 = arith.maximumf %max3A_1046, %get3A_1052 : vector<16xf32>
      %mul3A_1054 = arith.constant 16 : i32
      %mul3A_1055 = arith.muli %scan3A_999, %mul3A_1054 : i32
      %get3A_1056 = arith.constant 8 : i32
      %get3A_1057 = arith.index_cast %get3A_1056 : i32 to index
      %get3A_1058 = arith.index_cast %mul3A_1055 : i32 to index
      %get3A_1059 = tpu.vector_load %arg12[%get3A_1057, %get3A_1058] {strides = array<i32>} : memref<16x512xf32, #tpu.memory_space<vmem>>, vector<16xf32>,
      %max3A_1060 = arith.maximumf %max3A_1053, %get3A_1059 : vector<16xf32>
      %mul3A_1061 = arith.constant 16 : i32
      %mul3A_1062 = arith.muli %scan3A_999, %mul3A_1061 : i32
      %get3A_1063 = arith.constant 9 : i32
      %get3A_1064 = arith.index_cast %get3A_1063 : i32 to index
      %get3A_1065 = arith.index_cast %mul3A_1062 : i32 to index
      %get3A_1066 = tpu.vector_load %arg12[%get3A_1064, %get3A_1065] {strides = array<i32>} : memref<16x512xf32, #tpu.memory_space<vmem>>, vector<16xf32>,
      %max3A_1067 = arith.maximumf %max3A_1060, %get3A_1066 : vector<16xf32>
      %mul3A_1068 = arith.constant 16 : i32
      %mul3A_1069 = arith.muli %scan3A_999, %mul3A_1068 : i32
      %get3A_1070 = arith.constant 10 : i32
      %get3A_1071 = arith.index_cast %get3A_1070 : i32 to index
      %get3A_1072 = arith.index_cast %mul3A_1069 : i32 to index
      %get3A_1073 = tpu.vector_load %arg12[%get3A_1071, %get3A_1072] {strides = array<i32>} : memref<16x512xf32, #tpu.memory_space<vmem>>, vector<16xf32>,
      %max3A_1074 = arith.maximumf %max3A_1067, %get3A_1073 : vector<16xf32>
      %mul3A_1075 = arith.constant 16 : i32
      %mul3A_1076 = arith.muli %scan3A_999, %mul3A_1075 : i32
      %get3A_1077 = arith.constant 11 : i32
      %get3A_1078 = arith.index_cast %get3A_1077 : i32 to index
      %get3A_1079 = arith.index_cast %mul3A_1076 : i32 to index
      %get3A_1080 = tpu.vector_load %arg12[%get3A_1078, %get3A_1079] {strides = array<i32>} : memref<16x512xf32, #tpu.memory_space<vmem>>, vector<16xf32>,
      %max3A_1081 = arith.maximumf %max3A_1074, %get3A_1080 : vector<16xf32>
      %mul3A_1082 = arith.constant 16 : i32
      %mul3A_1083 = arith.muli %scan3A_999, %mul3A_1082 : i32
      %get3A_1084 = arith.constant 12 : i32
      %get3A_1085 = arith.index_cast %get3A_1084 : i32 to index
      %get3A_1086 = arith.index_cast %mul3A_1083 : i32 to index
      %get3A_1087 = tpu.vector_load %arg12[%get3A_1085, %get3A_1086] {strides = array<i32>} : memref<16x512xf32, #tpu.memory_space<vmem>>, vector<16xf32>,
      %max3A_1088 = arith.maximumf %max3A_1081, %get3A_1087 : vector<16xf32>
      %mul3A_1089 = arith.constant 16 : i32
      %mul3A_1090 = arith.muli %scan3A_999, %mul3A_1089 : i32
      %get3A_1091 = arith.constant 13 : i32
      %get3A_1092 = arith.index_cast %get3A_1091 : i32 to index
      %get3A_1093 = arith.index_cast %mul3A_1090 : i32 to index
      %get3A_1094 = tpu.vector_load %arg12[%get3A_1092, %get3A_1093] {strides = array<i32>} : memref<16x512xf32, #tpu.memory_space<vmem>>, vector<16xf32>,
      %max3A_1095 = arith.maximumf %max3A_1088, %get3A_1094 : vector<16xf32>
      %mul3A_1096 = arith.constant 16 : i32
      %mul3A_1097 = arith.muli %scan3A_999, %mul3A_1096 : i32
      %get3A_1098 = arith.constant 14 : i32
      %get3A_1099 = arith.index_cast %get3A_1098 : i32 to index
      %get3A_1100 = arith.index_cast %mul3A_1097 : i32 to index
      %get3A_1101 = tpu.vector_load %arg12[%get3A_1099, %get3A_1100] {strides = array<i32>} : memref<16x512xf32, #tpu.memory_space<vmem>>, vector<16xf32>,
      %max3A_1102 = arith.maximumf %max3A_1095, %get3A_1101 : vector<16xf32>
      %mul3A_1103 = arith.constant 16 : i32
      %mul3A_1104 = arith.muli %scan3A_999, %mul3A_1103 : i32
      %get3A_1105 = arith.constant 15 : i32
      %get3A_1106 = arith.index_cast %get3A_1105 : i32 to index
      %get3A_1107 = arith.index_cast %mul3A_1104 : i32 to index
      %get3A_1108 = tpu.vector_load %arg12[%get3A_1106, %get3A_1107] {strides = array<i32>} : memref<16x512xf32, #tpu.memory_space<vmem>>, vector<16xf32>,
      %max3A_1109 = arith.maximumf %max3A_1102, %get3A_1108 : vector<16xf32>
      %mul3A_1110 = arith.constant 16 : i32
      %mul3A_1111 = arith.muli %scan3A_999, %mul3A_1110 : i32
      %swap3A_1112 = arith.index_cast %mul3A_1111 : i32 to index
      %swap3A_1113 = tpu.vector_load %arg13[%swap3A_1112] {strides = array<i32>} : memref<512xf32, #tpu.memory_space<vmem>>, vector<16xf32>,
      tpu.vector_store %arg13[%swap3A_1112], %max3A_1109 {strides = array<i32>} : memref<512xf32, #tpu.memory_space<vmem>>, vector<16xf32>,
      %scan3A_1114 = arith.constant 0 : i32
      scf.yield %scan3A_1114 : i32
    }
    %scan3A_495 = arith.constant 32 : i32
    %mul3A_496 = arith.constant 512 : i32
    %mul3A_497 = arith.muli %arg1, %mul3A_496 : i32
    "tpu.region"() ({
      %run_scoped3A = tpu.sem_alloc : memref<!tpu.dma_semaphore, #tpu.memory_space<semaphore_mem>>
      %dma_start3A_999 = tpu.memref_slice %arg16[%mul3A_497] : memref<8192xf32, #tpu.memory_space<vmem_shared>> -> memref<512xf32, #tpu.memory_space<vmem_shared>>
      %dma_start3A_1000 = tpu.memref_slice %arg16[%mul3A_497] : memref<8192xf32, #tpu.memory_space<vmem_shared>> -> memref<512xf32, #tpu.memory_space<vmem_shared>>
      tpu.enqueue_dma source(%arg13 : memref<512xf32, #tpu.memory_space<vmem>>) target(%dma_start3A_1000 : memref<512xf32, #tpu.memory_space<vmem_shared>>) target_semaphore(%run_scoped3A : memref<!tpu.dma_semaphore, #tpu.memory_space<semaphore_mem>>)
      %dma_wait3A_1001 = tpu.memref_slice %arg16[%mul3A_497] : memref<8192xf32, #tpu.memory_space<vmem_shared>> -> memref<512xf32, #tpu.memory_space<vmem_shared>>
      %dma_wait3A_1002 = tpu.memref_slice %arg16[%mul3A_497] : memref<8192xf32, #tpu.memory_space<vmem_shared>> -> memref<512xf32, #tpu.memory_space<vmem_shared>>
      tpu.wait_dma2 semaphore(%run_scoped3A : memref<!tpu.dma_semaphore, #tpu.memory_space<semaphore_mem>>) src(%arg13 : memref<512xf32, #tpu.memory_space<vmem>>) dst(%dma_wait3A_1002 : memref<512xf32, #tpu.memory_space<vmem_shared>>)
      tpu.yield
    }) : () -> ()
    %mul3A_498 = arith.constant 512 : i32
    %mul3A_499 = arith.muli %arg1, %mul3A_498 : i32
    %dma_start3A_500 = arith.constant 0 : i32
    %dma_start3A_501 = arith.constant 0 : i32
    %dma_start3A_502 = arith.constant 0 : i32
    %dma_start3A_503 = tpu.memref_slice %arg12[%dma_start3A_501, %dma_start3A_502] : memref<16x512xf32, #tpu.memory_space<vmem>> -> memref<1x512xf32, #tpu.memory_space<vmem>>
    %dma_start3A_504 = tpu.memref_squeeze %dma_start3A_503 : memref<1x512xf32, #tpu.memory_space<vmem>> -> memref<512xf32, #tpu.memory_space<vmem>>
    %dma_start3A_505 = tpu.memref_slice %arg15[%dma_start3A_500, %mul3A_499] : memref<16x8192xf32, #tpu.memory_space<vmem_shared>> -> memref<1x512xf32, #tpu.memory_space<vmem_shared>>
    %dma_start3A_506 = tpu.memref_squeeze %dma_start3A_505 : memref<1x512xf32, #tpu.memory_space<vmem_shared>> -> memref<512xf32, #tpu.memory_space<vmem_shared>>
    %dma_start3A_507 = arith.constant 0 : i32
    %dma_start3A_508 = tpu.memref_slice %arg12[%dma_start3A_501, %dma_start3A_507] : memref<16x512xf32, #tpu.memory_space<vmem>> -> memref<1x512xf32, #tpu.memory_space<vmem>>
    %dma_start3A_509 = tpu.memref_squeeze %dma_start3A_508 : memref<1x512xf32, #tpu.memory_space<vmem>> -> memref<512xf32, #tpu.memory_space<vmem>>
    %dma_start3A_510 = tpu.memref_slice %arg15[%dma_start3A_500, %mul3A_499] : memref<16x8192xf32, #tpu.memory_space<vmem_shared>> -> memref<1x512xf32, #tpu.memory_space<vmem_shared>>
    %dma_start3A_511 = tpu.memref_squeeze %dma_start3A_510 : memref<1x512xf32, #tpu.memory_space<vmem_shared>> -> memref<512xf32, #tpu.memory_space<vmem_shared>>
    tpu.enqueue_dma source(%dma_start3A_511 : memref<512xf32, #tpu.memory_space<vmem_shared>>) target(%dma_start3A_509 : memref<512xf32, #tpu.memory_space<vmem>>) target_semaphore(%arg25 : memref<!tpu.dma_semaphore, #tpu.memory_space<semaphore_mem>>)
    %mul3A_512 = arith.constant 512 : i32
    %mul3A_513 = arith.muli %arg1, %mul3A_512 : i32
    %dma_start3A_514 = arith.constant 1 : i32
    %dma_start3A_515 = arith.constant 1 : i32
    %dma_start3A_516 = arith.constant 0 : i32
    %dma_start3A_517 = tpu.memref_slice %arg12[%dma_start3A_515, %dma_start3A_516] : memref<16x512xf32, #tpu.memory_space<vmem>> -> memref<1x512xf32, #tpu.memory_space<vmem>>
    %dma_start3A_518 = tpu.memref_squeeze %dma_start3A_517 : memref<1x512xf32, #tpu.memory_space<vmem>> -> memref<512xf32, #tpu.memory_space<vmem>>
    %dma_start3A_519 = tpu.memref_slice %arg15[%dma_start3A_514, %mul3A_513] : memref<16x8192xf32, #tpu.memory_space<vmem_shared>> -> memref<1x512xf32, #tpu.memory_space<vmem_shared>>
    %dma_start3A_520 = tpu.memref_squeeze %dma_start3A_519 : memref<1x512xf32, #tpu.memory_space<vmem_shared>> -> memref<512xf32, #tpu.memory_space<vmem_shared>>
    %dma_start3A_521 = arith.constant 0 : i32
    %dma_start3A_522 = tpu.memref_slice %arg12[%dma_start3A_515, %dma_start3A_521] : memref<16x512xf32, #tpu.memory_space<vmem>> -> memref<1x512xf32, #tpu.memory_space<vmem>>
    %dma_start3A_523 = tpu.memref_squeeze %dma_start3A_522 : memref<1x512xf32, #tpu.memory_space<vmem>> -> memref<512xf32, #tpu.memory_space<vmem>>
    %dma_start3A_524 = tpu.memref_slice %arg15[%dma_start3A_514, %mul3A_513] : memref<16x8192xf32, #tpu.memory_space<vmem_shared>> -> memref<1x512xf32, #tpu.memory_space<vmem_shared>>
    %dma_start3A_525 = tpu.memref_squeeze %dma_start3A_524 : memref<1x512xf32, #tpu.memory_space<vmem_shared>> -> memref<512xf32, #tpu.memory_space<vmem_shared>>
    tpu.enqueue_dma source(%dma_start3A_525 : memref<512xf32, #tpu.memory_space<vmem_shared>>) target(%dma_start3A_523 : memref<512xf32, #tpu.memory_space<vmem>>) target_semaphore(%arg25 : memref<!tpu.dma_semaphore, #tpu.memory_space<semaphore_mem>>)
    %mul3A_526 = arith.constant 512 : i32
    %mul3A_527 = arith.muli %arg1, %mul3A_526 : i32
    %dma_start3A_528 = arith.constant 2 : i32
    %dma_start3A_529 = arith.constant 2 : i32
    %dma_start3A_530 = arith.constant 0 : i32
    %dma_start3A_531 = tpu.memref_slice %arg12[%dma_start3A_529, %dma_start3A_530] : memref<16x512xf32, #tpu.memory_space<vmem>> -> memref<1x512xf32, #tpu.memory_space<vmem>>
    %dma_start3A_532 = tpu.memref_squeeze %dma_start3A_531 : memref<1x512xf32, #tpu.memory_space<vmem>> -> memref<512xf32, #tpu.memory_space<vmem>>
    %dma_start3A_533 = tpu.memref_slice %arg15[%dma_start3A_528, %mul3A_527] : memref<16x8192xf32, #tpu.memory_space<vmem_shared>> -> memref<1x512xf32, #tpu.memory_space<vmem_shared>>
    %dma_start3A_534 = tpu.memref_squeeze %dma_start3A_533 : memref<1x512xf32, #tpu.memory_space<vmem_shared>> -> memref<512xf32, #tpu.memory_space<vmem_shared>>
    %dma_start3A_535 = arith.constant 0 : i32
    %dma_start3A_536 = tpu.memref_slice %arg12[%dma_start3A_529, %dma_start3A_535] : memref<16x512xf32, #tpu.memory_space<vmem>> -> memref<1x512xf32, #tpu.memory_space<vmem>>
    %dma_start3A_537 = tpu.memref_squeeze %dma_start3A_536 : memref<1x512xf32, #tpu.memory_space<vmem>> -> memref<512xf32, #tpu.memory_space<vmem>>
    %dma_start3A_538 = tpu.memref_slice %arg15[%dma_start3A_528, %mul3A_527] : memref<16x8192xf32, #tpu.memory_space<vmem_shared>> -> memref<1x512xf32, #tpu.memory_space<vmem_shared>>
    %dma_start3A_539 = tpu.memref_squeeze %dma_start3A_538 : memref<1x512xf32, #tpu.memory_space<vmem_shared>> -> memref<512xf32, #tpu.memory_space<vmem_shared>>
    tpu.enqueue_dma source(%dma_start3A_539 : memref<512xf32, #tpu.memory_space<vmem_shared>>) target(%dma_start3A_537 : memref<512xf32, #tpu.memory_space<vmem>>) target_semaphore(%arg25 : memref<!tpu.dma_semaphore, #tpu.memory_space<semaphore_mem>>)
    %mul3A_540 = arith.constant 512 : i32
    %mul3A_541 = arith.muli %arg1, %mul3A_540 : i32
    %dma_start3A_542 = arith.constant 3 : i32
    %dma_start3A_543 = arith.constant 3 : i32
    %dma_start3A_544 = arith.constant 0 : i32
    %dma_start3A_545 = tpu.memref_slice %arg12[%dma_start3A_543, %dma_start3A_544] : memref<16x512xf32, #tpu.memory_space<vmem>> -> memref<1x512xf32, #tpu.memory_space<vmem>>
    %dma_start3A_546 = tpu.memref_squeeze %dma_start3A_545 : memref<1x512xf32, #tpu.memory_space<vmem>> -> memref<512xf32, #tpu.memory_space<vmem>>
    %dma_start3A_547 = tpu.memref_slice %arg15[%dma_start3A_542, %mul3A_541] : memref<16x8192xf32, #tpu.memory_space<vmem_shared>> -> memref<1x512xf32, #tpu.memory_space<vmem_shared>>
    %dma_start3A_548 = tpu.memref_squeeze %dma_start3A_547 : memref<1x512xf32, #tpu.memory_space<vmem_shared>> -> memref<512xf32, #tpu.memory_space<vmem_shared>>
    %dma_start3A_549 = arith.constant 0 : i32
    %dma_start3A_550 = tpu.memref_slice %arg12[%dma_start3A_543, %dma_start3A_549] : memref<16x512xf32, #tpu.memory_space<vmem>> -> memref<1x512xf32, #tpu.memory_space<vmem>>
    %dma_start3A_551 = tpu.memref_squeeze %dma_start3A_550 : memref<1x512xf32, #tpu.memory_space<vmem>> -> memref<512xf32, #tpu.memory_space<vmem>>
    %dma_start3A_552 = tpu.memref_slice %arg15[%dma_start3A_542, %mul3A_541] : memref<16x8192xf32, #tpu.memory_space<vmem_shared>> -> memref<1x512xf32, #tpu.memory_space<vmem_shared>>
    %dma_start3A_553 = tpu.memref_squeeze %dma_start3A_552 : memref<1x512xf32, #tpu.memory_space<vmem_shared>> -> memref<512xf32, #tpu.memory_space<vmem_shared>>
    tpu.enqueue_dma source(%dma_start3A_553 : memref<512xf32, #tpu.memory_space<vmem_shared>>) target(%dma_start3A_551 : memref<512xf32, #tpu.memory_space<vmem>>) target_semaphore(%arg25 : memref<!tpu.dma_semaphore, #tpu.memory_space<semaphore_mem>>)
    %mul3A_554 = arith.constant 512 : i32
    %mul3A_555 = arith.muli %arg1, %mul3A_554 : i32
    %dma_start3A_556 = arith.constant 4 : i32
    %dma_start3A_557 = arith.constant 4 : i32
    %dma_start3A_558 = arith.constant 0 : i32
    %dma_start3A_559 = tpu.memref_slice %arg12[%dma_start3A_557, %dma_start3A_558] : memref<16x512xf32, #tpu.memory_space<vmem>> -> memref<1x512xf32, #tpu.memory_space<vmem>>
    %dma_start3A_560 = tpu.memref_squeeze %dma_start3A_559 : memref<1x512xf32, #tpu.memory_space<vmem>> -> memref<512xf32, #tpu.memory_space<vmem>>
    %dma_start3A_561 = tpu.memref_slice %arg15[%dma_start3A_556, %mul3A_555] : memref<16x8192xf32, #tpu.memory_space<vmem_shared>> -> memref<1x512xf32, #tpu.memory_space<vmem_shared>>
    %dma_start3A_562 = tpu.memref_squeeze %dma_start3A_561 : memref<1x512xf32, #tpu.memory_space<vmem_shared>> -> memref<512xf32, #tpu.memory_space<vmem_shared>>
    %dma_start3A_563 = arith.constant 0 : i32
    %dma_start3A_564 = tpu.memref_slice %arg12[%dma_start3A_557, %dma_start3A_563] : memref<16x512xf32, #tpu.memory_space<vmem>> -> memref<1x512xf32, #tpu.memory_space<vmem>>
    %dma_start3A_565 = tpu.memref_squeeze %dma_start3A_564 : memref<1x512xf32, #tpu.memory_space<vmem>> -> memref<512xf32, #tpu.memory_space<vmem>>
    %dma_start3A_566 = tpu.memref_slice %arg15[%dma_start3A_556, %mul3A_555] : memref<16x8192xf32, #tpu.memory_space<vmem_shared>> -> memref<1x512xf32, #tpu.memory_space<vmem_shared>>
    %dma_start3A_567 = tpu.memref_squeeze %dma_start3A_566 : memref<1x512xf32, #tpu.memory_space<vmem_shared>> -> memref<512xf32, #tpu.memory_space<vmem_shared>>
    tpu.enqueue_dma source(%dma_start3A_567 : memref<512xf32, #tpu.memory_space<vmem_shared>>) target(%dma_start3A_565 : memref<512xf32, #tpu.memory_space<vmem>>) target_semaphore(%arg25 : memref<!tpu.dma_semaphore, #tpu.memory_space<semaphore_mem>>)
    %mul3A_568 = arith.constant 512 : i32
    %mul3A_569 = arith.muli %arg1, %mul3A_568 : i32
    %dma_start3A_570 = arith.constant 5 : i32
    %dma_start3A_571 = arith.constant 5 : i32
    %dma_start3A_572 = arith.constant 0 : i32
    %dma_start3A_573 = tpu.memref_slice %arg12[%dma_start3A_571, %dma_start3A_572] : memref<16x512xf32, #tpu.memory_space<vmem>> -> memref<1x512xf32, #tpu.memory_space<vmem>>
    %dma_start3A_574 = tpu.memref_squeeze %dma_start3A_573 : memref<1x512xf32, #tpu.memory_space<vmem>> -> memref<512xf32, #tpu.memory_space<vmem>>
    %dma_start3A_575 = tpu.memref_slice %arg15[%dma_start3A_570, %mul3A_569] : memref<16x8192xf32, #tpu.memory_space<vmem_shared>> -> memref<1x512xf32, #tpu.memory_space<vmem_shared>>
    %dma_start3A_576 = tpu.memref_squeeze %dma_start3A_575 : memref<1x512xf32, #tpu.memory_space<vmem_shared>> -> memref<512xf32, #tpu.memory_space<vmem_shared>>
    %dma_start3A_577 = arith.constant 0 : i32
    %dma_start3A_578 = tpu.memref_slice %arg12[%dma_start3A_571, %dma_start3A_577] : memref<16x512xf32, #tpu.memory_space<vmem>> -> memref<1x512xf32, #tpu.memory_space<vmem>>
    %dma_start3A_579 = tpu.memref_squeeze %dma_start3A_578 : memref<1x512xf32, #tpu.memory_space<vmem>> -> memref<512xf32, #tpu.memory_space<vmem>>
    %dma_start3A_580 = tpu.memref_slice %arg15[%dma_start3A_570, %mul3A_569] : memref<16x8192xf32, #tpu.memory_space<vmem_shared>> -> memref<1x512xf32, #tpu.memory_space<vmem_shared>>
    %dma_start3A_581 = tpu.memref_squeeze %dma_start3A_580 : memref<1x512xf32, #tpu.memory_space<vmem_shared>> -> memref<512xf32, #tpu.memory_space<vmem_shared>>
    tpu.enqueue_dma source(%dma_start3A_581 : memref<512xf32, #tpu.memory_space<vmem_shared>>) target(%dma_start3A_579 : memref<512xf32, #tpu.memory_space<vmem>>) target_semaphore(%arg25 : memref<!tpu.dma_semaphore, #tpu.memory_space<semaphore_mem>>)
    %mul3A_582 = arith.constant 512 : i32
    %mul3A_583 = arith.muli %arg1, %mul3A_582 : i32
    %dma_start3A_584 = arith.constant 6 : i32
    %dma_start3A_585 = arith.constant 6 : i32
    %dma_start3A_586 = arith.constant 0 : i32
    %dma_start3A_587 = tpu.memref_slice %arg12[%dma_start3A_585, %dma_start3A_586] : memref<16x512xf32, #tpu.memory_space<vmem>> -> memref<1x512xf32, #tpu.memory_space<vmem>>
    %dma_start3A_588 = tpu.memref_squeeze %dma_start3A_587 : memref<1x512xf32, #tpu.memory_space<vmem>> -> memref<512xf32, #tpu.memory_space<vmem>>
    %dma_start3A_589 = tpu.memref_slice %arg15[%dma_start3A_584, %mul3A_583] : memref<16x8192xf32, #tpu.memory_space<vmem_shared>> -> memref<1x512xf32, #tpu.memory_space<vmem_shared>>
    %dma_start3A_590 = tpu.memref_squeeze %dma_start3A_589 : memref<1x512xf32, #tpu.memory_space<vmem_shared>> -> memref<512xf32, #tpu.memory_space<vmem_shared>>
    %dma_start3A_591 = arith.constant 0 : i32
    %dma_start3A_592 = tpu.memref_slice %arg12[%dma_start3A_585, %dma_start3A_591] : memref<16x512xf32, #tpu.memory_space<vmem>> -> memref<1x512xf32, #tpu.memory_space<vmem>>
    %dma_start3A_593 = tpu.memref_squeeze %dma_start3A_592 : memref<1x512xf32, #tpu.memory_space<vmem>> -> memref<512xf32, #tpu.memory_space<vmem>>
    %dma_start3A_594 = tpu.memref_slice %arg15[%dma_start3A_584, %mul3A_583] : memref<16x8192xf32, #tpu.memory_space<vmem_shared>> -> memref<1x512xf32, #tpu.memory_space<vmem_shared>>
    %dma_start3A_595 = tpu.memref_squeeze %dma_start3A_594 : memref<1x512xf32, #tpu.memory_space<vmem_shared>> -> memref<512xf32, #tpu.memory_space<vmem_shared>>
    tpu.enqueue_dma source(%dma_start3A_595 : memref<512xf32, #tpu.memory_space<vmem_shared>>) target(%dma_start3A_593 : memref<512xf32, #tpu.memory_space<vmem>>) target_semaphore(%arg25 : memref<!tpu.dma_semaphore, #tpu.memory_space<semaphore_mem>>)
    %mul3A_596 = arith.constant 512 : i32
    %mul3A_597 = arith.muli %arg1, %mul3A_596 : i32
    %dma_start3A_598 = arith.constant 7 : i32
    %dma_start3A_599 = arith.constant 7 : i32
    %dma_start3A_600 = arith.constant 0 : i32
    %dma_start3A_601 = tpu.memref_slice %arg12[%dma_start3A_599, %dma_start3A_600] : memref<16x512xf32, #tpu.memory_space<vmem>> -> memref<1x512xf32, #tpu.memory_space<vmem>>
    %dma_start3A_602 = tpu.memref_squeeze %dma_start3A_601 : memref<1x512xf32, #tpu.memory_space<vmem>> -> memref<512xf32, #tpu.memory_space<vmem>>
    %dma_start3A_603 = tpu.memref_slice %arg15[%dma_start3A_598, %mul3A_597] : memref<16x8192xf32, #tpu.memory_space<vmem_shared>> -> memref<1x512xf32, #tpu.memory_space<vmem_shared>>
    %dma_start3A_604 = tpu.memref_squeeze %dma_start3A_603 : memref<1x512xf32, #tpu.memory_space<vmem_shared>> -> memref<512xf32, #tpu.memory_space<vmem_shared>>
    %dma_start3A_605 = arith.constant 0 : i32
    %dma_start3A_606 = tpu.memref_slice %arg12[%dma_start3A_599, %dma_start3A_605] : memref<16x512xf32, #tpu.memory_space<vmem>> -> memref<1x512xf32, #tpu.memory_space<vmem>>
    %dma_start3A_607 = tpu.memref_squeeze %dma_start3A_606 : memref<1x512xf32, #tpu.memory_space<vmem>> -> memref<512xf32, #tpu.memory_space<vmem>>
    %dma_start3A_608 = tpu.memref_slice %arg15[%dma_start3A_598, %mul3A_597] : memref<16x8192xf32, #tpu.memory_space<vmem_shared>> -> memref<1x512xf32, #tpu.memory_space<vmem_shared>>
    %dma_start3A_609 = tpu.memref_squeeze %dma_start3A_608 : memref<1x512xf32, #tpu.memory_space<vmem_shared>> -> memref<512xf32, #tpu.memory_space<vmem_shared>>
    tpu.enqueue_dma source(%dma_start3A_609 : memref<512xf32, #tpu.memory_space<vmem_shared>>) target(%dma_start3A_607 : memref<512xf32, #tpu.memory_space<vmem>>) target_semaphore(%arg25 : memref<!tpu.dma_semaphore, #tpu.memory_space<semaphore_mem>>)
    %mul3A_610 = arith.constant 512 : i32
    %mul3A_611 = arith.muli %arg1, %mul3A_610 : i32
    %dma_start3A_612 = arith.constant 8 : i32
    %dma_start3A_613 = arith.constant 8 : i32
    %dma_start3A_614 = arith.constant 0 : i32
    %dma_start3A_615 = tpu.memref_slice %arg12[%dma_start3A_613, %dma_start3A_614] : memref<16x512xf32, #tpu.memory_space<vmem>> -> memref<1x512xf32, #tpu.memory_space<vmem>>
    %dma_start3A_616 = tpu.memref_squeeze %dma_start3A_615 : memref<1x512xf32, #tpu.memory_space<vmem>> -> memref<512xf32, #tpu.memory_space<vmem>>
    %dma_start3A_617 = tpu.memref_slice %arg15[%dma_start3A_612, %mul3A_611] : memref<16x8192xf32, #tpu.memory_space<vmem_shared>> -> memref<1x512xf32, #tpu.memory_space<vmem_shared>>
    %dma_start3A_618 = tpu.memref_squeeze %dma_start3A_617 : memref<1x512xf32, #tpu.memory_space<vmem_shared>> -> memref<512xf32, #tpu.memory_space<vmem_shared>>
    %dma_start3A_619 = arith.constant 0 : i32
    %dma_start3A_620 = tpu.memref_slice %arg12[%dma_start3A_613, %dma_start3A_619] : memref<16x512xf32, #tpu.memory_space<vmem>> -> memref<1x512xf32, #tpu.memory_space<vmem>>
    %dma_start3A_621 = tpu.memref_squeeze %dma_start3A_620 : memref<1x512xf32, #tpu.memory_space<vmem>> -> memref<512xf32, #tpu.memory_space<vmem>>
    %dma_start3A_622 = tpu.memref_slice %arg15[%dma_start3A_612, %mul3A_611] : memref<16x8192xf32, #tpu.memory_space<vmem_shared>> -> memref<1x512xf32, #tpu.memory_space<vmem_shared>>
    %dma_start3A_623 = tpu.memref_squeeze %dma_start3A_622 : memref<1x512xf32, #tpu.memory_space<vmem_shared>> -> memref<512xf32, #tpu.memory_space<vmem_shared>>
    tpu.enqueue_dma source(%dma_start3A_623 : memref<512xf32, #tpu.memory_space<vmem_shared>>) target(%dma_start3A_621 : memref<512xf32, #tpu.memory_space<vmem>>) target_semaphore(%arg25 : memref<!tpu.dma_semaphore, #tpu.memory_space<semaphore_mem>>)
    %mul3A_624 = arith.constant 512 : i32
    %mul3A_625 = arith.muli %arg1, %mul3A_624 : i32
    %dma_start3A_626 = arith.constant 9 : i32
    %dma_start3A_627 = arith.constant 9 : i32
    %dma_start3A_628 = arith.constant 0 : i32
    %dma_start3A_629 = tpu.memref_slice %arg12[%dma_start3A_627, %dma_start3A_628] : memref<16x512xf32, #tpu.memory_space<vmem>> -> memref<1x512xf32, #tpu.memory_space<vmem>>
    %dma_start3A_630 = tpu.memref_squeeze %dma_start3A_629 : memref<1x512xf32, #tpu.memory_space<vmem>> -> memref<512xf32, #tpu.memory_space<vmem>>
    %dma_start3A_631 = tpu.memref_slice %arg15[%dma_start3A_626, %mul3A_625] : memref<16x8192xf32, #tpu.memory_space<vmem_shared>> -> memref<1x512xf32, #tpu.memory_space<vmem_shared>>
    %dma_start3A_632 = tpu.memref_squeeze %dma_start3A_631 : memref<1x512xf32, #tpu.memory_space<vmem_shared>> -> memref<512xf32, #tpu.memory_space<vmem_shared>>
    %dma_start3A_633 = arith.constant 0 : i32
    %dma_start3A_634 = tpu.memref_slice %arg12[%dma_start3A_627, %dma_start3A_633] : memref<16x512xf32, #tpu.memory_space<vmem>> -> memref<1x512xf32, #tpu.memory_space<vmem>>
    %dma_start3A_635 = tpu.memref_squeeze %dma_start3A_634 : memref<1x512xf32, #tpu.memory_space<vmem>> -> memref<512xf32, #tpu.memory_space<vmem>>
    %dma_start3A_636 = tpu.memref_slice %arg15[%dma_start3A_626, %mul3A_625] : memref<16x8192xf32, #tpu.memory_space<vmem_shared>> -> memref<1x512xf32, #tpu.memory_space<vmem_shared>>
    %dma_start3A_637 = tpu.memref_squeeze %dma_start3A_636 : memref<1x512xf32, #tpu.memory_space<vmem_shared>> -> memref<512xf32, #tpu.memory_space<vmem_shared>>
    tpu.enqueue_dma source(%dma_start3A_637 : memref<512xf32, #tpu.memory_space<vmem_shared>>) target(%dma_start3A_635 : memref<512xf32, #tpu.memory_space<vmem>>) target_semaphore(%arg25 : memref<!tpu.dma_semaphore, #tpu.memory_space<semaphore_mem>>)
    %mul3A_638 = arith.constant 512 : i32
    %mul3A_639 = arith.muli %arg1, %mul3A_638 : i32
    %dma_start3A_640 = arith.constant 10 : i32
    %dma_start3A_641 = arith.constant 10 : i32
    %dma_start3A_642 = arith.constant 0 : i32
    %dma_start3A_643 = tpu.memref_slice %arg12[%dma_start3A_641, %dma_start3A_642] : memref<16x512xf32, #tpu.memory_space<vmem>> -> memref<1x512xf32, #tpu.memory_space<vmem>>
    %dma_start3A_644 = tpu.memref_squeeze %dma_start3A_643 : memref<1x512xf32, #tpu.memory_space<vmem>> -> memref<512xf32, #tpu.memory_space<vmem>>
    %dma_start3A_645 = tpu.memref_slice %arg15[%dma_start3A_640, %mul3A_639] : memref<16x8192xf32, #tpu.memory_space<vmem_shared>> -> memref<1x512xf32, #tpu.memory_space<vmem_shared>>
    %dma_start3A_646 = tpu.memref_squeeze %dma_start3A_645 : memref<1x512xf32, #tpu.memory_space<vmem_shared>> -> memref<512xf32, #tpu.memory_space<vmem_shared>>
    %dma_start3A_647 = arith.constant 0 : i32
    %dma_start3A_648 = tpu.memref_slice %arg12[%dma_start3A_641, %dma_start3A_647] : memref<16x512xf32, #tpu.memory_space<vmem>> -> memref<1x512xf32, #tpu.memory_space<vmem>>
    %dma_start3A_649 = tpu.memref_squeeze %dma_start3A_648 : memref<1x512xf32, #tpu.memory_space<vmem>> -> memref<512xf32, #tpu.memory_space<vmem>>
    %dma_start3A_650 = tpu.memref_slice %arg15[%dma_start3A_640, %mul3A_639] : memref<16x8192xf32, #tpu.memory_space<vmem_shared>> -> memref<1x512xf32, #tpu.memory_space<vmem_shared>>
    %dma_start3A_651 = tpu.memref_squeeze %dma_start3A_650 : memref<1x512xf32, #tpu.memory_space<vmem_shared>> -> memref<512xf32, #tpu.memory_space<vmem_shared>>
    tpu.enqueue_dma source(%dma_start3A_651 : memref<512xf32, #tpu.memory_space<vmem_shared>>) target(%dma_start3A_649 : memref<512xf32, #tpu.memory_space<vmem>>) target_semaphore(%arg25 : memref<!tpu.dma_semaphore, #tpu.memory_space<semaphore_mem>>)
    %mul3A_652 = arith.constant 512 : i32
    %mul3A_653 = arith.muli %arg1, %mul3A_652 : i32
    %dma_start3A_654 = arith.constant 11 : i32
    %dma_start3A_655 = arith.constant 11 : i32
    %dma_start3A_656 = arith.constant 0 : i32
    %dma_start3A_657 = tpu.memref_slice %arg12[%dma_start3A_655, %dma_start3A_656] : memref<16x512xf32, #tpu.memory_space<vmem>> -> memref<1x512xf32, #tpu.memory_space<vmem>>
    %dma_start3A_658 = tpu.memref_squeeze %dma_start3A_657 : memref<1x512xf32, #tpu.memory_space<vmem>> -> memref<512xf32, #tpu.memory_space<vmem>>
    %dma_start3A_659 = tpu.memref_slice %arg15[%dma_start3A_654, %mul3A_653] : memref<16x8192xf32, #tpu.memory_space<vmem_shared>> -> memref<1x512xf32, #tpu.memory_space<vmem_shared>>
    %dma_start3A_660 = tpu.memref_squeeze %dma_start3A_659 : memref<1x512xf32, #tpu.memory_space<vmem_shared>> -> memref<512xf32, #tpu.memory_space<vmem_shared>>
    %dma_start3A_661 = arith.constant 0 : i32
    %dma_start3A_662 = tpu.memref_slice %arg12[%dma_start3A_655, %dma_start3A_661] : memref<16x512xf32, #tpu.memory_space<vmem>> -> memref<1x512xf32, #tpu.memory_space<vmem>>
    %dma_start3A_663 = tpu.memref_squeeze %dma_start3A_662 : memref<1x512xf32, #tpu.memory_space<vmem>> -> memref<512xf32, #tpu.memory_space<vmem>>
    %dma_start3A_664 = tpu.memref_slice %arg15[%dma_start3A_654, %mul3A_653] : memref<16x8192xf32, #tpu.memory_space<vmem_shared>> -> memref<1x512xf32, #tpu.memory_space<vmem_shared>>
    %dma_start3A_665 = tpu.memref_squeeze %dma_start3A_664 : memref<1x512xf32, #tpu.memory_space<vmem_shared>> -> memref<512xf32, #tpu.memory_space<vmem_shared>>
    tpu.enqueue_dma source(%dma_start3A_665 : memref<512xf32, #tpu.memory_space<vmem_shared>>) target(%dma_start3A_663 : memref<512xf32, #tpu.memory_space<vmem>>) target_semaphore(%arg25 : memref<!tpu.dma_semaphore, #tpu.memory_space<semaphore_mem>>)
    %mul3A_666 = arith.constant 512 : i32
    %mul3A_667 = arith.muli %arg1, %mul3A_666 : i32
    %dma_start3A_668 = arith.constant 12 : i32
    %dma_start3A_669 = arith.constant 12 : i32
    %dma_start3A_670 = arith.constant 0 : i32
    %dma_start3A_671 = tpu.memref_slice %arg12[%dma_start3A_669, %dma_start3A_670] : memref<16x512xf32, #tpu.memory_space<vmem>> -> memref<1x512xf32, #tpu.memory_space<vmem>>
    %dma_start3A_672 = tpu.memref_squeeze %dma_start3A_671 : memref<1x512xf32, #tpu.memory_space<vmem>> -> memref<512xf32, #tpu.memory_space<vmem>>
    %dma_start3A_673 = tpu.memref_slice %arg15[%dma_start3A_668, %mul3A_667] : memref<16x8192xf32, #tpu.memory_space<vmem_shared>> -> memref<1x512xf32, #tpu.memory_space<vmem_shared>>
    %dma_start3A_674 = tpu.memref_squeeze %dma_start3A_673 : memref<1x512xf32, #tpu.memory_space<vmem_shared>> -> memref<512xf32, #tpu.memory_space<vmem_shared>>
    %dma_start3A_675 = arith.constant 0 : i32
    %dma_start3A_676 = tpu.memref_slice %arg12[%dma_start3A_669, %dma_start3A_675] : memref<16x512xf32, #tpu.memory_space<vmem>> -> memref<1x512xf32, #tpu.memory_space<vmem>>
    %dma_start3A_677 = tpu.memref_squeeze %dma_start3A_676 : memref<1x512xf32, #tpu.memory_space<vmem>> -> memref<512xf32, #tpu.memory_space<vmem>>
    %dma_start3A_678 = tpu.memref_slice %arg15[%dma_start3A_668, %mul3A_667] : memref<16x8192xf32, #tpu.memory_space<vmem_shared>> -> memref<1x512xf32, #tpu.memory_space<vmem_shared>>
    %dma_start3A_679 = tpu.memref_squeeze %dma_start3A_678 : memref<1x512xf32, #tpu.memory_space<vmem_shared>> -> memref<512xf32, #tpu.memory_space<vmem_shared>>
    tpu.enqueue_dma source(%dma_start3A_679 : memref<512xf32, #tpu.memory_space<vmem_shared>>) target(%dma_start3A_677 : memref<512xf32, #tpu.memory_space<vmem>>) target_semaphore(%arg25 : memref<!tpu.dma_semaphore, #tpu.memory_space<semaphore_mem>>)
    %mul3A_680 = arith.constant 512 : i32
    %mul3A_681 = arith.muli %arg1, %mul3A_680 : i32
    %dma_start3A_682 = arith.constant 13 : i32
    %dma_start3A_683 = arith.constant 13 : i32
    %dma_start3A_684 = arith.constant 0 : i32
    %dma_start3A_685 = tpu.memref_slice %arg12[%dma_start3A_683, %dma_start3A_684] : memref<16x512xf32, #tpu.memory_space<vmem>> -> memref<1x512xf32, #tpu.memory_space<vmem>>
    %dma_start3A_686 = tpu.memref_squeeze %dma_start3A_685 : memref<1x512xf32, #tpu.memory_space<vmem>> -> memref<512xf32, #tpu.memory_space<vmem>>
    %dma_start3A_687 = tpu.memref_slice %arg15[%dma_start3A_682, %mul3A_681] : memref<16x8192xf32, #tpu.memory_space<vmem_shared>> -> memref<1x512xf32, #tpu.memory_space<vmem_shared>>
    %dma_start3A_688 = tpu.memref_squeeze %dma_start3A_687 : memref<1x512xf32, #tpu.memory_space<vmem_shared>> -> memref<512xf32, #tpu.memory_space<vmem_shared>>
    %dma_start3A_689 = arith.constant 0 : i32
    %dma_start3A_690 = tpu.memref_slice %arg12[%dma_start3A_683, %dma_start3A_689] : memref<16x512xf32, #tpu.memory_space<vmem>> -> memref<1x512xf32, #tpu.memory_space<vmem>>
    %dma_start3A_691 = tpu.memref_squeeze %dma_start3A_690 : memref<1x512xf32, #tpu.memory_space<vmem>> -> memref<512xf32, #tpu.memory_space<vmem>>
    %dma_start3A_692 = tpu.memref_slice %arg15[%dma_start3A_682, %mul3A_681] : memref<16x8192xf32, #tpu.memory_space<vmem_shared>> -> memref<1x512xf32, #tpu.memory_space<vmem_shared>>
    %dma_start3A_693 = tpu.memref_squeeze %dma_start3A_692 : memref<1x512xf32, #tpu.memory_space<vmem_shared>> -> memref<512xf32, #tpu.memory_space<vmem_shared>>
    tpu.enqueue_dma source(%dma_start3A_693 : memref<512xf32, #tpu.memory_space<vmem_shared>>) target(%dma_start3A_691 : memref<512xf32, #tpu.memory_space<vmem>>) target_semaphore(%arg25 : memref<!tpu.dma_semaphore, #tpu.memory_space<semaphore_mem>>)
    %mul3A_694 = arith.constant 512 : i32
    %mul3A_695 = arith.muli %arg1, %mul3A_694 : i32
    %dma_start3A_696 = arith.constant 14 : i32
    %dma_start3A_697 = arith.constant 14 : i32
    %dma_start3A_698 = arith.constant 0 : i32
    %dma_start3A_699 = tpu.memref_slice %arg12[%dma_start3A_697, %dma_start3A_698] : memref<16x512xf32, #tpu.memory_space<vmem>> -> memref<1x512xf32, #tpu.memory_space<vmem>>
    %dma_start3A_700 = tpu.memref_squeeze %dma_start3A_699 : memref<1x512xf32, #tpu.memory_space<vmem>> -> memref<512xf32, #tpu.memory_space<vmem>>
    %dma_start3A_701 = tpu.memref_slice %arg15[%dma_start3A_696, %mul3A_695] : memref<16x8192xf32, #tpu.memory_space<vmem_shared>> -> memref<1x512xf32, #tpu.memory_space<vmem_shared>>
    %dma_start3A_702 = tpu.memref_squeeze %dma_start3A_701 : memref<1x512xf32, #tpu.memory_space<vmem_shared>> -> memref<512xf32, #tpu.memory_space<vmem_shared>>
    %dma_start3A_703 = arith.constant 0 : i32
    %dma_start3A_704 = tpu.memref_slice %arg12[%dma_start3A_697, %dma_start3A_703] : memref<16x512xf32, #tpu.memory_space<vmem>> -> memref<1x512xf32, #tpu.memory_space<vmem>>
    %dma_start3A_705 = tpu.memref_squeeze %dma_start3A_704 : memref<1x512xf32, #tpu.memory_space<vmem>> -> memref<512xf32, #tpu.memory_space<vmem>>
    %dma_start3A_706 = tpu.memref_slice %arg15[%dma_start3A_696, %mul3A_695] : memref<16x8192xf32, #tpu.memory_space<vmem_shared>> -> memref<1x512xf32, #tpu.memory_space<vmem_shared>>
    %dma_start3A_707 = tpu.memref_squeeze %dma_start3A_706 : memref<1x512xf32, #tpu.memory_space<vmem_shared>> -> memref<512xf32, #tpu.memory_space<vmem_shared>>
    tpu.enqueue_dma source(%dma_start3A_707 : memref<512xf32, #tpu.memory_space<vmem_shared>>) target(%dma_start3A_705 : memref<512xf32, #tpu.memory_space<vmem>>) target_semaphore(%arg25 : memref<!tpu.dma_semaphore, #tpu.memory_space<semaphore_mem>>)
    %mul3A_708 = arith.constant 512 : i32
    %mul3A_709 = arith.muli %arg1, %mul3A_708 : i32
    %dma_start3A_710 = arith.constant 15 : i32
    %dma_start3A_711 = arith.constant 15 : i32
    %dma_start3A_712 = arith.constant 0 : i32
    %dma_start3A_713 = tpu.memref_slice %arg12[%dma_start3A_711, %dma_start3A_712] : memref<16x512xf32, #tpu.memory_space<vmem>> -> memref<1x512xf32, #tpu.memory_space<vmem>>
    %dma_start3A_714 = tpu.memref_squeeze %dma_start3A_713 : memref<1x512xf32, #tpu.memory_space<vmem>> -> memref<512xf32, #tpu.memory_space<vmem>>
    %dma_start3A_715 = tpu.memref_slice %arg15[%dma_start3A_710, %mul3A_709] : memref<16x8192xf32, #tpu.memory_space<vmem_shared>> -> memref<1x512xf32, #tpu.memory_space<vmem_shared>>
    %dma_start3A_716 = tpu.memref_squeeze %dma_start3A_715 : memref<1x512xf32, #tpu.memory_space<vmem_shared>> -> memref<512xf32, #tpu.memory_space<vmem_shared>>
    %dma_start3A_717 = arith.constant 0 : i32
    %dma_start3A_718 = tpu.memref_slice %arg12[%dma_start3A_711, %dma_start3A_717] : memref<16x512xf32, #tpu.memory_space<vmem>> -> memref<1x512xf32, #tpu.memory_space<vmem>>
    %dma_start3A_719 = tpu.memref_squeeze %dma_start3A_718 : memref<1x512xf32, #tpu.memory_space<vmem>> -> memref<512xf32, #tpu.memory_space<vmem>>
    %dma_start3A_720 = tpu.memref_slice %arg15[%dma_start3A_710, %mul3A_709] : memref<16x8192xf32, #tpu.memory_space<vmem_shared>> -> memref<1x512xf32, #tpu.memory_space<vmem_shared>>
    %dma_start3A_721 = tpu.memref_squeeze %dma_start3A_720 : memref<1x512xf32, #tpu.memory_space<vmem_shared>> -> memref<512xf32, #tpu.memory_space<vmem_shared>>
    tpu.enqueue_dma source(%dma_start3A_721 : memref<512xf32, #tpu.memory_space<vmem_shared>>) target(%dma_start3A_719 : memref<512xf32, #tpu.memory_space<vmem>>) target_semaphore(%arg25 : memref<!tpu.dma_semaphore, #tpu.memory_space<semaphore_mem>>)
    %dma_wait3A_722 = arith.constant 0 : i32
    %dma_wait3A_723 = arith.constant 0 : i32
    %dma_wait3A_724 = arith.constant 0 : i32
    %dma_wait3A_725 = tpu.memref_slice %arg12[%dma_wait3A_723, %dma_wait3A_724] : memref<16x512xf32, #tpu.memory_space<vmem>> -> memref<1x512xf32, #tpu.memory_space<vmem>>
    %dma_wait3A_726 = tpu.memref_squeeze %dma_wait3A_725 : memref<1x512xf32, #tpu.memory_space<vmem>> -> memref<512xf32, #tpu.memory_space<vmem>>
    %dma_wait3A_727 = tpu.memref_slice %arg15[%dma_wait3A_722, %mul3A_499] : memref<16x8192xf32, #tpu.memory_space<vmem_shared>> -> memref<1x512xf32, #tpu.memory_space<vmem_shared>>
    %dma_wait3A_728 = tpu.memref_squeeze %dma_wait3A_727 : memref<1x512xf32, #tpu.memory_space<vmem_shared>> -> memref<512xf32, #tpu.memory_space<vmem_shared>>
    %dma_wait3A_729 = arith.constant 0 : i32
    %dma_wait3A_730 = tpu.memref_slice %arg12[%dma_wait3A_723, %dma_wait3A_729] : memref<16x512xf32, #tpu.memory_space<vmem>> -> memref<1x512xf32, #tpu.memory_space<vmem>>
    %dma_wait3A_731 = tpu.memref_squeeze %dma_wait3A_730 : memref<1x512xf32, #tpu.memory_space<vmem>> -> memref<512xf32, #tpu.memory_space<vmem>>
    %dma_wait3A_732 = tpu.memref_slice %arg15[%dma_wait3A_722, %mul3A_499] : memref<16x8192xf32, #tpu.memory_space<vmem_shared>> -> memref<1x512xf32, #tpu.memory_space<vmem_shared>>
    %dma_wait3A_733 = tpu.memref_squeeze %dma_wait3A_732 : memref<1x512xf32, #tpu.memory_space<vmem_shared>> -> memref<512xf32, #tpu.memory_space<vmem_shared>>
    tpu.wait_dma2 semaphore(%arg25 : memref<!tpu.dma_semaphore, #tpu.memory_space<semaphore_mem>>) src(%dma_wait3A_733 : memref<512xf32, #tpu.memory_space<vmem_shared>>) dst(%dma_wait3A_731 : memref<512xf32, #tpu.memory_space<vmem>>)
    %dma_wait3A_734 = arith.constant 1 : i32
    %dma_wait3A_735 = arith.constant 1 : i32
    %dma_wait3A_736 = arith.constant 0 : i32
    %dma_wait3A_737 = tpu.memref_slice %arg12[%dma_wait3A_735, %dma_wait3A_736] : memref<16x512xf32, #tpu.memory_space<vmem>> -> memref<1x512xf32, #tpu.memory_space<vmem>>
    %dma_wait3A_738 = tpu.memref_squeeze %dma_wait3A_737 : memref<1x512xf32, #tpu.memory_space<vmem>> -> memref<512xf32, #tpu.memory_space<vmem>>
    %dma_wait3A_739 = tpu.memref_slice %arg15[%dma_wait3A_734, %mul3A_513] : memref<16x8192xf32, #tpu.memory_space<vmem_shared>> -> memref<1x512xf32, #tpu.memory_space<vmem_shared>>
    %dma_wait3A_740 = tpu.memref_squeeze %dma_wait3A_739 : memref<1x512xf32, #tpu.memory_space<vmem_shared>> -> memref<512xf32, #tpu.memory_space<vmem_shared>>
    %dma_wait3A_741 = arith.constant 0 : i32
    %dma_wait3A_742 = tpu.memref_slice %arg12[%dma_wait3A_735, %dma_wait3A_741] : memref<16x512xf32, #tpu.memory_space<vmem>> -> memref<1x512xf32, #tpu.memory_space<vmem>>
    %dma_wait3A_743 = tpu.memref_squeeze %dma_wait3A_742 : memref<1x512xf32, #tpu.memory_space<vmem>> -> memref<512xf32, #tpu.memory_space<vmem>>
    %dma_wait3A_744 = tpu.memref_slice %arg15[%dma_wait3A_734, %mul3A_513] : memref<16x8192xf32, #tpu.memory_space<vmem_shared>> -> memref<1x512xf32, #tpu.memory_space<vmem_shared>>
    %dma_wait3A_745 = tpu.memref_squeeze %dma_wait3A_744 : memref<1x512xf32, #tpu.memory_space<vmem_shared>> -> memref<512xf32, #tpu.memory_space<vmem_shared>>
    tpu.wait_dma2 semaphore(%arg25 : memref<!tpu.dma_semaphore, #tpu.memory_space<semaphore_mem>>) src(%dma_wait3A_745 : memref<512xf32, #tpu.memory_space<vmem_shared>>) dst(%dma_wait3A_743 : memref<512xf32, #tpu.memory_space<vmem>>)
    %dma_wait3A_746 = arith.constant 2 : i32
    %dma_wait3A_747 = arith.constant 2 : i32
    %dma_wait3A_748 = arith.constant 0 : i32
    %dma_wait3A_749 = tpu.memref_slice %arg12[%dma_wait3A_747, %dma_wait3A_748] : memref<16x512xf32, #tpu.memory_space<vmem>> -> memref<1x512xf32, #tpu.memory_space<vmem>>
    %dma_wait3A_750 = tpu.memref_squeeze %dma_wait3A_749 : memref<1x512xf32, #tpu.memory_space<vmem>> -> memref<512xf32, #tpu.memory_space<vmem>>
    %dma_wait3A_751 = tpu.memref_slice %arg15[%dma_wait3A_746, %mul3A_527] : memref<16x8192xf32, #tpu.memory_space<vmem_shared>> -> memref<1x512xf32, #tpu.memory_space<vmem_shared>>
    %dma_wait3A_752 = tpu.memref_squeeze %dma_wait3A_751 : memref<1x512xf32, #tpu.memory_space<vmem_shared>> -> memref<512xf32, #tpu.memory_space<vmem_shared>>
    %dma_wait3A_753 = arith.constant 0 : i32
    %dma_wait3A_754 = tpu.memref_slice %arg12[%dma_wait3A_747, %dma_wait3A_753] : memref<16x512xf32, #tpu.memory_space<vmem>> -> memref<1x512xf32, #tpu.memory_space<vmem>>
    %dma_wait3A_755 = tpu.memref_squeeze %dma_wait3A_754 : memref<1x512xf32, #tpu.memory_space<vmem>> -> memref<512xf32, #tpu.memory_space<vmem>>
    %dma_wait3A_756 = tpu.memref_slice %arg15[%dma_wait3A_746, %mul3A_527] : memref<16x8192xf32, #tpu.memory_space<vmem_shared>> -> memref<1x512xf32, #tpu.memory_space<vmem_shared>>
    %dma_wait3A_757 = tpu.memref_squeeze %dma_wait3A_756 : memref<1x512xf32, #tpu.memory_space<vmem_shared>> -> memref<512xf32, #tpu.memory_space<vmem_shared>>
    tpu.wait_dma2 semaphore(%arg25 : memref<!tpu.dma_semaphore, #tpu.memory_space<semaphore_mem>>) src(%dma_wait3A_757 : memref<512xf32, #tpu.memory_space<vmem_shared>>) dst(%dma_wait3A_755 : memref<512xf32, #tpu.memory_space<vmem>>)
    %dma_wait3A_758 = arith.constant 3 : i32
    %dma_wait3A_759 = arith.constant 3 : i32
    %dma_wait3A_760 = arith.constant 0 : i32
    %dma_wait3A_761 = tpu.memref_slice %arg12[%dma_wait3A_759, %dma_wait3A_760] : memref<16x512xf32, #tpu.memory_space<vmem>> -> memref<1x512xf32, #tpu.memory_space<vmem>>
    %dma_wait3A_762 = tpu.memref_squeeze %dma_wait3A_761 : memref<1x512xf32, #tpu.memory_space<vmem>> -> memref<512xf32, #tpu.memory_space<vmem>>
    %dma_wait3A_763 = tpu.memref_slice %arg15[%dma_wait3A_758, %mul3A_541] : memref<16x8192xf32, #tpu.memory_space<vmem_shared>> -> memref<1x512xf32, #tpu.memory_space<vmem_shared>>
    %dma_wait3A_764 = tpu.memref_squeeze %dma_wait3A_763 : memref<1x512xf32, #tpu.memory_space<vmem_shared>> -> memref<512xf32, #tpu.memory_space<vmem_shared>>
    %dma_wait3A_765 = arith.constant 0 : i32
    %dma_wait3A_766 = tpu.memref_slice %arg12[%dma_wait3A_759, %dma_wait3A_765] : memref<16x512xf32, #tpu.memory_space<vmem>> -> memref<1x512xf32, #tpu.memory_space<vmem>>
    %dma_wait3A_767 = tpu.memref_squeeze %dma_wait3A_766 : memref<1x512xf32, #tpu.memory_space<vmem>> -> memref<512xf32, #tpu.memory_space<vmem>>
    %dma_wait3A_768 = tpu.memref_slice %arg15[%dma_wait3A_758, %mul3A_541] : memref<16x8192xf32, #tpu.memory_space<vmem_shared>> -> memref<1x512xf32, #tpu.memory_space<vmem_shared>>
    %dma_wait3A_769 = tpu.memref_squeeze %dma_wait3A_768 : memref<1x512xf32, #tpu.memory_space<vmem_shared>> -> memref<512xf32, #tpu.memory_space<vmem_shared>>
    tpu.wait_dma2 semaphore(%arg25 : memref<!tpu.dma_semaphore, #tpu.memory_space<semaphore_mem>>) src(%dma_wait3A_769 : memref<512xf32, #tpu.memory_space<vmem_shared>>) dst(%dma_wait3A_767 : memref<512xf32, #tpu.memory_space<vmem>>)
    %dma_wait3A_770 = arith.constant 4 : i32
    %dma_wait3A_771 = arith.constant 4 : i32
    %dma_wait3A_772 = arith.constant 0 : i32
    %dma_wait3A_773 = tpu.memref_slice %arg12[%dma_wait3A_771, %dma_wait3A_772] : memref<16x512xf32, #tpu.memory_space<vmem>> -> memref<1x512xf32, #tpu.memory_space<vmem>>
    %dma_wait3A_774 = tpu.memref_squeeze %dma_wait3A_773 : memref<1x512xf32, #tpu.memory_space<vmem>> -> memref<512xf32, #tpu.memory_space<vmem>>
    %dma_wait3A_775 = tpu.memref_slice %arg15[%dma_wait3A_770, %mul3A_555] : memref<16x8192xf32, #tpu.memory_space<vmem_shared>> -> memref<1x512xf32, #tpu.memory_space<vmem_shared>>
    %dma_wait3A_776 = tpu.memref_squeeze %dma_wait3A_775 : memref<1x512xf32, #tpu.memory_space<vmem_shared>> -> memref<512xf32, #tpu.memory_space<vmem_shared>>
    %dma_wait3A_777 = arith.constant 0 : i32
    %dma_wait3A_778 = tpu.memref_slice %arg12[%dma_wait3A_771, %dma_wait3A_777] : memref<16x512xf32, #tpu.memory_space<vmem>> -> memref<1x512xf32, #tpu.memory_space<vmem>>
    %dma_wait3A_779 = tpu.memref_squeeze %dma_wait3A_778 : memref<1x512xf32, #tpu.memory_space<vmem>> -> memref<512xf32, #tpu.memory_space<vmem>>
    %dma_wait3A_780 = tpu.memref_slice %arg15[%dma_wait3A_770, %mul3A_555] : memref<16x8192xf32, #tpu.memory_space<vmem_shared>> -> memref<1x512xf32, #tpu.memory_space<vmem_shared>>
    %dma_wait3A_781 = tpu.memref_squeeze %dma_wait3A_780 : memref<1x512xf32, #tpu.memory_space<vmem_shared>> -> memref<512xf32, #tpu.memory_space<vmem_shared>>
    tpu.wait_dma2 semaphore(%arg25 : memref<!tpu.dma_semaphore, #tpu.memory_space<semaphore_mem>>) src(%dma_wait3A_781 : memref<512xf32, #tpu.memory_space<vmem_shared>>) dst(%dma_wait3A_779 : memref<512xf32, #tpu.memory_space<vmem>>)
    %dma_wait3A_782 = arith.constant 5 : i32
    %dma_wait3A_783 = arith.constant 5 : i32
    %dma_wait3A_784 = arith.constant 0 : i32
    %dma_wait3A_785 = tpu.memref_slice %arg12[%dma_wait3A_783, %dma_wait3A_784] : memref<16x512xf32, #tpu.memory_space<vmem>> -> memref<1x512xf32, #tpu.memory_space<vmem>>
    %dma_wait3A_786 = tpu.memref_squeeze %dma_wait3A_785 : memref<1x512xf32, #tpu.memory_space<vmem>> -> memref<512xf32, #tpu.memory_space<vmem>>
    %dma_wait3A_787 = tpu.memref_slice %arg15[%dma_wait3A_782, %mul3A_569] : memref<16x8192xf32, #tpu.memory_space<vmem_shared>> -> memref<1x512xf32, #tpu.memory_space<vmem_shared>>
    %dma_wait3A_788 = tpu.memref_squeeze %dma_wait3A_787 : memref<1x512xf32, #tpu.memory_space<vmem_shared>> -> memref<512xf32, #tpu.memory_space<vmem_shared>>
    %dma_wait3A_789 = arith.constant 0 : i32
    %dma_wait3A_790 = tpu.memref_slice %arg12[%dma_wait3A_783, %dma_wait3A_789] : memref<16x512xf32, #tpu.memory_space<vmem>> -> memref<1x512xf32, #tpu.memory_space<vmem>>
    %dma_wait3A_791 = tpu.memref_squeeze %dma_wait3A_790 : memref<1x512xf32, #tpu.memory_space<vmem>> -> memref<512xf32, #tpu.memory_space<vmem>>
    %dma_wait3A_792 = tpu.memref_slice %arg15[%dma_wait3A_782, %mul3A_569] : memref<16x8192xf32, #tpu.memory_space<vmem_shared>> -> memref<1x512xf32, #tpu.memory_space<vmem_shared>>
    %dma_wait3A_793 = tpu.memref_squeeze %dma_wait3A_792 : memref<1x512xf32, #tpu.memory_space<vmem_shared>> -> memref<512xf32, #tpu.memory_space<vmem_shared>>
    tpu.wait_dma2 semaphore(%arg25 : memref<!tpu.dma_semaphore, #tpu.memory_space<semaphore_mem>>) src(%dma_wait3A_793 : memref<512xf32, #tpu.memory_space<vmem_shared>>) dst(%dma_wait3A_791 : memref<512xf32, #tpu.memory_space<vmem>>)
    %dma_wait3A_794 = arith.constant 6 : i32
    %dma_wait3A_795 = arith.constant 6 : i32
    %dma_wait3A_796 = arith.constant 0 : i32
    %dma_wait3A_797 = tpu.memref_slice %arg12[%dma_wait3A_795, %dma_wait3A_796] : memref<16x512xf32, #tpu.memory_space<vmem>> -> memref<1x512xf32, #tpu.memory_space<vmem>>
    %dma_wait3A_798 = tpu.memref_squeeze %dma_wait3A_797 : memref<1x512xf32, #tpu.memory_space<vmem>> -> memref<512xf32, #tpu.memory_space<vmem>>
    %dma_wait3A_799 = tpu.memref_slice %arg15[%dma_wait3A_794, %mul3A_583] : memref<16x8192xf32, #tpu.memory_space<vmem_shared>> -> memref<1x512xf32, #tpu.memory_space<vmem_shared>>
    %dma_wait3A_800 = tpu.memref_squeeze %dma_wait3A_799 : memref<1x512xf32, #tpu.memory_space<vmem_shared>> -> memref<512xf32, #tpu.memory_space<vmem_shared>>
    %dma_wait3A_801 = arith.constant 0 : i32
    %dma_wait3A_802 = tpu.memref_slice %arg12[%dma_wait3A_795, %dma_wait3A_801] : memref<16x512xf32, #tpu.memory_space<vmem>> -> memref<1x512xf32, #tpu.memory_space<vmem>>
    %dma_wait3A_803 = tpu.memref_squeeze %dma_wait3A_802 : memref<1x512xf32, #tpu.memory_space<vmem>> -> memref<512xf32, #tpu.memory_space<vmem>>
    %dma_wait3A_804 = tpu.memref_slice %arg15[%dma_wait3A_794, %mul3A_583] : memref<16x8192xf32, #tpu.memory_space<vmem_shared>> -> memref<1x512xf32, #tpu.memory_space<vmem_shared>>
    %dma_wait3A_805 = tpu.memref_squeeze %dma_wait3A_804 : memref<1x512xf32, #tpu.memory_space<vmem_shared>> -> memref<512xf32, #tpu.memory_space<vmem_shared>>
    tpu.wait_dma2 semaphore(%arg25 : memref<!tpu.dma_semaphore, #tpu.memory_space<semaphore_mem>>) src(%dma_wait3A_805 : memref<512xf32, #tpu.memory_space<vmem_shared>>) dst(%dma_wait3A_803 : memref<512xf32, #tpu.memory_space<vmem>>)
    %dma_wait3A_806 = arith.constant 7 : i32
    %dma_wait3A_807 = arith.constant 7 : i32
    %dma_wait3A_808 = arith.constant 0 : i32
    %dma_wait3A_809 = tpu.memref_slice %arg12[%dma_wait3A_807, %dma_wait3A_808] : memref<16x512xf32, #tpu.memory_space<vmem>> -> memref<1x512xf32, #tpu.memory_space<vmem>>
    %dma_wait3A_810 = tpu.memref_squeeze %dma_wait3A_809 : memref<1x512xf32, #tpu.memory_space<vmem>> -> memref<512xf32, #tpu.memory_space<vmem>>
    %dma_wait3A_811 = tpu.memref_slice %arg15[%dma_wait3A_806, %mul3A_597] : memref<16x8192xf32, #tpu.memory_space<vmem_shared>> -> memref<1x512xf32, #tpu.memory_space<vmem_shared>>
    %dma_wait3A_812 = tpu.memref_squeeze %dma_wait3A_811 : memref<1x512xf32, #tpu.memory_space<vmem_shared>> -> memref<512xf32, #tpu.memory_space<vmem_shared>>
    %dma_wait3A_813 = arith.constant 0 : i32
    %dma_wait3A_814 = tpu.memref_slice %arg12[%dma_wait3A_807, %dma_wait3A_813] : memref<16x512xf32, #tpu.memory_space<vmem>> -> memref<1x512xf32, #tpu.memory_space<vmem>>
    %dma_wait3A_815 = tpu.memref_squeeze %dma_wait3A_814 : memref<1x512xf32, #tpu.memory_space<vmem>> -> memref<512xf32, #tpu.memory_space<vmem>>
    %dma_wait3A_816 = tpu.memref_slice %arg15[%dma_wait3A_806, %mul3A_597] : memref<16x8192xf32, #tpu.memory_space<vmem_shared>> -> memref<1x512xf32, #tpu.memory_space<vmem_shared>>
    %dma_wait3A_817 = tpu.memref_squeeze %dma_wait3A_816 : memref<1x512xf32, #tpu.memory_space<vmem_shared>> -> memref<512xf32, #tpu.memory_space<vmem_shared>>
    tpu.wait_dma2 semaphore(%arg25 : memref<!tpu.dma_semaphore, #tpu.memory_space<semaphore_mem>>) src(%dma_wait3A_817 : memref<512xf32, #tpu.memory_space<vmem_shared>>) dst(%dma_wait3A_815 : memref<512xf32, #tpu.memory_space<vmem>>)
    %dma_wait3A_818 = arith.constant 8 : i32
    %dma_wait3A_819 = arith.constant 8 : i32
    %dma_wait3A_820 = arith.constant 0 : i32
    %dma_wait3A_821 = tpu.memref_slice %arg12[%dma_wait3A_819, %dma_wait3A_820] : memref<16x512xf32, #tpu.memory_space<vmem>> -> memref<1x512xf32, #tpu.memory_space<vmem>>
    %dma_wait3A_822 = tpu.memref_squeeze %dma_wait3A_821 : memref<1x512xf32, #tpu.memory_space<vmem>> -> memref<512xf32, #tpu.memory_space<vmem>>
    %dma_wait3A_823 = tpu.memref_slice %arg15[%dma_wait3A_818, %mul3A_611] : memref<16x8192xf32, #tpu.memory_space<vmem_shared>> -> memref<1x512xf32, #tpu.memory_space<vmem_shared>>
    %dma_wait3A_824 = tpu.memref_squeeze %dma_wait3A_823 : memref<1x512xf32, #tpu.memory_space<vmem_shared>> -> memref<512xf32, #tpu.memory_space<vmem_shared>>
    %dma_wait3A_825 = arith.constant 0 : i32
    %dma_wait3A_826 = tpu.memref_slice %arg12[%dma_wait3A_819, %dma_wait3A_825] : memref<16x512xf32, #tpu.memory_space<vmem>> -> memref<1x512xf32, #tpu.memory_space<vmem>>
    %dma_wait3A_827 = tpu.memref_squeeze %dma_wait3A_826 : memref<1x512xf32, #tpu.memory_space<vmem>> -> memref<512xf32, #tpu.memory_space<vmem>>
    %dma_wait3A_828 = tpu.memref_slice %arg15[%dma_wait3A_818, %mul3A_611] : memref<16x8192xf32, #tpu.memory_space<vmem_shared>> -> memref<1x512xf32, #tpu.memory_space<vmem_shared>>
    %dma_wait3A_829 = tpu.memref_squeeze %dma_wait3A_828 : memref<1x512xf32, #tpu.memory_space<vmem_shared>> -> memref<512xf32, #tpu.memory_space<vmem_shared>>
    tpu.wait_dma2 semaphore(%arg25 : memref<!tpu.dma_semaphore, #tpu.memory_space<semaphore_mem>>) src(%dma_wait3A_829 : memref<512xf32, #tpu.memory_space<vmem_shared>>) dst(%dma_wait3A_827 : memref<512xf32, #tpu.memory_space<vmem>>)
    %dma_wait3A_830 = arith.constant 9 : i32
    %dma_wait3A_831 = arith.constant 9 : i32
    %dma_wait3A_832 = arith.constant 0 : i32
    %dma_wait3A_833 = tpu.memref_slice %arg12[%dma_wait3A_831, %dma_wait3A_832] : memref<16x512xf32, #tpu.memory_space<vmem>> -> memref<1x512xf32, #tpu.memory_space<vmem>>
    %dma_wait3A_834 = tpu.memref_squeeze %dma_wait3A_833 : memref<1x512xf32, #tpu.memory_space<vmem>> -> memref<512xf32, #tpu.memory_space<vmem>>
    %dma_wait3A_835 = tpu.memref_slice %arg15[%dma_wait3A_830, %mul3A_625] : memref<16x8192xf32, #tpu.memory_space<vmem_shared>> -> memref<1x512xf32, #tpu.memory_space<vmem_shared>>
    %dma_wait3A_836 = tpu.memref_squeeze %dma_wait3A_835 : memref<1x512xf32, #tpu.memory_space<vmem_shared>> -> memref<512xf32, #tpu.memory_space<vmem_shared>>
    %dma_wait3A_837 = arith.constant 0 : i32
    %dma_wait3A_838 = tpu.memref_slice %arg12[%dma_wait3A_831, %dma_wait3A_837] : memref<16x512xf32, #tpu.memory_space<vmem>> -> memref<1x512xf32, #tpu.memory_space<vmem>>
    %dma_wait3A_839 = tpu.memref_squeeze %dma_wait3A_838 : memref<1x512xf32, #tpu.memory_space<vmem>> -> memref<512xf32, #tpu.memory_space<vmem>>
    %dma_wait3A_840 = tpu.memref_slice %arg15[%dma_wait3A_830, %mul3A_625] : memref<16x8192xf32, #tpu.memory_space<vmem_shared>> -> memref<1x512xf32, #tpu.memory_space<vmem_shared>>
    %dma_wait3A_841 = tpu.memref_squeeze %dma_wait3A_840 : memref<1x512xf32, #tpu.memory_space<vmem_shared>> -> memref<512xf32, #tpu.memory_space<vmem_shared>>
    tpu.wait_dma2 semaphore(%arg25 : memref<!tpu.dma_semaphore, #tpu.memory_space<semaphore_mem>>) src(%dma_wait3A_841 : memref<512xf32, #tpu.memory_space<vmem_shared>>) dst(%dma_wait3A_839 : memref<512xf32, #tpu.memory_space<vmem>>)
    %dma_wait3A_842 = arith.constant 10 : i32
    %dma_wait3A_843 = arith.constant 10 : i32
    %dma_wait3A_844 = arith.constant 0 : i32
    %dma_wait3A_845 = tpu.memref_slice %arg12[%dma_wait3A_843, %dma_wait3A_844] : memref<16x512xf32, #tpu.memory_space<vmem>> -> memref<1x512xf32, #tpu.memory_space<vmem>>
    %dma_wait3A_846 = tpu.memref_squeeze %dma_wait3A_845 : memref<1x512xf32, #tpu.memory_space<vmem>> -> memref<512xf32, #tpu.memory_space<vmem>>
    %dma_wait3A_847 = tpu.memref_slice %arg15[%dma_wait3A_842, %mul3A_639] : memref<16x8192xf32, #tpu.memory_space<vmem_shared>> -> memref<1x512xf32, #tpu.memory_space<vmem_shared>>
    %dma_wait3A_848 = tpu.memref_squeeze %dma_wait3A_847 : memref<1x512xf32, #tpu.memory_space<vmem_shared>> -> memref<512xf32, #tpu.memory_space<vmem_shared>>
    %dma_wait3A_849 = arith.constant 0 : i32
    %dma_wait3A_850 = tpu.memref_slice %arg12[%dma_wait3A_843, %dma_wait3A_849] : memref<16x512xf32, #tpu.memory_space<vmem>> -> memref<1x512xf32, #tpu.memory_space<vmem>>
    %dma_wait3A_851 = tpu.memref_squeeze %dma_wait3A_850 : memref<1x512xf32, #tpu.memory_space<vmem>> -> memref<512xf32, #tpu.memory_space<vmem>>
    %dma_wait3A_852 = tpu.memref_slice %arg15[%dma_wait3A_842, %mul3A_639] : memref<16x8192xf32, #tpu.memory_space<vmem_shared>> -> memref<1x512xf32, #tpu.memory_space<vmem_shared>>
    %dma_wait3A_853 = tpu.memref_squeeze %dma_wait3A_852 : memref<1x512xf32, #tpu.memory_space<vmem_shared>> -> memref<512xf32, #tpu.memory_space<vmem_shared>>
    tpu.wait_dma2 semaphore(%arg25 : memref<!tpu.dma_semaphore, #tpu.memory_space<semaphore_mem>>) src(%dma_wait3A_853 : memref<512xf32, #tpu.memory_space<vmem_shared>>) dst(%dma_wait3A_851 : memref<512xf32, #tpu.memory_space<vmem>>)
    %dma_wait3A_854 = arith.constant 11 : i32
    %dma_wait3A_855 = arith.constant 11 : i32
    %dma_wait3A_856 = arith.constant 0 : i32
    %dma_wait3A_857 = tpu.memref_slice %arg12[%dma_wait3A_855, %dma_wait3A_856] : memref<16x512xf32, #tpu.memory_space<vmem>> -> memref<1x512xf32, #tpu.memory_space<vmem>>
    %dma_wait3A_858 = tpu.memref_squeeze %dma_wait3A_857 : memref<1x512xf32, #tpu.memory_space<vmem>> -> memref<512xf32, #tpu.memory_space<vmem>>
    %dma_wait3A_859 = tpu.memref_slice %arg15[%dma_wait3A_854, %mul3A_653] : memref<16x8192xf32, #tpu.memory_space<vmem_shared>> -> memref<1x512xf32, #tpu.memory_space<vmem_shared>>
    %dma_wait3A_860 = tpu.memref_squeeze %dma_wait3A_859 : memref<1x512xf32, #tpu.memory_space<vmem_shared>> -> memref<512xf32, #tpu.memory_space<vmem_shared>>
    %dma_wait3A_861 = arith.constant 0 : i32
    %dma_wait3A_862 = tpu.memref_slice %arg12[%dma_wait3A_855, %dma_wait3A_861] : memref<16x512xf32, #tpu.memory_space<vmem>> -> memref<1x512xf32, #tpu.memory_space<vmem>>
    %dma_wait3A_863 = tpu.memref_squeeze %dma_wait3A_862 : memref<1x512xf32, #tpu.memory_space<vmem>> -> memref<512xf32, #tpu.memory_space<vmem>>
    %dma_wait3A_864 = tpu.memref_slice %arg15[%dma_wait3A_854, %mul3A_653] : memref<16x8192xf32, #tpu.memory_space<vmem_shared>> -> memref<1x512xf32, #tpu.memory_space<vmem_shared>>
    %dma_wait3A_865 = tpu.memref_squeeze %dma_wait3A_864 : memref<1x512xf32, #tpu.memory_space<vmem_shared>> -> memref<512xf32, #tpu.memory_space<vmem_shared>>
    tpu.wait_dma2 semaphore(%arg25 : memref<!tpu.dma_semaphore, #tpu.memory_space<semaphore_mem>>) src(%dma_wait3A_865 : memref<512xf32, #tpu.memory_space<vmem_shared>>) dst(%dma_wait3A_863 : memref<512xf32, #tpu.memory_space<vmem>>)
    %dma_wait3A_866 = arith.constant 12 : i32
    %dma_wait3A_867 = arith.constant 12 : i32
    %dma_wait3A_868 = arith.constant 0 : i32
    %dma_wait3A_869 = tpu.memref_slice %arg12[%dma_wait3A_867, %dma_wait3A_868] : memref<16x512xf32, #tpu.memory_space<vmem>> -> memref<1x512xf32, #tpu.memory_space<vmem>>
    %dma_wait3A_870 = tpu.memref_squeeze %dma_wait3A_869 : memref<1x512xf32, #tpu.memory_space<vmem>> -> memref<512xf32, #tpu.memory_space<vmem>>
    %dma_wait3A_871 = tpu.memref_slice %arg15[%dma_wait3A_866, %mul3A_667] : memref<16x8192xf32, #tpu.memory_space<vmem_shared>> -> memref<1x512xf32, #tpu.memory_space<vmem_shared>>
    %dma_wait3A_872 = tpu.memref_squeeze %dma_wait3A_871 : memref<1x512xf32, #tpu.memory_space<vmem_shared>> -> memref<512xf32, #tpu.memory_space<vmem_shared>>
    %dma_wait3A_873 = arith.constant 0 : i32
    %dma_wait3A_874 = tpu.memref_slice %arg12[%dma_wait3A_867, %dma_wait3A_873] : memref<16x512xf32, #tpu.memory_space<vmem>> -> memref<1x512xf32, #tpu.memory_space<vmem>>
    %dma_wait3A_875 = tpu.memref_squeeze %dma_wait3A_874 : memref<1x512xf32, #tpu.memory_space<vmem>> -> memref<512xf32, #tpu.memory_space<vmem>>
    %dma_wait3A_876 = tpu.memref_slice %arg15[%dma_wait3A_866, %mul3A_667] : memref<16x8192xf32, #tpu.memory_space<vmem_shared>> -> memref<1x512xf32, #tpu.memory_space<vmem_shared>>
    %dma_wait3A_877 = tpu.memref_squeeze %dma_wait3A_876 : memref<1x512xf32, #tpu.memory_space<vmem_shared>> -> memref<512xf32, #tpu.memory_space<vmem_shared>>
    tpu.wait_dma2 semaphore(%arg25 : memref<!tpu.dma_semaphore, #tpu.memory_space<semaphore_mem>>) src(%dma_wait3A_877 : memref<512xf32, #tpu.memory_space<vmem_shared>>) dst(%dma_wait3A_875 : memref<512xf32, #tpu.memory_space<vmem>>)
    %dma_wait3A_878 = arith.constant 13 : i32
    %dma_wait3A_879 = arith.constant 13 : i32
    %dma_wait3A_880 = arith.constant 0 : i32
    %dma_wait3A_881 = tpu.memref_slice %arg12[%dma_wait3A_879, %dma_wait3A_880] : memref<16x512xf32, #tpu.memory_space<vmem>> -> memref<1x512xf32, #tpu.memory_space<vmem>>
    %dma_wait3A_882 = tpu.memref_squeeze %dma_wait3A_881 : memref<1x512xf32, #tpu.memory_space<vmem>> -> memref<512xf32, #tpu.memory_space<vmem>>
    %dma_wait3A_883 = tpu.memref_slice %arg15[%dma_wait3A_878, %mul3A_681] : memref<16x8192xf32, #tpu.memory_space<vmem_shared>> -> memref<1x512xf32, #tpu.memory_space<vmem_shared>>
    %dma_wait3A_884 = tpu.memref_squeeze %dma_wait3A_883 : memref<1x512xf32, #tpu.memory_space<vmem_shared>> -> memref<512xf32, #tpu.memory_space<vmem_shared>>
    %dma_wait3A_885 = arith.constant 0 : i32
    %dma_wait3A_886 = tpu.memref_slice %arg12[%dma_wait3A_879, %dma_wait3A_885] : memref<16x512xf32, #tpu.memory_space<vmem>> -> memref<1x512xf32, #tpu.memory_space<vmem>>
    %dma_wait3A_887 = tpu.memref_squeeze %dma_wait3A_886 : memref<1x512xf32, #tpu.memory_space<vmem>> -> memref<512xf32, #tpu.memory_space<vmem>>
    %dma_wait3A_888 = tpu.memref_slice %arg15[%dma_wait3A_878, %mul3A_681] : memref<16x8192xf32, #tpu.memory_space<vmem_shared>> -> memref<1x512xf32, #tpu.memory_space<vmem_shared>>
    %dma_wait3A_889 = tpu.memref_squeeze %dma_wait3A_888 : memref<1x512xf32, #tpu.memory_space<vmem_shared>> -> memref<512xf32, #tpu.memory_space<vmem_shared>>
    tpu.wait_dma2 semaphore(%arg25 : memref<!tpu.dma_semaphore, #tpu.memory_space<semaphore_mem>>) src(%dma_wait3A_889 : memref<512xf32, #tpu.memory_space<vmem_shared>>) dst(%dma_wait3A_887 : memref<512xf32, #tpu.memory_space<vmem>>)
    %dma_wait3A_890 = arith.constant 14 : i32
    %dma_wait3A_891 = arith.constant 14 : i32
    %dma_wait3A_892 = arith.constant 0 : i32
    %dma_wait3A_893 = tpu.memref_slice %arg12[%dma_wait3A_891, %dma_wait3A_892] : memref<16x512xf32, #tpu.memory_space<vmem>> -> memref<1x512xf32, #tpu.memory_space<vmem>>
    %dma_wait3A_894 = tpu.memref_squeeze %dma_wait3A_893 : memref<1x512xf32, #tpu.memory_space<vmem>> -> memref<512xf32, #tpu.memory_space<vmem>>
    %dma_wait3A_895 = tpu.memref_slice %arg15[%dma_wait3A_890, %mul3A_695] : memref<16x8192xf32, #tpu.memory_space<vmem_shared>> -> memref<1x512xf32, #tpu.memory_space<vmem_shared>>
    %dma_wait3A_896 = tpu.memref_squeeze %dma_wait3A_895 : memref<1x512xf32, #tpu.memory_space<vmem_shared>> -> memref<512xf32, #tpu.memory_space<vmem_shared>>
    %dma_wait3A_897 = arith.constant 0 : i32
    %dma_wait3A_898 = tpu.memref_slice %arg12[%dma_wait3A_891, %dma_wait3A_897] : memref<16x512xf32, #tpu.memory_space<vmem>> -> memref<1x512xf32, #tpu.memory_space<vmem>>
    %dma_wait3A_899 = tpu.memref_squeeze %dma_wait3A_898 : memref<1x512xf32, #tpu.memory_space<vmem>> -> memref<512xf32, #tpu.memory_space<vmem>>
    %dma_wait3A_900 = tpu.memref_slice %arg15[%dma_wait3A_890, %mul3A_695] : memref<16x8192xf32, #tpu.memory_space<vmem_shared>> -> memref<1x512xf32, #tpu.memory_space<vmem_shared>>
    %dma_wait3A_901 = tpu.memref_squeeze %dma_wait3A_900 : memref<1x512xf32, #tpu.memory_space<vmem_shared>> -> memref<512xf32, #tpu.memory_space<vmem_shared>>
    tpu.wait_dma2 semaphore(%arg25 : memref<!tpu.dma_semaphore, #tpu.memory_space<semaphore_mem>>) src(%dma_wait3A_901 : memref<512xf32, #tpu.memory_space<vmem_shared>>) dst(%dma_wait3A_899 : memref<512xf32, #tpu.memory_space<vmem>>)
    %dma_wait3A_902 = arith.constant 15 : i32
    %dma_wait3A_903 = arith.constant 15 : i32
    %dma_wait3A_904 = arith.constant 0 : i32
    %dma_wait3A_905 = tpu.memref_slice %arg12[%dma_wait3A_903, %dma_wait3A_904] : memref<16x512xf32, #tpu.memory_space<vmem>> -> memref<1x512xf32, #tpu.memory_space<vmem>>
    %dma_wait3A_906 = tpu.memref_squeeze %dma_wait3A_905 : memref<1x512xf32, #tpu.memory_space<vmem>> -> memref<512xf32, #tpu.memory_space<vmem>>
    %dma_wait3A_907 = tpu.memref_slice %arg15[%dma_wait3A_902, %mul3A_709] : memref<16x8192xf32, #tpu.memory_space<vmem_shared>> -> memref<1x512xf32, #tpu.memory_space<vmem_shared>>
    %dma_wait3A_908 = tpu.memref_squeeze %dma_wait3A_907 : memref<1x512xf32, #tpu.memory_space<vmem_shared>> -> memref<512xf32, #tpu.memory_space<vmem_shared>>
    %dma_wait3A_909 = arith.constant 0 : i32
    %dma_wait3A_910 = tpu.memref_slice %arg12[%dma_wait3A_903, %dma_wait3A_909] : memref<16x512xf32, #tpu.memory_space<vmem>> -> memref<1x512xf32, #tpu.memory_space<vmem>>
    %dma_wait3A_911 = tpu.memref_squeeze %dma_wait3A_910 : memref<1x512xf32, #tpu.memory_space<vmem>> -> memref<512xf32, #tpu.memory_space<vmem>>
    %dma_wait3A_912 = tpu.memref_slice %arg15[%dma_wait3A_902, %mul3A_709] : memref<16x8192xf32, #tpu.memory_space<vmem_shared>> -> memref<1x512xf32, #tpu.memory_space<vmem_shared>>
    %dma_wait3A_913 = tpu.memref_squeeze %dma_wait3A_912 : memref<1x512xf32, #tpu.memory_space<vmem_shared>> -> memref<512xf32, #tpu.memory_space<vmem_shared>>
    tpu.wait_dma2 semaphore(%arg25 : memref<!tpu.dma_semaphore, #tpu.memory_space<semaphore_mem>>) src(%dma_wait3A_913 : memref<512xf32, #tpu.memory_space<vmem_shared>>) dst(%dma_wait3A_911 : memref<512xf32, #tpu.memory_space<vmem>>)
    %scan3A_914 = arith.constant 0 : i32
    %scan3A_915 = arith.constant 0 : i32
    %scan3A_916 = arith.constant 32 : i32
    %scan3A_917 = arith.addi %scan3A_915, %scan3A_916 : i32
    %scan3A_918 = arith.constant 1 : i32
    %scan3A_919 = scf.for %scan3A_999 = %scan3A_915 to %scan3A_917 step %scan3A_918 iter_args(%scan3A_1000 = %scan3A_914) -> (i32)  : i32 {
      %mul3A_1001 = arith.constant 16 : i32
      %mul3A_1002 = arith.muli %scan3A_999, %mul3A_1001 : i32
      %get3A = arith.constant 0 : i32
      %get3A_1003 = arith.index_cast %get3A : i32 to index
      %get3A_1004 = arith.index_cast %mul3A_1002 : i32 to index
      %get3A_1005 = tpu.vector_load %arg12[%get3A_1003, %get3A_1004] {strides = array<i32>} : memref<16x512xf32, #tpu.memory_space<vmem>>, vector<16xf32>,
      %mul3A_1006 = arith.constant 16 : i32
      %mul3A_1007 = arith.muli %scan3A_999, %mul3A_1006 : i32
      %get3A_1008 = arith.constant 1 : i32
      %get3A_1009 = arith.index_cast %get3A_1008 : i32 to index
      %get3A_1010 = arith.index_cast %mul3A_1007 : i32 to index
      %get3A_1011 = tpu.vector_load %arg12[%get3A_1009, %get3A_1010] {strides = array<i32>} : memref<16x512xf32, #tpu.memory_space<vmem>>, vector<16xf32>,
      %max3A = arith.maximumf %get3A_1005, %get3A_1011 : vector<16xf32>
      %mul3A_1012 = arith.constant 16 : i32
      %mul3A_1013 = arith.muli %scan3A_999, %mul3A_1012 : i32
      %get3A_1014 = arith.constant 2 : i32
      %get3A_1015 = arith.index_cast %get3A_1014 : i32 to index
      %get3A_1016 = arith.index_cast %mul3A_1013 : i32 to index
      %get3A_1017 = tpu.vector_load %arg12[%get3A_1015, %get3A_1016] {strides = array<i32>} : memref<16x512xf32, #tpu.memory_space<vmem>>, vector<16xf32>,
      %max3A_1018 = arith.maximumf %max3A, %get3A_1017 : vector<16xf32>
      %mul3A_1019 = arith.constant 16 : i32
      %mul3A_1020 = arith.muli %scan3A_999, %mul3A_1019 : i32
      %get3A_1021 = arith.constant 3 : i32
      %get3A_1022 = arith.index_cast %get3A_1021 : i32 to index
      %get3A_1023 = arith.index_cast %mul3A_1020 : i32 to index
      %get3A_1024 = tpu.vector_load %arg12[%get3A_1022, %get3A_1023] {strides = array<i32>} : memref<16x512xf32, #tpu.memory_space<vmem>>, vector<16xf32>,
      %max3A_1025 = arith.maximumf %max3A_1018, %get3A_1024 : vector<16xf32>
      %mul3A_1026 = arith.constant 16 : i32
      %mul3A_1027 = arith.muli %scan3A_999, %mul3A_1026 : i32
      %get3A_1028 = arith.constant 4 : i32
      %get3A_1029 = arith.index_cast %get3A_1028 : i32 to index
      %get3A_1030 = arith.index_cast %mul3A_1027 : i32 to index
      %get3A_1031 = tpu.vector_load %arg12[%get3A_1029, %get3A_1030] {strides = array<i32>} : memref<16x512xf32, #tpu.memory_space<vmem>>, vector<16xf32>,
      %max3A_1032 = arith.maximumf %max3A_1025, %get3A_1031 : vector<16xf32>
      %mul3A_1033 = arith.constant 16 : i32
      %mul3A_1034 = arith.muli %scan3A_999, %mul3A_1033 : i32
      %get3A_1035 = arith.constant 5 : i32
      %get3A_1036 = arith.index_cast %get3A_1035 : i32 to index
      %get3A_1037 = arith.index_cast %mul3A_1034 : i32 to index
      %get3A_1038 = tpu.vector_load %arg12[%get3A_1036, %get3A_1037] {strides = array<i32>} : memref<16x512xf32, #tpu.memory_space<vmem>>, vector<16xf32>,
      %max3A_1039 = arith.maximumf %max3A_1032, %get3A_1038 : vector<16xf32>
      %mul3A_1040 = arith.constant 16 : i32
      %mul3A_1041 = arith.muli %scan3A_999, %mul3A_1040 : i32
      %get3A_1042 = arith.constant 6 : i32
      %get3A_1043 = arith.index_cast %get3A_1042 : i32 to index
      %get3A_1044 = arith.index_cast %mul3A_1041 : i32 to index
      %get3A_1045 = tpu.vector_load %arg12[%get3A_1043, %get3A_1044] {strides = array<i32>} : memref<16x512xf32, #tpu.memory_space<vmem>>, vector<16xf32>,
      %max3A_1046 = arith.maximumf %max3A_1039, %get3A_1045 : vector<16xf32>
      %mul3A_1047 = arith.constant 16 : i32
      %mul3A_1048 = arith.muli %scan3A_999, %mul3A_1047 : i32
      %get3A_1049 = arith.constant 7 : i32
      %get3A_1050 = arith.index_cast %get3A_1049 : i32 to index
      %get3A_1051 = arith.index_cast %mul3A_1048 : i32 to index
      %get3A_1052 = tpu.vector_load %arg12[%get3A_1050, %get3A_1051] {strides = array<i32>} : memref<16x512xf32, #tpu.memory_space<vmem>>, vector<16xf32>,
      %max3A_1053 = arith.maximumf %max3A_1046, %get3A_1052 : vector<16xf32>
      %mul3A_1054 = arith.constant 16 : i32
      %mul3A_1055 = arith.muli %scan3A_999, %mul3A_1054 : i32
      %get3A_1056 = arith.constant 8 : i32
      %get3A_1057 = arith.index_cast %get3A_1056 : i32 to index
      %get3A_1058 = arith.index_cast %mul3A_1055 : i32 to index
      %get3A_1059 = tpu.vector_load %arg12[%get3A_1057, %get3A_1058] {strides = array<i32>} : memref<16x512xf32, #tpu.memory_space<vmem>>, vector<16xf32>,
      %max3A_1060 = arith.maximumf %max3A_1053, %get3A_1059 : vector<16xf32>
      %mul3A_1061 = arith.constant 16 : i32
      %mul3A_1062 = arith.muli %scan3A_999, %mul3A_1061 : i32
      %get3A_1063 = arith.constant 9 : i32
      %get3A_1064 = arith.index_cast %get3A_1063 : i32 to index
      %get3A_1065 = arith.index_cast %mul3A_1062 : i32 to index
      %get3A_1066 = tpu.vector_load %arg12[%get3A_1064, %get3A_1065] {strides = array<i32>} : memref<16x512xf32, #tpu.memory_space<vmem>>, vector<16xf32>,
      %max3A_1067 = arith.maximumf %max3A_1060, %get3A_1066 : vector<16xf32>
      %mul3A_1068 = arith.constant 16 : i32
      %mul3A_1069 = arith.muli %scan3A_999, %mul3A_1068 : i32
      %get3A_1070 = arith.constant 10 : i32
      %get3A_1071 = arith.index_cast %get3A_1070 : i32 to index
      %get3A_1072 = arith.index_cast %mul3A_1069 : i32 to index
      %get3A_1073 = tpu.vector_load %arg12[%get3A_1071, %get3A_1072] {strides = array<i32>} : memref<16x512xf32, #tpu.memory_space<vmem>>, vector<16xf32>,
      %max3A_1074 = arith.maximumf %max3A_1067, %get3A_1073 : vector<16xf32>
      %mul3A_1075 = arith.constant 16 : i32
      %mul3A_1076 = arith.muli %scan3A_999, %mul3A_1075 : i32
      %get3A_1077 = arith.constant 11 : i32
      %get3A_1078 = arith.index_cast %get3A_1077 : i32 to index
      %get3A_1079 = arith.index_cast %mul3A_1076 : i32 to index
      %get3A_1080 = tpu.vector_load %arg12[%get3A_1078, %get3A_1079] {strides = array<i32>} : memref<16x512xf32, #tpu.memory_space<vmem>>, vector<16xf32>,
      %max3A_1081 = arith.maximumf %max3A_1074, %get3A_1080 : vector<16xf32>
      %mul3A_1082 = arith.constant 16 : i32
      %mul3A_1083 = arith.muli %scan3A_999, %mul3A_1082 : i32
      %get3A_1084 = arith.constant 12 : i32
      %get3A_1085 = arith.index_cast %get3A_1084 : i32 to index
      %get3A_1086 = arith.index_cast %mul3A_1083 : i32 to index
      %get3A_1087 = tpu.vector_load %arg12[%get3A_1085, %get3A_1086] {strides = array<i32>} : memref<16x512xf32, #tpu.memory_space<vmem>>, vector<16xf32>,
      %max3A_1088 = arith.maximumf %max3A_1081, %get3A_1087 : vector<16xf32>
      %mul3A_1089 = arith.constant 16 : i32
      %mul3A_1090 = arith.muli %scan3A_999, %mul3A_1089 : i32
      %get3A_1091 = arith.constant 13 : i32
      %get3A_1092 = arith.index_cast %get3A_1091 : i32 to index
      %get3A_1093 = arith.index_cast %mul3A_1090 : i32 to index
      %get3A_1094 = tpu.vector_load %arg12[%get3A_1092, %get3A_1093] {strides = array<i32>} : memref<16x512xf32, #tpu.memory_space<vmem>>, vector<16xf32>,
      %max3A_1095 = arith.maximumf %max3A_1088, %get3A_1094 : vector<16xf32>
      %mul3A_1096 = arith.constant 16 : i32
      %mul3A_1097 = arith.muli %scan3A_999, %mul3A_1096 : i32
      %get3A_1098 = arith.constant 14 : i32
      %get3A_1099 = arith.index_cast %get3A_1098 : i32 to index
      %get3A_1100 = arith.index_cast %mul3A_1097 : i32 to index
      %get3A_1101 = tpu.vector_load %arg12[%get3A_1099, %get3A_1100] {strides = array<i32>} : memref<16x512xf32, #tpu.memory_space<vmem>>, vector<16xf32>,
      %max3A_1102 = arith.maximumf %max3A_1095, %get3A_1101 : vector<16xf32>
      %mul3A_1103 = arith.constant 16 : i32
      %mul3A_1104 = arith.muli %scan3A_999, %mul3A_1103 : i32
      %get3A_1105 = arith.constant 15 : i32
      %get3A_1106 = arith.index_cast %get3A_1105 : i32 to index
      %get3A_1107 = arith.index_cast %mul3A_1104 : i32 to index
      %get3A_1108 = tpu.vector_load %arg12[%get3A_1106, %get3A_1107] {strides = array<i32>} : memref<16x512xf32, #tpu.memory_space<vmem>>, vector<16xf32>,
      %max3A_1109 = arith.maximumf %max3A_1102, %get3A_1108 : vector<16xf32>
      %mul3A_1110 = arith.constant 16 : i32
      %mul3A_1111 = arith.muli %scan3A_999, %mul3A_1110 : i32
      %swap3A_1112 = arith.index_cast %mul3A_1111 : i32 to index
      %swap3A_1113 = tpu.vector_load %arg13[%swap3A_1112] {strides = array<i32>} : memref<512xf32, #tpu.memory_space<vmem>>, vector<16xf32>,
      tpu.vector_store %arg13[%swap3A_1112], %max3A_1109 {strides = array<i32>} : memref<512xf32, #tpu.memory_space<vmem>>, vector<16xf32>,
      %scan3A_1114 = arith.constant 0 : i32
      scf.yield %scan3A_1114 : i32
    }
    %scan3A_920 = arith.constant 32 : i32
    %mul3A_921 = arith.constant 512 : i32
    %mul3A_922 = arith.muli %arg1, %mul3A_921 : i32
    "tpu.region"() ({
      %run_scoped3A = tpu.sem_alloc : memref<!tpu.dma_semaphore, #tpu.memory_space<semaphore_mem>>
      %dma_start3A_999 = tpu.memref_slice %arg17[%mul3A_922] : memref<8192xf32, #tpu.memory_space<vmem_shared>> -> memref<512xf32, #tpu.memory_space<vmem_shared>>
      %dma_start3A_1000 = tpu.memref_slice %arg17[%mul3A_922] : memref<8192xf32, #tpu.memory_space<vmem_shared>> -> memref<512xf32, #tpu.memory_space<vmem_shared>>
      tpu.enqueue_dma source(%arg13 : memref<512xf32, #tpu.memory_space<vmem>>) target(%dma_start3A_1000 : memref<512xf32, #tpu.memory_space<vmem_shared>>) target_semaphore(%run_scoped3A : memref<!tpu.dma_semaphore, #tpu.memory_space<semaphore_mem>>)
      %dma_wait3A_1001 = tpu.memref_slice %arg17[%mul3A_922] : memref<8192xf32, #tpu.memory_space<vmem_shared>> -> memref<512xf32, #tpu.memory_space<vmem_shared>>
      %dma_wait3A_1002 = tpu.memref_slice %arg17[%mul3A_922] : memref<8192xf32, #tpu.memory_space<vmem_shared>> -> memref<512xf32, #tpu.memory_space<vmem_shared>>
      tpu.wait_dma2 semaphore(%run_scoped3A : memref<!tpu.dma_semaphore, #tpu.memory_space<semaphore_mem>>) src(%arg13 : memref<512xf32, #tpu.memory_space<vmem>>) dst(%dma_wait3A_1002 : memref<512xf32, #tpu.memory_space<vmem_shared>>)
      tpu.yield
    }) : () -> ()
    %barrier3A_923 = arith.constant 0 : index
    tpu.barrier barrier_id(%barrier3A_923)
    "tpu.region"() ({
      %run_scoped3A = tpu.sem_alloc : memref<!tpu.dma_semaphore, #tpu.memory_space<semaphore_mem>>
      tpu.enqueue_dma source(%arg16 : memref<8192xf32, #tpu.memory_space<vmem_shared>>) target(%arg10 : memref<8192xf32, #tpu.memory_space<vmem>>) target_semaphore(%run_scoped3A : memref<!tpu.dma_semaphore, #tpu.memory_space<semaphore_mem>>)
      tpu.wait_dma2 semaphore(%run_scoped3A : memref<!tpu.dma_semaphore, #tpu.memory_space<semaphore_mem>>) src(%arg16 : memref<8192xf32, #tpu.memory_space<vmem_shared>>) dst(%arg10 : memref<8192xf32, #tpu.memory_space<vmem>>)
      tpu.yield
    }) : () -> ()
    "tpu.region"() ({
      %run_scoped3A = tpu.sem_alloc : memref<!tpu.dma_semaphore, #tpu.memory_space<semaphore_mem>>
      tpu.enqueue_dma source(%arg17 : memref<8192xf32, #tpu.memory_space<vmem_shared>>) target(%arg11 : memref<8192xf32, #tpu.memory_space<vmem>>) target_semaphore(%run_scoped3A : memref<!tpu.dma_semaphore, #tpu.memory_space<semaphore_mem>>)
      tpu.wait_dma2 semaphore(%run_scoped3A : memref<!tpu.dma_semaphore, #tpu.memory_space<semaphore_mem>>) src(%arg17 : memref<8192xf32, #tpu.memory_space<vmem_shared>>) dst(%arg11 : memref<8192xf32, #tpu.memory_space<vmem>>)
      tpu.yield
    }) : () -> ()
    %dma_wait3A_924 = arith.constant 0 : i32
    %dma_wait3A_925 = tpu.memref_slice %arg20[%dma_wait3A_924] : memref<1024xf32, #tpu.memory_space<vmem>> -> memref<128xf32, #tpu.memory_space<vmem>>
    %dma_wait3A_926 = arith.constant 0 : i32
    %dma_wait3A_927 = tpu.memref_slice %arg19[%dma_wait3A_926] : memref<1024xi32, #tpu.memory_space<vmem>> -> memref<128xi32, #tpu.memory_space<vmem>>
    %dma_wait3A_928 = arith.constant 0 : i32
    %dma_wait3A_929 = tpu.memref_slice %arg2[%dma_wait3A_928] : memref<67108864xf32, #tpu.memory_space<hbm>> -> memref<67108864xf32, #tpu.memory_space<hbm>>
    tpu.wait_indirect_dma semaphore(%arg24 : memref<!tpu.dma_semaphore, #tpu.memory_space<semaphore_mem>>) src(%dma_wait3A_929 : memref<67108864xf32, #tpu.memory_space<hbm>>) dst(%dma_wait3A_925 : memref<128xf32, #tpu.memory_space<vmem>>)
    %dma_wait3A_930 = arith.constant 128 : i32
    %dma_wait3A_931 = tpu.memref_slice %arg20[%dma_wait3A_930] : memref<1024xf32, #tpu.memory_space<vmem>> -> memref<128xf32, #tpu.memory_space<vmem>>
    %dma_wait3A_932 = arith.constant 128 : i32
    %dma_wait3A_933 = tpu.memref_slice %arg19[%dma_wait3A_932] : memref<1024xi32, #tpu.memory_space<vmem>> -> memref<128xi32, #tpu.memory_space<vmem>>
    %dma_wait3A_934 = arith.constant 0 : i32
    %dma_wait3A_935 = tpu.memref_slice %arg2[%dma_wait3A_934] : memref<67108864xf32, #tpu.memory_space<hbm>> -> memref<67108864xf32, #tpu.memory_space<hbm>>
    tpu.wait_indirect_dma semaphore(%arg24 : memref<!tpu.dma_semaphore, #tpu.memory_space<semaphore_mem>>) src(%dma_wait3A_935 : memref<67108864xf32, #tpu.memory_space<hbm>>) dst(%dma_wait3A_931 : memref<128xf32, #tpu.memory_space<vmem>>)
    %dma_wait3A_936 = arith.constant 256 : i32
    %dma_wait3A_937 = tpu.memref_slice %arg20[%dma_wait3A_936] : memref<1024xf32, #tpu.memory_space<vmem>> -> memref<128xf32, #tpu.memory_space<vmem>>
    %dma_wait3A_938 = arith.constant 256 : i32
    %dma_wait3A_939 = tpu.memref_slice %arg19[%dma_wait3A_938] : memref<1024xi32, #tpu.memory_space<vmem>> -> memref<128xi32, #tpu.memory_space<vmem>>
    %dma_wait3A_940 = arith.constant 0 : i32
    %dma_wait3A_941 = tpu.memref_slice %arg2[%dma_wait3A_940] : memref<67108864xf32, #tpu.memory_space<hbm>> -> memref<67108864xf32, #tpu.memory_space<hbm>>
    tpu.wait_indirect_dma semaphore(%arg24 : memref<!tpu.dma_semaphore, #tpu.memory_space<semaphore_mem>>) src(%dma_wait3A_941 : memref<67108864xf32, #tpu.memory_space<hbm>>) dst(%dma_wait3A_937 : memref<128xf32, #tpu.memory_space<vmem>>)
    %dma_wait3A_942 = arith.constant 384 : i32
    %dma_wait3A_943 = tpu.memref_slice %arg20[%dma_wait3A_942] : memref<1024xf32, #tpu.memory_space<vmem>> -> memref<128xf32, #tpu.memory_space<vmem>>
    %dma_wait3A_944 = arith.constant 384 : i32
    %dma_wait3A_945 = tpu.memref_slice %arg19[%dma_wait3A_944] : memref<1024xi32, #tpu.memory_space<vmem>> -> memref<128xi32, #tpu.memory_space<vmem>>
    %dma_wait3A_946 = arith.constant 0 : i32
    %dma_wait3A_947 = tpu.memref_slice %arg2[%dma_wait3A_946] : memref<67108864xf32, #tpu.memory_space<hbm>> -> memref<67108864xf32, #tpu.memory_space<hbm>>
    tpu.wait_indirect_dma semaphore(%arg24 : memref<!tpu.dma_semaphore, #tpu.memory_space<semaphore_mem>>) src(%dma_wait3A_947 : memref<67108864xf32, #tpu.memory_space<hbm>>) dst(%dma_wait3A_943 : memref<128xf32, #tpu.memory_space<vmem>>)
    %dma_wait3A_948 = arith.constant 512 : i32
    %dma_wait3A_949 = tpu.memref_slice %arg20[%dma_wait3A_948] : memref<1024xf32, #tpu.memory_space<vmem>> -> memref<128xf32, #tpu.memory_space<vmem>>
    %dma_wait3A_950 = arith.constant 512 : i32
    %dma_wait3A_951 = tpu.memref_slice %arg19[%dma_wait3A_950] : memref<1024xi32, #tpu.memory_space<vmem>> -> memref<128xi32, #tpu.memory_space<vmem>>
    %dma_wait3A_952 = arith.constant 0 : i32
    %dma_wait3A_953 = tpu.memref_slice %arg2[%dma_wait3A_952] : memref<67108864xf32, #tpu.memory_space<hbm>> -> memref<67108864xf32, #tpu.memory_space<hbm>>
    tpu.wait_indirect_dma semaphore(%arg24 : memref<!tpu.dma_semaphore, #tpu.memory_space<semaphore_mem>>) src(%dma_wait3A_953 : memref<67108864xf32, #tpu.memory_space<hbm>>) dst(%dma_wait3A_949 : memref<128xf32, #tpu.memory_space<vmem>>)
    %dma_wait3A_954 = arith.constant 640 : i32
    %dma_wait3A_955 = tpu.memref_slice %arg20[%dma_wait3A_954] : memref<1024xf32, #tpu.memory_space<vmem>> -> memref<128xf32, #tpu.memory_space<vmem>>
    %dma_wait3A_956 = arith.constant 640 : i32
    %dma_wait3A_957 = tpu.memref_slice %arg19[%dma_wait3A_956] : memref<1024xi32, #tpu.memory_space<vmem>> -> memref<128xi32, #tpu.memory_space<vmem>>
    %dma_wait3A_958 = arith.constant 0 : i32
    %dma_wait3A_959 = tpu.memref_slice %arg2[%dma_wait3A_958] : memref<67108864xf32, #tpu.memory_space<hbm>> -> memref<67108864xf32, #tpu.memory_space<hbm>>
    tpu.wait_indirect_dma semaphore(%arg24 : memref<!tpu.dma_semaphore, #tpu.memory_space<semaphore_mem>>) src(%dma_wait3A_959 : memref<67108864xf32, #tpu.memory_space<hbm>>) dst(%dma_wait3A_955 : memref<128xf32, #tpu.memory_space<vmem>>)
    %dma_wait3A_960 = arith.constant 768 : i32
    %dma_wait3A_961 = tpu.memref_slice %arg20[%dma_wait3A_960] : memref<1024xf32, #tpu.memory_space<vmem>> -> memref<128xf32, #tpu.memory_space<vmem>>
    %dma_wait3A_962 = arith.constant 768 : i32
    %dma_wait3A_963 = tpu.memref_slice %arg19[%dma_wait3A_962] : memref<1024xi32, #tpu.memory_space<vmem>> -> memref<128xi32, #tpu.memory_space<vmem>>
    %dma_wait3A_964 = arith.constant 0 : i32
    %dma_wait3A_965 = tpu.memref_slice %arg2[%dma_wait3A_964] : memref<67108864xf32, #tpu.memory_space<hbm>> -> memref<67108864xf32, #tpu.memory_space<hbm>>
    tpu.wait_indirect_dma semaphore(%arg24 : memref<!tpu.dma_semaphore, #tpu.memory_space<semaphore_mem>>) src(%dma_wait3A_965 : memref<67108864xf32, #tpu.memory_space<hbm>>) dst(%dma_wait3A_961 : memref<128xf32, #tpu.memory_space<vmem>>)
    %dma_wait3A_966 = arith.constant 896 : i32
    %dma_wait3A_967 = tpu.memref_slice %arg20[%dma_wait3A_966] : memref<1024xf32, #tpu.memory_space<vmem>> -> memref<128xf32, #tpu.memory_space<vmem>>
    %dma_wait3A_968 = arith.constant 896 : i32
    %dma_wait3A_969 = tpu.memref_slice %arg19[%dma_wait3A_968] : memref<1024xi32, #tpu.memory_space<vmem>> -> memref<128xi32, #tpu.memory_space<vmem>>
    %dma_wait3A_970 = arith.constant 0 : i32
    %dma_wait3A_971 = tpu.memref_slice %arg2[%dma_wait3A_970] : memref<67108864xf32, #tpu.memory_space<hbm>> -> memref<67108864xf32, #tpu.memory_space<hbm>>
    tpu.wait_indirect_dma semaphore(%arg24 : memref<!tpu.dma_semaphore, #tpu.memory_space<semaphore_mem>>) src(%dma_wait3A_971 : memref<67108864xf32, #tpu.memory_space<hbm>>) dst(%dma_wait3A_967 : memref<128xf32, #tpu.memory_space<vmem>>)
    %scan3A_972 = arith.constant 0 : i32
    %scan3A_973 = arith.constant 64 : i32
    %scan3A_974 = arith.addi %scan3A_972, %scan3A_973 : i32
    %scan3A_975 = arith.constant 1 : i32
    %scan3A_976:2 = scf.for %scan3A_999 = %scan3A_972 to %scan3A_974 step %scan3A_975 iter_args(%scan3A_1000 = %broadcast_in_dim3A_6, %scan3A_1001 = %broadcast_in_dim3A_6) -> (vector<16xf32>, vector<16xf32>)  : i32 {
      %mul3A_1002 = arith.constant 16 : i32
      %mul3A_1003 = arith.muli %scan3A_999, %mul3A_1002 : i32
      %get3A = arith.index_cast %mul3A_1003 : i32 to index
      %get3A_1004 = tpu.vector_load %arg7[%get3A] {strides = array<i32>} : memref<1024xi32, #tpu.memory_space<vmem>>, vector<16xi32>,
      %mul3A_1005 = arith.constant 16 : i32
      %mul3A_1006 = arith.muli %scan3A_999, %mul3A_1005 : i32
      %get3A_1007 = arith.index_cast %mul3A_1006 : i32 to index
      %get3A_1008 = tpu.vector_load %arg8[%get3A_1007] {strides = array<i32>} : memref<1024xi32, #tpu.memory_space<vmem>>, vector<16xi32>,
      %mul3A_1009 = arith.constant 16 : i32
      %mul3A_1010 = arith.muli %scan3A_999, %mul3A_1009 : i32
      %get3A_1011 = arith.index_cast %mul3A_1010 : i32 to index
      %get3A_1012 = tpu.vector_load %arg9[%get3A_1011] {strides = array<i32>} : memref<1024xf32, #tpu.memory_space<vmem>>, vector<16xf32>,
      %mul3A_1013 = arith.constant 16 : i32
      %mul3A_1014 = arith.muli %scan3A_999, %mul3A_1013 : i32
      %get3A_1015 = arith.index_cast %mul3A_1014 : i32 to index
      %get3A_1016 = tpu.vector_load %arg20[%get3A_1015] {strides = array<i32>} : memref<1024xf32, #tpu.memory_space<vmem>>, vector<16xf32>,
      %gather3A = tpu.vector_load_idx %arg10[%get3A_1004] : memref<8192xf32, #tpu.memory_space<vmem>>[vector<16xi32>], vector<16xf32>,
      %gather3A_1017 = tpu.vector_load_idx %arg11[%get3A_1008] : memref<8192xf32, #tpu.memory_space<vmem>>[vector<16xi32>], vector<16xf32>,
      %gt3A = arith.constant 1.000000e-01 : f32
      %gt3A_1018 = vector.broadcast %gt3A : f32 to vector<16xf32>
      %gt3A_1019 = arith.cmpf ogt, %get3A_1012, %gt3A_1018 : vector<16xf32>
      %eq3A_1020 = arith.cmpf oeq, %get3A_1012, %gather3A : vector<16xf32>
      %and3A = arith.andi %gt3A_1019, %eq3A_1020 : vector<16xi1>
      %eq3A_1021 = arith.cmpf oeq, %get3A_1012, %gather3A_1017 : vector<16xf32>
      %and3A_1022 = arith.andi %and3A, %eq3A_1021 : vector<16xi1>
      %jit3A_1023 = arith.constant 0.000000e+00 : f32
      %broadcast_in_dim3A_1024 = vector.broadcast %jit3A_1023 : f32 to vector<16xf32>
      %select_n3A_1025 = arith.select %and3A_1022, %get3A_1012, %broadcast_in_dim3A_1024 : vector<16xi1>, vector<16xf32>
      %add3A = arith.constant 9.99999993E-9 : f32
      %add3A_1026 = vector.broadcast %add3A : f32 to vector<16xf32>
      %add3A_1027 = arith.addf %get3A_1016, %add3A_1026 : vector<16xf32>
      %bitcast_convert_type3A = tpu.bitcast %add3A_1027 : vector<16xf32> -> vector<16xi32>
      %shift_right_arithmetic3A = arith.constant 23 : i32
      %shift_right_arithmetic3A_1028 = vector.broadcast %shift_right_arithmetic3A : i32 to vector<16xi32>
      %shift_right_arithmetic3A_1029 = arith.shrsi %bitcast_convert_type3A, %shift_right_arithmetic3A_1028 : vector<16xi32>
      %sub3A = arith.constant 127 : i32
      %sub3A_1030 = vector.broadcast %sub3A : i32 to vector<16xi32>
      %sub3A_1031 = arith.subi %shift_right_arithmetic3A_1029, %sub3A_1030 : vector<16xi32>
      %and3A_1032 = arith.constant 8388607 : i32
      %and3A_1033 = vector.broadcast %and3A_1032 : i32 to vector<16xi32>
      %and3A_1034 = arith.andi %bitcast_convert_type3A, %and3A_1033 : vector<16xi32>
      %or3A = arith.constant 1065353216 : i32
      %or3A_1035 = vector.broadcast %or3A : i32 to vector<16xi32>
      %or3A_1036 = arith.ori %and3A_1034, %or3A_1035 : vector<16xi32>
      %bitcast_convert_type3A_1037 = tpu.bitcast %or3A_1036 : vector<16xi32> -> vector<16xf32>
      %sub3A_1038 = arith.constant 1.000000e+00 : f32
      %sub3A_1039 = vector.broadcast %sub3A_1038 : f32 to vector<16xf32>
      %sub3A_1040 = arith.subf %bitcast_convert_type3A_1037, %sub3A_1039 : vector<16xf32>
      %add3A_1041 = arith.constant 1.000000e+00 : f32
      %add3A_1042 = vector.broadcast %add3A_1041 : f32 to vector<16xf32>
      %add3A_1043 = arith.addf %bitcast_convert_type3A_1037, %add3A_1042 : vector<16xf32>
      %div3A = arith.divf %sub3A_1040, %add3A_1043 : vector<16xf32>
      %mul3A_1044 = arith.mulf %div3A, %div3A : vector<16xf32>
      %div3A_1045 = arith.constant 9.000000e+00 : f32
      %div3A_1046 = vector.broadcast %div3A_1045 : f32 to vector<16xf32>
      %div3A_1047 = arith.divf %mul3A_1044, %div3A_1046 : vector<16xf32>
      %add3A_1048 = arith.constant 0.142857149 : f32
      %add3A_1049 = vector.broadcast %add3A_1048 : f32 to vector<16xf32>
      %add3A_1050 = arith.addf %add3A_1049, %div3A_1047 : vector<16xf32>
      %mul3A_1051 = arith.mulf %mul3A_1044, %add3A_1050 : vector<16xf32>
      %add3A_1052 = arith.constant 2.000000e-01 : f32
      %add3A_1053 = vector.broadcast %add3A_1052 : f32 to vector<16xf32>
      %add3A_1054 = arith.addf %add3A_1053, %mul3A_1051 : vector<16xf32>
      %mul3A_1055 = arith.mulf %mul3A_1044, %add3A_1054 : vector<16xf32>
      %add3A_1056 = arith.constant 0.333333343 : f32
      %add3A_1057 = vector.broadcast %add3A_1056 : f32 to vector<16xf32>
      %add3A_1058 = arith.addf %add3A_1057, %mul3A_1055 : vector<16xf32>
      %mul3A_1059 = arith.mulf %mul3A_1044, %add3A_1058 : vector<16xf32>
      %add3A_1060 = arith.constant 1.000000e+00 : f32
      %add3A_1061 = vector.broadcast %add3A_1060 : f32 to vector<16xf32>
      %add3A_1062 = arith.addf %add3A_1061, %mul3A_1059 : vector<16xf32>
      %convert_element_type3A_1063 = arith.sitofp %sub3A_1031 : vector<16xi32> to vector<16xf32>
      %mul3A_1064 = arith.constant 0.693147182 : f32
      %mul3A_1065 = vector.broadcast %mul3A_1064 : f32 to vector<16xf32>
      %mul3A_1066 = arith.mulf %convert_element_type3A_1063, %mul3A_1065 : vector<16xf32>
      %mul3A_1067 = arith.constant 2.000000e+00 : f32
      %mul3A_1068 = vector.broadcast %mul3A_1067 : f32 to vector<16xf32>
      %mul3A_1069 = arith.mulf %mul3A_1068, %div3A : vector<16xf32>
      %mul3A_1070 = arith.mulf %mul3A_1069, %add3A_1062 : vector<16xf32>
      %add3A_1071 = arith.addf %mul3A_1066, %mul3A_1070 : vector<16xf32>
      %neg3A = arith.constant 0.000000e+00 : f32
      %neg3A_1072 = vector.broadcast %neg3A : f32 to vector<16xf32>
      %neg3A_1073 = arith.subf %neg3A_1072, %add3A_1071 : vector<16xf32>
      %mul3A_1074 = arith.mulf %select_n3A_1025, %neg3A_1073 : vector<16xf32>
      %add3A_1075 = arith.addf %scan3A_1000, %mul3A_1074 : vector<16xf32>
      %add3A_1076 = arith.addf %scan3A_1001, %select_n3A_1025 : vector<16xf32>
      scf.yield %add3A_1075, %add3A_1076 : vector<16xf32>, vector<16xf32>
    }
    %scan3A_977 = arith.constant 64 : i32
    %reduce_sum3A = arith.constant true
    %reduce_sum3A_978 = vector.broadcast %reduce_sum3A : i1 to vector<16xi1>
    %reduce_sum3A_979 = tpu.scan <sum>, %scan3A_976#0 masked %reduce_sum3A_978 : vector<16xf32>, vector<16xi1> -> vector<16xf32>
    %reduce_sum3A_980 = vector.extract %reduce_sum3A_979[15] : f32 from vector<16xf32>
    %reduce_sum3A_981 = arith.constant true
    %reduce_sum3A_982 = vector.broadcast %reduce_sum3A_981 : i1 to vector<16xi1>
    %reduce_sum3A_983 = tpu.scan <sum>, %scan3A_976#1 masked %reduce_sum3A_982 : vector<16xf32>, vector<16xi1> -> vector<16xf32>
    %reduce_sum3A_984 = vector.extract %reduce_sum3A_983[15] : f32 from vector<16xf32>
    %eq3A = arith.constant 0 : i32
    %eq3A_985 = vector.broadcast %eq3A : i32 to vector<16xi32>
    %eq3A_986 = arith.cmpi eq, %iota3A, %eq3A_985 : vector<16xi32>
    %eq3A_987 = arith.constant 1 : i32
    %eq3A_988 = vector.broadcast %eq3A_987 : i32 to vector<16xi32>
    %eq3A_989 = arith.cmpi eq, %iota3A, %eq3A_988 : vector<16xi32>
    %jit3A = arith.constant 0.000000e+00 : f32
    %broadcast_in_dim3A_990 = vector.broadcast %reduce_sum3A_984 : f32 to vector<16xf32>
    %broadcast_in_dim3A_991 = vector.broadcast %jit3A : f32 to vector<16xf32>
    %select_n3A = arith.select %eq3A_989, %broadcast_in_dim3A_990, %broadcast_in_dim3A_991 : vector<16xi1>, vector<16xf32>
    %broadcast_in_dim3A_992 = vector.broadcast %reduce_sum3A_980 : f32 to vector<16xf32>
    %select_n3A_993 = arith.select %eq3A_986, %broadcast_in_dim3A_992, %select_n3A : vector<16xi1>, vector<16xf32>
    %swap3A = arith.constant 0 : index
    %swap3A_994 = tpu.vector_load %arg21[%swap3A] {strides = array<i32>} : memref<16xf32, #tpu.memory_space<vmem>>, vector<16xf32>,
    tpu.vector_store %arg21[%swap3A], %select_n3A_993 {strides = array<i32>} : memref<16xf32, #tpu.memory_space<vmem>>, vector<16xf32>,
    "tpu.region"() ({
      %run_scoped3A = tpu.sem_alloc : memref<!tpu.dma_semaphore, #tpu.memory_space<semaphore_mem>>
      %dma_start3A_999 = arith.constant 0 : i32
      %dma_start3A_1000 = tpu.memref_slice %arg18[%arg1, %dma_start3A_999] : memref<16x16xf32, #tpu.memory_space<vmem_shared>> -> memref<1x16xf32, #tpu.memory_space<vmem_shared>>
      %dma_start3A_1001 = tpu.memref_squeeze %dma_start3A_1000 : memref<1x16xf32, #tpu.memory_space<vmem_shared>> -> memref<16xf32, #tpu.memory_space<vmem_shared>>
      %dma_start3A_1002 = arith.constant 0 : i32
      %dma_start3A_1003 = tpu.memref_slice %arg18[%arg1, %dma_start3A_1002] : memref<16x16xf32, #tpu.memory_space<vmem_shared>> -> memref<1x16xf32, #tpu.memory_space<vmem_shared>>
      %dma_start3A_1004 = tpu.memref_squeeze %dma_start3A_1003 : memref<1x16xf32, #tpu.memory_space<vmem_shared>> -> memref<16xf32, #tpu.memory_space<vmem_shared>>
      tpu.enqueue_dma source(%arg21 : memref<16xf32, #tpu.memory_space<vmem>>) target(%dma_start3A_1004 : memref<16xf32, #tpu.memory_space<vmem_shared>>) target_semaphore(%run_scoped3A : memref<!tpu.dma_semaphore, #tpu.memory_space<semaphore_mem>>)
      %dma_wait3A_1005 = arith.constant 0 : i32
      %dma_wait3A_1006 = tpu.memref_slice %arg18[%arg1, %dma_wait3A_1005] : memref<16x16xf32, #tpu.memory_space<vmem_shared>> -> memref<1x16xf32, #tpu.memory_space<vmem_shared>>
      %dma_wait3A_1007 = tpu.memref_squeeze %dma_wait3A_1006 : memref<1x16xf32, #tpu.memory_space<vmem_shared>> -> memref<16xf32, #tpu.memory_space<vmem_shared>>
      %dma_wait3A_1008 = arith.constant 0 : i32
      %dma_wait3A_1009 = tpu.memref_slice %arg18[%arg1, %dma_wait3A_1008] : memref<16x16xf32, #tpu.memory_space<vmem_shared>> -> memref<1x16xf32, #tpu.memory_space<vmem_shared>>
      %dma_wait3A_1010 = tpu.memref_squeeze %dma_wait3A_1009 : memref<1x16xf32, #tpu.memory_space<vmem_shared>> -> memref<16xf32, #tpu.memory_space<vmem_shared>>
      tpu.wait_dma2 semaphore(%run_scoped3A : memref<!tpu.dma_semaphore, #tpu.memory_space<semaphore_mem>>) src(%arg21 : memref<16xf32, #tpu.memory_space<vmem>>) dst(%dma_wait3A_1010 : memref<16xf32, #tpu.memory_space<vmem_shared>>)
      tpu.yield
    }) : () -> ()
    %barrier3A_995 = arith.constant 0 : index
    tpu.barrier barrier_id(%barrier3A_995)
    %eq3A_996 = arith.constant 0 : i32
    %eq3A_997 = arith.cmpi eq, %arg1, %eq3A_996 : i32
    %convert_element_type3A = arith.extui %eq3A_997 : i1 to i32
    %cond3A = arith.constant 0 : i32
    %cond3A_998 = arith.cmpi ne, %convert_element_type3A, %cond3A : i32
    scf.if %cond3A_998 {
      "tpu.region"() ({
        %run_scoped3A = tpu.sem_alloc : memref<!tpu.dma_semaphore, #tpu.memory_space<semaphore_mem>>
        tpu.enqueue_dma source(%arg18 : memref<16x16xf32, #tpu.memory_space<vmem_shared>>) target(%arg22 : memref<16x16xf32, #tpu.memory_space<vmem>>) target_semaphore(%run_scoped3A : memref<!tpu.dma_semaphore, #tpu.memory_space<semaphore_mem>>)
        tpu.wait_dma2 semaphore(%run_scoped3A : memref<!tpu.dma_semaphore, #tpu.memory_space<semaphore_mem>>) src(%arg18 : memref<16x16xf32, #tpu.memory_space<vmem_shared>>) dst(%arg22 : memref<16x16xf32, #tpu.memory_space<vmem>>)
        tpu.yield
      }) : () -> ()
      %get3A = arith.constant 0 : i32
      %get3A_999 = arith.index_cast %get3A : i32 to index
      %get3A_1000 = arith.constant 0 : index
      %get3A_1001 = tpu.vector_load %arg22[%get3A_999, %get3A_1000] {strides = array<i32>} : memref<16x16xf32, #tpu.memory_space<vmem>>, vector<16xf32>,
      %get3A_1002 = arith.constant 1 : i32
      %get3A_1003 = arith.index_cast %get3A_1002 : i32 to index
      %get3A_1004 = arith.constant 0 : index
      %get3A_1005 = tpu.vector_load %arg22[%get3A_1003, %get3A_1004] {strides = array<i32>} : memref<16x16xf32, #tpu.memory_space<vmem>>, vector<16xf32>,
      %add3A = arith.addf %get3A_1001, %get3A_1005 : vector<16xf32>
      %get3A_1006 = arith.constant 2 : i32
      %get3A_1007 = arith.index_cast %get3A_1006 : i32 to index
      %get3A_1008 = arith.constant 0 : index
      %get3A_1009 = tpu.vector_load %arg22[%get3A_1007, %get3A_1008] {strides = array<i32>} : memref<16x16xf32, #tpu.memory_space<vmem>>, vector<16xf32>,
      %add3A_1010 = arith.addf %add3A, %get3A_1009 : vector<16xf32>
      %get3A_1011 = arith.constant 3 : i32
      %get3A_1012 = arith.index_cast %get3A_1011 : i32 to index
      %get3A_1013 = arith.constant 0 : index
      %get3A_1014 = tpu.vector_load %arg22[%get3A_1012, %get3A_1013] {strides = array<i32>} : memref<16x16xf32, #tpu.memory_space<vmem>>, vector<16xf32>,
      %add3A_1015 = arith.addf %add3A_1010, %get3A_1014 : vector<16xf32>
      %get3A_1016 = arith.constant 4 : i32
      %get3A_1017 = arith.index_cast %get3A_1016 : i32 to index
      %get3A_1018 = arith.constant 0 : index
      %get3A_1019 = tpu.vector_load %arg22[%get3A_1017, %get3A_1018] {strides = array<i32>} : memref<16x16xf32, #tpu.memory_space<vmem>>, vector<16xf32>,
      %add3A_1020 = arith.addf %add3A_1015, %get3A_1019 : vector<16xf32>
      %get3A_1021 = arith.constant 5 : i32
      %get3A_1022 = arith.index_cast %get3A_1021 : i32 to index
      %get3A_1023 = arith.constant 0 : index
      %get3A_1024 = tpu.vector_load %arg22[%get3A_1022, %get3A_1023] {strides = array<i32>} : memref<16x16xf32, #tpu.memory_space<vmem>>, vector<16xf32>,
      %add3A_1025 = arith.addf %add3A_1020, %get3A_1024 : vector<16xf32>
      %get3A_1026 = arith.constant 6 : i32
      %get3A_1027 = arith.index_cast %get3A_1026 : i32 to index
      %get3A_1028 = arith.constant 0 : index
      %get3A_1029 = tpu.vector_load %arg22[%get3A_1027, %get3A_1028] {strides = array<i32>} : memref<16x16xf32, #tpu.memory_space<vmem>>, vector<16xf32>,
      %add3A_1030 = arith.addf %add3A_1025, %get3A_1029 : vector<16xf32>
      %get3A_1031 = arith.constant 7 : i32
      %get3A_1032 = arith.index_cast %get3A_1031 : i32 to index
      %get3A_1033 = arith.constant 0 : index
      %get3A_1034 = tpu.vector_load %arg22[%get3A_1032, %get3A_1033] {strides = array<i32>} : memref<16x16xf32, #tpu.memory_space<vmem>>, vector<16xf32>,
      %add3A_1035 = arith.addf %add3A_1030, %get3A_1034 : vector<16xf32>
      %get3A_1036 = arith.constant 8 : i32
      %get3A_1037 = arith.index_cast %get3A_1036 : i32 to index
      %get3A_1038 = arith.constant 0 : index
      %get3A_1039 = tpu.vector_load %arg22[%get3A_1037, %get3A_1038] {strides = array<i32>} : memref<16x16xf32, #tpu.memory_space<vmem>>, vector<16xf32>,
      %add3A_1040 = arith.addf %add3A_1035, %get3A_1039 : vector<16xf32>
      %get3A_1041 = arith.constant 9 : i32
      %get3A_1042 = arith.index_cast %get3A_1041 : i32 to index
      %get3A_1043 = arith.constant 0 : index
      %get3A_1044 = tpu.vector_load %arg22[%get3A_1042, %get3A_1043] {strides = array<i32>} : memref<16x16xf32, #tpu.memory_space<vmem>>, vector<16xf32>,
      %add3A_1045 = arith.addf %add3A_1040, %get3A_1044 : vector<16xf32>
      %get3A_1046 = arith.constant 10 : i32
      %get3A_1047 = arith.index_cast %get3A_1046 : i32 to index
      %get3A_1048 = arith.constant 0 : index
      %get3A_1049 = tpu.vector_load %arg22[%get3A_1047, %get3A_1048] {strides = array<i32>} : memref<16x16xf32, #tpu.memory_space<vmem>>, vector<16xf32>,
      %add3A_1050 = arith.addf %add3A_1045, %get3A_1049 : vector<16xf32>
      %get3A_1051 = arith.constant 11 : i32
      %get3A_1052 = arith.index_cast %get3A_1051 : i32 to index
      %get3A_1053 = arith.constant 0 : index
      %get3A_1054 = tpu.vector_load %arg22[%get3A_1052, %get3A_1053] {strides = array<i32>} : memref<16x16xf32, #tpu.memory_space<vmem>>, vector<16xf32>,
      %add3A_1055 = arith.addf %add3A_1050, %get3A_1054 : vector<16xf32>
      %get3A_1056 = arith.constant 12 : i32
      %get3A_1057 = arith.index_cast %get3A_1056 : i32 to index
      %get3A_1058 = arith.constant 0 : index
      %get3A_1059 = tpu.vector_load %arg22[%get3A_1057, %get3A_1058] {strides = array<i32>} : memref<16x16xf32, #tpu.memory_space<vmem>>, vector<16xf32>,
      %add3A_1060 = arith.addf %add3A_1055, %get3A_1059 : vector<16xf32>
      %get3A_1061 = arith.constant 13 : i32
      %get3A_1062 = arith.index_cast %get3A_1061 : i32 to index
      %get3A_1063 = arith.constant 0 : index
      %get3A_1064 = tpu.vector_load %arg22[%get3A_1062, %get3A_1063] {strides = array<i32>} : memref<16x16xf32, #tpu.memory_space<vmem>>, vector<16xf32>,
      %add3A_1065 = arith.addf %add3A_1060, %get3A_1064 : vector<16xf32>
      %get3A_1066 = arith.constant 14 : i32
      %get3A_1067 = arith.index_cast %get3A_1066 : i32 to index
      %get3A_1068 = arith.constant 0 : index
      %get3A_1069 = tpu.vector_load %arg22[%get3A_1067, %get3A_1068] {strides = array<i32>} : memref<16x16xf32, #tpu.memory_space<vmem>>, vector<16xf32>,
      %add3A_1070 = arith.addf %add3A_1065, %get3A_1069 : vector<16xf32>
      %get3A_1071 = arith.constant 15 : i32
      %get3A_1072 = arith.index_cast %get3A_1071 : i32 to index
      %get3A_1073 = arith.constant 0 : index
      %get3A_1074 = tpu.vector_load %arg22[%get3A_1072, %get3A_1073] {strides = array<i32>} : memref<16x16xf32, #tpu.memory_space<vmem>>, vector<16xf32>,
      %add3A_1075 = arith.addf %add3A_1070, %get3A_1074 : vector<16xf32>
      %add3A_1076 = arith.constant 1 : i32
      %add3A_1077 = vector.broadcast %add3A_1076 : i32 to vector<16xi32>
      %add3A_1078 = arith.addi %iota3A, %add3A_1077 : vector<16xi32>
      %min3A = arith.constant 15 : i32
      %min3A_1079 = vector.broadcast %min3A : i32 to vector<16xi32>
      %min3A_1080 = arith.minsi %add3A_1078, %min3A_1079 : vector<16xi32>
      %lt3A = arith.constant 0 : i32
      %lt3A_1081 = vector.broadcast %lt3A : i32 to vector<16xi32>
      %lt3A_1082 = arith.cmpi slt, %min3A_1080, %lt3A_1081 : vector<16xi32>
      %add3A_1083 = arith.constant 16 : i32
      %add3A_1084 = vector.broadcast %add3A_1083 : i32 to vector<16xi32>
      %add3A_1085 = arith.addi %min3A_1080, %add3A_1084 : vector<16xi32>
      %select_n3A_1086 = arith.select %lt3A_1082, %add3A_1085, %min3A_1080 : vector<16xi1>, vector<16xi32>
      %broadcast_in_dim3A_1087 = vector.shape_cast %select_n3A_1086 : vector<16xi32> to vector<16x1xi32>
      %gather3A = vector.shape_cast %broadcast_in_dim3A_1087 : vector<16x1xi32> to vector<16xi32>
      %gather3A_1088 = tpu.dynamic_gather %add3A_1075[%gather3A] in [0] : vector<16xf32>, vector<16xi32> -> vector<16xf32>
      %div3A = arith.divf %add3A_1075, %gather3A_1088 : vector<16xf32>
      %swap3A_1089 = arith.constant 0 : index
      %swap3A_1090 = tpu.vector_load %arg23[%swap3A_1089] {strides = array<i32>} : memref<16xf32, #tpu.memory_space<vmem>>, vector<16xf32>,
      tpu.vector_store %arg23[%swap3A_1089], %div3A {strides = array<i32>} : memref<16xf32, #tpu.memory_space<vmem>>, vector<16xf32>,
      "tpu.region"() ({
        %run_scoped3A = tpu.sem_alloc : memref<!tpu.dma_semaphore, #tpu.memory_space<semaphore_mem>>
        tpu.enqueue_dma source(%arg23 : memref<16xf32, #tpu.memory_space<vmem>>) target(%arg6 : memref<16xf32, #tpu.memory_space<hbm>>) target_semaphore(%run_scoped3A : memref<!tpu.dma_semaphore, #tpu.memory_space<semaphore_mem>>)
        tpu.wait_dma2 semaphore(%run_scoped3A : memref<!tpu.dma_semaphore, #tpu.memory_space<semaphore_mem>>) src(%arg23 : memref<16xf32, #tpu.memory_space<vmem>>) dst(%arg6 : memref<16xf32, #tpu.memory_space<hbm>>)
        tpu.yield
      }) : () -> ()
    } else {
    }
    return
  }
}

</mosaic_0001>

<sc_bundles>
// kernel: kernel.3.cloned.1.call-start
scs
__scs_entry_jumppad:
0x0: {  	(pc) =	sbr.rel $0x88, $3  }
0x1: {  	(tag) =	ssettag $0x0;
	lr =	simm.s32 $0x1  }
0x2: {  	[smem:$0x3F9E] =	sst lr;
	_ =	strace $0xD0000000  }
0x3: {  	_ = 	snop  }
0x4: {  	_ = 	snop  }
0x5: {  	_ = 	snop  }
0x6: {  	_ = 	snop  }
0x7: {  	_ = 	snop  }
__scs_overlays_trampoline_lowered:
0x8: {  	[smem:$0x3FAD] =	sst s0  }
0x9: {  	[smem:$0x3FAE] =	sst s1  }
0xa: {  	[smem:$0x3FAF] =	sst s2  }
0xb: {  	[smem:$0x3FB0] =	sst s3  }
0xc: {  	[smem:$0x3FB1] =	sst s4  }
0xd: {  	[smem:$0x3FB2] =	sst s5  }
0xe: {  	[smem:$0x3FB3] =	sst s6  }
0xf: {  	[smem:$0x3FB4] =	sst s7  }
0x10: {  	[smem:$0x3FB5] =	sst s8  }
0x11: {  	[smem:$0x3FB6] =	sst s9;
	s0 =	simm.s32 @!p0 $0x0  }
0x12: {  	s1 =	sld [smem:$0x3F9C];
	s0 =	simm.s32 @p0 $0x1  }
0x13: {  	[smem:$0x3FB7] =	sst s0;
	s0 =	simm.s32 @!p1 $0x0  }
0x14: {  	s2 =	sld [smem:$0x3F9B];
	s0 =	simm.s32 @p1 $0x1  }
0x15: {  	[smem:$0x3FB8] =	sst s0;
	s0 =	simm.s32 @!p2 $0x0  }
0x16: {  	s3 =	sld [smem:$0x3FDB];
	s0 =	simm.s32 @p2 $0x1  }
0x17: {  	s4 =	simm.s32 $0x1BF5;
	[smem:$0x3FBA] =	sst s0  }
0x18: {  	s0 =	sld [smem:$0x3F9D];
	_ =	swait.ge [sflag:s4], $0x0  }
0x19: {  	s7 =	sld [smem:$0x3F9E]  }
0x1a: {  	s8 =	sadd.s32 $0xFFFFE003, lr  }
0x1b: {  	s9 =	sadd.s32 $0xFFFFFEF7, lr;
	s5 =	simm.s32 $0xFFFFFFFF;
	p2 =	slt.u32 s8, $0xFFFFF086  }
0x1c: {  	p1 =	slt.u32 s9, $0xF7A;
	s5 =	simm.s32 @!p2 $0x0  }
0x1d: {  	s5 =	simm.s32 @p1 $0x1;
	p0 =	seq.s32 s7, s2  }
0x1e: {  	s7 =	smul.u32 @!p0 $0xF7A, s2;
	p2 =	seq.s32 @!p0 s5, $0x0  }
0x1f: {  	s9 =	smul.u32 $0xF7A, s1;
	s8 =	simm.s32 @!p0 $0x1BF5;
	p2 =	por !p2, p0  }
0x20: {  	[sflag:s8] =	ssyncset.s32 @!p0 $0xFFFFF086;
	s6 =	sadd.s32 @!p0 s3, s7;
	s7 =	simm.s32 @!p0 $0x108  }
0x21: {  	s3 =	sadd.s32 s3, s9;
	s6 =	sadd.s32 @!p0 $0x88, s6;
	s7 =	simm.s32 @p2 $0x1082  }
0x22: {  	[simem:s7], [sflag:s8] =	dma.local @!p0 [hbm:s6], $0xF7A  }
0x23: {  	s9 =	sor.u32 $0xD0000000, s2;
	s6 =	simm.s32 $0x108;
	_ =	swait.ge @!p0 [sflag:s8], $0x0  }
0x24: {  	s3 =	sadd.s32 $0x88, s3;
	s6 =	simm.s32 @!p1 $0x1082;
	[sflag:s4] =	ssyncset.s32 $0xFFFFF086  }
0x25: {  	[simem:s6], [sflag:s4] =	dma.local [hbm:s3], $0xF7A  }
0x26: {  	[smem:$0x3F9E] =	sst s1;
	(tag) =	ssettag s2;
	_ =	strace s9  }
0x27: {  	s1 =	sld [smem:$0x3FAE]  }
0x28: {  	s2 =	sld [smem:$0x3FAF]  }
0x29: {  	s4 =	sld [smem:$0x3FB1]  }
0x2a: {  	p0 =	seq.s32 s5, $0x0;
	s5 =	sld [smem:$0x3FB2]  }
0x2b: {  	s6 =	sld [smem:$0x3FB3]  }
0x2c: {  	s7 =	sld [smem:$0x3FB4]  }
0x2d: {  	s3 =	simm.s32 $0x108;
	s8 =	sld [smem:$0x3FB5]  }
0x2e: {  	s3 =	simm.s32 @!p0 $0x1082;
	s9 =	sld [smem:$0x3FB6]  }
0x2f: {  	lr =	sadd.s32 s0, s3;
	s0 =	sld [smem:$0x3FAD]  }
0x30: {  	s3 =	sld [smem:$0x3FB0]  }
0x31: {  	[smem:$0x3FB9] =	sst s10  }
0x32: {  	s10 =	sld [smem:$0x3FB7];
	_ =	sdelay $0x3  }
0x33: {  	p0 =	seq.s32 s10, $0x1;
	s10 =	sld [smem:$0x3FB9];
	_ =	sdelay $0x3  }
0x34: {  	[smem:$0x3FB9] =	sst s10  }
0x35: {  	s10 =	sld [smem:$0x3FB8];
	_ =	sdelay $0x3  }
0x36: {  	p1 =	seq.s32 s10, $0x1;
	s10 =	sld [smem:$0x3FB9];
	_ =	sdelay $0x3  }
0x37: {  	[smem:$0x3FB9] =	sst s10  }
0x38: {  	s10 =	sld [smem:$0x3FBA]  }
0x39: {  	_ = 	snop;
	(pc) =	sbr.ind lr, $3  }
0x3a: {  	_ = 	snop  }
0x3b: {  	_ = 	snop  }
0x3c: {  	p2 =	seq.s32 s10, $0x1;
	s10 =	sld [smem:$0x3FB9]  }
0x3d: {  	_ =	shalt  }
0x3e: {  	_ =	shalt  }
0x3f: {  	_ =	shalt  }
0x40: {  	_ =	shalt  }
0x41: {  	_ =	shalt  }
0x42: {  	_ =	shalt  }
0x43: {  	_ =	shalt  }
0x44: {  	_ =	shalt  }
0x45: {  	_ =	shalt  }
0x46: {  	_ =	shalt  }
0x47: {  	_ =	shalt  }
0x48: {  	_ =	shalt  }
0x49: {  	_ =	shalt  }
0x4a: {  	_ =	shalt  }
0x4b: {  	_ =	shalt  }
0x4c: {  	_ =	shalt  }
0x4d: {  	_ =	shalt  }
0x4e: {  	_ =	shalt  }
0x4f: {  	_ =	shalt  }
0x50: {  	_ =	shalt  }
0x51: {  	_ =	shalt  }
0x52: {  	_ =	shalt  }
0x53: {  	_ =	shalt  }
0x54: {  	_ =	shalt  }
0x55: {  	_ =	shalt  }
0x56: {  	_ =	shalt  }
0x57: {  	_ =	shalt  }
0x58: {  	_ =	shalt  }
0x59: {  	_ =	shalt  }
0x5a: {  	_ =	shalt  }
0x5b: {  	_ =	shalt  }
0x5c: {  	_ =	shalt  }
0x5d: {  	_ =	shalt  }
0x5e: {  	_ =	shalt  }
0x5f: {  	_ =	shalt  }
0x60: {  	_ =	shalt  }
0x61: {  	_ =	shalt  }
0x62: {  	_ =	shalt  }
0x63: {  	_ =	shalt  }
0x64: {  	_ =	shalt  }
0x65: {  	_ =	shalt  }
0x66: {  	_ =	shalt  }
0x67: {  	_ =	shalt  }
0x68: {  	_ =	shalt  }
0x69: {  	_ =	shalt  }
0x6a: {  	_ =	shalt  }
0x6b: {  	_ =	shalt  }
0x6c: {  	_ =	shalt  }
0x6d: {  	_ =	shalt  }
0x6e: {  	_ =	shalt  }
0x6f: {  	_ =	shalt  }
0x70: {  	_ =	shalt  }
0x71: {  	_ =	shalt  }
0x72: {  	_ =	shalt  }
0x73: {  	_ =	shalt  }
0x74: {  	_ =	shalt  }
0x75: {  	_ =	shalt  }
0x76: {  	_ =	shalt  }
0x77: {  	_ =	shalt  }
0x78: {  	_ =	shalt  }
0x79: {  	_ =	shalt  }
0x7a: {  	_ =	shalt  }
0x7b: {  	_ =	shalt  }
0x7c: {  	_ =	shalt  }
0x7d: {  	_ =	shalt  }
0x7e: {  	_ =	shalt  }
0x7f: {  	_ =	shalt  }
0x80: {  	_ =	shalt  }
0x81: {  	_ =	shalt  }
0x82: {  	_ =	shalt  }
0x83: {  	_ =	shalt  }
0x84: {  	_ =	shalt  }
0x85: {  	_ =	shalt  }
0x86: {  	_ =	shalt  }
0x87: {  	_ =	shalt  }
.Lfunc_end0:
.L_simem_size_0:
called_computation_lowered:
.L_overlay_start_0:
0x88: {  	s0 =	sld [smem:$0x3FD9]  }
0x89: {  	s1 =	sld [smem:$0x3FFE];
	_ =	sdelay $0x3  }
0x8a: {  	s0 =	sadd.s32 s1, s0  }
0x8b: {  	[smem:$0x3FC5] =	sst s0  }
0x8c: {  	_ = 	snop  }
0x8d: {  	s0 =	sld [smem:$0x3FC9]  }
0x8e: {  	s16 =	sld [smem:$0x3FC7]  }
0x8f: {  	s2 =	sld [smem:$0x3FD0];
	(tm) =	ssettm $0x1  }
0x90: {  	s3 =	sld [smem:$0x3FFB];
	_ =	sdelay $0x3  }
0x91: {  	_ =	strace s3  }
0x92: {  	s3 =	sld [smem:$0x3FFC];
	_ =	sdelay $0x3  }
0x93: {  	_ =	strace s3  }
0x94: {  	s3 =	sld [smem:$0x3FFD];
	_ =	sdelay $0x3  }
0x95: {  	_ =	strace s3  }
0x96: {  	_ =	strace $0x8FFFFFFF  }
0x97: {  	s17 =	sld [smem:$0x3FDB];
	_ =	sdelay $0x1  }
0x98: {  	s4 =	simm.s32 $_scs_section_size  }
0x99: {  	s5 =	simm.s32 $_size__tile_overlayer_lowered;
	s6 =	simm.s32 $_tile_overlayer_lowered  }
0x9a: {  	s20 =	simm.s32 $0x1BFF;
	s19 =	sshll.u32 s6, $0x1;
	s3 =	sadd.s32 s4, s17  }
0x9b: {  	s7 =	simm.s32 $0x0;
	s18 =	sshll.u32 s5, $0x1;
	s5 =	sadd.s32 s19, s3  }
0x9c: {  	[timem:s7], [sflag:s20] =	dma.local [hbm:s5], s18  }
0x9d: {  	_ =	swait.ge [sflag:s20], s18  }
0x9e: {  	s4 =	ssub.s32 $0x0, s18;
	[sflag:s20] =	ssyncset.done $0x0  }
0x9f: {  	[sflag:s20] =	ssyncadd.s32 s4;
	_ =	sdelay $0x1  }
0xa0: {  	s21 =	simm.s32 $0x1B8B  }
0xa1: {  	_ =	swait.ge [sflag:s21], $0x1  }
0xa2: {  	[sflag:s21] =	ssyncset.done $0x0  }
0xa3: {  	s23 =	simm.s32 $0x1B8E;
	s22 =	sld [smem:$0x3FFE];
	[sflag:s21] =	ssyncadd.s32 $0xFFFFFFFF  }
0xa4: {  	s24 =	simm.s32 $execute0_lowered;
	[smem:$0x3FD2] =	sst s23  }
0xa5: {  	s5 =	sshll.u32 s24, $0x1;
	_ =	strace $0x80000046;
	[dreg:$0x1] =	wrdreg $0xFFFFFFFF  }
0xa6: {  	s25 =	simm.s32 $_size_execute0_lowered;
	s3 =	sadd.s32 s3, s5;
	[dreg:$0x0] =	wrdreg $0x0  }
0xa7: {  	s5 =	sshll.u32 s25, $0x1;
	[dreg:$0x2] =	wrdreg s3  }
0xa8: {  	[dreg:$0x3] =	wrdreg s5  }
0xa9: {  	[dreg:$0x4] =	wrdreg $0xC0  }
0xaa: {  	_ =	task [dreg:s7], $0x5FFFF  }
0xab: {  	[dreg:$0x1] =	wrdreg $0xFFFFFFFF  }
0xac: {  	[dreg:$0x0] =	wrdreg $0x60  }
0xad: {  	[dreg:$0x2] =	wrdreg s0  }
0xae: {  	[dreg:$0x3] =	wrdreg s22  }
0xaf: {  	[dreg:$0x4] =	wrdreg s16  }
0xb0: {  	[dreg:$0x5] =	wrdreg s2  }
0xb1: {  	[dreg:$0x6] =	wrdreg $0xB2000  }
0xb2: {  	[dreg:$0x7] =	wrdreg $0x6E000  }
0xb3: {  	[dreg:$0x8] =	wrdreg $0x8E000  }
0xb4: {  	[dreg:$0x9] =	wrdreg $0xAE000  }
0xb5: {  	[dreg:$0xa] =	wrdreg $0xB0000  }
0xb6: {  	[dreg:$0xb] =	wrdreg $0x9  }
0xb7: {  	_ =	task.clear_ibuf [dreg:s7], $0xCFFFF;
	_ =	strace $0x90000046  }
0xb8: {  	s26 =	simm.s32 $0x9;
	_ =	strace $0x80000048  }
0xb9: {  	_ =	swait.ge [sflag:s26], $0x1  }
0xba: {  	[sflag:s26] =	ssyncadd.s32 $0xFFFFFFFF  }
0xbb: {  	_ =	strace $0x90000048  }
0xbc: {  	_ =	sfence  }
0xbd: {  	s28 =	sld [smem:$0x0];
	_ =	sdelay $0x1  }
0xbe: {  	s29 =	srdreg.scid  }
0xbf: {  	s30 =	sshll.u32 s29, $0xD;
	s31 =	sshrl.u32 s29, $0x2  }
0xc0: {  	s1 =	sand.u32 $0x1, s29;
	s2 =	sand.u32 $0x4000, s30;
	s0 =	sadd.s32 s31, s28  }
0xc1: {  	s1 =	sor.u32 s2, s1;
	s0 =	sshll.u32 s0, $0x11  }
0xc2: {  	s0 =	sor.u32 s0, s1  }
0xc3: {  	s0 =	sadd.s32 $0x8F2B, s0  }
0xc4: {  	[sflag:s0] =	ssyncadd.remote.s32 $0x1  }
0xc5: {  	_ =	sfence.sel $0xFFFF  }
0xc6: {  	[dreg:$0x0] =	wrdreg $0xFFFFFFFF;
	(pc) =	sbr.abs _section_cstart, $3  }
0xc7: {  	[dreg:$0x1] =	wrdreg $0xFFFFFFFF  }
0xc8: {  	_ =	task.clear_ibuf [dreg:s7], $0x2FFFF;
	_ =	strace $0x9FFFFFFF  }
0xc9: {  	(tm) =	ssettm $0x7FFFFFFF  }
tec
execute0_lowered:
.L_overlay_start_1:
0x0: {  	(tag) =	ssettag $0x1  }
0x1: {  	s8 =	rddreg [dreg:$0x0]  }
0x2: {  	s10 =	rddreg [dreg:$0x1]  }
0x3: {  	s11 =	rddreg [dreg:$0x2]  }
0x4: {  	s1 =	rddreg [dreg:$0x3]  }
0x5: {  	s2 =	rddreg [dreg:$0x4]  }
0x6: {  	s7 =	rddreg [dreg:$0x5]  }
0x7: {  	s6 =	rddreg [dreg:$0x6]  }
0x8: {  	s5 =	rddreg [dreg:$0x7];
	s3 =	stileid.u32  }
0x9: {  	s4 =	rddreg [dreg:$0x8];
	s12 =	simm.s32 $0x0;
	s9 =	sshll.u32 s3, $0x7  }
0xa: {  	[smem:$0x7FF] =	sst s12;
	s10 =	sadd.s32 s9, s10  }
0xb: {  	s0 =	rddreg [dreg:$0x9];
	_ =	strace $0x80000047;
	s13 =	sadd.s32 $0xE00, s10  }
0xc: {  	[tilespmem:s12], [sflag:$0x2] =	stream.linear.gather [hbm4b:s13+s12], $0x400, $0x38;
	[tilespmem:$0xC310] =	vst v63  }
0xd: {  	s29 =	simm.s32 $0x400;
	s31 =	simm.s32 $0x800;
	s10 =	sadd.s32 $0x600, s10  }
0xe: {  	[tilespmem:s29], [sflag:$0x2] =	stream.linear.gather [hbm4b:s10+s12], $0x400, $0x38;
	[tilespmem:$0xC310] =	vst v63  }
0xf: {  	s30 =	sadd.s32 s11, s9;
	s11 =	simm.s32 $0x200;
	s10 =	simm.s32 $0x0  }
0x10: {  	v0 =	vimm.f32 $0.0e+00;
	[tilespmem:s31], [sflag:$0x2] =	stream.linear.gather [hbm4b:s30+s12], $0x400, $0x38;
	[tilespmem:$0xC310] =	vst v63  }
.LBB2_1:
0x11: {  	p0 =	sne.s32 s11, $0x7E00;
	[tilespmem:s10+$0x2C70] =	vst v0  }
0x12: {  	[tilespmem:s10+$0xC00] =	vst v0  }
0x13: {  	[tilespmem:s10+$0x2C00] =	vst v0  }
0x14: {  	[tilespmem:s10+$0xC10] =	vst v0  }
0x15: {  	[tilespmem:s10+$0x2C10] =	vst v0  }
0x16: {  	[tilespmem:s10+$0xC20] =	vst v0  }
0x17: {  	[tilespmem:s10+$0x2C20] =	vst v0  }
0x18: {  	[tilespmem:s10+$0xC30] =	vst v0  }
0x19: {  	[tilespmem:s10+$0x2C30] =	vst v0  }
0x1a: {  	[tilespmem:s10+$0xC40] =	vst v0  }
0x1b: {  	[tilespmem:s10+$0x2C40] =	vst v0  }
.Ltmp0:
0x1c: {  	[tilespmem:s10+$0xC50] =	vst v0;
	(pc) =	sbr.rel @p0 .LBB2_1-.Ltmp0, $4  }
0x1d: {  	[tilespmem:s10+$0x2C50] =	vst v0  }
0x1e: {  	[tilespmem:s10+$0xC60] =	vst v0  }
0x1f: {  	[tilespmem:s10+$0x2C60] =	vst v0  }
0x20: {  	[tilespmem:s10+$0xC70] =	vst v0;
	s10 =	sshra.s32 s11, $0x2;
	s11 =	sadd.s32 $0x200, s11  }
0x21: {  	[tilespmem:s10+$0x2C70] =	vst v0  }
0x22: {  	[tilespmem:s10+$0xC00] =	vst v0  }
0x23: {  	[tilespmem:s10+$0x2C00] =	vst v0  }
0x24: {  	[tilespmem:s10+$0xC10] =	vst v0  }
0x25: {  	[tilespmem:s10+$0x2C10] =	vst v0  }
0x26: {  	[tilespmem:s10+$0xC20] =	vst v0  }
0x27: {  	[tilespmem:s10+$0x2C20] =	vst v0  }
0x28: {  	[tilespmem:s10+$0xC30] =	vst v0  }
0x29: {  	[tilespmem:s10+$0x2C30] =	vst v0  }
0x2a: {  	[tilespmem:s10+$0xC40] =	vst v0  }
0x2b: {  	[tilespmem:s10+$0x2C40] =	vst v0  }
0x2c: {  	[tilespmem:s10+$0xC50] =	vst v0  }
0x2d: {  	[tilespmem:s10+$0x2C50] =	vst v0  }
0x2e: {  	[tilespmem:s10+$0xC60] =	vst v0  }
0x2f: {  	[tilespmem:s10+$0x2C60] =	vst v0  }
0x30: {  	[tilespmem:s10+$0xC70] =	vst v0;
	s31 =	simm.s32 $0x2  }
0x31: {  	_ =	swait.ge [sflag:s31], $0x400  }
0x32: {  	[sflag:s31] =	ssyncset.done $0x0  }
0x33: {  	[sflag:s31] =	ssyncadd.s32 $0xFFFFFC00  }
0x34: {  	_ =	swait.ge [sflag:s31], $0x400  }
0x35: {  	[sflag:s31] =	ssyncset.done $0x0  }
0x36: {  	[sflag:s31] =	ssyncadd.s32 $0xFFFFFC00  }
0x37: {  	_ =	swait.ge [sflag:s31], $0x400  }
0x38: {  	[sflag:s31] =	ssyncset.done $0x0  }
0x39: {  	s11 =	simm.s32 $0x0;
	[sflag:s31] =	ssyncadd.s32 $0xFFFFFC00  }
0x3a: {  	v4 =	vld [tilespmem:s11+$0x0]  }
0x3b: {  	v0 =	vimm.s32 $0xEDCBA987;
	v1 =	vld [tilespmem:s11+$0x800]  }
0x3c: {  	v2 =	vimm.s32 $0x65432100;
	v0 =	vunpack.c.l.s4.s8 v0  }
0x3d: {  	v3 =	vimm.s32 $0xDCBA9876;
	v2 =	vunpack.c.l.s4.s8 v2  }
0x3e: {  	v6 =	vimm.s32 $0x54321000;
	v3 =	vunpack.c.l.s4.s8 v3;
	v0 =	vunpack.c.0.s8.s32 v0  }
0x3f: {  	v6 =	vunpack.c.l.s4.s8 v6;
	v2 =	vunpack.c.0.s8.s32 v2;
	v5 =	vld [tilespmem:s11+$0x400];
	v7 =	vxor.u32 $0x80000000, v4  }
0x40: {  	v3 =	vunpack.c.0.s8.s32 v3;
	v0 =	vand.u32 $0xF, v0;
	(xrf1) =	vsort.ascd.msk.u32 $0xffff, v7, v1  }
0x41: {  	v2 =	vcombine.low v2, v0;
	v0 =	vunpack.c.0.s8.s32 v6  }
0x42: {  	v3 =	vand.u32 $0xF, v3;
	v6 =	vimm.s32 $0xBA987654  }
0x43: {  	v6 =	vunpack.c.l.s4.s8 v6;
	v0 =	vcombine.low v0, v3;
	v7 =	vimm.s32 $0xE40000  }
0x44: {  	v3 =	vimm.s32 $0x32100000;
	v8 =	vxor.u32 $0x80000000, v5;
	v7 =	vunpack.c.l.s2.s4 v7  }
0x45: {  	(xrf1) =	vsort.ascd.msk.u32 $0xffff, v8, v1;
	v1 =	vunpack.c.l.s4.s8 v3;
	v3 =	vunpack.c.0.s8.s32 v6  }
0x46: {  	v8 =	vimm.s32 $0x87654321;
	v6 =	vunpack.c.l.s4.s8 v7;
	v7 =	vimm.s32 $0xFFEDCBA9  }
0x47: {  	v8 =	vunpack.c.l.s4.s8 v8;
	v7 =	vunpack.c.l.s4.s8 v7  }
0x48: {  	v1 =	vunpack.c.0.s8.s32 v1;
	v3 =	vand.u32 $0xF, v3  }
0x49: {  	v8 =	vunpack.c.0.s8.s32 v8;
	v6 =	vunpack.c.0.s8.s32 v6;
	v7 =	vunpack.c.0.s8.s32 v7  }
0x4a: {  	v3 =	vcombine.low v1, v3  }
0x4b: {  	v1 =	vand.u32 $0x3, v6;
	v6 =	vcombine.low v8, v7;
	v8 =	vshll.u32 v4, $0x7  }
0x4c: {  	vm0 =	vcmask $0x3F04;
	v9 =	vimm.s32 $0x7060504;
	v7 =	vshll.u32 v4, $0xD  }
0x4d: {  	v4 =	vand.u32 $0xF, v6;
	v6 =	vand.u32 $0xFFFF0000, v7;
	v7 =	vand.u32 $0x380, v8  }
0x4e: {  	vm1 =	vcmask $0x3F08;
	v9 =	vunpack.c.0.s8.s32 v9;
	v6 =	vor.u32 v6, v7;
	v8, v53, _ =	vpop (xrf1)  }
0x4f: {  	v7 =	vshll.u32 v5, $0x3;
	v5 =	vand.u32 $0x7F, v5;
	v8 =	vxor.u32 $0x80000000, v8  }
0x50: {  	vm2 =	vcmask $0x3F30;
	v5 =	vor.u32 v5, v6;
	v6 =	vperm.xlane v8, v2  }
0x51: {  	vm3 =	vcmask $0x3F10;
	vm4 =	vcmask $0x3F3C;
	v1 =	vsel vm2, v9, v1  }
0x52: {  	vm2 =	vcmask $0x3F20;
	v7 =	vand.u32 $0xFFFFFC00, v7;
	v10 =	vperm.xlane v53, v2  }
0x53: {  	v7 =	vor.u32 v7, v5;
	v5 =	vperm.xlane v8, v4;
	v11 =	vperm.xlane v8, v0  }
0x54: {  	v12 =	vperm.xlane v8, v3;
	v14 =	vperm.xlane v8, v1;
	vm5 =	veq.s32 v6, v8;
	v6, v13, _ =	vpop (xrf1)  }
0x55: {  	v10 =	vmax.f32 v53, v10;
	vm6 =	vne.s32 v8, v5;
	v5 =	vxor.u32 $0x80000000, v6  }
0x56: {  	vm7 =	veq.s32 v11, v8;
	vm5 =	vmand vm5, vm0;
	v6 =	vperm.xlane v5, v2  }
0x57: {  	vm8 =	veq.s32 v12, v8;
	v9 =	vsel vm5, v10, v53;
	v54 =	vperm.xlane v13, v2  }
0x58: {  	vm6 =	vmor vm6, vm4;
	v55 =	vperm.xlane v9, v0;
	vm5 =	veq.s32 v6, v5  }
0x59: {  	vm7 =	vmand vm7, vm1;
	v6 =	vmax.f32 v13, v54;
	vm5 =	vmand vm5, vm0  }
0x5a: {  	v57 =	vperm.xlane v5, v0;
	v56 =	vmax.f32 v9, v55;
	v6 =	vsel vm5, v6, v13  }
0x5b: {  	vm9 =	veq.s32 v14, v8;
	v9 =	vsel vm7, v56, v9;
	v58 =	vperm.xlane v6, v0  }
0x5c: {  	v60 =	vperm.xlane v5, v4;
	vm7 =	veq.s32 v57, v5;
	v59 =	vperm.xlane v9, v3  }
0x5d: {  	[tilespmem:s11+$0xB210] =	vst v7;
	v7 =	vperm.xlane v5, v3;
	vm7 =	vmand vm7, vm1;
	v10 =	vmax.f32 v6, v58  }
0x5e: {  	s10 =	simm.s32 $0xC00;
	vm5 =	vmand vm8, vm3;
	v12 =	vmax.f32 v9, v59;
	v6 =	vsel vm7, v10, v6  }
0x5f: {  	v61 =	vld.idx.msk [tilespmem:v8+s10+$0x0], vm6;
	v9 =	vsel vm5, v12, v9;
	vm7 =	vne.s32 v5, v60;
	v62 =	vperm.xlane v6, v3  }
0x60: {  	vm5 =	vmor vm7, vm4;
	vm7 =	veq.s32 v7, v5;
	v7 =	vperm.xlane v9, v1  }
0x61: {  	vm15 =	vmand vm9, vm2  }
0x62: {  	vm7 =	vmand vm7, vm3;
	v11 =	vmax.f32 v6, v62;
	v7 =	vmax.f32 v9, v7  }
0x63: {  	v11 =	vsel vm7, v11, v6;
	v6 =	vsel vm15, v7, v9  }
0x64: {  	v63 =	vperm.xlane v5, v1;
	v6 =	vmax.f32 v6, v61  }
0x65: {  	s11 =	simm.s32 $0x2C00;
	v7 =	vperm.xlane v11, v1;
	[tilespmem:v8+s10+$0x0] =	vst.idx.msk vm6, v6  }
0x66: {  	vm7 =	veq.s32 v63, v5;
	v6 =	vld.idx.msk [tilespmem:v5+s11+$0x0], vm5  }
0x67: {  	vm6 =	vmand vm7, vm2;
	v7 =	vmax.f32 v11, v7  }
0x68: {  	s12 =	simm.s32 $0x40;
	s13 =	simm.s32 $0x80;
	v7 =	vsel vm6, v7, v11  }
.LBB2_3:
0x69: {  	p0 =	sne.s32 s13, $0xFC0  }
0x6a: {  	s14 =	sshra.s32 s12, $0x2;
	s12 =	smov.u32 s13;
	s13 =	sadd.s32 $0x40, s13  }
0x6b: {  	v6 =	vmax.f32 v7, v6  }
0x6c: {  	[tilespmem:v5+s11+$0x0] =	vst.idx.msk vm5, v6  }
0x6d: {  	v5 =	vld [tilespmem:s14+$0x0]  }
0x6e: {  	v6 =	vld [tilespmem:s14+$0x800];
	_ =	sdelay $0x3  }
0x6f: {  	v7 =	vshll.u32 v5, $0xD;
	v8 =	vshll.u32 v5, $0x7;
	v5 =	vxor.u32 $0x80000000, v5  }
0x70: {  	v9 =	vld [tilespmem:s14+$0x400];
	v7 =	vand.u32 $0xFFFF0000, v7;
	v8 =	vand.u32 $0x380, v8;
	(xrf1) =	vsort.ascd.msk.u32 $0xffff, v5, v6  }
0x71: {  	v5 =	vor.u32 v7, v8;
	_ =	sdelay $0x3  }
0x72: {  	v7 =	vshll.u32 v9, $0x3;
	v8 =	vand.u32 $0x7F, v9;
	v9 =	vxor.u32 $0x80000000, v9  }
0x73: {  	v7 =	vand.u32 $0xFFFFFC00, v7;
	v5 =	vor.u32 v8, v5;
	(xrf1) =	vsort.ascd.msk.u32 $0xffff, v9, v6  }
0x74: {  	v6 =	vor.u32 v7, v5;
	_ =	sdelay $0x6  }
0x75: {  	v5, v7, _ =	vpop (xrf1)  }
0x76: {  	v8 =	vxor.u32 $0x80000000, v5  }
0x77: {  	v5 =	vperm.xlane v7, v2;
	v9 =	vperm.xlane v8, v2  }
0x78: {  	v10 =	vperm.xlane v8, v4  }
0x79: {  	v11 =	vperm.xlane v8, v0;
	v12 =	vperm.xlane v8, v3;
	v5 =	vmax.f32 v7, v5  }
0x7a: {  	v13 =	vperm.xlane v8, v1;
	vm5 =	veq.s32 v9, v8;
	vm6 =	vne.s32 v8, v10  }
0x7b: {  	vm8 =	veq.s32 v11, v8;
	vm9 =	veq.s32 v12, v8;
	vm5 =	vmand vm5, vm0  }
0x7c: {  	vm7 =	veq.s32 v13, v8;
	vm6 =	vmor vm6, vm4;
	v7 =	vsel vm5, v5, v7;
	v5, v9, _ =	vpop (xrf1)  }
0x7d: {  	vm9 =	vmand vm9, vm3;
	v10 =	vperm.xlane v7, v0;
	v5 =	vxor.u32 $0x80000000, v5  }
0x7e: {  	vm5 =	vmand vm8, vm1;
	v11 =	vperm.xlane v5, v2;
	v12 =	vperm.xlane v5, v4  }
0x7f: {  	v13 =	vperm.xlane v9, v2;
	v10 =	vmax.f32 v7, v10;
	v14 =	vperm.xlane v5, v0  }
0x80: {  	v7 =	vsel vm5, v10, v7;
	vm5 =	veq.s32 v11, v5;
	vm8 =	vne.s32 v5, v12  }
0x81: {  	v10 =	vmax.f32 v9, v13;
	[tilespmem:s14+$0xB210] =	vst v6;
	v6 =	vperm.xlane v7, v3;
	vm5 =	vmand vm5, vm0  }
0x82: {  	vm10 =	veq.s32 v14, v5;
	v11 =	vld.idx.msk [tilespmem:v8+s10+$0x0], vm6;
	v9 =	vsel vm5, v10, v9;
	v10 =	vperm.xlane v5, v3  }
0x83: {  	vm5 =	vmor vm8, vm4;
	v6 =	vmax.f32 v7, v6;
	v12 =	vperm.xlane v9, v0  }
0x84: {  	vm7 =	vmand vm7, vm2;
	v6 =	vsel vm9, v6, v7;
	vm8 =	veq.s32 v10, v5  }
0x85: {  	vm9 =	vmand vm10, vm1;
	v7 =	vperm.xlane v6, v1;
	v10 =	vmax.f32 v9, v12  }
0x86: {  	v9 =	vsel vm9, v10, v9;
	v10 =	vperm.xlane v5, v1  }
0x87: {  	v7 =	vmax.f32 v6, v7;
	v12 =	vperm.xlane v9, v3  }
0x88: {  	v6 =	vsel vm7, v7, v6;
	vm7 =	veq.s32 v10, v5  }
0x89: {  	vm8 =	vmand vm8, vm3;
	v6 =	vmax.f32 v6, v11;
	v7 =	vmax.f32 v9, v12  }
.Ltmp1:
0x8a: {  	[tilespmem:v8+s10+$0x0] =	vst.idx.msk vm6, v6;
	v7 =	vsel vm8, v7, v9;
	(pc) =	sbr.rel @p0 .LBB2_3-.Ltmp1, $3  }
0x8b: {  	v8 =	vperm.xlane v7, v1;
	v6 =	vld.idx.msk [tilespmem:v5+s11+$0x0], vm5;
	_ =	sdelay $0x1  }
0x8c: {  	vm6 =	vmand vm7, vm2;
	v8 =	vmax.f32 v7, v8  }
0x8d: {  	v7 =	vsel vm6, v8, v7  }
0x8e: {  	_ =	sdelay $0x3  }
0x8f: {  	v6 =	vmax.f32 v7, v6  }
0x90: {  	s12 =	sshra.s32 s12, $0x2;
	[tilespmem:v5+s11+$0x0] =	vst.idx.msk vm5, v6  }
0x91: {  	v5 =	vld [tilespmem:s12+$0x0]  }
0x92: {  	v6 =	vld [tilespmem:s12+$0x800];
	_ =	sdelay $0x3  }
0x93: {  	v23 =	vxor.u32 $0x80000000, v5  }
0x94: {  	v24 =	vld [tilespmem:s12+$0x400];
	(xrf1) =	vsort.ascd.msk.u32 $0xffff, v23, v6;
	_ =	sdelay $0x4  }
0x95: {  	v8 =	vxor.u32 $0x80000000, v24  }
0x96: {  	(xrf1) =	vsort.ascd.msk.u32 $0xffff, v8, v6;
	_ =	sdelay $0x7  }
0x97: {  	v25 =	vshll.u32 v5, $0xD;
	v5 =	vshll.u32 v5, $0x7;
	v28 =	vshll.u32 v24, $0x3;
	v26, v9, _ =	vpop (xrf1)  }
0x98: {  	v5 =	vand.u32 $0x380, v5;
	v6 =	vand.u32 $0xFFFF0000, v25;
	v27 =	vxor.u32 $0x80000000, v26  }
0x99: {  	v7 =	vand.u32 $0x7F, v24;
	v5 =	vor.u32 v6, v5;
	v10 =	vperm.xlane v27, v2  }
0x9a: {  	v8 =	vand.u32 $0xFFFFFC00, v28;
	v5 =	vor.u32 v7, v5;
	v29 =	vperm.xlane v9, v2  }
0x9b: {  	v5 =	vor.u32 v8, v5;
	v30 =	vperm.xlane v27, v4;
	vm8 =	veq.s32 v10, v27  }
0x9c: {  	v31 =	vperm.xlane v27, v0;
	v7 =	vmax.f32 v9, v29;
	vm5 =	vmand vm8, vm0  }
0x9d: {  	v33, v32, _ =	vpop (xrf1);
	v11 =	vperm.xlane v27, v3;
	v12 =	vperm.xlane v27, v1;
	v7 =	vsel vm5, v7, v9  }
0x9e: {  	v8 =	vxor.u32 $0x80000000, v33;
	vm9 =	vne.s32 v27, v30;
	v34 =	vperm.xlane v7, v0  }
0x9f: {  	v36 =	vperm.xlane v32, v2;
	vm6 =	veq.s32 v31, v27;
	vm5 =	vmor vm9, vm4  }
0xa0: {  	v35 =	vperm.xlane v8, v2;
	vm6 =	vmand vm6, vm1;
	v10 =	vmax.f32 v7, v34  }
0xa1: {  	v37 =	vperm.xlane v8, v4;
	v38 =	vperm.xlane v8, v0;
	v7 =	vsel vm6, v10, v7  }
0xa2: {  	vm7 =	veq.s32 v11, v27;
	vm11 =	veq.s32 v35, v8;
	v10 =	vperm.xlane v7, v3  }
0xa3: {  	v2 =	vmax.f32 v32, v36;
	vm10 =	vmand vm7, vm3;
	vm7 =	vmand vm11, vm0  }
0xa4: {  	[tilespmem:s12+$0xB210] =	vst v5;
	v42 =	vperm.xlane v8, v3;
	v2 =	vsel vm7, v2, v32;
	v39 =	vmax.f32 v7, v10  }
0xa5: {  	vm12 =	vne.s32 v8, v37;
	v41 =	vperm.xlane v2, v0;
	v40 =	vld.idx.msk [tilespmem:v27+s10+$0x0], vm5;
	v5 =	vsel vm10, v39, v7  }
0xa6: {  	vm13 =	veq.s32 v38, v8;
	vm14 =	vmor vm12, vm4;
	v7 =	vperm.xlane v5, v1  }
0xa7: {  	vm8 =	veq.s32 v12, v27;
	vm1 =	vmand vm13, vm1;
	v0 =	vmax.f32 v2, v41  }
0xa8: {  	vm15 =	vmand vm8, vm2;
	v0 =	vsel vm1, v0, v2;
	v43 =	vmax.f32 v5, v7  }
0xa9: {  	v44 =	vperm.xlane v0, v3;
	v2 =	vsel vm15, v43, v5  }
0xaa: {  	vm1 =	veq.s32 v42, v8;
	v2 =	vmax.f32 v2, v40  }
0xab: {  	vm1 =	vmand vm1, vm3;
	v3 =	vmax.f32 v0, v44;
	[tilespmem:v27+s10+$0x0] =	vst.idx.msk vm5, v2  }
0xac: {  	v45 =	vperm.xlane v8, v1;
	v0 =	vsel vm1, v3, v0;
	v46 =	vld.idx.msk [tilespmem:v8+s11+$0x0], vm14  }
0xad: {  	v47 =	vperm.xlane v0, v1  }
0xae: {  	vm1 =	veq.s32 v45, v8  }
0xaf: {  	vm1 =	vmand vm1, vm2;
	v1 =	vmax.f32 v0, v47  }
0xb0: {  	v0 =	vsel vm1, v1, v0  }
0xb1: {  	v0 =	vmax.f32 v0, v46  }
0xb2: {  	s30 =	simm.s32 $0xB210;
	s31 =	simm.s32 $0xB610;
	s10 =	simm.s32 $0x80;
	[tilespmem:v8+s11+$0x0] =	vst.idx.msk vm14, v0  }
0xb3: {  	[tilespmem:s31], [sflag:$0x1] =	stream.indirect.gather [hbm4b:s8+s10], $0x1, s30, s10, $0xb8;
	[tilespmem:$0xC310] =	vst v63  }
0xb4: {  	s13 =	simm.s32 $0xB290;
	s14 =	simm.s32 $0xB690  }
0xb5: {  	[tilespmem:s14], [sflag:$0x1] =	stream.indirect.gather [hbm4b:s8+s10], $0x1, s13, s10, $0xb8;
	[tilespmem:$0xC310] =	vst v63  }
0xb6: {  	s15 =	simm.s32 $0xB310;
	s16 =	simm.s32 $0xB710  }
0xb7: {  	[tilespmem:s16], [sflag:$0x1] =	stream.indirect.gather [hbm4b:s8+s10], $0x1, s15, s10, $0xb8;
	[tilespmem:$0xC310] =	vst v63  }
0xb8: {  	s17 =	simm.s32 $0xB390;
	s18 =	simm.s32 $0xB790  }
0xb9: {  	[tilespmem:s18], [sflag:$0x1] =	stream.indirect.gather [hbm4b:s8+s10], $0x1, s17, s10, $0xb8;
	[tilespmem:$0xC310] =	vst v63  }
0xba: {  	s19 =	simm.s32 $0xB410;
	s20 =	simm.s32 $0xB810;
	s21 =	sshll.u32 s3, $0xD  }
0xbb: {  	[tilespmem:s20], [sflag:$0x1] =	stream.indirect.gather [hbm4b:s8+s10], $0x1, s19, s10, $0xb8;
	[tilespmem:$0xC310] =	vst v63  }
0xbc: {  	s22 =	simm.s32 $0xB490;
	s23 =	simm.s32 $0xB510;
	s13 =	simm.s32 $0xB890  }
0xbd: {  	[tilespmem:s13], [sflag:$0x1] =	stream.indirect.gather [hbm4b:s8+s10], $0x1, s22, s10, $0xb8;
	[tilespmem:$0xC310] =	vst v63  }
0xbe: {  	s24 =	simm.s32 $0xB910;
	s25 =	simm.s32 $0xB590;
	s9 =	sor.u32 s9, s21  }
0xbf: {  	[tilespmem:s24], [sflag:$0x1] =	stream.indirect.gather [hbm4b:s8+s10], $0x1, s23, s10, $0xb8;
	[tilespmem:$0xC310] =	vst v63  }
0xc0: {  	s26 =	simm.s32 $0xB990;
	s29 =	simm.s32 $0x400;
	s9 =	sand.u32 $0x10380, s9  }
0xc1: {  	[tilespmem:s26], [sflag:$0x1] =	stream.indirect.gather [hbm4b:s8+s10], $0x1, s25, s10, $0xb8;
	[tilespmem:$0xC310] =	vst v63  }
0xc2: {  	s28 =	sadd.s32 s9, s7;
	s30 =	simm.s32 $0xC00;
	s31 =	simm.s32 $0x3  }
0xc3: {  	[spmem:s28] =	stream.strided.scatter [tilespmem:s30], [sflag:$0x3], $0x2000, s29, s10, $0x38;
	[tilespmem:$0xC310] =	vst v63  }
0xc4: {  	_ =	swait.ge [sflag:s31], $0x2000  }
0xc5: {  	[sflag:s31] =	ssyncset.done $0x0  }
0xc6: {  	s14 =	simm.s32 $0x2C00;
	s13 =	sadd.s32 s9, s6;
	[sflag:s31] =	ssyncadd.s32 $0xFFFFE000  }
0xc7: {  	[spmem:s13] =	stream.strided.scatter [tilespmem:s14], [sflag:$0x3], $0x2000, s29, s10, $0x38;
	[tilespmem:$0xC310] =	vst v63  }
0xc8: {  	_ =	swait.ge [sflag:s31], $0x2000  }
0xc9: {  	[sflag:s31] =	ssyncset.done $0x0  }
0xca: {  	s8 =	sshll.u32 s3, $0xC;
	[sflag:s31] =	ssyncadd.s32 $0xFFFFE000  }
0xcb: {  	s16 =	simm.s32 $0x4C00;
	s15 =	sadd.s32 s8, s7;
	[bflag:$0x0] =	sbarrier.arrive $0xFFFF  }
0xcc: {  	[tilespmem:s16], [sflag:$0x2] =	stream.linear.gather [spmem:s15], $0x80, $0x38;
	[tilespmem:$0xC310] =	vst v63  }
0xcd: {  	s18 =	simm.s32 $0x5000;
	s17 =	sadd.s32 $0x400, s15  }
0xce: {  	[tilespmem:s18], [sflag:$0x2] =	stream.linear.gather [spmem:s17], $0x80, $0x38;
	[tilespmem:$0xC310] =	vst v63  }
0xcf: {  	s20 =	simm.s32 $0x5400;
	s19 =	sadd.s32 $0x800, s15  }
0xd0: {  	[tilespmem:s20], [sflag:$0x2] =	stream.linear.gather [spmem:s19], $0x80, $0x38;
	[tilespmem:$0xC310] =	vst v63  }
0xd1: {  	s21 =	simm.s32 $0x5800;
	s9 =	sadd.s32 $0xC00, s15  }
0xd2: {  	[tilespmem:s21], [sflag:$0x2] =	stream.linear.gather [spmem:s9], $0x80, $0x38;
	[tilespmem:$0xC310] =	vst v63  }
0xd3: {  	s9 =	sor.u32 $0x80, s8  }
0xd4: {  	s23 =	simm.s32 $0x4C80;
	s22 =	sadd.s32 s9, s7  }
0xd5: {  	[tilespmem:s23], [sflag:$0x2] =	stream.linear.gather [spmem:s22], $0x80, $0x38;
	[tilespmem:$0xC310] =	vst v63  }
0xd6: {  	s25 =	simm.s32 $0x5080;
	s24 =	sadd.s32 $0x400, s22  }
0xd7: {  	[tilespmem:s25], [sflag:$0x2] =	stream.linear.gather [spmem:s24], $0x80, $0x38;
	[tilespmem:$0xC310] =	vst v63  }
0xd8: {  	s28 =	simm.s32 $0x5480;
	s26 =	sadd.s32 $0x800, s22  }
0xd9: {  	[tilespmem:s28], [sflag:$0x2] =	stream.linear.gather [spmem:s26], $0x80, $0x38;
	[tilespmem:$0xC310] =	vst v63  }
0xda: {  	s29 =	simm.s32 $0x5880;
	s10 =	sadd.s32 $0xC00, s22  }
0xdb: {  	[tilespmem:s29], [sflag:$0x2] =	stream.linear.gather [spmem:s10], $0x80, $0x38;
	[tilespmem:$0xC310] =	vst v63  }
0xdc: {  	s10 =	sor.u32 $0x100, s8  }
0xdd: {  	s31 =	simm.s32 $0x4D00;
	s30 =	sadd.s32 s10, s7  }
0xde: {  	[tilespmem:s31], [sflag:$0x2] =	stream.linear.gather [spmem:s30], $0x80, $0x38;
	[tilespmem:$0xC310] =	vst v63  }
0xdf: {  	s14 =	simm.s32 $0x5100;
	s13 =	sadd.s32 $0x400, s30  }
0xe0: {  	[tilespmem:s14], [sflag:$0x2] =	stream.linear.gather [spmem:s13], $0x80, $0x38;
	[tilespmem:$0xC310] =	vst v63  }
0xe1: {  	s16 =	simm.s32 $0x5500;
	s15 =	sadd.s32 $0x800, s30  }
0xe2: {  	[tilespmem:s16], [sflag:$0x2] =	stream.linear.gather [spmem:s15], $0x80, $0x38;
	[tilespmem:$0xC310] =	vst v63  }
0xe3: {  	s17 =	simm.s32 $0x5900;
	s11 =	sadd.s32 $0xC00, s30  }
0xe4: {  	[tilespmem:s17], [sflag:$0x2] =	stream.linear.gather [spmem:s11], $0x80, $0x38;
	[tilespmem:$0xC310] =	vst v63  }
0xe5: {  	s11 =	sor.u32 $0x180, s8  }
0xe6: {  	s19 =	simm.s32 $0x4D80;
	s18 =	sadd.s32 s11, s7  }
0xe7: {  	[tilespmem:s19], [sflag:$0x2] =	stream.linear.gather [spmem:s18], $0x80, $0x38;
	[tilespmem:$0xC310] =	vst v63  }
0xe8: {  	s14 =	simm.s32 $0x5180;
	s20 =	sadd.s32 $0x400, s18  }
0xe9: {  	[tilespmem:s14], [sflag:$0x2] =	stream.linear.gather [spmem:s20], $0x80, $0x38;
	[tilespmem:$0xC310] =	vst v63  }
0xea: {  	s22 =	simm.s32 $0x5580;
	s21 =	sadd.s32 $0x800, s18  }
0xeb: {  	[tilespmem:s22], [sflag:$0x2] =	stream.linear.gather [spmem:s21], $0x80, $0x38;
	[tilespmem:$0xC310] =	vst v63  }
0xec: {  	s23 =	simm.s32 $0x5980;
	s12 =	sadd.s32 $0xC00, s18  }
0xed: {  	[tilespmem:s23], [sflag:$0x2] =	stream.linear.gather [spmem:s12], $0x80, $0x38;
	[tilespmem:$0xC310] =	vst v63  }
0xee: {  	s12 =	sor.u32 $0x200, s8  }
0xef: {  	s25 =	simm.s32 $0x4E00;
	s24 =	sadd.s32 s12, s7  }
0xf0: {  	[tilespmem:s25], [sflag:$0x2] =	stream.linear.gather [spmem:s24], $0x80, $0x38;
	[tilespmem:$0xC310] =	vst v63  }
0xf1: {  	s15 =	simm.s32 $0x5200;
	s26 =	sadd.s32 $0x400, s24  }
0xf2: {  	[tilespmem:s15], [sflag:$0x2] =	stream.linear.gather [spmem:s26], $0x80, $0x38;
	[tilespmem:$0xC310] =	vst v63  }
0xf3: {  	s29 =	simm.s32 $0x5600;
	s28 =	sadd.s32 $0x800, s24  }
0xf4: {  	[tilespmem:s29], [sflag:$0x2] =	stream.linear.gather [spmem:s28], $0x80, $0x38;
	[tilespmem:$0xC310] =	vst v63  }
0xf5: {  	s30 =	simm.s32 $0x5A00;
	s13 =	sadd.s32 $0xC00, s24  }
0xf6: {  	[tilespmem:s30], [sflag:$0x2] =	stream.linear.gather [spmem:s13], $0x80, $0x38;
	[tilespmem:$0xC310] =	vst v63  }
0xf7: {  	s13 =	sor.u32 $0x280, s8  }
0xf8: {  	s17 =	simm.s32 $0x4E80;
	s31 =	sadd.s32 s13, s7  }
0xf9: {  	[tilespmem:s17], [sflag:$0x2] =	stream.linear.gather [spmem:s31], $0x80, $0x38;
	[tilespmem:$0xC310] =	vst v63  }
0xfa: {  	s16 =	simm.s32 $0x5280;
	s18 =	sadd.s32 $0x400, s31  }
0xfb: {  	[tilespmem:s16], [sflag:$0x2] =	stream.linear.gather [spmem:s18], $0x80, $0x38;
	[tilespmem:$0xC310] =	vst v63  }
0xfc: {  	s20 =	simm.s32 $0x5680;
	s19 =	sadd.s32 $0x800, s31  }
0xfd: {  	[tilespmem:s20], [sflag:$0x2] =	stream.linear.gather [spmem:s19], $0x80, $0x38;
	[tilespmem:$0xC310] =	vst v63  }
0xfe: {  	s21 =	simm.s32 $0x5A80;
	s14 =	sadd.s32 $0xC00, s31  }
0xff: {  	[tilespmem:s21], [sflag:$0x2] =	stream.linear.gather [spmem:s14], $0x80, $0x38;
	[tilespmem:$0xC310] =	vst v63  }
0x100: {  	s14 =	sor.u32 $0x300, s8  }
0x101: {  	s23 =	simm.s32 $0x4F00;
	s22 =	sadd.s32 s14, s7  }
0x102: {  	[tilespmem:s23], [sflag:$0x2] =	stream.linear.gather [spmem:s22], $0x80, $0x38;
	[tilespmem:$0xC310] =	vst v63  }
0x103: {  	s17 =	simm.s32 $0x5300;
	s24 =	sadd.s32 $0x400, s22  }
0x104: {  	[tilespmem:s17], [sflag:$0x2] =	stream.linear.gather [spmem:s24], $0x80, $0x38;
	[tilespmem:$0xC310] =	vst v63  }
0x105: {  	s26 =	simm.s32 $0x5700;
	s25 =	sadd.s32 $0x800, s22  }
0x106: {  	[tilespmem:s26], [sflag:$0x2] =	stream.linear.gather [spmem:s25], $0x80, $0x38;
	[tilespmem:$0xC310] =	vst v63  }
0x107: {  	s28 =	simm.s32 $0x5B00;
	s15 =	sadd.s32 $0xC00, s22  }
0x108: {  	[tilespmem:s28], [sflag:$0x2] =	stream.linear.gather [spmem:s15], $0x80, $0x38;
	[tilespmem:$0xC310] =	vst v63  }
0x109: {  	s15 =	sor.u32 $0x380, s8  }
0x10a: {  	s30 =	simm.s32 $0x4F80;
	s29 =	sadd.s32 s15, s7  }
0x10b: {  	[tilespmem:s30], [sflag:$0x2] =	stream.linear.gather [spmem:s29], $0x80, $0x38;
	[tilespmem:$0xC310] =	vst v63  }
0x10c: {  	s18 =	simm.s32 $0x5380;
	s31 =	sadd.s32 $0x400, s29  }
0x10d: {  	[tilespmem:s18], [sflag:$0x2] =	stream.linear.gather [spmem:s31], $0x80, $0x38;
	[tilespmem:$0xC310] =	vst v63  }
0x10e: {  	s20 =	simm.s32 $0x5780;
	s19 =	sadd.s32 $0x800, s29  }
0x10f: {  	[tilespmem:s20], [sflag:$0x2] =	stream.linear.gather [spmem:s19], $0x80, $0x38;
	[tilespmem:$0xC310] =	vst v63  }
0x110: {  	s21 =	simm.s32 $0x5B80;
	s16 =	sadd.s32 $0xC00, s29  }
0x111: {  	[tilespmem:s21], [sflag:$0x2] =	stream.linear.gather [spmem:s16], $0x80, $0x38;
	[tilespmem:$0xC310] =	vst v63  }
0x112: {  	s16 =	sor.u32 $0x10000, s8  }
0x113: {  	s23 =	simm.s32 $0x5C00;
	s22 =	sadd.s32 s16, s7  }
0x114: {  	[tilespmem:s23], [sflag:$0x2] =	stream.linear.gather [spmem:s22], $0x80, $0x38;
	[tilespmem:$0xC310] =	vst v63  }
0x115: {  	s19 =	simm.s32 $0x6000;
	s24 =	sadd.s32 $0x400, s22  }
0x116: {  	[tilespmem:s19], [sflag:$0x2] =	stream.linear.gather [spmem:s24], $0x80, $0x38;
	[tilespmem:$0xC310] =	vst v63  }
0x117: {  	s26 =	simm.s32 $0x6400;
	s25 =	sadd.s32 $0x800, s22  }
0x118: {  	[tilespmem:s26], [sflag:$0x2] =	stream.linear.gather [spmem:s25], $0x80, $0x38;
	[tilespmem:$0xC310] =	vst v63  }
0x119: {  	s28 =	simm.s32 $0x6800;
	s17 =	sadd.s32 $0xC00, s22  }
0x11a: {  	[tilespmem:s28], [sflag:$0x2] =	stream.linear.gather [spmem:s17], $0x80, $0x38;
	[tilespmem:$0xC310] =	vst v63  }
0x11b: {  	s17 =	sor.u32 $0x10080, s8  }
0x11c: {  	s30 =	simm.s32 $0x5C80;
	s29 =	sadd.s32 s17, s7  }
0x11d: {  	[tilespmem:s30], [sflag:$0x2] =	stream.linear.gather [spmem:s29], $0x80, $0x38;
	[tilespmem:$0xC310] =	vst v63  }
0x11e: {  	s20 =	simm.s32 $0x6080;
	s31 =	sadd.s32 $0x400, s29  }
0x11f: {  	[tilespmem:s20], [sflag:$0x2] =	stream.linear.gather [spmem:s31], $0x80, $0x38;
	[tilespmem:$0xC310] =	vst v63  }
0x120: {  	s22 =	simm.s32 $0x6480;
	s21 =	sadd.s32 $0x800, s29  }
0x121: {  	[tilespmem:s22], [sflag:$0x2] =	stream.linear.gather [spmem:s21], $0x80, $0x38;
	[tilespmem:$0xC310] =	vst v63  }
0x122: {  	s23 =	simm.s32 $0x6880;
	s18 =	sadd.s32 $0xC00, s29  }
0x123: {  	[tilespmem:s23], [sflag:$0x2] =	stream.linear.gather [spmem:s18], $0x80, $0x38;
	[tilespmem:$0xC310] =	vst v63  }
0x124: {  	s18 =	sor.u32 $0x10100, s8  }
0x125: {  	s25 =	simm.s32 $0x5D00;
	s24 =	sadd.s32 s18, s7  }
0x126: {  	[tilespmem:s25], [sflag:$0x2] =	stream.linear.gather [spmem:s24], $0x80, $0x38;
	[tilespmem:$0xC310] =	vst v63  }
0x127: {  	s21 =	simm.s32 $0x6100;
	s26 =	sadd.s32 $0x400, s24  }
0x128: {  	[tilespmem:s21], [sflag:$0x2] =	stream.linear.gather [spmem:s26], $0x80, $0x38;
	[tilespmem:$0xC310] =	vst v63  }
0x129: {  	s29 =	simm.s32 $0x6500;
	s28 =	sadd.s32 $0x800, s24  }
0x12a: {  	[tilespmem:s29], [sflag:$0x2] =	stream.linear.gather [spmem:s28], $0x80, $0x38;
	[tilespmem:$0xC310] =	vst v63  }
0x12b: {  	s30 =	simm.s32 $0x6900;
	s19 =	sadd.s32 $0xC00, s24  }
0x12c: {  	[tilespmem:s30], [sflag:$0x2] =	stream.linear.gather [spmem:s19], $0x80, $0x38;
	[tilespmem:$0xC310] =	vst v63  }
0x12d: {  	s19 =	sor.u32 $0x10180, s8  }
0x12e: {  	s23 =	simm.s32 $0x5D80;
	s31 =	sadd.s32 s19, s7  }
0x12f: {  	[tilespmem:s23], [sflag:$0x2] =	stream.linear.gather [spmem:s31], $0x80, $0x38;
	[tilespmem:$0xC310] =	vst v63  }
0x130: {  	s22 =	simm.s32 $0x6180;
	s24 =	sadd.s32 $0x400, s31  }
0x131: {  	[tilespmem:s22], [sflag:$0x2] =	stream.linear.gather [spmem:s24], $0x80, $0x38;
	[tilespmem:$0xC310] =	vst v63  }
0x132: {  	s26 =	simm.s32 $0x6580;
	s25 =	sadd.s32 $0x800, s31  }
0x133: {  	[tilespmem:s26], [sflag:$0x2] =	stream.linear.gather [spmem:s25], $0x80, $0x38;
	[tilespmem:$0xC310] =	vst v63  }
0x134: {  	s28 =	simm.s32 $0x6980;
	s20 =	sadd.s32 $0xC00, s31  }
0x135: {  	[tilespmem:s28], [sflag:$0x2] =	stream.linear.gather [spmem:s20], $0x80, $0x38;
	[tilespmem:$0xC310] =	vst v63  }
0x136: {  	s20 =	sor.u32 $0x10200, s8  }
0x137: {  	s30 =	simm.s32 $0x5E00;
	s29 =	sadd.s32 s20, s7  }
0x138: {  	[tilespmem:s30], [sflag:$0x2] =	stream.linear.gather [spmem:s29], $0x80, $0x38;
	[tilespmem:$0xC310] =	vst v63  }
0x139: {  	s23 =	simm.s32 $0x6200;
	s31 =	sadd.s32 $0x400, s29  }
0x13a: {  	[tilespmem:s23], [sflag:$0x2] =	stream.linear.gather [spmem:s31], $0x80, $0x38;
	[tilespmem:$0xC310] =	vst v63  }
0x13b: {  	s24 =	simm.s32 $0x6600;
	s23 =	sadd.s32 $0x800, s29  }
0x13c: {  	[tilespmem:s24], [sflag:$0x2] =	stream.linear.gather [spmem:s23], $0x80, $0x38;
	[tilespmem:$0xC310] =	vst v63  }
0x13d: {  	s25 =	simm.s32 $0x6A00;
	s21 =	sadd.s32 $0xC00, s29  }
0x13e: {  	[tilespmem:s25], [sflag:$0x2] =	stream.linear.gather [spmem:s21], $0x80, $0x38;
	[tilespmem:$0xC310] =	vst v63  }
0x13f: {  	s21 =	sor.u32 $0x10280, s8  }
0x140: {  	s28 =	simm.s32 $0x5E80;
	s26 =	sadd.s32 s21, s7  }
0x141: {  	[tilespmem:s28], [sflag:$0x2] =	stream.linear.gather [spmem:s26], $0x80, $0x38;
	[tilespmem:$0xC310] =	vst v63  }
0x142: {  	s24 =	simm.s32 $0x6280;
	s29 =	sadd.s32 $0x400, s26  }
0x143: {  	[tilespmem:s24], [sflag:$0x2] =	stream.linear.gather [spmem:s29], $0x80, $0x38;
	[tilespmem:$0xC310] =	vst v63  }
0x144: {  	s31 =	simm.s32 $0x6680;
	s30 =	sadd.s32 $0x800, s26  }
0x145: {  	[tilespmem:s31], [sflag:$0x2] =	stream.linear.gather [spmem:s30], $0x80, $0x38;
	[tilespmem:$0xC310] =	vst v63  }
0x146: {  	s25 =	simm.s32 $0x6A80;
	s22 =	sadd.s32 $0xC00, s26  }
0x147: {  	[tilespmem:s25], [sflag:$0x2] =	stream.linear.gather [spmem:s22], $0x80, $0x38;
	[tilespmem:$0xC310] =	vst v63  }
0x148: {  	s22 =	sor.u32 $0x10300, s8  }
0x149: {  	s28 =	simm.s32 $0x5F00;
	s26 =	sadd.s32 s22, s7  }
0x14a: {  	[tilespmem:s28], [sflag:$0x2] =	stream.linear.gather [spmem:s26], $0x80, $0x38;
	[tilespmem:$0xC310] =	vst v63  }
0x14b: {  	s25 =	simm.s32 $0x6300;
	s29 =	sadd.s32 $0x400, s26  }
0x14c: {  	[tilespmem:s25], [sflag:$0x2] =	stream.linear.gather [spmem:s29], $0x80, $0x38;
	[tilespmem:$0xC310] =	vst v63  }
0x14d: {  	s31 =	simm.s32 $0x6700;
	s30 =	sadd.s32 $0x800, s26  }
0x14e: {  	[tilespmem:s31], [sflag:$0x2] =	stream.linear.gather [spmem:s30], $0x80, $0x38;
	[tilespmem:$0xC310] =	vst v63  }
0x14f: {  	s23 =	sadd.s32 $0xC00, s26;
	s25 =	simm.s32 $0x6B00  }
0x150: {  	[tilespmem:s25], [sflag:$0x2] =	stream.linear.gather [spmem:s23], $0x80, $0x38;
	[tilespmem:$0xC310] =	vst v63  }
0x151: {  	s23 =	sor.u32 $0x10380, s8  }
0x152: {  	s26 =	simm.s32 $0x5F80;
	s7 =	sadd.s32 s23, s7  }
0x153: {  	[tilespmem:s26], [sflag:$0x2] =	stream.linear.gather [spmem:s7], $0x80, $0x38;
	[tilespmem:$0xC310] =	vst v63  }
0x154: {  	s29 =	simm.s32 $0x6380;
	s28 =	sadd.s32 $0x400, s7  }
0x155: {  	[tilespmem:s29], [sflag:$0x2] =	stream.linear.gather [spmem:s28], $0x80, $0x38;
	[tilespmem:$0xC310] =	vst v63  }
0x156: {  	s31 =	simm.s32 $0x6780;
	s30 =	sadd.s32 $0x800, s7  }
0x157: {  	[tilespmem:s31], [sflag:$0x2] =	stream.linear.gather [spmem:s30], $0x80, $0x38;
	[tilespmem:$0xC310] =	vst v63  }
0x158: {  	s25 =	simm.s32 $0x6B80;
	s7 =	sadd.s32 $0xC00, s7;
	s26 =	simm.s32 $0x2  }
0x159: {  	[tilespmem:s25], [sflag:$0x2] =	stream.linear.gather [spmem:s7], $0x80, $0x38;
	[tilespmem:$0xC310] =	vst v63  }
0x15a: {  	_ =	swait.ge [sflag:s26], $0x200  }
0x15b: {  	[sflag:s26] =	ssyncset.done $0x0  }
0x15c: {  	[sflag:s26] =	ssyncadd.s32 $0xFFFFFE00  }
0x15d: {  	_ =	swait.ge [sflag:s26], $0x200  }
0x15e: {  	[sflag:s26] =	ssyncset.done $0x0  }
0x15f: {  	[sflag:s26] =	ssyncadd.s32 $0xFFFFFE00  }
0x160: {  	_ =	swait.ge [sflag:s26], $0x200  }
0x161: {  	[sflag:s26] =	ssyncset.done $0x0  }
0x162: {  	[sflag:s26] =	ssyncadd.s32 $0xFFFFFE00  }
0x163: {  	_ =	swait.ge [sflag:s26], $0x200  }
0x164: {  	[sflag:s26] =	ssyncset.done $0x0  }
0x165: {  	[sflag:s26] =	ssyncadd.s32 $0xFFFFFE00  }
0x166: {  	_ =	swait.ge [sflag:s26], $0x200  }
0x167: {  	[sflag:s26] =	ssyncset.done $0x0  }
0x168: {  	[sflag:s26] =	ssyncadd.s32 $0xFFFFFE00  }
0x169: {  	_ =	swait.ge [sflag:s26], $0x200  }
0x16a: {  	[sflag:s26] =	ssyncset.done $0x0  }
0x16b: {  	[sflag:s26] =	ssyncadd.s32 $0xFFFFFE00  }
0x16c: {  	_ =	swait.ge [sflag:s26], $0x200  }
0x16d: {  	[sflag:s26] =	ssyncset.done $0x0  }
0x16e: {  	[sflag:s26] =	ssyncadd.s32 $0xFFFFFE00  }
0x16f: {  	_ =	swait.ge [sflag:s26], $0x200  }
0x170: {  	[sflag:s26] =	ssyncset.done $0x0  }
0x171: {  	[sflag:s26] =	ssyncadd.s32 $0xFFFFFE00  }
0x172: {  	_ =	swait.ge [sflag:s26], $0x200  }
0x173: {  	[sflag:s26] =	ssyncset.done $0x0  }
0x174: {  	[sflag:s26] =	ssyncadd.s32 $0xFFFFFE00  }
0x175: {  	_ =	swait.ge [sflag:s26], $0x200  }
0x176: {  	[sflag:s26] =	ssyncset.done $0x0  }
0x177: {  	[sflag:s26] =	ssyncadd.s32 $0xFFFFFE00  }
0x178: {  	_ =	swait.ge [sflag:s26], $0x200  }
0x179: {  	[sflag:s26] =	ssyncset.done $0x0  }
0x17a: {  	[sflag:s26] =	ssyncadd.s32 $0xFFFFFE00  }
0x17b: {  	_ =	swait.ge [sflag:s26], $0x200  }
0x17c: {  	[sflag:s26] =	ssyncset.done $0x0  }
0x17d: {  	[sflag:s26] =	ssyncadd.s32 $0xFFFFFE00  }
0x17e: {  	_ =	swait.ge [sflag:s26], $0x200  }
0x17f: {  	[sflag:s26] =	ssyncset.done $0x0  }
0x180: {  	[sflag:s26] =	ssyncadd.s32 $0xFFFFFE00  }
0x181: {  	_ =	swait.ge [sflag:s26], $0x200  }
0x182: {  	[sflag:s26] =	ssyncset.done $0x0  }
0x183: {  	[sflag:s26] =	ssyncadd.s32 $0xFFFFFE00  }
0x184: {  	_ =	swait.ge [sflag:s26], $0x200  }
0x185: {  	[sflag:s26] =	ssyncset.done $0x0  }
0x186: {  	[sflag:s26] =	ssyncadd.s32 $0xFFFFFE00  }
0x187: {  	s28 =	simm.s32 $0x0;
	_ =	swait.ge [sflag:s26], $0x200  }
0x188: {  	s29 =	sand.u32 $0x70, s28;
	s24 =	sand.u32 $0xC00, s28;
	[sflag:s26] =	ssyncset.done $0x0  }
0x189: {  	s30 =	sor.u32 s29, s24;
	[sflag:s26] =	ssyncadd.s32 $0xFFFFFE00  }
0x18a: {  	v48 =	vld [tilespmem:s30+$0x4C80]  }
0x18b: {  	v49 =	vld [tilespmem:s30+$0x4C00]  }
0x18c: {  	v50 =	vld [tilespmem:s30+$0x4D00]  }
0x18d: {  	v51 =	vld [tilespmem:s30+$0x4D80]  }
0x18e: {  	v52 =	vld [tilespmem:s30+$0x4E00]  }
0x18f: {  	v53 =	vld [tilespmem:s30+$0x4E80]  }
0x190: {  	v54 =	vld [tilespmem:s30+$0x4F00];
	v0 =	vmax.f32 v49, v48  }
0x191: {  	v55 =	vld [tilespmem:s30+$0x4F80];
	v0 =	vmax.f32 v0, v50  }
0x192: {  	v56 =	vld [tilespmem:s30+$0x5C00];
	v0 =	vmax.f32 v0, v51  }
0x193: {  	v57 =	vld [tilespmem:s30+$0x5C80];
	v0 =	vmax.f32 v0, v52  }
0x194: {  	v58 =	vld [tilespmem:s30+$0x5D00];
	v0 =	vmax.f32 v0, v53  }
0x195: {  	v59 =	vld [tilespmem:s30+$0x5D80];
	v0 =	vmax.f32 v0, v54  }
0x196: {  	v60 =	vld [tilespmem:s30+$0x5E00];
	v0 =	vmax.f32 v0, v55  }
0x197: {  	v61 =	vld [tilespmem:s30+$0x5E80];
	v0 =	vmax.f32 v0, v56  }
0x198: {  	v62 =	vld [tilespmem:s30+$0x5F00];
	v0 =	vmax.f32 v0, v57  }
0x199: {  	v63 =	vld [tilespmem:s30+$0x5F80];
	v0 =	vmax.f32 v0, v58  }
0x19a: {  	v0 =	vmax.f32 v0, v59  }
0x19b: {  	v0 =	vmax.f32 v0, v60  }
0x19c: {  	v0 =	vmax.f32 v0, v61  }
0x19d: {  	s31 =	simm.s32 $0x10;
	s25 =	simm.s32 $0x80;
	v0 =	vmax.f32 v0, v62  }
0x19e: {  	s24 =	sand.u32 $0x70, s31;
	s7 =	simm.s32 $0x6C00;
	s26 =	sand.u32 $0xC00, s25;
	v0 =	vmax.f32 v0, v63  }
0x19f: {  	s24 =	sor.u32 s24, s26;
	s26 =	simm.s32 $0x20;
	[tilespmem:s7+$0x0] =	vst v0  }
.LBB2_5:
0x1a0: {  	p0 =	sne.s32 s26, $0x1F0;
	v0 =	vld [tilespmem:s24+$0x4C80]  }
0x1a1: {  	v1 =	vld [tilespmem:s24+$0x4C00]  }
0x1a2: {  	v2 =	vld [tilespmem:s24+$0x4D00]  }
0x1a3: {  	v3 =	vld [tilespmem:s24+$0x4D80]  }
0x1a4: {  	v4 =	vld [tilespmem:s24+$0x4E00]  }
0x1a5: {  	v5 =	vld [tilespmem:s24+$0x4E80]  }
0x1a6: {  	v0 =	vmax.f32 v1, v0;
	v1 =	vld [tilespmem:s24+$0x4F00]  }
0x1a7: {  	v0 =	vmax.f32 v0, v2;
	v2 =	vld [tilespmem:s24+$0x4F80]  }
0x1a8: {  	v0 =	vmax.f32 v0, v3;
	v3 =	vld [tilespmem:s24+$0x5C00]  }
0x1a9: {  	v0 =	vmax.f32 v0, v4;
	v4 =	vld [tilespmem:s24+$0x5C80]  }
0x1aa: {  	v0 =	vmax.f32 v0, v5;
	v5 =	vld [tilespmem:s24+$0x5D00]  }
0x1ab: {  	v0 =	vmax.f32 v0, v1;
	v1 =	vld [tilespmem:s24+$0x5D80]  }
0x1ac: {  	v0 =	vmax.f32 v0, v2;
	v2 =	vld [tilespmem:s24+$0x5E00]  }
0x1ad: {  	v0 =	vmax.f32 v0, v3;
	v3 =	vld [tilespmem:s24+$0x5E80]  }
0x1ae: {  	v0 =	vmax.f32 v0, v4;
	v4 =	vld [tilespmem:s24+$0x5F00]  }
0x1af: {  	v0 =	vmax.f32 v0, v5;
	v5 =	vld [tilespmem:s24+$0x5F80]  }
0x1b0: {  	v0 =	vmax.f32 v0, v1  }
.Ltmp2:
0x1b1: {  	v0 =	vmax.f32 v0, v2;
	(pc) =	sbr.rel @p0 .LBB2_5-.Ltmp2, $4  }
0x1b2: {  	v0 =	vmax.f32 v0, v3  }
0x1b3: {  	s25 =	sadd.s32 $0x80, s25;
	v0 =	vmax.f32 v0, v4  }
0x1b4: {  	s7 =	sadd.s32 $0x10, s7;
	s28 =	sand.u32 $0xC00, s25;
	s24 =	sand.u32 $0x70, s26;
	v0 =	vmax.f32 v0, v5  }
0x1b5: {  	s26 =	sadd.s32 $0x10, s26;
	s24 =	sor.u32 s24, s28;
	[tilespmem:s7+$0x0] =	vst v0  }
0x1b6: {  	v0 =	vld [tilespmem:s24+$0x4C80]  }
0x1b7: {  	v1 =	vld [tilespmem:s24+$0x4C00]  }
0x1b8: {  	v2 =	vld [tilespmem:s24+$0x4D00]  }
0x1b9: {  	v3 =	vld [tilespmem:s24+$0x4D80]  }
0x1ba: {  	v4 =	vld [tilespmem:s24+$0x4E00]  }
0x1bb: {  	v5 =	vld [tilespmem:s24+$0x4E80]  }
0x1bc: {  	v38 =	vld [tilespmem:s24+$0x4F00];
	v0 =	vmax.f32 v1, v0  }
0x1bd: {  	v39 =	vld [tilespmem:s24+$0x4F80];
	v0 =	vmax.f32 v0, v2  }
0x1be: {  	v40 =	vld [tilespmem:s24+$0x5C00];
	v0 =	vmax.f32 v0, v3  }
0x1bf: {  	v41 =	vld [tilespmem:s24+$0x5C80];
	v0 =	vmax.f32 v0, v4  }
0x1c0: {  	v42 =	vld [tilespmem:s24+$0x5D00];
	v0 =	vmax.f32 v0, v5  }
0x1c1: {  	v43 =	vld [tilespmem:s24+$0x5D80];
	v0 =	vmax.f32 v0, v38  }
0x1c2: {  	v44 =	vld [tilespmem:s24+$0x5E00];
	v0 =	vmax.f32 v0, v39  }
0x1c3: {  	v45 =	vld [tilespmem:s24+$0x5E80];
	v0 =	vmax.f32 v0, v40  }
0x1c4: {  	v46 =	vld [tilespmem:s24+$0x5F00];
	v0 =	vmax.f32 v0, v41  }
0x1c5: {  	v47 =	vld [tilespmem:s24+$0x5F80];
	v0 =	vmax.f32 v0, v42  }
0x1c6: {  	v0 =	vmax.f32 v0, v43  }
0x1c7: {  	v0 =	vmax.f32 v0, v44  }
0x1c8: {  	v0 =	vmax.f32 v0, v45  }
0x1c9: {  	v0 =	vmax.f32 v0, v46  }
0x1ca: {  	s28 =	sadd.s32 $0x10, s7;
	s7 =	sshll.u32 s3, $0x9;
	v0 =	vmax.f32 v0, v47  }
0x1cb: {  	s24 =	simm.s32 $0x6C00;
	s29 =	simm.s32 $0x3;
	s25 =	sadd.s32 s7, s5;
	[tilespmem:s28+$0x0] =	vst v0  }
0x1cc: {  	[spmem:s25] =	stream.linear.scatter [tilespmem:s24], [sflag:$0x3], $0x200, $0x38;
	[tilespmem:$0xC310] =	vst v63  }
0x1cd: {  	_ =	swait.ge [sflag:s29], $0x200  }
0x1ce: {  	[sflag:s29] =	ssyncset.done $0x0  }
0x1cf: {  	s8 =	sadd.s32 s8, s6;
	s30 =	simm.s32 $0x4C00;
	[sflag:s29] =	ssyncadd.s32 $0xFFFFFE00  }
0x1d0: {  	[tilespmem:s30], [sflag:$0x2] =	stream.linear.gather [spmem:s8], $0x80, $0x38;
	[tilespmem:$0xC310] =	vst v63  }
0x1d1: {  	s26 =	simm.s32 $0x5000;
	s31 =	sadd.s32 $0x400, s8  }
0x1d2: {  	[tilespmem:s26], [sflag:$0x2] =	stream.linear.gather [spmem:s31], $0x80, $0x38;
	[tilespmem:$0xC310] =	vst v63  }
0x1d3: {  	s28 =	sadd.s32 $0x800, s8;
	s29 =	simm.s32 $0x5400  }
0x1d4: {  	[tilespmem:s29], [sflag:$0x2] =	stream.linear.gather [spmem:s28], $0x80, $0x38;
	[tilespmem:$0xC310] =	vst v63  }
0x1d5: {  	s8 =	sadd.s32 $0xC00, s8;
	s30 =	simm.s32 $0x5800  }
0x1d6: {  	[tilespmem:s30], [sflag:$0x2] =	stream.linear.gather [spmem:s8], $0x80, $0x38;
	[tilespmem:$0xC310] =	vst v63  }
0x1d7: {  	s25 =	simm.s32 $0x4C80;
	s31 =	sadd.s32 s9, s6  }
0x1d8: {  	[tilespmem:s25], [sflag:$0x2] =	stream.linear.gather [spmem:s31], $0x80, $0x38;
	[tilespmem:$0xC310] =	vst v63  }
0x1d9: {  	s26 =	sadd.s32 $0x400, s31;
	s28 =	simm.s32 $0x5080  }
0x1da: {  	[tilespmem:s28], [sflag:$0x2] =	stream.linear.gather [spmem:s26], $0x80, $0x38;
	[tilespmem:$0xC310] =	vst v63  }
0x1db: {  	s29 =	sadd.s32 $0x800, s31;
	s30 =	simm.s32 $0x5480  }
0x1dc: {  	[tilespmem:s30], [sflag:$0x2] =	stream.linear.gather [spmem:s29], $0x80, $0x38;
	[tilespmem:$0xC310] =	vst v63  }
0x1dd: {  	s8 =	sadd.s32 $0xC00, s31;
	s31 =	simm.s32 $0x5880  }
0x1de: {  	[tilespmem:s31], [sflag:$0x2] =	stream.linear.gather [spmem:s8], $0x80, $0x38;
	[tilespmem:$0xC310] =	vst v63  }
0x1df: {  	s25 =	sadd.s32 s10, s6;
	s26 =	simm.s32 $0x4D00  }
0x1e0: {  	[tilespmem:s26], [sflag:$0x2] =	stream.linear.gather [spmem:s25], $0x80, $0x38;
	[tilespmem:$0xC310] =	vst v63  }
0x1e1: {  	s28 =	sadd.s32 $0x400, s25;
	s29 =	simm.s32 $0x5100  }
0x1e2: {  	[tilespmem:s29], [sflag:$0x2] =	stream.linear.gather [spmem:s28], $0x80, $0x38;
	[tilespmem:$0xC310] =	vst v63  }
0x1e3: {  	s30 =	sadd.s32 $0x800, s25;
	s31 =	simm.s32 $0x5500  }
0x1e4: {  	[tilespmem:s31], [sflag:$0x2] =	stream.linear.gather [spmem:s30], $0x80, $0x38;
	[tilespmem:$0xC310] =	vst v63  }
0x1e5: {  	s10 =	simm.s32 $0x5900;
	s8 =	sadd.s32 $0xC00, s25  }
0x1e6: {  	[tilespmem:s10], [sflag:$0x2] =	stream.linear.gather [spmem:s8], $0x80, $0x38;
	[tilespmem:$0xC310] =	vst v63  }
0x1e7: {  	s25 =	sadd.s32 s11, s6;
	s26 =	simm.s32 $0x4D80  }
0x1e8: {  	[tilespmem:s26], [sflag:$0x2] =	stream.linear.gather [spmem:s25], $0x80, $0x38;
	[tilespmem:$0xC310] =	vst v63  }
0x1e9: {  	s28 =	sadd.s32 $0x400, s25;
	s29 =	simm.s32 $0x5180  }
0x1ea: {  	[tilespmem:s29], [sflag:$0x2] =	stream.linear.gather [spmem:s28], $0x80, $0x38;
	[tilespmem:$0xC310] =	vst v63  }
0x1eb: {  	s30 =	sadd.s32 $0x800, s25;
	s31 =	simm.s32 $0x5580  }
0x1ec: {  	[tilespmem:s31], [sflag:$0x2] =	stream.linear.gather [spmem:s30], $0x80, $0x38;
	[tilespmem:$0xC310] =	vst v63  }
0x1ed: {  	s11 =	simm.s32 $0x5980;
	s8 =	sadd.s32 $0xC00, s25  }
0x1ee: {  	[tilespmem:s11], [sflag:$0x2] =	stream.linear.gather [spmem:s8], $0x80, $0x38;
	[tilespmem:$0xC310] =	vst v63  }
0x1ef: {  	s25 =	sadd.s32 s12, s6;
	s26 =	simm.s32 $0x4E00  }
0x1f0: {  	[tilespmem:s26], [sflag:$0x2] =	stream.linear.gather [spmem:s25], $0x80, $0x38;
	[tilespmem:$0xC310] =	vst v63  }
0x1f1: {  	s28 =	sadd.s32 $0x400, s25;
	s29 =	simm.s32 $0x5200  }
0x1f2: {  	[tilespmem:s29], [sflag:$0x2] =	stream.linear.gather [spmem:s28], $0x80, $0x38;
	[tilespmem:$0xC310] =	vst v63  }
0x1f3: {  	s30 =	sadd.s32 $0x800, s25;
	s31 =	simm.s32 $0x5600  }
0x1f4: {  	[tilespmem:s31], [sflag:$0x2] =	stream.linear.gather [spmem:s30], $0x80, $0x38;
	[tilespmem:$0xC310] =	vst v63  }
0x1f5: {  	s10 =	simm.s32 $0x5A00;
	s8 =	sadd.s32 $0xC00, s25  }
0x1f6: {  	[tilespmem:s10], [sflag:$0x2] =	stream.linear.gather [spmem:s8], $0x80, $0x38;
	[tilespmem:$0xC310] =	vst v63  }
0x1f7: {  	s12 =	simm.s32 $0x4E80;
	s11 =	sadd.s32 s13, s6  }
0x1f8: {  	[tilespmem:s12], [sflag:$0x2] =	stream.linear.gather [spmem:s11], $0x80, $0x38;
	[tilespmem:$0xC310] =	vst v63  }
0x1f9: {  	s13 =	sadd.s32 $0x400, s11;
	s25 =	simm.s32 $0x5280  }
0x1fa: {  	[tilespmem:s25], [sflag:$0x2] =	stream.linear.gather [spmem:s13], $0x80, $0x38;
	[tilespmem:$0xC310] =	vst v63  }
0x1fb: {  	s26 =	sadd.s32 $0x800, s11;
	s28 =	simm.s32 $0x5680  }
0x1fc: {  	[tilespmem:s28], [sflag:$0x2] =	stream.linear.gather [spmem:s26], $0x80, $0x38;
	[tilespmem:$0xC310] =	vst v63  }
0x1fd: {  	s29 =	simm.s32 $0x5A80;
	s8 =	sadd.s32 $0xC00, s11  }
0x1fe: {  	[tilespmem:s29], [sflag:$0x2] =	stream.linear.gather [spmem:s8], $0x80, $0x38;
	[tilespmem:$0xC310] =	vst v63  }
0x1ff: {  	s30 =	sadd.s32 s14, s6;
	s31 =	simm.s32 $0x4F00  }
0x200: {  	[tilespmem:s31], [sflag:$0x2] =	stream.linear.gather [spmem:s30], $0x80, $0x38;
	[tilespmem:$0xC310] =	vst v63  }
0x201: {  	s10 =	sadd.s32 $0x400, s30;
	s11 =	simm.s32 $0x5300  }
0x202: {  	[tilespmem:s11], [sflag:$0x2] =	stream.linear.gather [spmem:s10], $0x80, $0x38;
	[tilespmem:$0xC310] =	vst v63  }
0x203: {  	s12 =	sadd.s32 $0x800, s30;
	s13 =	simm.s32 $0x5700  }
0x204: {  	[tilespmem:s13], [sflag:$0x2] =	stream.linear.gather [spmem:s12], $0x80, $0x38;
	[tilespmem:$0xC310] =	vst v63  }
0x205: {  	s14 =	simm.s32 $0x5B00;
	s8 =	sadd.s32 $0xC00, s30  }
0x206: {  	[tilespmem:s14], [sflag:$0x2] =	stream.linear.gather [spmem:s8], $0x80, $0x38;
	[tilespmem:$0xC310] =	vst v63  }
0x207: {  	s25 =	sadd.s32 s15, s6;
	s26 =	simm.s32 $0x4F80  }
0x208: {  	[tilespmem:s26], [sflag:$0x2] =	stream.linear.gather [spmem:s25], $0x80, $0x38;
	[tilespmem:$0xC310] =	vst v63  }
0x209: {  	s28 =	sadd.s32 $0x400, s25;
	s29 =	simm.s32 $0x5380  }
0x20a: {  	[tilespmem:s29], [sflag:$0x2] =	stream.linear.gather [spmem:s28], $0x80, $0x38;
	[tilespmem:$0xC310] =	vst v63  }
0x20b: {  	s30 =	sadd.s32 $0x800, s25;
	s31 =	simm.s32 $0x5780  }
0x20c: {  	[tilespmem:s31], [sflag:$0x2] =	stream.linear.gather [spmem:s30], $0x80, $0x38;
	[tilespmem:$0xC310] =	vst v63  }
0x20d: {  	s11 =	simm.s32 $0x5B80;
	s8 =	sadd.s32 $0xC00, s25  }
0x20e: {  	[tilespmem:s11], [sflag:$0x2] =	stream.linear.gather [spmem:s8], $0x80, $0x38;
	[tilespmem:$0xC310] =	vst v63  }
0x20f: {  	s12 =	sadd.s32 s16, s6;
	s13 =	simm.s32 $0x5C00  }
0x210: {  	[tilespmem:s13], [sflag:$0x2] =	stream.linear.gather [spmem:s12], $0x80, $0x38;
	[tilespmem:$0xC310] =	vst v63  }
0x211: {  	s15 =	simm.s32 $0x6000;
	s14 =	sadd.s32 $0x400, s12  }
0x212: {  	[tilespmem:s15], [sflag:$0x2] =	stream.linear.gather [spmem:s14], $0x80, $0x38;
	[tilespmem:$0xC310] =	vst v63  }
0x213: {  	s16 =	sadd.s32 $0x800, s12;
	s25 =	simm.s32 $0x6400  }
0x214: {  	[tilespmem:s25], [sflag:$0x2] =	stream.linear.gather [spmem:s16], $0x80, $0x38;
	[tilespmem:$0xC310] =	vst v63  }
0x215: {  	s26 =	simm.s32 $0x6800;
	s8 =	sadd.s32 $0xC00, s12  }
0x216: {  	[tilespmem:s26], [sflag:$0x2] =	stream.linear.gather [spmem:s8], $0x80, $0x38;
	[tilespmem:$0xC310] =	vst v63  }
0x217: {  	s28 =	sadd.s32 s17, s6;
	s29 =	simm.s32 $0x5C80  }
0x218: {  	[tilespmem:s29], [sflag:$0x2] =	stream.linear.gather [spmem:s28], $0x80, $0x38;
	[tilespmem:$0xC310] =	vst v63  }
0x219: {  	s30 =	sadd.s32 $0x400, s28;
	s31 =	simm.s32 $0x6080  }
0x21a: {  	[tilespmem:s31], [sflag:$0x2] =	stream.linear.gather [spmem:s30], $0x80, $0x38;
	[tilespmem:$0xC310] =	vst v63  }
0x21b: {  	s11 =	sadd.s32 $0x800, s28;
	s12 =	simm.s32 $0x6480  }
0x21c: {  	[tilespmem:s12], [sflag:$0x2] =	stream.linear.gather [spmem:s11], $0x80, $0x38;
	[tilespmem:$0xC310] =	vst v63  }
0x21d: {  	s13 =	simm.s32 $0x6880;
	s8 =	sadd.s32 $0xC00, s28  }
0x21e: {  	[tilespmem:s13], [sflag:$0x2] =	stream.linear.gather [spmem:s8], $0x80, $0x38;
	[tilespmem:$0xC310] =	vst v63  }
0x21f: {  	s14 =	sadd.s32 s18, s6;
	s15 =	simm.s32 $0x5D00  }
0x220: {  	[tilespmem:s15], [sflag:$0x2] =	stream.linear.gather [spmem:s14], $0x80, $0x38;
	[tilespmem:$0xC310] =	vst v63  }
0x221: {  	s17 =	simm.s32 $0x6100;
	s16 =	sadd.s32 $0x400, s14  }
0x222: {  	[tilespmem:s17], [sflag:$0x2] =	stream.linear.gather [spmem:s16], $0x80, $0x38;
	[tilespmem:$0xC310] =	vst v63  }
0x223: {  	s18 =	sadd.s32 $0x800, s14;
	s25 =	simm.s32 $0x6500  }
0x224: {  	[tilespmem:s25], [sflag:$0x2] =	stream.linear.gather [spmem:s18], $0x80, $0x38;
	[tilespmem:$0xC310] =	vst v63  }
0x225: {  	s26 =	simm.s32 $0x6900;
	s8 =	sadd.s32 $0xC00, s14  }
0x226: {  	[tilespmem:s26], [sflag:$0x2] =	stream.linear.gather [spmem:s8], $0x80, $0x38;
	[tilespmem:$0xC310] =	vst v63  }
0x227: {  	s28 =	sadd.s32 s19, s6;
	s29 =	simm.s32 $0x5D80  }
0x228: {  	[tilespmem:s29], [sflag:$0x2] =	stream.linear.gather [spmem:s28], $0x80, $0x38;
	[tilespmem:$0xC310] =	vst v63  }
0x229: {  	s30 =	sadd.s32 $0x400, s28;
	s31 =	simm.s32 $0x6180  }
0x22a: {  	[tilespmem:s31], [sflag:$0x2] =	stream.linear.gather [spmem:s30], $0x80, $0x38;
	[tilespmem:$0xC310] =	vst v63  }
0x22b: {  	s10 =	sadd.s32 $0x800, s28;
	s11 =	simm.s32 $0x6580  }
0x22c: {  	[tilespmem:s11], [sflag:$0x2] =	stream.linear.gather [spmem:s10], $0x80, $0x38;
	[tilespmem:$0xC310] =	vst v63  }
0x22d: {  	s12 =	simm.s32 $0x6980;
	s8 =	sadd.s32 $0xC00, s28  }
0x22e: {  	[tilespmem:s12], [sflag:$0x2] =	stream.linear.gather [spmem:s8], $0x80, $0x38;
	[tilespmem:$0xC310] =	vst v63  }
0x22f: {  	s13 =	sadd.s32 s20, s6;
	s14 =	simm.s32 $0x5E00  }
0x230: {  	[tilespmem:s14], [sflag:$0x2] =	stream.linear.gather [spmem:s13], $0x80, $0x38;
	[tilespmem:$0xC310] =	vst v63  }
0x231: {  	s15 =	sadd.s32 $0x400, s13;
	s16 =	simm.s32 $0x6200  }
0x232: {  	[tilespmem:s16], [sflag:$0x2] =	stream.linear.gather [spmem:s15], $0x80, $0x38;
	[tilespmem:$0xC310] =	vst v63  }
0x233: {  	s17 =	sadd.s32 $0x800, s13;
	s18 =	simm.s32 $0x6600  }
0x234: {  	[tilespmem:s18], [sflag:$0x2] =	stream.linear.gather [spmem:s17], $0x80, $0x38;
	[tilespmem:$0xC310] =	vst v63  }
0x235: {  	s19 =	simm.s32 $0x6A00;
	s8 =	sadd.s32 $0xC00, s13  }
0x236: {  	[tilespmem:s19], [sflag:$0x2] =	stream.linear.gather [spmem:s8], $0x80, $0x38;
	[tilespmem:$0xC310] =	vst v63  }
0x237: {  	s20 =	sadd.s32 s21, s6;
	s21 =	simm.s32 $0x5E80  }
0x238: {  	[tilespmem:s21], [sflag:$0x2] =	stream.linear.gather [spmem:s20], $0x80, $0x38;
	[tilespmem:$0xC310] =	vst v63  }
0x239: {  	s25 =	sadd.s32 $0x400, s20;
	s26 =	simm.s32 $0x6280  }
0x23a: {  	[tilespmem:s26], [sflag:$0x2] =	stream.linear.gather [spmem:s25], $0x80, $0x38;
	[tilespmem:$0xC310] =	vst v63  }
0x23b: {  	s28 =	sadd.s32 $0x800, s20;
	s29 =	simm.s32 $0x6680  }
0x23c: {  	[tilespmem:s29], [sflag:$0x2] =	stream.linear.gather [spmem:s28], $0x80, $0x38;
	[tilespmem:$0xC310] =	vst v63  }
0x23d: {  	s30 =	simm.s32 $0x6A80;
	s8 =	sadd.s32 $0xC00, s20  }
0x23e: {  	[tilespmem:s30], [sflag:$0x2] =	stream.linear.gather [spmem:s8], $0x80, $0x38;
	[tilespmem:$0xC310] =	vst v63  }
0x23f: {  	s31 =	sadd.s32 s22, s6;
	s11 =	simm.s32 $0x5F00  }
0x240: {  	[tilespmem:s11], [sflag:$0x2] =	stream.linear.gather [spmem:s31], $0x80, $0x38;
	[tilespmem:$0xC310] =	vst v63  }
0x241: {  	s12 =	sadd.s32 $0x400, s31;
	s13 =	simm.s32 $0x6300  }
0x242: {  	[tilespmem:s13], [sflag:$0x2] =	stream.linear.gather [spmem:s12], $0x80, $0x38;
	[tilespmem:$0xC310] =	vst v63  }
0x243: {  	s14 =	sadd.s32 $0x800, s31;
	s15 =	simm.s32 $0x6700  }
0x244: {  	[tilespmem:s15], [sflag:$0x2] =	stream.linear.gather [spmem:s14], $0x80, $0x38;
	[tilespmem:$0xC310] =	vst v63  }
0x245: {  	s16 =	simm.s32 $0x6B00;
	s8 =	sadd.s32 $0xC00, s31  }
0x246: {  	[tilespmem:s16], [sflag:$0x2] =	stream.linear.gather [spmem:s8], $0x80, $0x38;
	[tilespmem:$0xC310] =	vst v63  }
0x247: {  	s17 =	sadd.s32 s23, s6;
	s18 =	simm.s32 $0x5F80  }
0x248: {  	[tilespmem:s18], [sflag:$0x2] =	stream.linear.gather [spmem:s17], $0x80, $0x38;
	[tilespmem:$0xC310] =	vst v63  }
0x249: {  	s19 =	sadd.s32 $0x400, s17;
	s20 =	simm.s32 $0x6380  }
0x24a: {  	[tilespmem:s20], [sflag:$0x2] =	stream.linear.gather [spmem:s19], $0x80, $0x38;
	[tilespmem:$0xC310] =	vst v63  }
0x24b: {  	s22 =	simm.s32 $0x6780;
	s21 =	sadd.s32 $0x800, s17  }
0x24c: {  	[tilespmem:s22], [sflag:$0x2] =	stream.linear.gather [spmem:s21], $0x80, $0x38;
	[tilespmem:$0xC310] =	vst v63  }
0x24d: {  	s23 =	simm.s32 $0x6B80;
	s6 =	sadd.s32 $0xC00, s17;
	s25 =	simm.s32 $0x2  }
0x24e: {  	[tilespmem:s23], [sflag:$0x2] =	stream.linear.gather [spmem:s6], $0x80, $0x38;
	[tilespmem:$0xC310] =	vst v63  }
0x24f: {  	_ =	swait.ge [sflag:s25], $0x200  }
0x250: {  	[sflag:s25] =	ssyncset.done $0x0  }
0x251: {  	[sflag:s25] =	ssyncadd.s32 $0xFFFFFE00  }
0x252: {  	_ =	swait.ge [sflag:s25], $0x200  }
0x253: {  	[sflag:s25] =	ssyncset.done $0x0  }
0x254: {  	[sflag:s25] =	ssyncadd.s32 $0xFFFFFE00  }
0x255: {  	_ =	swait.ge [sflag:s25], $0x200  }
0x256: {  	[sflag:s25] =	ssyncset.done $0x0  }
0x257: {  	[sflag:s25] =	ssyncadd.s32 $0xFFFFFE00  }
0x258: {  	_ =	swait.ge [sflag:s25], $0x200  }
0x259: {  	[sflag:s25] =	ssyncset.done $0x0  }
0x25a: {  	[sflag:s25] =	ssyncadd.s32 $0xFFFFFE00  }
0x25b: {  	_ =	swait.ge [sflag:s25], $0x200  }
0x25c: {  	[sflag:s25] =	ssyncset.done $0x0  }
0x25d: {  	[sflag:s25] =	ssyncadd.s32 $0xFFFFFE00  }
0x25e: {  	_ =	swait.ge [sflag:s25], $0x200  }
0x25f: {  	[sflag:s25] =	ssyncset.done $0x0  }
0x260: {  	[sflag:s25] =	ssyncadd.s32 $0xFFFFFE00  }
0x261: {  	_ =	swait.ge [sflag:s25], $0x200  }
0x262: {  	[sflag:s25] =	ssyncset.done $0x0  }
0x263: {  	[sflag:s25] =	ssyncadd.s32 $0xFFFFFE00  }
0x264: {  	_ =	swait.ge [sflag:s25], $0x200  }
0x265: {  	[sflag:s25] =	ssyncset.done $0x0  }
0x266: {  	[sflag:s25] =	ssyncadd.s32 $0xFFFFFE00  }
0x267: {  	_ =	swait.ge [sflag:s25], $0x200  }
0x268: {  	[sflag:s25] =	ssyncset.done $0x0  }
0x269: {  	[sflag:s25] =	ssyncadd.s32 $0xFFFFFE00  }
0x26a: {  	_ =	swait.ge [sflag:s25], $0x200  }
0x26b: {  	[sflag:s25] =	ssyncset.done $0x0  }
0x26c: {  	[sflag:s25] =	ssyncadd.s32 $0xFFFFFE00  }
0x26d: {  	_ =	swait.ge [sflag:s25], $0x200  }
0x26e: {  	[sflag:s25] =	ssyncset.done $0x0  }
0x26f: {  	[sflag:s25] =	ssyncadd.s32 $0xFFFFFE00  }
0x270: {  	_ =	swait.ge [sflag:s25], $0x200  }
0x271: {  	[sflag:s25] =	ssyncset.done $0x0  }
0x272: {  	[sflag:s25] =	ssyncadd.s32 $0xFFFFFE00  }
0x273: {  	_ =	swait.ge [sflag:s25], $0x200  }
0x274: {  	[sflag:s25] =	ssyncset.done $0x0  }
0x275: {  	[sflag:s25] =	ssyncadd.s32 $0xFFFFFE00  }
0x276: {  	_ =	swait.ge [sflag:s25], $0x200  }
0x277: {  	[sflag:s25] =	ssyncset.done $0x0  }
0x278: {  	[sflag:s25] =	ssyncadd.s32 $0xFFFFFE00  }
0x279: {  	_ =	swait.ge [sflag:s25], $0x200  }
0x27a: {  	[sflag:s25] =	ssyncset.done $0x0  }
0x27b: {  	[sflag:s25] =	ssyncadd.s32 $0xFFFFFE00  }
0x27c: {  	s26 =	simm.s32 $0x0;
	_ =	swait.ge [sflag:s25], $0x200  }
0x27d: {  	s28 =	sand.u32 $0x70, s26;
	s8 =	sand.u32 $0xC00, s26;
	[sflag:s25] =	ssyncset.done $0x0  }
0x27e: {  	s29 =	sor.u32 s28, s8;
	[sflag:s25] =	ssyncadd.s32 $0xFFFFFE00  }
0x27f: {  	v48 =	vld [tilespmem:s29+$0x4C80]  }
0x280: {  	v49 =	vld [tilespmem:s29+$0x4C00]  }
0x281: {  	v50 =	vld [tilespmem:s29+$0x4D00]  }
0x282: {  	v51 =	vld [tilespmem:s29+$0x4D80]  }
0x283: {  	v52 =	vld [tilespmem:s29+$0x4E00]  }
0x284: {  	v53 =	vld [tilespmem:s29+$0x4E80]  }
0x285: {  	v54 =	vld [tilespmem:s29+$0x4F00];
	v0 =	vmax.f32 v49, v48  }
0x286: {  	v55 =	vld [tilespmem:s29+$0x4F80];
	v0 =	vmax.f32 v0, v50  }
0x287: {  	v56 =	vld [tilespmem:s29+$0x5C00];
	v0 =	vmax.f32 v0, v51  }
0x288: {  	v57 =	vld [tilespmem:s29+$0x5C80];
	v0 =	vmax.f32 v0, v52  }
0x289: {  	v58 =	vld [tilespmem:s29+$0x5D00];
	v0 =	vmax.f32 v0, v53  }
0x28a: {  	v59 =	vld [tilespmem:s29+$0x5D80];
	v0 =	vmax.f32 v0, v54  }
0x28b: {  	v60 =	vld [tilespmem:s29+$0x5E00];
	v0 =	vmax.f32 v0, v55  }
0x28c: {  	v61 =	vld [tilespmem:s29+$0x5E80];
	v0 =	vmax.f32 v0, v56  }
0x28d: {  	v62 =	vld [tilespmem:s29+$0x5F00];
	v0 =	vmax.f32 v0, v57  }
0x28e: {  	v63 =	vld [tilespmem:s29+$0x5F80];
	v0 =	vmax.f32 v0, v58  }
0x28f: {  	v0 =	vmax.f32 v0, v59  }
0x290: {  	v0 =	vmax.f32 v0, v60  }
0x291: {  	v0 =	vmax.f32 v0, v61  }
0x292: {  	s30 =	simm.s32 $0x10;
	s8 =	simm.s32 $0x80;
	v0 =	vmax.f32 v0, v62  }
0x293: {  	s31 =	sand.u32 $0xC00, s8;
	s6 =	sand.u32 $0x70, s30;
	v0 =	vmax.f32 v0, v63  }
0x294: {  	s9 =	simm.s32 $0x20;
	s6 =	sor.u32 s6, s31;
	[tilespmem:s24+$0x0] =	vst v0  }
.LBB2_7:
0x295: {  	p0 =	sne.s32 s9, $0x1F0;
	v0 =	vld [tilespmem:s6+$0x4C80]  }
0x296: {  	v1 =	vld [tilespmem:s6+$0x4C00]  }
0x297: {  	v2 =	vld [tilespmem:s6+$0x4D00]  }
0x298: {  	v3 =	vld [tilespmem:s6+$0x4D80]  }
0x299: {  	v4 =	vld [tilespmem:s6+$0x4E00]  }
0x29a: {  	v5 =	vld [tilespmem:s6+$0x4E80]  }
0x29b: {  	v0 =	vmax.f32 v1, v0;
	v1 =	vld [tilespmem:s6+$0x4F00]  }
0x29c: {  	v0 =	vmax.f32 v0, v2;
	v2 =	vld [tilespmem:s6+$0x4F80]  }
0x29d: {  	v0 =	vmax.f32 v0, v3;
	v3 =	vld [tilespmem:s6+$0x5C00]  }
0x29e: {  	v0 =	vmax.f32 v0, v4;
	v4 =	vld [tilespmem:s6+$0x5C80]  }
0x29f: {  	v0 =	vmax.f32 v0, v5;
	v5 =	vld [tilespmem:s6+$0x5D00]  }
0x2a0: {  	v0 =	vmax.f32 v0, v1;
	v1 =	vld [tilespmem:s6+$0x5D80]  }
0x2a1: {  	v0 =	vmax.f32 v0, v2;
	v2 =	vld [tilespmem:s6+$0x5E00]  }
0x2a2: {  	v0 =	vmax.f32 v0, v3;
	v3 =	vld [tilespmem:s6+$0x5E80]  }
0x2a3: {  	v0 =	vmax.f32 v0, v4;
	v4 =	vld [tilespmem:s6+$0x5F00]  }
0x2a4: {  	v0 =	vmax.f32 v0, v5;
	v5 =	vld [tilespmem:s6+$0x5F80]  }
0x2a5: {  	v0 =	vmax.f32 v0, v1  }
.Ltmp3:
0x2a6: {  	v0 =	vmax.f32 v0, v2;
	(pc) =	sbr.rel @p0 .LBB2_7-.Ltmp3, $4  }
0x2a7: {  	v0 =	vmax.f32 v0, v3  }
0x2a8: {  	s8 =	sadd.s32 $0x80, s8;
	v0 =	vmax.f32 v0, v4  }
0x2a9: {  	s24 =	sadd.s32 $0x10, s24;
	s10 =	sand.u32 $0xC00, s8;
	s6 =	sand.u32 $0x70, s9;
	v0 =	vmax.f32 v0, v5  }
0x2aa: {  	s9 =	sadd.s32 $0x10, s9;
	s6 =	sor.u32 s6, s10;
	[tilespmem:s24+$0x0] =	vst v0  }
0x2ab: {  	v0 =	vld [tilespmem:s6+$0x4C80]  }
0x2ac: {  	v1 =	vld [tilespmem:s6+$0x4C00]  }
0x2ad: {  	v2 =	vld [tilespmem:s6+$0x4D00]  }
0x2ae: {  	v3 =	vld [tilespmem:s6+$0x4D80]  }
0x2af: {  	v4 =	vld [tilespmem:s6+$0x4E00]  }
0x2b0: {  	v5 =	vld [tilespmem:s6+$0x4E80]  }
0x2b1: {  	v0 =	vmax.f32 v1, v0;
	v1 =	vld [tilespmem:s6+$0x4F00]  }
0x2b2: {  	v0 =	vmax.f32 v0, v2;
	v2 =	vld [tilespmem:s6+$0x4F80]  }
0x2b3: {  	v0 =	vmax.f32 v0, v3;
	v3 =	vld [tilespmem:s6+$0x5C00]  }
0x2b4: {  	v0 =	vmax.f32 v0, v4;
	v4 =	vld [tilespmem:s6+$0x5C80]  }
0x2b5: {  	v0 =	vmax.f32 v0, v5;
	v5 =	vld [tilespmem:s6+$0x5D00]  }
0x2b6: {  	v0 =	vmax.f32 v0, v1;
	v1 =	vld [tilespmem:s6+$0x5D80]  }
0x2b7: {  	v0 =	vmax.f32 v0, v2;
	v2 =	vld [tilespmem:s6+$0x5E00]  }
0x2b8: {  	v6 =	vimm.f32 $9.000000000e+00;
	v0 =	vmax.f32 v0, v3;
	v3 =	vld [tilespmem:s6+$0x5E80]  }
0x2b9: {  	(erf) = vrcp.f32 v6;
	v0 =	vmax.f32 v0, v4;
	v4 =	vld [tilespmem:s6+$0x5F00]  }
0x2ba: {  	v0 =	vmax.f32 v0, v5;
	v5 =	vld [tilespmem:s6+$0x5F80]  }
0x2bb: {  	v0 =	vmax.f32 v0, v1  }
0x2bc: {  	v0 =	vmax.f32 v0, v2  }
0x2bd: {  	v0 =	vmax.f32 v0, v3  }
0x2be: {  	v0 =	vmax.f32 v0, v4  }
0x2bf: {  	v0 =	vmax.f32 v0, v5  }
0x2c0: {  	s28 =	sadd.s32 $0x10, s24  }
0x2c1: {  	s29 =	sadd.s32 s7, s4;
	s8 =	simm.s32 $0x6C00;
	s30 =	simm.s32 $0x3;
	[tilespmem:s28+$0x0] =	vst v0  }
0x2c2: {  	[spmem:s29] =	stream.linear.scatter [tilespmem:s8], [sflag:$0x3], $0x200, $0x38;
	v0 =	vpop (erf);
	[tilespmem:$0xC310] =	vst v63  }
0x2c3: {  	_ =	swait.ge [sflag:s30], $0x200  }
0x2c4: {  	[sflag:s30] =	ssyncset.done $0x0  }
0x2c5: {  	[sflag:s30] =	ssyncadd.s32 $0xFFFFFE00  }
0x2c6: {  	s6 =	simm.s32 $0xC00;
	[bflag:$0x0] =	sbarrier.arrive $0xFFFF  }
0x2c7: {  	[tilespmem:s6], [sflag:$0x3] =	stream.linear.gather [spmem:s5], $0x2000, $0x38;
	[tilespmem:$0xC310] =	vst v63  }
0x2c8: {  	_ =	swait.ge [sflag:s30], $0x2000  }
0x2c9: {  	[sflag:s30] =	ssyncset.done $0x0  }
0x2ca: {  	s5 =	simm.s32 $0x2C00;
	[sflag:s30] =	ssyncadd.s32 $0xFFFFE000  }
0x2cb: {  	[tilespmem:s5], [sflag:$0x3] =	stream.linear.gather [spmem:s4], $0x2000, $0x38;
	[tilespmem:$0xC310] =	vst v63  }
0x2cc: {  	_ =	swait.ge [sflag:s30], $0x2000  }
0x2cd: {  	[sflag:s30] =	ssyncset.done $0x0  }
0x2ce: {  	s31 =	simm.s32 $0x1;
	[sflag:s30] =	ssyncadd.s32 $0xFFFFE000  }
0x2cf: {  	_ =	swait.ge [sflag:s31], $0x80  }
0x2d0: {  	[sflag:s31] =	ssyncset.done $0x0  }
0x2d1: {  	[sflag:s31] =	ssyncadd.s32 $0xFFFFFF80  }
0x2d2: {  	_ =	swait.ge [sflag:s31], $0x80  }
0x2d3: {  	[sflag:s31] =	ssyncset.done $0x0  }
0x2d4: {  	[sflag:s31] =	ssyncadd.s32 $0xFFFFFF80  }
0x2d5: {  	_ =	swait.ge [sflag:s31], $0x80  }
0x2d6: {  	[sflag:s31] =	ssyncset.done $0x0  }
0x2d7: {  	[sflag:s31] =	ssyncadd.s32 $0xFFFFFF80  }
0x2d8: {  	_ =	swait.ge [sflag:s31], $0x80  }
0x2d9: {  	[sflag:s31] =	ssyncset.done $0x0  }
0x2da: {  	[sflag:s31] =	ssyncadd.s32 $0xFFFFFF80  }
0x2db: {  	_ =	swait.ge [sflag:s31], $0x80  }
0x2dc: {  	[sflag:s31] =	ssyncset.done $0x0  }
0x2dd: {  	[sflag:s31] =	ssyncadd.s32 $0xFFFFFF80  }
0x2de: {  	_ =	swait.ge [sflag:s31], $0x80  }
0x2df: {  	[sflag:s31] =	ssyncset.done $0x0  }
0x2e0: {  	[sflag:s31] =	ssyncadd.s32 $0xFFFFFF80  }
0x2e1: {  	_ =	swait.ge [sflag:s31], $0x80  }
0x2e2: {  	[sflag:s31] =	ssyncset.done $0x0  }
0x2e3: {  	[sflag:s31] =	ssyncadd.s32 $0xFFFFFF80  }
0x2e4: {  	_ =	swait.ge [sflag:s31], $0x80  }
0x2e5: {  	[sflag:s31] =	ssyncset.done $0x0  }
0x2e6: {  	s9 =	simm.s32 $0x0;
	[sflag:s31] =	ssyncadd.s32 $0xFFFFFF80  }
0x2e7: {  	v1 =	vld [tilespmem:s9+$0xB610];
	_ =	sdelay $0x4  }
0x2e8: {  	v6 =	vadd.f32 $9.999999930e-09, v1;
	_ =	sdelay $0x1  }
0x2e9: {  	v1 =	vand.u32 $0x7FFFFF, v6  }
0x2ea: {  	v1 =	vor.u32 $0x3F800000, v1  }
0x2eb: {  	s10 =	simm.s32 $0x10;
	v2 =	vadd.f32 $1.000000000e+00, v1  }
0x2ec: {  	v3 =	vld [tilespmem:s10+$0xB610]  }
0x2ed: {  	(erf) = vrcp.f32 v2;
	_ =	sdelay $0x3  }
0x2ee: {  	v3 =	vadd.f32 $9.999999930e-09, v3;
	_ =	sdelay $0x1  }
0x2ef: {  	v2 =	vand.u32 $0x7FFFFF, v3  }
0x2f0: {  	v4 =	vor.u32 $0x3F800000, v2  }
0x2f1: {  	v1 =	vadd.f32 $-1.000000000e+00, v1;
	v2 =	vadd.f32 $1.000000000e+00, v4  }
0x2f2: {  	s8 =	simm.s32 $0x20;
	v5 =	vpop (erf)  }
0x2f3: {  	(erf) = vrcp.f32 v2;
	v9 =	vmul.f32 v5, v1;
	v1 =	vld [tilespmem:s8+$0xB610];
	_ =	sdelay $0x1  }
0x2f4: {  	v7 =	vmul.f32 v9, v9;
	_ =	sdelay $0x1  }
0x2f5: {  	v5 =	vmul.f32 v7, v0  }
0x2f6: {  	v2 =	vadd.f32 $9.999999930e-09, v1  }
0x2f7: {  	v10 =	vld [tilespmem:s9+$0x0];
	v1 =	vadd.f32 $1.428571490e-01, v5  }
0x2f8: {  	v5 =	vand.u32 $0x7FFFFF, v2  }
0x2f9: {  	v12 =	vld [tilespmem:s9+$0x400];
	v4 =	vadd.f32 $-1.000000000e+00, v4;
	v1 =	vmul.f32 v1, v7;
	v11 =	vor.u32 $0x3F800000, v5  }
0x2fa: {  	s4 =	simm.s32 $0x30;
	v13 =	vpop (erf);
	v5 =	vadd.f32 $1.000000000e+00, v11  }
0x2fb: {  	v8 =	vld [tilespmem:s4+$0xB610];
	v4 =	vmul.f32 v13, v4;
	v1 =	vadd.f32 $2.000000030e-01, v1  }
0x2fc: {  	(erf) = vrcp.f32 v5  }
0x2fd: {  	v5 =	vmul.f32 v4, v4;
	v1 =	vmul.f32 v1, v7;
	_ =	sdelay $0x1  }
0x2fe: {  	v6 =	vshra.s32 v6, $0x17;
	v10 =	vld.idx.msk [tilespmem:v10+s6+$0x0], $0xffff;
	v14 =	vmul.f32 v5, v0;
	v13 =	vadd.f32 $3.333333430e-01, v1  }
0x2ff: {  	v6 =	vadd.s32 $0xFFFFFF81, v6;
	v1 =	vadd.f32 $9.999999930e-09, v8;
	v8 =	vld [tilespmem:s9+$0x800]  }
0x300: {  	v16 =	vld.idx.msk [tilespmem:v12+s5+$0x0], $0xffff;
	v6 =	vcvt.s32.f32 v6;
	v12 =	vadd.f32 $1.428571490e-01, v14;
	v13 =	vmul.f32 v13, v7  }
0x301: {  	v17 =	vadd.f32 $-1.000000000e+00, v11;
	v14 =	vadd.f32 v9, v9;
	v15 =	vand.u32 $0x7FFFFF, v1  }
0x302: {  	v11 =	vld [tilespmem:s10+$0x0];
	v9 =	vor.u32 $0x3F800000, v15;
	v15 =	vmul.f32 v12, v5;
	v13 =	vadd.f32 $1.000000000e+00, v13  }
0x303: {  	v18 =	vmul.f32 $6.931471820e-01, v6;
	s9 =	simm.s32 $0x40;
	v7 =	vimm.f32 $0.0e+00;
	v12 =	vld [tilespmem:s10+$0x400]  }
0x304: {  	vm1 =	vgt.f32 v8, $1.000000010e-01;
	v15 =	vadd.f32 $2.000000030e-01, v15;
	v19 =	vmul.f32 v13, v14;
	v13 =	vld [tilespmem:s9+$0xB610]  }
0x305: {  	vm2 =	veq.f32 v8, v10;
	vm3 =	veq.f32 v8, v16;
	v14 =	vadd.f32 $1.000000000e+00, v9;
	v6 =	vpop (erf)  }
0x306: {  	s11 =	simm.s32 $0x140;
	v10 =	vimm.f32 $0.0e+00;
	v6 =	vmul.f32 v6, v17;
	v16 =	vadd.f32 v19, v18  }
.LBB2_9:
0x307: {  	p0 =	sne.s32 s11, $0xFC0;
	(erf) = vrcp.f32 v14;
	v14 =	vmul.f32 v15, v5;
	vm2 =	vmand vm2, vm3  }
0x308: {  	v15 =	vmul.f32 v6, v6;
	vm1 =	vmand vm2, vm1;
	v16 =	vsub.f32 $0.0e+00, v16  }
0x309: {  	v13 =	vadd.f32 $9.999999930e-09, v13;
	v14 =	vadd.f32 $3.333333430e-01, v14;
	v17 =	vnsel vm1, $0x0, v8;
	v8 =	vld [tilespmem:s10+$0x800];
	s10 =	smov.u32 s8;
	s8 =	smov.u32 s4;
	s4 =	smov.u32 s9  }
0x30a: {  	v18 =	vmul.f32 v15, v0;
	v19 =	vld.idx.msk [tilespmem:v11+s6+$0x0], $0xffff;
	v11 =	vmul.f32 v16, v17;
	v7 =	vadd.f32 v17, v7  }
0x30b: {  	v16 =	vand.u32 $0x7FFFFF, v13;
	v17 =	vld.idx.msk [tilespmem:v12+s5+$0x0], $0xffff;
	v12 =	vshra.s32 v3, $0x17;
	v14 =	vmul.f32 v14, v5;
	v5 =	vmovc v15;
	v3 =	vmovc v2  }
0x30c: {  	v2 =	vmovc v1;
	v1 =	vmovc v13;
	v15 =	vadd.f32 $1.428571490e-01, v18;
	v12 =	vadd.s32 $0xFFFFFF81, v12;
	v10 =	vadd.f32 v11, v10  }
.Ltmp4:
0x30d: {  	v20 =	vadd.f32 v4, v4;
	v4 =	vmovc v6;
	v11 =	vld [tilespmem:s10+$0x0];
	v14 =	vadd.f32 $1.000000000e+00, v14;
	v18 =	vcvt.s32.f32 v12;
	(pc) =	sbr.rel @p0 .LBB2_9-.Ltmp4, $4  }
0x30e: {  	s9 =	sshra.s32 s11, $0x2;
	v21 =	vor.u32 $0x3F800000, v16;
	v12 =	vld [tilespmem:s10+$0x400];
	v15 =	vmul.f32 v15, v5;
	vm1 =	vgt.f32 v8, $1.000000010e-01  }
0x30f: {  	v16 =	vadd.f32 $-1.000000000e+00, v9;
	v9 =	vmovc v21;
	v13 =	vld [tilespmem:s9+$0xB610];
	v18 =	vmul.f32 $6.931471820e-01, v18;
	v20 =	vmul.f32 v14, v20  }
0x310: {  	v14 =	vadd.f32 $1.000000000e+00, v9;
	vm2 =	veq.f32 v8, v19;
	v6 =	vpop (erf);
	v15 =	vadd.f32 $2.000000030e-01, v15  }
0x311: {  	s11 =	sadd.s32 $0x40, s11;
	vm3 =	veq.f32 v8, v17;
	v6 =	vmul.f32 v6, v16;
	v16 =	vadd.f32 v20, v18  }
0x312: {  	_ =	sdelay $0x1  }
0x313: {  	v13 =	vadd.f32 $9.999999930e-09, v13;
	_ =	sdelay $0x1  }
0x314: {  	v17 =	vand.u32 $0x7FFFFF, v13  }
0x315: {  	v29 =	vor.u32 $0x3F800000, v17  }
0x316: {  	(erf) = vrcp.f32 v14;
	v17 =	vadd.f32 $1.000000000e+00, v29;
	_ =	sdelay $0x1  }
0x317: {  	vm2 =	vmand vm2, vm3;
	(erf) = vrcp.f32 v17  }
0x318: {  	v15 =	vmul.f32 v15, v5;
	v3 =	vshra.s32 v3, $0x17;
	v9 =	vadd.f32 $-1.000000000e+00, v9  }
0x319: {  	v4 =	vadd.f32 v4, v4;
	v2 =	vshra.s32 v2, $0x17;
	v1 =	vshra.s32 v1, $0x17  }
0x31a: {  	v19 =	vld [tilespmem:s10+$0x800];
	v18 =	vmul.f32 v6, v6;
	vm1 =	vmand vm2, vm1;
	v15 =	vadd.f32 $3.333333430e-01, v15  }
0x31b: {  	v11 =	vld.idx.msk [tilespmem:v11+s6+$0x0], $0xffff;
	v16 =	vsub.f32 $0.0e+00, v16;
	v3 =	vadd.s32 $0xFFFFFF81, v3;
	v2 =	vadd.s32 $0xFFFFFF81, v2  }
0x31c: {  	v33 =	vld [tilespmem:s8+$0x0];
	v1 =	vadd.s32 $0xFFFFFF81, v1;
	v3 =	vcvt.s32.f32 v3;
	v32 =	vmul.f32 v15, v5  }
0x31d: {  	v20 =	vld [tilespmem:s8+$0x400];
	v8 =	vnsel vm1, $0x0, v8;
	v2 =	vcvt.s32.f32 v2;
	v1 =	vcvt.s32.f32 v1  }
0x31e: {  	v42 =	vld [tilespmem:s8+$0x800];
	v30 =	vmul.f32 v18, v0;
	v16 =	vmul.f32 v16, v8;
	v5 =	vadd.f32 $1.000000000e+00, v32;
	v35 =	vpop (erf)  }
0x31f: {  	v46 =	vld [tilespmem:s4+$0x0];
	v3 =	vmul.f32 $6.931471820e-01, v3;
	v36 =	vadd.f32 $-1.000000000e+00, v29;
	v9 =	vmul.f32 v35, v9  }
0x320: {  	v31 =	vld.idx.msk [tilespmem:v12+s5+$0x0], $0xffff;
	v48 =	vadd.f32 v6, v6;
	v2 =	vmul.f32 $6.931471820e-01, v2;
	v4 =	vmul.f32 v5, v4;
	v39 =	vpop (erf)  }
0x321: {  	v49 =	vld [tilespmem:s4+$0x400];
	v7 =	vadd.f32 v8, v7;
	v38 =	vmul.f32 v9, v9;
	v5 =	vmul.f32 v39, v36  }
0x322: {  	v52 =	vld [tilespmem:s9+$0x400];
	v13 =	vshra.s32 v13, $0x17;
	v1 =	vmul.f32 $6.931471820e-01, v1;
	v17 =	vadd.f32 $1.428571490e-01, v30  }
0x323: {  	v53 =	vld [tilespmem:s4+$0x800];
	v10 =	vadd.f32 v16, v10;
	v41 =	vmul.f32 v38, v0;
	v43 =	vmul.f32 v5, v5  }
0x324: {  	vm13 =	vgt.f32 v19, $1.000000010e-01;
	vm14 =	veq.f32 v19, v11;
	v34 =	vmul.f32 v17, v18  }
0x325: {  	v50 =	vld [tilespmem:s9+$0x0];
	vm15 =	veq.f32 v19, v31;
	v11 =	vadd.f32 $1.428571490e-01, v41;
	v45 =	vmul.f32 v43, v0  }
0x326: {  	v56 =	vld [tilespmem:s9+$0x800];
	vm8 =	vgt.f32 v42, $1.000000010e-01;
	vm2 =	vmand vm14, vm15;
	v15 =	vadd.f32 $2.000000030e-01, v34  }
0x327: {  	v12 =	vld.idx.msk [tilespmem:v33+s6+$0x0], $0xffff;
	v3 =	vadd.f32 v4, v3;
	v11 =	vmul.f32 v11, v38;
	v0 =	vadd.f32 $1.428571490e-01, v45  }
0x328: {  	vm9 =	vgt.f32 v53, $1.000000010e-01;
	vm1 =	vmand vm2, vm13;
	v44 =	vld.idx.msk [tilespmem:v20+s5+$0x0], $0xffff;
	v37 =	vmul.f32 v15, v18  }
0x329: {  	v54 =	vld.idx.msk [tilespmem:v46+s6+$0x0], $0xffff;
	v3 =	vsub.f32 $0.0e+00, v3;
	v11 =	vadd.f32 $2.000000030e-01, v11;
	v0 =	vmul.f32 v0, v43  }
0x32a: {  	v58 =	vadd.s32 $0xFFFFFF81, v13;
	v55 =	vld.idx.msk [tilespmem:v49+s5+$0x0], $0xffff;
	v47 =	vnsel vm1, $0x0, v19;
	v40 =	vadd.f32 $3.333333430e-01, v37  }
0x32b: {  	v57 =	vld.idx.msk [tilespmem:v52+s5+$0x0], $0xffff;
	v3 =	vmul.f32 v3, v47;
	v51 =	vmul.f32 v11, v38;
	v0 =	vadd.f32 $2.000000030e-01, v0  }
0x32c: {  	vm14 =	vgt.f32 v56, $1.000000010e-01;
	v9 =	vadd.f32 v9, v9;
	v8 =	vmul.f32 v40, v18  }
0x32d: {  	v3 =	vadd.f32 v3, v10;
	v10 =	vadd.f32 $3.333333430e-01, v51;
	v0 =	vmul.f32 v0, v43  }
0x32e: {  	vm6 =	veq.f32 v42, v12;
	vm7 =	veq.f32 v42, v44;
	v8 =	vadd.f32 $1.000000000e+00, v8  }
0x32f: {  	vm10 =	veq.f32 v53, v54;
	v10 =	vmul.f32 v10, v38;
	v0 =	vadd.f32 $3.333333430e-01, v0  }
0x330: {  	vm11 =	veq.f32 v53, v55;
	vm13 =	veq.f32 v56, v57;
	v6 =	vmul.f32 v8, v48  }
0x331: {  	vm1 =	vmand vm6, vm7;
	v8 =	vld.idx.msk [tilespmem:v50+s6+$0x0], $0xffff;
	v10 =	vadd.f32 $1.000000000e+00, v10;
	v0 =	vmul.f32 v0, v43  }
0x332: {  	vm1 =	vmand vm1, vm8;
	v5 =	vadd.f32 v5, v5;
	v2 =	vadd.f32 v6, v2  }
0x333: {  	v11 =	vcvt.s32.f32 v58;
	v9 =	vmul.f32 v10, v9;
	v0 =	vadd.f32 $1.000000000e+00, v0  }
0x334: {  	vm2 =	vmand vm10, vm11;
	v4 =	vnsel vm1, $0x0, v42;
	v2 =	vsub.f32 $0.0e+00, v2  }
0x335: {  	v59 =	vmul.f32 $6.931471820e-01, v11;
	v1 =	vadd.f32 v9, v1;
	v0 =	vmul.f32 v0, v5  }
0x336: {  	vm1 =	vmand vm2, vm9;
	vm12 =	veq.f32 v56, v8;
	v2 =	vmul.f32 v2, v4  }
0x337: {  	vm2 =	vmand vm12, vm13;
	v1 =	vsub.f32 $0.0e+00, v1;
	v0 =	vadd.f32 v0, v59  }
0x338: {  	v7 =	vadd.f32 v47, v7;
	v60 =	vnsel vm1, $0x0, v53;
	vm1 =	vmand vm2, vm14  }
0x339: {  	v2 =	vadd.f32 v2, v3;
	v1 =	vmul.f32 v1, v60;
	v0 =	vsub.f32 $0.0e+00, v0  }
0x33a: {  	v4 =	vadd.f32 v4, v7;
	v61 =	vnsel vm1, $0x0, v56  }
0x33b: {  	v1 =	vadd.f32 v1, v2;
	v0 =	vmul.f32 v0, v61  }
0x33c: {  	v62 =	vadd.f32 v60, v4  }
0x33d: {  	v0 =	vadd.f32 v0, v1  }
0x33e: {  	v63 =	vadd.f32 v61, v62  }
0x33f: {  	(xrf2) =	vadd.scan.msk.f32 $0xffff, v0  }
0x340: {  	(xrf2) =	vadd.scan.msk.f32 $0xffff, v63;
	_ =	sdelay $0x8  }
0x341: {  	v0, _, _ =	vpop (xrf2)  }
0x342: {  	v1, _, _ =	vpop (xrf2)  }
0x343: {  	v1 =	vbroadcast v1, $0xF  }
0x344: {  	vm15 =	vcmask $0x704;
	v0 =	vbroadcast v0, $0xF  }
0x345: {  	v1 =	vnsel vm15, $0x0, v1  }
0x346: {  	s29 =	sshrl.u32 s7, $0x2;
	v0 =	vsel vm0, v1, v0  }
0x347: {  	s30 =	simm.s32 $0xBA10;
	s31 =	simm.s32 $0x3;
	s4 =	sadd.s32 s29, s2;
	[tilespmem:$0xBA10] =	vst v0  }
0x348: {  	[spmem:s4] =	stream.linear.scatter [tilespmem:s30], [sflag:$0x3], $0x80, $0x38;
	[tilespmem:$0xC310] =	vst v63  }
0x349: {  	_ =	swait.ge [sflag:s31], $0x80  }
0x34a: {  	[sflag:s31] =	ssyncset.done $0x0  }
0x34b: {  	[sflag:s31] =	ssyncadd.s32 $0xFFFFFF80  }
0x34c: {  	p0 =	sne.s32 s3, $0x0;
	[bflag:$0x0] =	sbarrier.arrive $0xFFFF  }
0x34d: {  	_ =	sfence.sel @p0 $0x180000  }
0x34e: {  	[bflag:$0x0] =	sbarrier.arrive @p0 $0xFFFF  }
0x34f: {  	_ =	strace @p0 $0x90000047  }
0x350: {  	s3 =	simm.s32 @!p0 $0xBA90;
	[bflag:$0x2] =	sbarrier.arrive @p0 $0xFFFF  }
0x351: {  	[tilespmem:s3], [sflag:$0x3] =	stream.linear.gather @!p0 [spmem:s2], $0x800, $0x38;
	[tilespmem:$0xC310] =	vst v63  }
0x352: {  	s2 =	simm.s32 @!p0 $0x3  }
0x353: {  	_ =	swait.ge @!p0 [sflag:s2], $0x800  }
0x354: {  	[sflag:s2] =	ssyncset.done @!p0 $0x0  }
0x355: {  	[sflag:s2] =	ssyncadd.s32 @!p0 $0xFFFFF800  }
0x356: {  	v0 =	vld @!p0 [tilespmem:$0xBA90]  }
0x357: {  	v1 =	vld @!p0 [tilespmem:$0xBB10];
	_ =	sdelay $0x1  }
0x358: {  	v2 =	vld @!p0 [tilespmem:$0xBB90];
	_ =	sdelay $0x1  }
0x359: {  	v3 =	vld @!p0 [tilespmem:$0xBC10]  }
0x35a: {  	v0 =	vadd.f32 @!p0 v1, v0  }
0x35b: {  	v1 =	vld @!p0 [tilespmem:$0xBC90]  }
0x35c: {  	v0 =	vadd.f32 @!p0 v2, v0  }
0x35d: {  	v2 =	vld @!p0 [tilespmem:$0xBD10]  }
0x35e: {  	v0 =	vadd.f32 @!p0 v3, v0  }
0x35f: {  	v3 =	vld @!p0 [tilespmem:$0xBD90]  }
0x360: {  	v0 =	vadd.f32 @!p0 v1, v0  }
0x361: {  	v1 =	vld @!p0 [tilespmem:$0xBE10]  }
0x362: {  	v0 =	vadd.f32 @!p0 v2, v0  }
0x363: {  	v2 =	vld @!p0 [tilespmem:$0xBE90]  }
0x364: {  	v0 =	vadd.f32 @!p0 v3, v0  }
0x365: {  	v3 =	vld @!p0 [tilespmem:$0xBF10]  }
0x366: {  	v0 =	vadd.f32 @!p0 v1, v0  }
0x367: {  	v1 =	vld @!p0 [tilespmem:$0xBF90]  }
0x368: {  	v0 =	vadd.f32 @!p0 v2, v0  }
0x369: {  	v2 =	vld @!p0 [tilespmem:$0xC010]  }
0x36a: {  	v0 =	vadd.f32 @!p0 v3, v0  }
0x36b: {  	v3 =	vld @!p0 [tilespmem:$0xC090]  }
0x36c: {  	v0 =	vadd.f32 @!p0 v1, v0  }
0x36d: {  	v1 =	vld @!p0 [tilespmem:$0xC110]  }
0x36e: {  	v0 =	vadd.f32 @!p0 v2, v0  }
0x36f: {  	v2 =	vld @!p0 [tilespmem:$0xC190]  }
0x370: {  	v0 =	vadd.f32 @!p0 v3, v0  }
0x371: {  	v4 =	vimm.s32 @!p0 $0xFFEDCBA9;
	v5 =	vimm.s32 @!p0 $0x87654321;
	v3 =	vld @!p0 [tilespmem:$0xC210]  }
0x372: {  	v0 =	vadd.f32 @!p0 v1, v0;
	v1 =	vunpack.c.l.s4.s8 @!p0 v4;
	v4 =	vunpack.c.l.s4.s8 @!p0 v5;
	_ =	sdelay $0x1  }
0x373: {  	v0 =	vadd.f32 @!p0 v2, v0;
	v1 =	vunpack.c.0.s8.s32 @!p0 v1;
	v2 =	vunpack.c.0.s8.s32 @!p0 v4;
	_ =	sdelay $0x1  }
0x374: {  	v0 =	vadd.f32 @!p0 v3, v0;
	v1 =	vcombine.low @!p0 v2, v1;
	_ =	sdelay $0x1  }
0x375: {  	v1 =	vperm.xlane @!p0 v0, v1;
	_ =	sdelay $0x1  }
0x376: {  	(erf) = vrcp.f32 @!p0 v1;
	_ =	sdelay $0x8  }
0x377: {  	v1 =	vpop @!p0 (erf)  }
0x378: {  	v0 =	vmul.f32 @!p0 v1, v0;
	_ =	sdelay $0x1  }
0x379: {  	s4 =	simm.s32 @!p0 $0xC290;
	s3 =	simm.s32 @!p0 $0x0;
	[tilespmem:$0xC290] =	vst @!p0 v0  }
0x37a: {  	[hbm4b:s1+s3] =	stream.linear.scatter @!p0 [tilespmem:s4], [sflag:$0x3], $0x80, $0x38;
	[tilespmem:$0xC310] =	vst v63  }
0x37b: {  	_ =	swait.ge @!p0 [sflag:s2], $0x80  }
0x37c: {  	[sflag:s2] =	ssyncset.done @!p0 $0x0  }
0x37d: {  	[sflag:s2] =	ssyncadd.s32 @!p0 $0xFFFFFF80  }
0x37e: {  	_ =	sfence.sel @!p0 $0x180000  }
0x37f: {  	[bflag:$0x0] =	sbarrier.arrive @!p0 $0xFFFF  }
0x380: {  	_ =	strace @!p0 $0x90000047  }
0x381: {  	s0 =	sadd.s32 @!p0 $0x100000, s0;
	[bflag:$0x2] =	sbarrier.arrive @!p0 $0xFFFF  }
0x382: {  	[sflag:s0] =	ssyncadd.tile.s32 @!p0 $0x1;
	_ =	shalt  }
.Lfunc_end2:
_tile_overlayer_lowered:
.L_overlay_start_2:
0x383: {  	(tag) =	ssettag $0x2  }
0x384: {  	s0 =	rddreg [dreg:$0x0];
	s2 =	stileid.u32  }
0x385: {  	s1 =	rddreg [dreg:$0x1];
	p0 =	sne.s32 s2, $0x0  }
0x386: {  	s3 =	rddreg [dreg:$0x2];
	[bflag:$0x3] =	sbarrier.arrive $0xFFFF;
	s2 =	simm.s32 @!p0 $0x1C03  }
0x387: {  	[timem:s3], [sflag:s2] =	dma.local @!p0 [hbm:s0], s1  }
0x388: {  	s0 =	simm.s32 @!p0 $0x3  }
0x389: {  	_ =	swait.ge @!p0 [sflag:s0], s1  }
0x38a: {  	s1 =	ssub.s32 @!p0 $0x0, s1;
	[sflag:s0] =	ssyncset.done @!p0 $0x0  }
0x38b: {  	[sflag:s0] =	ssyncadd.s32 @!p0 s1  }
0x38c: {  	[bflag:$0x3] =	sbarrier.arrive $0xFFFF  }
0x38d: {  	_ =	shalt  }

</sc_bundles>
